<compile_context>
chip_gen: v7x
topology: tpu7x:2x2x1
jax: 0.10.2.dev20260603
libtpu: 0.0.44.dev20260713+nightly
codegen_flags: <defaults>
</compile_context>

<pallas_src>
import jax
import jax.numpy as jnp
from jax import lax
from jax.experimental import pallas as pl
from jax.experimental.pallas import tpu as pltpu
from jax.experimental.pallas import tpu_sc as plsc

_VOCAB = 1000000
_D = 64
_T = 16384
_SCALE = 8.0

_NC = 2
_NS = 16
_NW = _NC * _NS
_RPW = _T // _NW
_S = 11
_NFULL = _RPW // _S
_TAIL = _RPW - _NFULL * _S


def _sc_kernel(idx_hbm, table_t_hbm, out_t_hbm, idx_v, flat_v, *rest):
    slots = rest[:_S]
    sems = rest[_S:2 * _S]
    osem = rest[2 * _S]

    wid = lax.axis_index("s") * _NC + lax.axis_index("c")
    base = pl.multiple_of(wid * _RPW, 128)
    pltpu.sync_copy(idx_hbm.at[pl.ds(base, _RPW)], idx_v)

    lane = lax.iota(jnp.int32, 16)

    def token_id(t):
        w0 = pl.multiple_of((t // 16) * 16, 16)
        window = idx_v[pl.ds(w0, 16)]
        return jnp.sum(jnp.where(lane == t - w0, window, 0))

    def fire(t, slot, sem):
        r = token_id(t)
        q = pl.multiple_of((r // 128) * 128, 128)
        pltpu.make_async_copy(
            table_t_hbm.at[:, pl.ds(q, 128)], slot, sem
        ).start()
        return r - q

    def extract(t, slot, sem, c):
        pltpu.make_async_copy(
            table_t_hbm.at[:, pl.ds(0, 128)], slot, sem
        ).wait()
        cvec = jnp.full((16,), c, jnp.int32)
        for j in range(_D // 16):
            dvec = lane + (16 * j)
            vals = plsc.load_gather(slot, [dvec, cvec]) * _SCALE
            tgt = dvec * _RPW + t
            plsc.store_scatter(flat_v, [tgt], vals)

    cols = [fire(jnp.int32(s), slots[s], sems[s]) for s in range(_S)]

    def step(k, carry):
        i = k * _S
        out = []
        for s in range(_S):
            extract(i + s, slots[s], sems[s], carry[s])
            out.append(fire(i + _S + s, slots[s], sems[s]))
        return tuple(out)

    cols = lax.fori_loop(0, _NFULL - 1, step, tuple(cols))

    for s in range(_S):
        extract(jnp.int32((_NFULL - 1) * _S + s), slots[s], sems[s], cols[s])

    tail_cols = [
        fire(jnp.int32(_NFULL * _S + s), slots[s], sems[s])
        for s in range(_TAIL)
    ]
    for s in range(_TAIL):
        extract(jnp.int32(_NFULL * _S + s), slots[s], sems[s], tail_cols[s])

    def out_row(d, _):
        pltpu.make_async_copy(
            flat_v.at[pl.ds(d * _RPW, _RPW)],
            out_t_hbm.at[d, pl.ds(base, _RPW)],
            osem,
        ).start()
        return _

    lax.fori_loop(0, _D, out_row, 0)

    def out_drain(d, _):
        pltpu.make_async_copy(
            flat_v.at[pl.ds(0, _RPW)],
            out_t_hbm.at[0, pl.ds(base, _RPW)],
            osem,
        ).wait()
        return _

    lax.fori_loop(0, _D, out_drain, 0, unroll=8)


@jax.jit
def kernel(x, input_embedding_table_VD):
    idx = x.astype(jnp.int32)
    table_t = input_embedding_table_VD.T
    mesh = plsc.VectorSubcoreMesh(core_axis_name="c", subcore_axis_name="s")
    run = pl.kernel(
        _sc_kernel,
        mesh=mesh,
        out_type=jax.ShapeDtypeStruct((_D, _T), jnp.float32),
        scratch_types=[
            pltpu.VMEM((_RPW,), jnp.int32),
            pltpu.VMEM((_D * _RPW,), jnp.float32),
        ]
        + [pltpu.VMEM((_D, 128), jnp.float32) for _ in range(_S)]
        + [pltpu.SemaphoreType.DMA for _ in range(_S)]
        + [pltpu.SemaphoreType.DMA],
        compiler_params=pltpu.CompilerParams(
            needs_layout_passes=False, skip_device_barrier=True
        ),
    )
    out_t = run(idx, table_t)
    return out_t.T

# --- scband reference (transcript-rebuilt; emitter-appended) ---
"""Pipeline reference for scband-embedder-24043226923093 (READ-ONLY COPY).

The authoritative reference and input builder live on the scoring server;
editing this copy changes nothing except your own understanding.
"""

import jax, jax.numpy as jnp
import numpy as np

VOCAB = 1000000
D = 64
T = 16384
NORMALIZE = True

def setup_inputs(seed: int = 0) -> dict:
    key = jax.random.key(seed)
    k1, k2 = jax.random.split(key)
    input_embedding_table_VD = jax.random.normal(k1, (VOCAB, D), dtype=jnp.float32) * 0.02
    x = jax.random.randint(k2, (T,), 0, VOCAB, dtype=jnp.int64 if jax.config.read('jax_enable_x64') else jnp.int32)
    return {"x": x, "input_embedding_table_VD": input_embedding_table_VD}

def reference(x, input_embedding_table_VD):
    # Embedder.encode: gather rows of the embedding table, then optional sqrt(D) scaling
    embedding_TD = jnp.take(input_embedding_table_VD, x, axis=0)
    if NORMALIZE:
        embedding_TD = embedding_TD * jnp.sqrt(jnp.float32(D)).astype(jnp.float32)
    return embedding_TD

if __name__ == "__main__":
    import jax
    _d = setup_inputs()
    print(jax.jit(kernel)(*tuple(_d.values())))

</pallas_src>

<mosaic_0001>
#map = affine_map<(d0, d1) -> (0)>
#map1 = affine_map<(d0, d1) -> (0, 0)>
module attributes {stable_mosaic.version = 14 : i64} {
  func.func @_sc_kernel(%arg0: i32, %arg1: i32, %arg2: memref<16384xi32, #tpu.memory_space<hbm>>, %arg3: memref<64x1000000xf32, #tpu.memory_space<hbm>>, %arg4: memref<64x16384xf32, #tpu.memory_space<hbm>>, %arg5: memref<512xi32, #tpu.memory_space<vmem>>, %arg6: memref<32768xf32, #tpu.memory_space<vmem>>, %arg7: memref<64x128xf32, #tpu.memory_space<vmem>>, %arg8: memref<64x128xf32, #tpu.memory_space<vmem>>, %arg9: memref<64x128xf32, #tpu.memory_space<vmem>>, %arg10: memref<64x128xf32, #tpu.memory_space<vmem>>, %arg11: memref<64x128xf32, #tpu.memory_space<vmem>>, %arg12: memref<64x128xf32, #tpu.memory_space<vmem>>, %arg13: memref<64x128xf32, #tpu.memory_space<vmem>>, %arg14: memref<64x128xf32, #tpu.memory_space<vmem>>, %arg15: memref<64x128xf32, #tpu.memory_space<vmem>>, %arg16: memref<64x128xf32, #tpu.memory_space<vmem>>, %arg17: memref<64x128xf32, #tpu.memory_space<vmem>>, %arg18: memref<!tpu.dma_semaphore, #tpu.memory_space<semaphore_mem>>, %arg19: memref<!tpu.dma_semaphore, #tpu.memory_space<semaphore_mem>>, %arg20: memref<!tpu.dma_semaphore, #tpu.memory_space<semaphore_mem>>, %arg21: memref<!tpu.dma_semaphore, #tpu.memory_space<semaphore_mem>>, %arg22: memref<!tpu.dma_semaphore, #tpu.memory_space<semaphore_mem>>, %arg23: memref<!tpu.dma_semaphore, #tpu.memory_space<semaphore_mem>>, %arg24: memref<!tpu.dma_semaphore, #tpu.memory_space<semaphore_mem>>, %arg25: memref<!tpu.dma_semaphore, #tpu.memory_space<semaphore_mem>>, %arg26: memref<!tpu.dma_semaphore, #tpu.memory_space<semaphore_mem>>, %arg27: memref<!tpu.dma_semaphore, #tpu.memory_space<semaphore_mem>>, %arg28: memref<!tpu.dma_semaphore, #tpu.memory_space<semaphore_mem>>, %arg29: memref<!tpu.dma_semaphore, #tpu.memory_space<semaphore_mem>>) attributes {dimension_semantics = [#tpu.dimension_semantics<core_parallel>, #tpu.dimension_semantics<subcore_parallel>], iteration_bounds = array<i64: 2, 16>, scalar_prefetch = 0 : i64, scratch_operands = 25 : i64, tpu.core_type = #tpu.core_type<sc_vector_subcore>, window_params = [{transform_indices = #map}, {transform_indices = #map1}, {transform_indices = #map1}]} {
    %mul3A = arith.constant 2 : i32
    %mul3A_0 = arith.muli %arg1, %mul3A : i32
    %add3A = arith.addi %mul3A_0, %arg0 : i32
    %mul3A_1 = arith.constant 512 : i32
    %mul3A_2 = arith.muli %add3A, %mul3A_1 : i32
    %multiple_of3A = tpu.assume_multiple %mul3A_2, 128 : i32
    "tpu.region"() ({
      %run_scoped3A = tpu.sem_alloc : memref<!tpu.dma_semaphore, #tpu.memory_space<semaphore_mem>>
      %dma_start3A_2249 = tpu.memref_slice %arg2[%multiple_of3A] : memref<16384xi32, #tpu.memory_space<hbm>> -> memref<512xi32, #tpu.memory_space<hbm>>
      %dma_start3A_2250 = tpu.memref_slice %arg2[%multiple_of3A] : memref<16384xi32, #tpu.memory_space<hbm>> -> memref<512xi32, #tpu.memory_space<hbm>>
      tpu.enqueue_dma source(%dma_start3A_2250 : memref<512xi32, #tpu.memory_space<hbm>>) target(%arg5 : memref<512xi32, #tpu.memory_space<vmem>>) target_semaphore(%run_scoped3A : memref<!tpu.dma_semaphore, #tpu.memory_space<semaphore_mem>>)
      %dma_wait3A_2251 = tpu.memref_slice %arg2[%multiple_of3A] : memref<16384xi32, #tpu.memory_space<hbm>> -> memref<512xi32, #tpu.memory_space<hbm>>
      %dma_wait3A_2252 = tpu.memref_slice %arg2[%multiple_of3A] : memref<16384xi32, #tpu.memory_space<hbm>> -> memref<512xi32, #tpu.memory_space<hbm>>
      tpu.wait_dma2 semaphore(%run_scoped3A : memref<!tpu.dma_semaphore, #tpu.memory_space<semaphore_mem>>) src(%dma_wait3A_2252 : memref<512xi32, #tpu.memory_space<hbm>>) dst(%arg5 : memref<512xi32, #tpu.memory_space<vmem>>)
      tpu.yield
    }) : () -> ()
    %iota3A = tpu.iota {dimensions = array<i32: 0>} : vector<16xi32>
    %jit3A = arith.constant 0 : i32
    %jit3A_3 = arith.constant 16 : i32
    %div3A = arith.divsi %jit3A, %jit3A_3 : i32
    %sign3A = arith.constant 0 : i32
    %sign3A_4 = arith.cmpi sgt, %jit3A, %sign3A : i32
    %sign3A_5 = arith.extui %sign3A_4 : i1 to i32
    %sign3A_6 = arith.constant 0 : i32
    %sign3A_7 = arith.cmpi slt, %jit3A, %sign3A_6 : i32
    %sign3A_8 = arith.extui %sign3A_7 : i1 to i32
    %sign3A_9 = arith.subi %sign3A_5, %sign3A_8 : i32
    %sign3A_10 = arith.constant 0 : i32
    %sign3A_11 = arith.cmpi sgt, %jit3A_3, %sign3A_10 : i32
    %sign3A_12 = arith.extui %sign3A_11 : i1 to i32
    %sign3A_13 = arith.constant 0 : i32
    %sign3A_14 = arith.cmpi slt, %jit3A_3, %sign3A_13 : i32
    %sign3A_15 = arith.extui %sign3A_14 : i1 to i32
    %sign3A_16 = arith.subi %sign3A_12, %sign3A_15 : i32
    %ne3A = arith.cmpi ne, %sign3A_9, %sign3A_16 : i32
    %rem3A = arith.remsi %jit3A, %jit3A_3 : i32
    %ne3A_17 = arith.constant 0 : i32
    %ne3A_18 = arith.cmpi ne, %rem3A, %ne3A_17 : i32
    %and3A = arith.andi %ne3A, %ne3A_18 : i1
    %sub3A = arith.constant 1 : i32
    %sub3A_19 = arith.subi %div3A, %sub3A : i32
    %select_n3A = arith.select %and3A, %sub3A_19, %div3A : i32
    %mul3A_20 = arith.constant 16 : i32
    %mul3A_21 = arith.muli %select_n3A, %mul3A_20 : i32
    %multiple_of3A_22 = tpu.assume_multiple %mul3A_21, 16 : i32
    %get3A = arith.index_cast %multiple_of3A_22 : i32 to index
    %get3A_23 = tpu.vector_load %arg5[%get3A] {strides = array<i32>} : memref<512xi32, #tpu.memory_space<vmem>>, vector<16xi32>,
    %sub3A_24 = arith.constant 0 : i32
    %sub3A_25 = arith.subi %sub3A_24, %multiple_of3A_22 : i32
    %eq3A = vector.broadcast %sub3A_25 : i32 to vector<16xi32>
    %eq3A_26 = arith.cmpi eq, %iota3A, %eq3A : vector<16xi32>
    %jit3A_27 = arith.constant 0 : i32
    %broadcast_in_dim3A = vector.broadcast %jit3A_27 : i32 to vector<16xi32>
    %select_n3A_28 = arith.select %eq3A_26, %get3A_23, %broadcast_in_dim3A : vector<16xi1>, vector<16xi32>
    %reduce_sum3A = arith.constant true
    %reduce_sum3A_29 = vector.broadcast %reduce_sum3A : i1 to vector<16xi1>
    %reduce_sum3A_30 = tpu.scan <sum>, %select_n3A_28 masked %reduce_sum3A_29 : vector<16xi32>, vector<16xi1> -> vector<16xi32>
    %reduce_sum3A_31 = vector.extract %reduce_sum3A_30[15] : i32 from vector<16xi32>
    %jit3A_32 = arith.constant 128 : i32
    %div3A_33 = arith.divsi %reduce_sum3A_31, %jit3A_32 : i32
    %sign3A_34 = arith.constant 0 : i32
    %sign3A_35 = arith.cmpi sgt, %reduce_sum3A_31, %sign3A_34 : i32
    %sign3A_36 = arith.extui %sign3A_35 : i1 to i32
    %sign3A_37 = arith.constant 0 : i32
    %sign3A_38 = arith.cmpi slt, %reduce_sum3A_31, %sign3A_37 : i32
    %sign3A_39 = arith.extui %sign3A_38 : i1 to i32
    %sign3A_40 = arith.subi %sign3A_36, %sign3A_39 : i32
    %sign3A_41 = arith.constant 0 : i32
    %sign3A_42 = arith.cmpi sgt, %jit3A_32, %sign3A_41 : i32
    %sign3A_43 = arith.extui %sign3A_42 : i1 to i32
    %sign3A_44 = arith.constant 0 : i32
    %sign3A_45 = arith.cmpi slt, %jit3A_32, %sign3A_44 : i32
    %sign3A_46 = arith.extui %sign3A_45 : i1 to i32
    %sign3A_47 = arith.subi %sign3A_43, %sign3A_46 : i32
    %ne3A_48 = arith.cmpi ne, %sign3A_40, %sign3A_47 : i32
    %rem3A_49 = arith.remsi %reduce_sum3A_31, %jit3A_32 : i32
    %ne3A_50 = arith.constant 0 : i32
    %ne3A_51 = arith.cmpi ne, %rem3A_49, %ne3A_50 : i32
    %and3A_52 = arith.andi %ne3A_48, %ne3A_51 : i1
    %sub3A_53 = arith.constant 1 : i32
    %sub3A_54 = arith.subi %div3A_33, %sub3A_53 : i32
    %select_n3A_55 = arith.select %and3A_52, %sub3A_54, %div3A_33 : i32
    %mul3A_56 = arith.constant 128 : i32
    %mul3A_57 = arith.muli %select_n3A_55, %mul3A_56 : i32
    %multiple_of3A_58 = tpu.assume_multiple %mul3A_57, 128 : i32
    %dma_start3A = arith.constant 0 : i32
    %dma_start3A_59 = tpu.memref_slice %arg3[%dma_start3A, %multiple_of3A_58] : memref<64x1000000xf32, #tpu.memory_space<hbm>> -> memref<64x128xf32, #tpu.memory_space<hbm>>
    %dma_start3A_60 = arith.constant 0 : i32
    %dma_start3A_61 = tpu.memref_slice %arg3[%dma_start3A_60, %multiple_of3A_58] : memref<64x1000000xf32, #tpu.memory_space<hbm>> -> memref<64x128xf32, #tpu.memory_space<hbm>>
    tpu.enqueue_dma source(%dma_start3A_61 : memref<64x128xf32, #tpu.memory_space<hbm>>) target(%arg7 : memref<64x128xf32, #tpu.memory_space<vmem>>) target_semaphore(%arg18 : memref<!tpu.dma_semaphore, #tpu.memory_space<semaphore_mem>>)
    %sub3A_62 = arith.subi %reduce_sum3A_31, %multiple_of3A_58 : i32
    %jit3A_63 = arith.constant 1 : i32
    %jit3A_64 = arith.constant 16 : i32
    %div3A_65 = arith.divsi %jit3A_63, %jit3A_64 : i32
    %sign3A_66 = arith.constant 0 : i32
    %sign3A_67 = arith.cmpi sgt, %jit3A_63, %sign3A_66 : i32
    %sign3A_68 = arith.extui %sign3A_67 : i1 to i32
    %sign3A_69 = arith.constant 0 : i32
    %sign3A_70 = arith.cmpi slt, %jit3A_63, %sign3A_69 : i32
    %sign3A_71 = arith.extui %sign3A_70 : i1 to i32
    %sign3A_72 = arith.subi %sign3A_68, %sign3A_71 : i32
    %sign3A_73 = arith.constant 0 : i32
    %sign3A_74 = arith.cmpi sgt, %jit3A_64, %sign3A_73 : i32
    %sign3A_75 = arith.extui %sign3A_74 : i1 to i32
    %sign3A_76 = arith.constant 0 : i32
    %sign3A_77 = arith.cmpi slt, %jit3A_64, %sign3A_76 : i32
    %sign3A_78 = arith.extui %sign3A_77 : i1 to i32
    %sign3A_79 = arith.subi %sign3A_75, %sign3A_78 : i32
    %ne3A_80 = arith.cmpi ne, %sign3A_72, %sign3A_79 : i32
    %rem3A_81 = arith.remsi %jit3A_63, %jit3A_64 : i32
    %ne3A_82 = arith.constant 0 : i32
    %ne3A_83 = arith.cmpi ne, %rem3A_81, %ne3A_82 : i32
    %and3A_84 = arith.andi %ne3A_80, %ne3A_83 : i1
    %sub3A_85 = arith.constant 1 : i32
    %sub3A_86 = arith.subi %div3A_65, %sub3A_85 : i32
    %select_n3A_87 = arith.select %and3A_84, %sub3A_86, %div3A_65 : i32
    %mul3A_88 = arith.constant 16 : i32
    %mul3A_89 = arith.muli %select_n3A_87, %mul3A_88 : i32
    %multiple_of3A_90 = tpu.assume_multiple %mul3A_89, 16 : i32
    %get3A_91 = arith.index_cast %multiple_of3A_90 : i32 to index
    %get3A_92 = tpu.vector_load %arg5[%get3A_91] {strides = array<i32>} : memref<512xi32, #tpu.memory_space<vmem>>, vector<16xi32>,
    %sub3A_93 = arith.constant 1 : i32
    %sub3A_94 = arith.subi %sub3A_93, %multiple_of3A_90 : i32
    %eq3A_95 = vector.broadcast %sub3A_94 : i32 to vector<16xi32>
    %eq3A_96 = arith.cmpi eq, %iota3A, %eq3A_95 : vector<16xi32>
    %jit3A_97 = arith.constant 0 : i32
    %broadcast_in_dim3A_98 = vector.broadcast %jit3A_97 : i32 to vector<16xi32>
    %select_n3A_99 = arith.select %eq3A_96, %get3A_92, %broadcast_in_dim3A_98 : vector<16xi1>, vector<16xi32>
    %reduce_sum3A_100 = arith.constant true
    %reduce_sum3A_101 = vector.broadcast %reduce_sum3A_100 : i1 to vector<16xi1>
    %reduce_sum3A_102 = tpu.scan <sum>, %select_n3A_99 masked %reduce_sum3A_101 : vector<16xi32>, vector<16xi1> -> vector<16xi32>
    %reduce_sum3A_103 = vector.extract %reduce_sum3A_102[15] : i32 from vector<16xi32>
    %jit3A_104 = arith.constant 128 : i32
    %div3A_105 = arith.divsi %reduce_sum3A_103, %jit3A_104 : i32
    %sign3A_106 = arith.constant 0 : i32
    %sign3A_107 = arith.cmpi sgt, %reduce_sum3A_103, %sign3A_106 : i32
    %sign3A_108 = arith.extui %sign3A_107 : i1 to i32
    %sign3A_109 = arith.constant 0 : i32
    %sign3A_110 = arith.cmpi slt, %reduce_sum3A_103, %sign3A_109 : i32
    %sign3A_111 = arith.extui %sign3A_110 : i1 to i32
    %sign3A_112 = arith.subi %sign3A_108, %sign3A_111 : i32
    %sign3A_113 = arith.constant 0 : i32
    %sign3A_114 = arith.cmpi sgt, %jit3A_104, %sign3A_113 : i32
    %sign3A_115 = arith.extui %sign3A_114 : i1 to i32
    %sign3A_116 = arith.constant 0 : i32
    %sign3A_117 = arith.cmpi slt, %jit3A_104, %sign3A_116 : i32
    %sign3A_118 = arith.extui %sign3A_117 : i1 to i32
    %sign3A_119 = arith.subi %sign3A_115, %sign3A_118 : i32
    %ne3A_120 = arith.cmpi ne, %sign3A_112, %sign3A_119 : i32
    %rem3A_121 = arith.remsi %reduce_sum3A_103, %jit3A_104 : i32
    %ne3A_122 = arith.constant 0 : i32
    %ne3A_123 = arith.cmpi ne, %rem3A_121, %ne3A_122 : i32
    %and3A_124 = arith.andi %ne3A_120, %ne3A_123 : i1
    %sub3A_125 = arith.constant 1 : i32
    %sub3A_126 = arith.subi %div3A_105, %sub3A_125 : i32
    %select_n3A_127 = arith.select %and3A_124, %sub3A_126, %div3A_105 : i32
    %mul3A_128 = arith.constant 128 : i32
    %mul3A_129 = arith.muli %select_n3A_127, %mul3A_128 : i32
    %multiple_of3A_130 = tpu.assume_multiple %mul3A_129, 128 : i32
    %dma_start3A_131 = arith.constant 0 : i32
    %dma_start3A_132 = tpu.memref_slice %arg3[%dma_start3A_131, %multiple_of3A_130] : memref<64x1000000xf32, #tpu.memory_space<hbm>> -> memref<64x128xf32, #tpu.memory_space<hbm>>
    %dma_start3A_133 = arith.constant 0 : i32
    %dma_start3A_134 = tpu.memref_slice %arg3[%dma_start3A_133, %multiple_of3A_130] : memref<64x1000000xf32, #tpu.memory_space<hbm>> -> memref<64x128xf32, #tpu.memory_space<hbm>>
    tpu.enqueue_dma source(%dma_start3A_134 : memref<64x128xf32, #tpu.memory_space<hbm>>) target(%arg8 : memref<64x128xf32, #tpu.memory_space<vmem>>) target_semaphore(%arg19 : memref<!tpu.dma_semaphore, #tpu.memory_space<semaphore_mem>>)
    %sub3A_135 = arith.subi %reduce_sum3A_103, %multiple_of3A_130 : i32
    %jit3A_136 = arith.constant 2 : i32
    %jit3A_137 = arith.constant 16 : i32
    %div3A_138 = arith.divsi %jit3A_136, %jit3A_137 : i32
    %sign3A_139 = arith.constant 0 : i32
    %sign3A_140 = arith.cmpi sgt, %jit3A_136, %sign3A_139 : i32
    %sign3A_141 = arith.extui %sign3A_140 : i1 to i32
    %sign3A_142 = arith.constant 0 : i32
    %sign3A_143 = arith.cmpi slt, %jit3A_136, %sign3A_142 : i32
    %sign3A_144 = arith.extui %sign3A_143 : i1 to i32
    %sign3A_145 = arith.subi %sign3A_141, %sign3A_144 : i32
    %sign3A_146 = arith.constant 0 : i32
    %sign3A_147 = arith.cmpi sgt, %jit3A_137, %sign3A_146 : i32
    %sign3A_148 = arith.extui %sign3A_147 : i1 to i32
    %sign3A_149 = arith.constant 0 : i32
    %sign3A_150 = arith.cmpi slt, %jit3A_137, %sign3A_149 : i32
    %sign3A_151 = arith.extui %sign3A_150 : i1 to i32
    %sign3A_152 = arith.subi %sign3A_148, %sign3A_151 : i32
    %ne3A_153 = arith.cmpi ne, %sign3A_145, %sign3A_152 : i32
    %rem3A_154 = arith.remsi %jit3A_136, %jit3A_137 : i32
    %ne3A_155 = arith.constant 0 : i32
    %ne3A_156 = arith.cmpi ne, %rem3A_154, %ne3A_155 : i32
    %and3A_157 = arith.andi %ne3A_153, %ne3A_156 : i1
    %sub3A_158 = arith.constant 1 : i32
    %sub3A_159 = arith.subi %div3A_138, %sub3A_158 : i32
    %select_n3A_160 = arith.select %and3A_157, %sub3A_159, %div3A_138 : i32
    %mul3A_161 = arith.constant 16 : i32
    %mul3A_162 = arith.muli %select_n3A_160, %mul3A_161 : i32
    %multiple_of3A_163 = tpu.assume_multiple %mul3A_162, 16 : i32
    %get3A_164 = arith.index_cast %multiple_of3A_163 : i32 to index
    %get3A_165 = tpu.vector_load %arg5[%get3A_164] {strides = array<i32>} : memref<512xi32, #tpu.memory_space<vmem>>, vector<16xi32>,
    %sub3A_166 = arith.constant 2 : i32
    %sub3A_167 = arith.subi %sub3A_166, %multiple_of3A_163 : i32
    %eq3A_168 = vector.broadcast %sub3A_167 : i32 to vector<16xi32>
    %eq3A_169 = arith.cmpi eq, %iota3A, %eq3A_168 : vector<16xi32>
    %jit3A_170 = arith.constant 0 : i32
    %broadcast_in_dim3A_171 = vector.broadcast %jit3A_170 : i32 to vector<16xi32>
    %select_n3A_172 = arith.select %eq3A_169, %get3A_165, %broadcast_in_dim3A_171 : vector<16xi1>, vector<16xi32>
    %reduce_sum3A_173 = arith.constant true
    %reduce_sum3A_174 = vector.broadcast %reduce_sum3A_173 : i1 to vector<16xi1>
    %reduce_sum3A_175 = tpu.scan <sum>, %select_n3A_172 masked %reduce_sum3A_174 : vector<16xi32>, vector<16xi1> -> vector<16xi32>
    %reduce_sum3A_176 = vector.extract %reduce_sum3A_175[15] : i32 from vector<16xi32>
    %jit3A_177 = arith.constant 128 : i32
    %div3A_178 = arith.divsi %reduce_sum3A_176, %jit3A_177 : i32
    %sign3A_179 = arith.constant 0 : i32
    %sign3A_180 = arith.cmpi sgt, %reduce_sum3A_176, %sign3A_179 : i32
    %sign3A_181 = arith.extui %sign3A_180 : i1 to i32
    %sign3A_182 = arith.constant 0 : i32
    %sign3A_183 = arith.cmpi slt, %reduce_sum3A_176, %sign3A_182 : i32
    %sign3A_184 = arith.extui %sign3A_183 : i1 to i32
    %sign3A_185 = arith.subi %sign3A_181, %sign3A_184 : i32
    %sign3A_186 = arith.constant 0 : i32
    %sign3A_187 = arith.cmpi sgt, %jit3A_177, %sign3A_186 : i32
    %sign3A_188 = arith.extui %sign3A_187 : i1 to i32
    %sign3A_189 = arith.constant 0 : i32
    %sign3A_190 = arith.cmpi slt, %jit3A_177, %sign3A_189 : i32
    %sign3A_191 = arith.extui %sign3A_190 : i1 to i32
    %sign3A_192 = arith.subi %sign3A_188, %sign3A_191 : i32
    %ne3A_193 = arith.cmpi ne, %sign3A_185, %sign3A_192 : i32
    %rem3A_194 = arith.remsi %reduce_sum3A_176, %jit3A_177 : i32
    %ne3A_195 = arith.constant 0 : i32
    %ne3A_196 = arith.cmpi ne, %rem3A_194, %ne3A_195 : i32
    %and3A_197 = arith.andi %ne3A_193, %ne3A_196 : i1
    %sub3A_198 = arith.constant 1 : i32
    %sub3A_199 = arith.subi %div3A_178, %sub3A_198 : i32
    %select_n3A_200 = arith.select %and3A_197, %sub3A_199, %div3A_178 : i32
    %mul3A_201 = arith.constant 128 : i32
    %mul3A_202 = arith.muli %select_n3A_200, %mul3A_201 : i32
    %multiple_of3A_203 = tpu.assume_multiple %mul3A_202, 128 : i32
    %dma_start3A_204 = arith.constant 0 : i32
    %dma_start3A_205 = tpu.memref_slice %arg3[%dma_start3A_204, %multiple_of3A_203] : memref<64x1000000xf32, #tpu.memory_space<hbm>> -> memref<64x128xf32, #tpu.memory_space<hbm>>
    %dma_start3A_206 = arith.constant 0 : i32
    %dma_start3A_207 = tpu.memref_slice %arg3[%dma_start3A_206, %multiple_of3A_203] : memref<64x1000000xf32, #tpu.memory_space<hbm>> -> memref<64x128xf32, #tpu.memory_space<hbm>>
    tpu.enqueue_dma source(%dma_start3A_207 : memref<64x128xf32, #tpu.memory_space<hbm>>) target(%arg9 : memref<64x128xf32, #tpu.memory_space<vmem>>) target_semaphore(%arg20 : memref<!tpu.dma_semaphore, #tpu.memory_space<semaphore_mem>>)
    %sub3A_208 = arith.subi %reduce_sum3A_176, %multiple_of3A_203 : i32
    %jit3A_209 = arith.constant 3 : i32
    %jit3A_210 = arith.constant 16 : i32
    %div3A_211 = arith.divsi %jit3A_209, %jit3A_210 : i32
    %sign3A_212 = arith.constant 0 : i32
    %sign3A_213 = arith.cmpi sgt, %jit3A_209, %sign3A_212 : i32
    %sign3A_214 = arith.extui %sign3A_213 : i1 to i32
    %sign3A_215 = arith.constant 0 : i32
    %sign3A_216 = arith.cmpi slt, %jit3A_209, %sign3A_215 : i32
    %sign3A_217 = arith.extui %sign3A_216 : i1 to i32
    %sign3A_218 = arith.subi %sign3A_214, %sign3A_217 : i32
    %sign3A_219 = arith.constant 0 : i32
    %sign3A_220 = arith.cmpi sgt, %jit3A_210, %sign3A_219 : i32
    %sign3A_221 = arith.extui %sign3A_220 : i1 to i32
    %sign3A_222 = arith.constant 0 : i32
    %sign3A_223 = arith.cmpi slt, %jit3A_210, %sign3A_222 : i32
    %sign3A_224 = arith.extui %sign3A_223 : i1 to i32
    %sign3A_225 = arith.subi %sign3A_221, %sign3A_224 : i32
    %ne3A_226 = arith.cmpi ne, %sign3A_218, %sign3A_225 : i32
    %rem3A_227 = arith.remsi %jit3A_209, %jit3A_210 : i32
    %ne3A_228 = arith.constant 0 : i32
    %ne3A_229 = arith.cmpi ne, %rem3A_227, %ne3A_228 : i32
    %and3A_230 = arith.andi %ne3A_226, %ne3A_229 : i1
    %sub3A_231 = arith.constant 1 : i32
    %sub3A_232 = arith.subi %div3A_211, %sub3A_231 : i32
    %select_n3A_233 = arith.select %and3A_230, %sub3A_232, %div3A_211 : i32
    %mul3A_234 = arith.constant 16 : i32
    %mul3A_235 = arith.muli %select_n3A_233, %mul3A_234 : i32
    %multiple_of3A_236 = tpu.assume_multiple %mul3A_235, 16 : i32
    %get3A_237 = arith.index_cast %multiple_of3A_236 : i32 to index
    %get3A_238 = tpu.vector_load %arg5[%get3A_237] {strides = array<i32>} : memref<512xi32, #tpu.memory_space<vmem>>, vector<16xi32>,
    %sub3A_239 = arith.constant 3 : i32
    %sub3A_240 = arith.subi %sub3A_239, %multiple_of3A_236 : i32
    %eq3A_241 = vector.broadcast %sub3A_240 : i32 to vector<16xi32>
    %eq3A_242 = arith.cmpi eq, %iota3A, %eq3A_241 : vector<16xi32>
    %jit3A_243 = arith.constant 0 : i32
    %broadcast_in_dim3A_244 = vector.broadcast %jit3A_243 : i32 to vector<16xi32>
    %select_n3A_245 = arith.select %eq3A_242, %get3A_238, %broadcast_in_dim3A_244 : vector<16xi1>, vector<16xi32>
    %reduce_sum3A_246 = arith.constant true
    %reduce_sum3A_247 = vector.broadcast %reduce_sum3A_246 : i1 to vector<16xi1>
    %reduce_sum3A_248 = tpu.scan <sum>, %select_n3A_245 masked %reduce_sum3A_247 : vector<16xi32>, vector<16xi1> -> vector<16xi32>
    %reduce_sum3A_249 = vector.extract %reduce_sum3A_248[15] : i32 from vector<16xi32>
    %jit3A_250 = arith.constant 128 : i32
    %div3A_251 = arith.divsi %reduce_sum3A_249, %jit3A_250 : i32
    %sign3A_252 = arith.constant 0 : i32
    %sign3A_253 = arith.cmpi sgt, %reduce_sum3A_249, %sign3A_252 : i32
    %sign3A_254 = arith.extui %sign3A_253 : i1 to i32
    %sign3A_255 = arith.constant 0 : i32
    %sign3A_256 = arith.cmpi slt, %reduce_sum3A_249, %sign3A_255 : i32
    %sign3A_257 = arith.extui %sign3A_256 : i1 to i32
    %sign3A_258 = arith.subi %sign3A_254, %sign3A_257 : i32
    %sign3A_259 = arith.constant 0 : i32
    %sign3A_260 = arith.cmpi sgt, %jit3A_250, %sign3A_259 : i32
    %sign3A_261 = arith.extui %sign3A_260 : i1 to i32
    %sign3A_262 = arith.constant 0 : i32
    %sign3A_263 = arith.cmpi slt, %jit3A_250, %sign3A_262 : i32
    %sign3A_264 = arith.extui %sign3A_263 : i1 to i32
    %sign3A_265 = arith.subi %sign3A_261, %sign3A_264 : i32
    %ne3A_266 = arith.cmpi ne, %sign3A_258, %sign3A_265 : i32
    %rem3A_267 = arith.remsi %reduce_sum3A_249, %jit3A_250 : i32
    %ne3A_268 = arith.constant 0 : i32
    %ne3A_269 = arith.cmpi ne, %rem3A_267, %ne3A_268 : i32
    %and3A_270 = arith.andi %ne3A_266, %ne3A_269 : i1
    %sub3A_271 = arith.constant 1 : i32
    %sub3A_272 = arith.subi %div3A_251, %sub3A_271 : i32
    %select_n3A_273 = arith.select %and3A_270, %sub3A_272, %div3A_251 : i32
    %mul3A_274 = arith.constant 128 : i32
    %mul3A_275 = arith.muli %select_n3A_273, %mul3A_274 : i32
    %multiple_of3A_276 = tpu.assume_multiple %mul3A_275, 128 : i32
    %dma_start3A_277 = arith.constant 0 : i32
    %dma_start3A_278 = tpu.memref_slice %arg3[%dma_start3A_277, %multiple_of3A_276] : memref<64x1000000xf32, #tpu.memory_space<hbm>> -> memref<64x128xf32, #tpu.memory_space<hbm>>
    %dma_start3A_279 = arith.constant 0 : i32
    %dma_start3A_280 = tpu.memref_slice %arg3[%dma_start3A_279, %multiple_of3A_276] : memref<64x1000000xf32, #tpu.memory_space<hbm>> -> memref<64x128xf32, #tpu.memory_space<hbm>>
    tpu.enqueue_dma source(%dma_start3A_280 : memref<64x128xf32, #tpu.memory_space<hbm>>) target(%arg10 : memref<64x128xf32, #tpu.memory_space<vmem>>) target_semaphore(%arg21 : memref<!tpu.dma_semaphore, #tpu.memory_space<semaphore_mem>>)
    %sub3A_281 = arith.subi %reduce_sum3A_249, %multiple_of3A_276 : i32
    %jit3A_282 = arith.constant 4 : i32
    %jit3A_283 = arith.constant 16 : i32
    %div3A_284 = arith.divsi %jit3A_282, %jit3A_283 : i32
    %sign3A_285 = arith.constant 0 : i32
    %sign3A_286 = arith.cmpi sgt, %jit3A_282, %sign3A_285 : i32
    %sign3A_287 = arith.extui %sign3A_286 : i1 to i32
    %sign3A_288 = arith.constant 0 : i32
    %sign3A_289 = arith.cmpi slt, %jit3A_282, %sign3A_288 : i32
    %sign3A_290 = arith.extui %sign3A_289 : i1 to i32
    %sign3A_291 = arith.subi %sign3A_287, %sign3A_290 : i32
    %sign3A_292 = arith.constant 0 : i32
    %sign3A_293 = arith.cmpi sgt, %jit3A_283, %sign3A_292 : i32
    %sign3A_294 = arith.extui %sign3A_293 : i1 to i32
    %sign3A_295 = arith.constant 0 : i32
    %sign3A_296 = arith.cmpi slt, %jit3A_283, %sign3A_295 : i32
    %sign3A_297 = arith.extui %sign3A_296 : i1 to i32
    %sign3A_298 = arith.subi %sign3A_294, %sign3A_297 : i32
    %ne3A_299 = arith.cmpi ne, %sign3A_291, %sign3A_298 : i32
    %rem3A_300 = arith.remsi %jit3A_282, %jit3A_283 : i32
    %ne3A_301 = arith.constant 0 : i32
    %ne3A_302 = arith.cmpi ne, %rem3A_300, %ne3A_301 : i32
    %and3A_303 = arith.andi %ne3A_299, %ne3A_302 : i1
    %sub3A_304 = arith.constant 1 : i32
    %sub3A_305 = arith.subi %div3A_284, %sub3A_304 : i32
    %select_n3A_306 = arith.select %and3A_303, %sub3A_305, %div3A_284 : i32
    %mul3A_307 = arith.constant 16 : i32
    %mul3A_308 = arith.muli %select_n3A_306, %mul3A_307 : i32
    %multiple_of3A_309 = tpu.assume_multiple %mul3A_308, 16 : i32
    %get3A_310 = arith.index_cast %multiple_of3A_309 : i32 to index
    %get3A_311 = tpu.vector_load %arg5[%get3A_310] {strides = array<i32>} : memref<512xi32, #tpu.memory_space<vmem>>, vector<16xi32>,
    %sub3A_312 = arith.constant 4 : i32
    %sub3A_313 = arith.subi %sub3A_312, %multiple_of3A_309 : i32
    %eq3A_314 = vector.broadcast %sub3A_313 : i32 to vector<16xi32>
    %eq3A_315 = arith.cmpi eq, %iota3A, %eq3A_314 : vector<16xi32>
    %jit3A_316 = arith.constant 0 : i32
    %broadcast_in_dim3A_317 = vector.broadcast %jit3A_316 : i32 to vector<16xi32>
    %select_n3A_318 = arith.select %eq3A_315, %get3A_311, %broadcast_in_dim3A_317 : vector<16xi1>, vector<16xi32>
    %reduce_sum3A_319 = arith.constant true
    %reduce_sum3A_320 = vector.broadcast %reduce_sum3A_319 : i1 to vector<16xi1>
    %reduce_sum3A_321 = tpu.scan <sum>, %select_n3A_318 masked %reduce_sum3A_320 : vector<16xi32>, vector<16xi1> -> vector<16xi32>
    %reduce_sum3A_322 = vector.extract %reduce_sum3A_321[15] : i32 from vector<16xi32>
    %jit3A_323 = arith.constant 128 : i32
    %div3A_324 = arith.divsi %reduce_sum3A_322, %jit3A_323 : i32
    %sign3A_325 = arith.constant 0 : i32
    %sign3A_326 = arith.cmpi sgt, %reduce_sum3A_322, %sign3A_325 : i32
    %sign3A_327 = arith.extui %sign3A_326 : i1 to i32
    %sign3A_328 = arith.constant 0 : i32
    %sign3A_329 = arith.cmpi slt, %reduce_sum3A_322, %sign3A_328 : i32
    %sign3A_330 = arith.extui %sign3A_329 : i1 to i32
    %sign3A_331 = arith.subi %sign3A_327, %sign3A_330 : i32
    %sign3A_332 = arith.constant 0 : i32
    %sign3A_333 = arith.cmpi sgt, %jit3A_323, %sign3A_332 : i32
    %sign3A_334 = arith.extui %sign3A_333 : i1 to i32
    %sign3A_335 = arith.constant 0 : i32
    %sign3A_336 = arith.cmpi slt, %jit3A_323, %sign3A_335 : i32
    %sign3A_337 = arith.extui %sign3A_336 : i1 to i32
    %sign3A_338 = arith.subi %sign3A_334, %sign3A_337 : i32
    %ne3A_339 = arith.cmpi ne, %sign3A_331, %sign3A_338 : i32
    %rem3A_340 = arith.remsi %reduce_sum3A_322, %jit3A_323 : i32
    %ne3A_341 = arith.constant 0 : i32
    %ne3A_342 = arith.cmpi ne, %rem3A_340, %ne3A_341 : i32
    %and3A_343 = arith.andi %ne3A_339, %ne3A_342 : i1
    %sub3A_344 = arith.constant 1 : i32
    %sub3A_345 = arith.subi %div3A_324, %sub3A_344 : i32
    %select_n3A_346 = arith.select %and3A_343, %sub3A_345, %div3A_324 : i32
    %mul3A_347 = arith.constant 128 : i32
    %mul3A_348 = arith.muli %select_n3A_346, %mul3A_347 : i32
    %multiple_of3A_349 = tpu.assume_multiple %mul3A_348, 128 : i32
    %dma_start3A_350 = arith.constant 0 : i32
    %dma_start3A_351 = tpu.memref_slice %arg3[%dma_start3A_350, %multiple_of3A_349] : memref<64x1000000xf32, #tpu.memory_space<hbm>> -> memref<64x128xf32, #tpu.memory_space<hbm>>
    %dma_start3A_352 = arith.constant 0 : i32
    %dma_start3A_353 = tpu.memref_slice %arg3[%dma_start3A_352, %multiple_of3A_349] : memref<64x1000000xf32, #tpu.memory_space<hbm>> -> memref<64x128xf32, #tpu.memory_space<hbm>>
    tpu.enqueue_dma source(%dma_start3A_353 : memref<64x128xf32, #tpu.memory_space<hbm>>) target(%arg11 : memref<64x128xf32, #tpu.memory_space<vmem>>) target_semaphore(%arg22 : memref<!tpu.dma_semaphore, #tpu.memory_space<semaphore_mem>>)
    %sub3A_354 = arith.subi %reduce_sum3A_322, %multiple_of3A_349 : i32
    %jit3A_355 = arith.constant 5 : i32
    %jit3A_356 = arith.constant 16 : i32
    %div3A_357 = arith.divsi %jit3A_355, %jit3A_356 : i32
    %sign3A_358 = arith.constant 0 : i32
    %sign3A_359 = arith.cmpi sgt, %jit3A_355, %sign3A_358 : i32
    %sign3A_360 = arith.extui %sign3A_359 : i1 to i32
    %sign3A_361 = arith.constant 0 : i32
    %sign3A_362 = arith.cmpi slt, %jit3A_355, %sign3A_361 : i32
    %sign3A_363 = arith.extui %sign3A_362 : i1 to i32
    %sign3A_364 = arith.subi %sign3A_360, %sign3A_363 : i32
    %sign3A_365 = arith.constant 0 : i32
    %sign3A_366 = arith.cmpi sgt, %jit3A_356, %sign3A_365 : i32
    %sign3A_367 = arith.extui %sign3A_366 : i1 to i32
    %sign3A_368 = arith.constant 0 : i32
    %sign3A_369 = arith.cmpi slt, %jit3A_356, %sign3A_368 : i32
    %sign3A_370 = arith.extui %sign3A_369 : i1 to i32
    %sign3A_371 = arith.subi %sign3A_367, %sign3A_370 : i32
    %ne3A_372 = arith.cmpi ne, %sign3A_364, %sign3A_371 : i32
    %rem3A_373 = arith.remsi %jit3A_355, %jit3A_356 : i32
    %ne3A_374 = arith.constant 0 : i32
    %ne3A_375 = arith.cmpi ne, %rem3A_373, %ne3A_374 : i32
    %and3A_376 = arith.andi %ne3A_372, %ne3A_375 : i1
    %sub3A_377 = arith.constant 1 : i32
    %sub3A_378 = arith.subi %div3A_357, %sub3A_377 : i32
    %select_n3A_379 = arith.select %and3A_376, %sub3A_378, %div3A_357 : i32
    %mul3A_380 = arith.constant 16 : i32
    %mul3A_381 = arith.muli %select_n3A_379, %mul3A_380 : i32
    %multiple_of3A_382 = tpu.assume_multiple %mul3A_381, 16 : i32
    %get3A_383 = arith.index_cast %multiple_of3A_382 : i32 to index
    %get3A_384 = tpu.vector_load %arg5[%get3A_383] {strides = array<i32>} : memref<512xi32, #tpu.memory_space<vmem>>, vector<16xi32>,
    %sub3A_385 = arith.constant 5 : i32
    %sub3A_386 = arith.subi %sub3A_385, %multiple_of3A_382 : i32
    %eq3A_387 = vector.broadcast %sub3A_386 : i32 to vector<16xi32>
    %eq3A_388 = arith.cmpi eq, %iota3A, %eq3A_387 : vector<16xi32>
    %jit3A_389 = arith.constant 0 : i32
    %broadcast_in_dim3A_390 = vector.broadcast %jit3A_389 : i32 to vector<16xi32>
    %select_n3A_391 = arith.select %eq3A_388, %get3A_384, %broadcast_in_dim3A_390 : vector<16xi1>, vector<16xi32>
    %reduce_sum3A_392 = arith.constant true
    %reduce_sum3A_393 = vector.broadcast %reduce_sum3A_392 : i1 to vector<16xi1>
    %reduce_sum3A_394 = tpu.scan <sum>, %select_n3A_391 masked %reduce_sum3A_393 : vector<16xi32>, vector<16xi1> -> vector<16xi32>
    %reduce_sum3A_395 = vector.extract %reduce_sum3A_394[15] : i32 from vector<16xi32>
    %jit3A_396 = arith.constant 128 : i32
    %div3A_397 = arith.divsi %reduce_sum3A_395, %jit3A_396 : i32
    %sign3A_398 = arith.constant 0 : i32
    %sign3A_399 = arith.cmpi sgt, %reduce_sum3A_395, %sign3A_398 : i32
    %sign3A_400 = arith.extui %sign3A_399 : i1 to i32
    %sign3A_401 = arith.constant 0 : i32
    %sign3A_402 = arith.cmpi slt, %reduce_sum3A_395, %sign3A_401 : i32
    %sign3A_403 = arith.extui %sign3A_402 : i1 to i32
    %sign3A_404 = arith.subi %sign3A_400, %sign3A_403 : i32
    %sign3A_405 = arith.constant 0 : i32
    %sign3A_406 = arith.cmpi sgt, %jit3A_396, %sign3A_405 : i32
    %sign3A_407 = arith.extui %sign3A_406 : i1 to i32
    %sign3A_408 = arith.constant 0 : i32
    %sign3A_409 = arith.cmpi slt, %jit3A_396, %sign3A_408 : i32
    %sign3A_410 = arith.extui %sign3A_409 : i1 to i32
    %sign3A_411 = arith.subi %sign3A_407, %sign3A_410 : i32
    %ne3A_412 = arith.cmpi ne, %sign3A_404, %sign3A_411 : i32
    %rem3A_413 = arith.remsi %reduce_sum3A_395, %jit3A_396 : i32
    %ne3A_414 = arith.constant 0 : i32
    %ne3A_415 = arith.cmpi ne, %rem3A_413, %ne3A_414 : i32
    %and3A_416 = arith.andi %ne3A_412, %ne3A_415 : i1
    %sub3A_417 = arith.constant 1 : i32
    %sub3A_418 = arith.subi %div3A_397, %sub3A_417 : i32
    %select_n3A_419 = arith.select %and3A_416, %sub3A_418, %div3A_397 : i32
    %mul3A_420 = arith.constant 128 : i32
    %mul3A_421 = arith.muli %select_n3A_419, %mul3A_420 : i32
    %multiple_of3A_422 = tpu.assume_multiple %mul3A_421, 128 : i32
    %dma_start3A_423 = arith.constant 0 : i32
    %dma_start3A_424 = tpu.memref_slice %arg3[%dma_start3A_423, %multiple_of3A_422] : memref<64x1000000xf32, #tpu.memory_space<hbm>> -> memref<64x128xf32, #tpu.memory_space<hbm>>
    %dma_start3A_425 = arith.constant 0 : i32
    %dma_start3A_426 = tpu.memref_slice %arg3[%dma_start3A_425, %multiple_of3A_422] : memref<64x1000000xf32, #tpu.memory_space<hbm>> -> memref<64x128xf32, #tpu.memory_space<hbm>>
    tpu.enqueue_dma source(%dma_start3A_426 : memref<64x128xf32, #tpu.memory_space<hbm>>) target(%arg12 : memref<64x128xf32, #tpu.memory_space<vmem>>) target_semaphore(%arg23 : memref<!tpu.dma_semaphore, #tpu.memory_space<semaphore_mem>>)
    %sub3A_427 = arith.subi %reduce_sum3A_395, %multiple_of3A_422 : i32
    %jit3A_428 = arith.constant 6 : i32
    %jit3A_429 = arith.constant 16 : i32
    %div3A_430 = arith.divsi %jit3A_428, %jit3A_429 : i32
    %sign3A_431 = arith.constant 0 : i32
    %sign3A_432 = arith.cmpi sgt, %jit3A_428, %sign3A_431 : i32
    %sign3A_433 = arith.extui %sign3A_432 : i1 to i32
    %sign3A_434 = arith.constant 0 : i32
    %sign3A_435 = arith.cmpi slt, %jit3A_428, %sign3A_434 : i32
    %sign3A_436 = arith.extui %sign3A_435 : i1 to i32
    %sign3A_437 = arith.subi %sign3A_433, %sign3A_436 : i32
    %sign3A_438 = arith.constant 0 : i32
    %sign3A_439 = arith.cmpi sgt, %jit3A_429, %sign3A_438 : i32
    %sign3A_440 = arith.extui %sign3A_439 : i1 to i32
    %sign3A_441 = arith.constant 0 : i32
    %sign3A_442 = arith.cmpi slt, %jit3A_429, %sign3A_441 : i32
    %sign3A_443 = arith.extui %sign3A_442 : i1 to i32
    %sign3A_444 = arith.subi %sign3A_440, %sign3A_443 : i32
    %ne3A_445 = arith.cmpi ne, %sign3A_437, %sign3A_444 : i32
    %rem3A_446 = arith.remsi %jit3A_428, %jit3A_429 : i32
    %ne3A_447 = arith.constant 0 : i32
    %ne3A_448 = arith.cmpi ne, %rem3A_446, %ne3A_447 : i32
    %and3A_449 = arith.andi %ne3A_445, %ne3A_448 : i1
    %sub3A_450 = arith.constant 1 : i32
    %sub3A_451 = arith.subi %div3A_430, %sub3A_450 : i32
    %select_n3A_452 = arith.select %and3A_449, %sub3A_451, %div3A_430 : i32
    %mul3A_453 = arith.constant 16 : i32
    %mul3A_454 = arith.muli %select_n3A_452, %mul3A_453 : i32
    %multiple_of3A_455 = tpu.assume_multiple %mul3A_454, 16 : i32
    %get3A_456 = arith.index_cast %multiple_of3A_455 : i32 to index
    %get3A_457 = tpu.vector_load %arg5[%get3A_456] {strides = array<i32>} : memref<512xi32, #tpu.memory_space<vmem>>, vector<16xi32>,
    %sub3A_458 = arith.constant 6 : i32
    %sub3A_459 = arith.subi %sub3A_458, %multiple_of3A_455 : i32
    %eq3A_460 = vector.broadcast %sub3A_459 : i32 to vector<16xi32>
    %eq3A_461 = arith.cmpi eq, %iota3A, %eq3A_460 : vector<16xi32>
    %jit3A_462 = arith.constant 0 : i32
    %broadcast_in_dim3A_463 = vector.broadcast %jit3A_462 : i32 to vector<16xi32>
    %select_n3A_464 = arith.select %eq3A_461, %get3A_457, %broadcast_in_dim3A_463 : vector<16xi1>, vector<16xi32>
    %reduce_sum3A_465 = arith.constant true
    %reduce_sum3A_466 = vector.broadcast %reduce_sum3A_465 : i1 to vector<16xi1>
    %reduce_sum3A_467 = tpu.scan <sum>, %select_n3A_464 masked %reduce_sum3A_466 : vector<16xi32>, vector<16xi1> -> vector<16xi32>
    %reduce_sum3A_468 = vector.extract %reduce_sum3A_467[15] : i32 from vector<16xi32>
    %jit3A_469 = arith.constant 128 : i32
    %div3A_470 = arith.divsi %reduce_sum3A_468, %jit3A_469 : i32
    %sign3A_471 = arith.constant 0 : i32
    %sign3A_472 = arith.cmpi sgt, %reduce_sum3A_468, %sign3A_471 : i32
    %sign3A_473 = arith.extui %sign3A_472 : i1 to i32
    %sign3A_474 = arith.constant 0 : i32
    %sign3A_475 = arith.cmpi slt, %reduce_sum3A_468, %sign3A_474 : i32
    %sign3A_476 = arith.extui %sign3A_475 : i1 to i32
    %sign3A_477 = arith.subi %sign3A_473, %sign3A_476 : i32
    %sign3A_478 = arith.constant 0 : i32
    %sign3A_479 = arith.cmpi sgt, %jit3A_469, %sign3A_478 : i32
    %sign3A_480 = arith.extui %sign3A_479 : i1 to i32
    %sign3A_481 = arith.constant 0 : i32
    %sign3A_482 = arith.cmpi slt, %jit3A_469, %sign3A_481 : i32
    %sign3A_483 = arith.extui %sign3A_482 : i1 to i32
    %sign3A_484 = arith.subi %sign3A_480, %sign3A_483 : i32
    %ne3A_485 = arith.cmpi ne, %sign3A_477, %sign3A_484 : i32
    %rem3A_486 = arith.remsi %reduce_sum3A_468, %jit3A_469 : i32
    %ne3A_487 = arith.constant 0 : i32
    %ne3A_488 = arith.cmpi ne, %rem3A_486, %ne3A_487 : i32
    %and3A_489 = arith.andi %ne3A_485, %ne3A_488 : i1
    %sub3A_490 = arith.constant 1 : i32
    %sub3A_491 = arith.subi %div3A_470, %sub3A_490 : i32
    %select_n3A_492 = arith.select %and3A_489, %sub3A_491, %div3A_470 : i32
    %mul3A_493 = arith.constant 128 : i32
    %mul3A_494 = arith.muli %select_n3A_492, %mul3A_493 : i32
    %multiple_of3A_495 = tpu.assume_multiple %mul3A_494, 128 : i32
    %dma_start3A_496 = arith.constant 0 : i32
    %dma_start3A_497 = tpu.memref_slice %arg3[%dma_start3A_496, %multiple_of3A_495] : memref<64x1000000xf32, #tpu.memory_space<hbm>> -> memref<64x128xf32, #tpu.memory_space<hbm>>
    %dma_start3A_498 = arith.constant 0 : i32
    %dma_start3A_499 = tpu.memref_slice %arg3[%dma_start3A_498, %multiple_of3A_495] : memref<64x1000000xf32, #tpu.memory_space<hbm>> -> memref<64x128xf32, #tpu.memory_space<hbm>>
    tpu.enqueue_dma source(%dma_start3A_499 : memref<64x128xf32, #tpu.memory_space<hbm>>) target(%arg13 : memref<64x128xf32, #tpu.memory_space<vmem>>) target_semaphore(%arg24 : memref<!tpu.dma_semaphore, #tpu.memory_space<semaphore_mem>>)
    %sub3A_500 = arith.subi %reduce_sum3A_468, %multiple_of3A_495 : i32
    %jit3A_501 = arith.constant 7 : i32
    %jit3A_502 = arith.constant 16 : i32
    %div3A_503 = arith.divsi %jit3A_501, %jit3A_502 : i32
    %sign3A_504 = arith.constant 0 : i32
    %sign3A_505 = arith.cmpi sgt, %jit3A_501, %sign3A_504 : i32
    %sign3A_506 = arith.extui %sign3A_505 : i1 to i32
    %sign3A_507 = arith.constant 0 : i32
    %sign3A_508 = arith.cmpi slt, %jit3A_501, %sign3A_507 : i32
    %sign3A_509 = arith.extui %sign3A_508 : i1 to i32
    %sign3A_510 = arith.subi %sign3A_506, %sign3A_509 : i32
    %sign3A_511 = arith.constant 0 : i32
    %sign3A_512 = arith.cmpi sgt, %jit3A_502, %sign3A_511 : i32
    %sign3A_513 = arith.extui %sign3A_512 : i1 to i32
    %sign3A_514 = arith.constant 0 : i32
    %sign3A_515 = arith.cmpi slt, %jit3A_502, %sign3A_514 : i32
    %sign3A_516 = arith.extui %sign3A_515 : i1 to i32
    %sign3A_517 = arith.subi %sign3A_513, %sign3A_516 : i32
    %ne3A_518 = arith.cmpi ne, %sign3A_510, %sign3A_517 : i32
    %rem3A_519 = arith.remsi %jit3A_501, %jit3A_502 : i32
    %ne3A_520 = arith.constant 0 : i32
    %ne3A_521 = arith.cmpi ne, %rem3A_519, %ne3A_520 : i32
    %and3A_522 = arith.andi %ne3A_518, %ne3A_521 : i1
    %sub3A_523 = arith.constant 1 : i32
    %sub3A_524 = arith.subi %div3A_503, %sub3A_523 : i32
    %select_n3A_525 = arith.select %and3A_522, %sub3A_524, %div3A_503 : i32
    %mul3A_526 = arith.constant 16 : i32
    %mul3A_527 = arith.muli %select_n3A_525, %mul3A_526 : i32
    %multiple_of3A_528 = tpu.assume_multiple %mul3A_527, 16 : i32
    %get3A_529 = arith.index_cast %multiple_of3A_528 : i32 to index
    %get3A_530 = tpu.vector_load %arg5[%get3A_529] {strides = array<i32>} : memref<512xi32, #tpu.memory_space<vmem>>, vector<16xi32>,
    %sub3A_531 = arith.constant 7 : i32
    %sub3A_532 = arith.subi %sub3A_531, %multiple_of3A_528 : i32
    %eq3A_533 = vector.broadcast %sub3A_532 : i32 to vector<16xi32>
    %eq3A_534 = arith.cmpi eq, %iota3A, %eq3A_533 : vector<16xi32>
    %jit3A_535 = arith.constant 0 : i32
    %broadcast_in_dim3A_536 = vector.broadcast %jit3A_535 : i32 to vector<16xi32>
    %select_n3A_537 = arith.select %eq3A_534, %get3A_530, %broadcast_in_dim3A_536 : vector<16xi1>, vector<16xi32>
    %reduce_sum3A_538 = arith.constant true
    %reduce_sum3A_539 = vector.broadcast %reduce_sum3A_538 : i1 to vector<16xi1>
    %reduce_sum3A_540 = tpu.scan <sum>, %select_n3A_537 masked %reduce_sum3A_539 : vector<16xi32>, vector<16xi1> -> vector<16xi32>
    %reduce_sum3A_541 = vector.extract %reduce_sum3A_540[15] : i32 from vector<16xi32>
    %jit3A_542 = arith.constant 128 : i32
    %div3A_543 = arith.divsi %reduce_sum3A_541, %jit3A_542 : i32
    %sign3A_544 = arith.constant 0 : i32
    %sign3A_545 = arith.cmpi sgt, %reduce_sum3A_541, %sign3A_544 : i32
    %sign3A_546 = arith.extui %sign3A_545 : i1 to i32
    %sign3A_547 = arith.constant 0 : i32
    %sign3A_548 = arith.cmpi slt, %reduce_sum3A_541, %sign3A_547 : i32
    %sign3A_549 = arith.extui %sign3A_548 : i1 to i32
    %sign3A_550 = arith.subi %sign3A_546, %sign3A_549 : i32
    %sign3A_551 = arith.constant 0 : i32
    %sign3A_552 = arith.cmpi sgt, %jit3A_542, %sign3A_551 : i32
    %sign3A_553 = arith.extui %sign3A_552 : i1 to i32
    %sign3A_554 = arith.constant 0 : i32
    %sign3A_555 = arith.cmpi slt, %jit3A_542, %sign3A_554 : i32
    %sign3A_556 = arith.extui %sign3A_555 : i1 to i32
    %sign3A_557 = arith.subi %sign3A_553, %sign3A_556 : i32
    %ne3A_558 = arith.cmpi ne, %sign3A_550, %sign3A_557 : i32
    %rem3A_559 = arith.remsi %reduce_sum3A_541, %jit3A_542 : i32
    %ne3A_560 = arith.constant 0 : i32
    %ne3A_561 = arith.cmpi ne, %rem3A_559, %ne3A_560 : i32
    %and3A_562 = arith.andi %ne3A_558, %ne3A_561 : i1
    %sub3A_563 = arith.constant 1 : i32
    %sub3A_564 = arith.subi %div3A_543, %sub3A_563 : i32
    %select_n3A_565 = arith.select %and3A_562, %sub3A_564, %div3A_543 : i32
    %mul3A_566 = arith.constant 128 : i32
    %mul3A_567 = arith.muli %select_n3A_565, %mul3A_566 : i32
    %multiple_of3A_568 = tpu.assume_multiple %mul3A_567, 128 : i32
    %dma_start3A_569 = arith.constant 0 : i32
    %dma_start3A_570 = tpu.memref_slice %arg3[%dma_start3A_569, %multiple_of3A_568] : memref<64x1000000xf32, #tpu.memory_space<hbm>> -> memref<64x128xf32, #tpu.memory_space<hbm>>
    %dma_start3A_571 = arith.constant 0 : i32
    %dma_start3A_572 = tpu.memref_slice %arg3[%dma_start3A_571, %multiple_of3A_568] : memref<64x1000000xf32, #tpu.memory_space<hbm>> -> memref<64x128xf32, #tpu.memory_space<hbm>>
    tpu.enqueue_dma source(%dma_start3A_572 : memref<64x128xf32, #tpu.memory_space<hbm>>) target(%arg14 : memref<64x128xf32, #tpu.memory_space<vmem>>) target_semaphore(%arg25 : memref<!tpu.dma_semaphore, #tpu.memory_space<semaphore_mem>>)
    %sub3A_573 = arith.subi %reduce_sum3A_541, %multiple_of3A_568 : i32
    %jit3A_574 = arith.constant 8 : i32
    %jit3A_575 = arith.constant 16 : i32
    %div3A_576 = arith.divsi %jit3A_574, %jit3A_575 : i32
    %sign3A_577 = arith.constant 0 : i32
    %sign3A_578 = arith.cmpi sgt, %jit3A_574, %sign3A_577 : i32
    %sign3A_579 = arith.extui %sign3A_578 : i1 to i32
    %sign3A_580 = arith.constant 0 : i32
    %sign3A_581 = arith.cmpi slt, %jit3A_574, %sign3A_580 : i32
    %sign3A_582 = arith.extui %sign3A_581 : i1 to i32
    %sign3A_583 = arith.subi %sign3A_579, %sign3A_582 : i32
    %sign3A_584 = arith.constant 0 : i32
    %sign3A_585 = arith.cmpi sgt, %jit3A_575, %sign3A_584 : i32
    %sign3A_586 = arith.extui %sign3A_585 : i1 to i32
    %sign3A_587 = arith.constant 0 : i32
    %sign3A_588 = arith.cmpi slt, %jit3A_575, %sign3A_587 : i32
    %sign3A_589 = arith.extui %sign3A_588 : i1 to i32
    %sign3A_590 = arith.subi %sign3A_586, %sign3A_589 : i32
    %ne3A_591 = arith.cmpi ne, %sign3A_583, %sign3A_590 : i32
    %rem3A_592 = arith.remsi %jit3A_574, %jit3A_575 : i32
    %ne3A_593 = arith.constant 0 : i32
    %ne3A_594 = arith.cmpi ne, %rem3A_592, %ne3A_593 : i32
    %and3A_595 = arith.andi %ne3A_591, %ne3A_594 : i1
    %sub3A_596 = arith.constant 1 : i32
    %sub3A_597 = arith.subi %div3A_576, %sub3A_596 : i32
    %select_n3A_598 = arith.select %and3A_595, %sub3A_597, %div3A_576 : i32
    %mul3A_599 = arith.constant 16 : i32
    %mul3A_600 = arith.muli %select_n3A_598, %mul3A_599 : i32
    %multiple_of3A_601 = tpu.assume_multiple %mul3A_600, 16 : i32
    %get3A_602 = arith.index_cast %multiple_of3A_601 : i32 to index
    %get3A_603 = tpu.vector_load %arg5[%get3A_602] {strides = array<i32>} : memref<512xi32, #tpu.memory_space<vmem>>, vector<16xi32>,
    %sub3A_604 = arith.constant 8 : i32
    %sub3A_605 = arith.subi %sub3A_604, %multiple_of3A_601 : i32
    %eq3A_606 = vector.broadcast %sub3A_605 : i32 to vector<16xi32>
    %eq3A_607 = arith.cmpi eq, %iota3A, %eq3A_606 : vector<16xi32>
    %jit3A_608 = arith.constant 0 : i32
    %broadcast_in_dim3A_609 = vector.broadcast %jit3A_608 : i32 to vector<16xi32>
    %select_n3A_610 = arith.select %eq3A_607, %get3A_603, %broadcast_in_dim3A_609 : vector<16xi1>, vector<16xi32>
    %reduce_sum3A_611 = arith.constant true
    %reduce_sum3A_612 = vector.broadcast %reduce_sum3A_611 : i1 to vector<16xi1>
    %reduce_sum3A_613 = tpu.scan <sum>, %select_n3A_610 masked %reduce_sum3A_612 : vector<16xi32>, vector<16xi1> -> vector<16xi32>
    %reduce_sum3A_614 = vector.extract %reduce_sum3A_613[15] : i32 from vector<16xi32>
    %jit3A_615 = arith.constant 128 : i32
    %div3A_616 = arith.divsi %reduce_sum3A_614, %jit3A_615 : i32
    %sign3A_617 = arith.constant 0 : i32
    %sign3A_618 = arith.cmpi sgt, %reduce_sum3A_614, %sign3A_617 : i32
    %sign3A_619 = arith.extui %sign3A_618 : i1 to i32
    %sign3A_620 = arith.constant 0 : i32
    %sign3A_621 = arith.cmpi slt, %reduce_sum3A_614, %sign3A_620 : i32
    %sign3A_622 = arith.extui %sign3A_621 : i1 to i32
    %sign3A_623 = arith.subi %sign3A_619, %sign3A_622 : i32
    %sign3A_624 = arith.constant 0 : i32
    %sign3A_625 = arith.cmpi sgt, %jit3A_615, %sign3A_624 : i32
    %sign3A_626 = arith.extui %sign3A_625 : i1 to i32
    %sign3A_627 = arith.constant 0 : i32
    %sign3A_628 = arith.cmpi slt, %jit3A_615, %sign3A_627 : i32
    %sign3A_629 = arith.extui %sign3A_628 : i1 to i32
    %sign3A_630 = arith.subi %sign3A_626, %sign3A_629 : i32
    %ne3A_631 = arith.cmpi ne, %sign3A_623, %sign3A_630 : i32
    %rem3A_632 = arith.remsi %reduce_sum3A_614, %jit3A_615 : i32
    %ne3A_633 = arith.constant 0 : i32
    %ne3A_634 = arith.cmpi ne, %rem3A_632, %ne3A_633 : i32
    %and3A_635 = arith.andi %ne3A_631, %ne3A_634 : i1
    %sub3A_636 = arith.constant 1 : i32
    %sub3A_637 = arith.subi %div3A_616, %sub3A_636 : i32
    %select_n3A_638 = arith.select %and3A_635, %sub3A_637, %div3A_616 : i32
    %mul3A_639 = arith.constant 128 : i32
    %mul3A_640 = arith.muli %select_n3A_638, %mul3A_639 : i32
    %multiple_of3A_641 = tpu.assume_multiple %mul3A_640, 128 : i32
    %dma_start3A_642 = arith.constant 0 : i32
    %dma_start3A_643 = tpu.memref_slice %arg3[%dma_start3A_642, %multiple_of3A_641] : memref<64x1000000xf32, #tpu.memory_space<hbm>> -> memref<64x128xf32, #tpu.memory_space<hbm>>
    %dma_start3A_644 = arith.constant 0 : i32
    %dma_start3A_645 = tpu.memref_slice %arg3[%dma_start3A_644, %multiple_of3A_641] : memref<64x1000000xf32, #tpu.memory_space<hbm>> -> memref<64x128xf32, #tpu.memory_space<hbm>>
    tpu.enqueue_dma source(%dma_start3A_645 : memref<64x128xf32, #tpu.memory_space<hbm>>) target(%arg15 : memref<64x128xf32, #tpu.memory_space<vmem>>) target_semaphore(%arg26 : memref<!tpu.dma_semaphore, #tpu.memory_space<semaphore_mem>>)
    %sub3A_646 = arith.subi %reduce_sum3A_614, %multiple_of3A_641 : i32
    %jit3A_647 = arith.constant 9 : i32
    %jit3A_648 = arith.constant 16 : i32
    %div3A_649 = arith.divsi %jit3A_647, %jit3A_648 : i32
    %sign3A_650 = arith.constant 0 : i32
    %sign3A_651 = arith.cmpi sgt, %jit3A_647, %sign3A_650 : i32
    %sign3A_652 = arith.extui %sign3A_651 : i1 to i32
    %sign3A_653 = arith.constant 0 : i32
    %sign3A_654 = arith.cmpi slt, %jit3A_647, %sign3A_653 : i32
    %sign3A_655 = arith.extui %sign3A_654 : i1 to i32
    %sign3A_656 = arith.subi %sign3A_652, %sign3A_655 : i32
    %sign3A_657 = arith.constant 0 : i32
    %sign3A_658 = arith.cmpi sgt, %jit3A_648, %sign3A_657 : i32
    %sign3A_659 = arith.extui %sign3A_658 : i1 to i32
    %sign3A_660 = arith.constant 0 : i32
    %sign3A_661 = arith.cmpi slt, %jit3A_648, %sign3A_660 : i32
    %sign3A_662 = arith.extui %sign3A_661 : i1 to i32
    %sign3A_663 = arith.subi %sign3A_659, %sign3A_662 : i32
    %ne3A_664 = arith.cmpi ne, %sign3A_656, %sign3A_663 : i32
    %rem3A_665 = arith.remsi %jit3A_647, %jit3A_648 : i32
    %ne3A_666 = arith.constant 0 : i32
    %ne3A_667 = arith.cmpi ne, %rem3A_665, %ne3A_666 : i32
    %and3A_668 = arith.andi %ne3A_664, %ne3A_667 : i1
    %sub3A_669 = arith.constant 1 : i32
    %sub3A_670 = arith.subi %div3A_649, %sub3A_669 : i32
    %select_n3A_671 = arith.select %and3A_668, %sub3A_670, %div3A_649 : i32
    %mul3A_672 = arith.constant 16 : i32
    %mul3A_673 = arith.muli %select_n3A_671, %mul3A_672 : i32
    %multiple_of3A_674 = tpu.assume_multiple %mul3A_673, 16 : i32
    %get3A_675 = arith.index_cast %multiple_of3A_674 : i32 to index
    %get3A_676 = tpu.vector_load %arg5[%get3A_675] {strides = array<i32>} : memref<512xi32, #tpu.memory_space<vmem>>, vector<16xi32>,
    %sub3A_677 = arith.constant 9 : i32
    %sub3A_678 = arith.subi %sub3A_677, %multiple_of3A_674 : i32
    %eq3A_679 = vector.broadcast %sub3A_678 : i32 to vector<16xi32>
    %eq3A_680 = arith.cmpi eq, %iota3A, %eq3A_679 : vector<16xi32>
    %jit3A_681 = arith.constant 0 : i32
    %broadcast_in_dim3A_682 = vector.broadcast %jit3A_681 : i32 to vector<16xi32>
    %select_n3A_683 = arith.select %eq3A_680, %get3A_676, %broadcast_in_dim3A_682 : vector<16xi1>, vector<16xi32>
    %reduce_sum3A_684 = arith.constant true
    %reduce_sum3A_685 = vector.broadcast %reduce_sum3A_684 : i1 to vector<16xi1>
    %reduce_sum3A_686 = tpu.scan <sum>, %select_n3A_683 masked %reduce_sum3A_685 : vector<16xi32>, vector<16xi1> -> vector<16xi32>
    %reduce_sum3A_687 = vector.extract %reduce_sum3A_686[15] : i32 from vector<16xi32>
    %jit3A_688 = arith.constant 128 : i32
    %div3A_689 = arith.divsi %reduce_sum3A_687, %jit3A_688 : i32
    %sign3A_690 = arith.constant 0 : i32
    %sign3A_691 = arith.cmpi sgt, %reduce_sum3A_687, %sign3A_690 : i32
    %sign3A_692 = arith.extui %sign3A_691 : i1 to i32
    %sign3A_693 = arith.constant 0 : i32
    %sign3A_694 = arith.cmpi slt, %reduce_sum3A_687, %sign3A_693 : i32
    %sign3A_695 = arith.extui %sign3A_694 : i1 to i32
    %sign3A_696 = arith.subi %sign3A_692, %sign3A_695 : i32
    %sign3A_697 = arith.constant 0 : i32
    %sign3A_698 = arith.cmpi sgt, %jit3A_688, %sign3A_697 : i32
    %sign3A_699 = arith.extui %sign3A_698 : i1 to i32
    %sign3A_700 = arith.constant 0 : i32
    %sign3A_701 = arith.cmpi slt, %jit3A_688, %sign3A_700 : i32
    %sign3A_702 = arith.extui %sign3A_701 : i1 to i32
    %sign3A_703 = arith.subi %sign3A_699, %sign3A_702 : i32
    %ne3A_704 = arith.cmpi ne, %sign3A_696, %sign3A_703 : i32
    %rem3A_705 = arith.remsi %reduce_sum3A_687, %jit3A_688 : i32
    %ne3A_706 = arith.constant 0 : i32
    %ne3A_707 = arith.cmpi ne, %rem3A_705, %ne3A_706 : i32
    %and3A_708 = arith.andi %ne3A_704, %ne3A_707 : i1
    %sub3A_709 = arith.constant 1 : i32
    %sub3A_710 = arith.subi %div3A_689, %sub3A_709 : i32
    %select_n3A_711 = arith.select %and3A_708, %sub3A_710, %div3A_689 : i32
    %mul3A_712 = arith.constant 128 : i32
    %mul3A_713 = arith.muli %select_n3A_711, %mul3A_712 : i32
    %multiple_of3A_714 = tpu.assume_multiple %mul3A_713, 128 : i32
    %dma_start3A_715 = arith.constant 0 : i32
    %dma_start3A_716 = tpu.memref_slice %arg3[%dma_start3A_715, %multiple_of3A_714] : memref<64x1000000xf32, #tpu.memory_space<hbm>> -> memref<64x128xf32, #tpu.memory_space<hbm>>
    %dma_start3A_717 = arith.constant 0 : i32
    %dma_start3A_718 = tpu.memref_slice %arg3[%dma_start3A_717, %multiple_of3A_714] : memref<64x1000000xf32, #tpu.memory_space<hbm>> -> memref<64x128xf32, #tpu.memory_space<hbm>>
    tpu.enqueue_dma source(%dma_start3A_718 : memref<64x128xf32, #tpu.memory_space<hbm>>) target(%arg16 : memref<64x128xf32, #tpu.memory_space<vmem>>) target_semaphore(%arg27 : memref<!tpu.dma_semaphore, #tpu.memory_space<semaphore_mem>>)
    %sub3A_719 = arith.subi %reduce_sum3A_687, %multiple_of3A_714 : i32
    %jit3A_720 = arith.constant 10 : i32
    %jit3A_721 = arith.constant 16 : i32
    %div3A_722 = arith.divsi %jit3A_720, %jit3A_721 : i32
    %sign3A_723 = arith.constant 0 : i32
    %sign3A_724 = arith.cmpi sgt, %jit3A_720, %sign3A_723 : i32
    %sign3A_725 = arith.extui %sign3A_724 : i1 to i32
    %sign3A_726 = arith.constant 0 : i32
    %sign3A_727 = arith.cmpi slt, %jit3A_720, %sign3A_726 : i32
    %sign3A_728 = arith.extui %sign3A_727 : i1 to i32
    %sign3A_729 = arith.subi %sign3A_725, %sign3A_728 : i32
    %sign3A_730 = arith.constant 0 : i32
    %sign3A_731 = arith.cmpi sgt, %jit3A_721, %sign3A_730 : i32
    %sign3A_732 = arith.extui %sign3A_731 : i1 to i32
    %sign3A_733 = arith.constant 0 : i32
    %sign3A_734 = arith.cmpi slt, %jit3A_721, %sign3A_733 : i32
    %sign3A_735 = arith.extui %sign3A_734 : i1 to i32
    %sign3A_736 = arith.subi %sign3A_732, %sign3A_735 : i32
    %ne3A_737 = arith.cmpi ne, %sign3A_729, %sign3A_736 : i32
    %rem3A_738 = arith.remsi %jit3A_720, %jit3A_721 : i32
    %ne3A_739 = arith.constant 0 : i32
    %ne3A_740 = arith.cmpi ne, %rem3A_738, %ne3A_739 : i32
    %and3A_741 = arith.andi %ne3A_737, %ne3A_740 : i1
    %sub3A_742 = arith.constant 1 : i32
    %sub3A_743 = arith.subi %div3A_722, %sub3A_742 : i32
    %select_n3A_744 = arith.select %and3A_741, %sub3A_743, %div3A_722 : i32
    %mul3A_745 = arith.constant 16 : i32
    %mul3A_746 = arith.muli %select_n3A_744, %mul3A_745 : i32
    %multiple_of3A_747 = tpu.assume_multiple %mul3A_746, 16 : i32
    %get3A_748 = arith.index_cast %multiple_of3A_747 : i32 to index
    %get3A_749 = tpu.vector_load %arg5[%get3A_748] {strides = array<i32>} : memref<512xi32, #tpu.memory_space<vmem>>, vector<16xi32>,
    %sub3A_750 = arith.constant 10 : i32
    %sub3A_751 = arith.subi %sub3A_750, %multiple_of3A_747 : i32
    %eq3A_752 = vector.broadcast %sub3A_751 : i32 to vector<16xi32>
    %eq3A_753 = arith.cmpi eq, %iota3A, %eq3A_752 : vector<16xi32>
    %jit3A_754 = arith.constant 0 : i32
    %broadcast_in_dim3A_755 = vector.broadcast %jit3A_754 : i32 to vector<16xi32>
    %select_n3A_756 = arith.select %eq3A_753, %get3A_749, %broadcast_in_dim3A_755 : vector<16xi1>, vector<16xi32>
    %reduce_sum3A_757 = arith.constant true
    %reduce_sum3A_758 = vector.broadcast %reduce_sum3A_757 : i1 to vector<16xi1>
    %reduce_sum3A_759 = tpu.scan <sum>, %select_n3A_756 masked %reduce_sum3A_758 : vector<16xi32>, vector<16xi1> -> vector<16xi32>
    %reduce_sum3A_760 = vector.extract %reduce_sum3A_759[15] : i32 from vector<16xi32>
    %jit3A_761 = arith.constant 128 : i32
    %div3A_762 = arith.divsi %reduce_sum3A_760, %jit3A_761 : i32
    %sign3A_763 = arith.constant 0 : i32
    %sign3A_764 = arith.cmpi sgt, %reduce_sum3A_760, %sign3A_763 : i32
    %sign3A_765 = arith.extui %sign3A_764 : i1 to i32
    %sign3A_766 = arith.constant 0 : i32
    %sign3A_767 = arith.cmpi slt, %reduce_sum3A_760, %sign3A_766 : i32
    %sign3A_768 = arith.extui %sign3A_767 : i1 to i32
    %sign3A_769 = arith.subi %sign3A_765, %sign3A_768 : i32
    %sign3A_770 = arith.constant 0 : i32
    %sign3A_771 = arith.cmpi sgt, %jit3A_761, %sign3A_770 : i32
    %sign3A_772 = arith.extui %sign3A_771 : i1 to i32
    %sign3A_773 = arith.constant 0 : i32
    %sign3A_774 = arith.cmpi slt, %jit3A_761, %sign3A_773 : i32
    %sign3A_775 = arith.extui %sign3A_774 : i1 to i32
    %sign3A_776 = arith.subi %sign3A_772, %sign3A_775 : i32
    %ne3A_777 = arith.cmpi ne, %sign3A_769, %sign3A_776 : i32
    %rem3A_778 = arith.remsi %reduce_sum3A_760, %jit3A_761 : i32
    %ne3A_779 = arith.constant 0 : i32
    %ne3A_780 = arith.cmpi ne, %rem3A_778, %ne3A_779 : i32
    %and3A_781 = arith.andi %ne3A_777, %ne3A_780 : i1
    %sub3A_782 = arith.constant 1 : i32
    %sub3A_783 = arith.subi %div3A_762, %sub3A_782 : i32
    %select_n3A_784 = arith.select %and3A_781, %sub3A_783, %div3A_762 : i32
    %mul3A_785 = arith.constant 128 : i32
    %mul3A_786 = arith.muli %select_n3A_784, %mul3A_785 : i32
    %multiple_of3A_787 = tpu.assume_multiple %mul3A_786, 128 : i32
    %dma_start3A_788 = arith.constant 0 : i32
    %dma_start3A_789 = tpu.memref_slice %arg3[%dma_start3A_788, %multiple_of3A_787] : memref<64x1000000xf32, #tpu.memory_space<hbm>> -> memref<64x128xf32, #tpu.memory_space<hbm>>
    %dma_start3A_790 = arith.constant 0 : i32
    %dma_start3A_791 = tpu.memref_slice %arg3[%dma_start3A_790, %multiple_of3A_787] : memref<64x1000000xf32, #tpu.memory_space<hbm>> -> memref<64x128xf32, #tpu.memory_space<hbm>>
    tpu.enqueue_dma source(%dma_start3A_791 : memref<64x128xf32, #tpu.memory_space<hbm>>) target(%arg17 : memref<64x128xf32, #tpu.memory_space<vmem>>) target_semaphore(%arg28 : memref<!tpu.dma_semaphore, #tpu.memory_space<semaphore_mem>>)
    %sub3A_792 = arith.subi %reduce_sum3A_760, %multiple_of3A_787 : i32
    %scan3A = arith.constant 0 : i32
    %scan3A_793 = arith.constant 45 : i32
    %scan3A_794 = arith.addi %scan3A, %scan3A_793 : i32
    %scan3A_795 = arith.constant 1 : i32
    %scan3A_796:11 = scf.for %scan3A_2249 = %scan3A to %scan3A_794 step %scan3A_795 iter_args(%scan3A_2250 = %sub3A_62, %scan3A_2251 = %sub3A_135, %scan3A_2252 = %sub3A_208, %scan3A_2253 = %sub3A_281, %scan3A_2254 = %sub3A_354, %scan3A_2255 = %sub3A_427, %scan3A_2256 = %sub3A_500, %scan3A_2257 = %sub3A_573, %scan3A_2258 = %sub3A_646, %scan3A_2259 = %sub3A_719, %scan3A_2260 = %sub3A_792) -> (i32, i32, i32, i32, i32, i32, i32, i32, i32, i32, i32)  : i32 {
      %mul3A_2261 = arith.constant 11 : i32
      %mul3A_2262 = arith.muli %scan3A_2249, %mul3A_2261 : i32
      %add3A_2263 = arith.constant 0 : i32
      %add3A_2264 = arith.addi %mul3A_2262, %add3A_2263 : i32
      %dma_wait3A_2265 = arith.constant 0 : i32
      %dma_wait3A_2266 = arith.constant 0 : i32
      %dma_wait3A_2267 = tpu.memref_slice %arg3[%dma_wait3A_2265, %dma_wait3A_2266] : memref<64x1000000xf32, #tpu.memory_space<hbm>> -> memref<64x128xf32, #tpu.memory_space<hbm>>
      %dma_wait3A_2268 = arith.constant 0 : i32
      %dma_wait3A_2269 = arith.constant 0 : i32
      %dma_wait3A_2270 = tpu.memref_slice %arg3[%dma_wait3A_2268, %dma_wait3A_2269] : memref<64x1000000xf32, #tpu.memory_space<hbm>> -> memref<64x128xf32, #tpu.memory_space<hbm>>
      tpu.wait_dma2 semaphore(%arg18 : memref<!tpu.dma_semaphore, #tpu.memory_space<semaphore_mem>>) src(%dma_wait3A_2270 : memref<64x128xf32, #tpu.memory_space<hbm>>) dst(%arg7 : memref<64x128xf32, #tpu.memory_space<vmem>>)
      %broadcast_in_dim3A_2271 = vector.broadcast %scan3A_2250 : i32 to vector<16xi32>
      %add3A_2272 = arith.constant 0 : i32
      %add3A_2273 = vector.broadcast %add3A_2272 : i32 to vector<16xi32>
      %add3A_2274 = arith.addi %iota3A, %add3A_2273 : vector<16xi32>
      %gather3A_2275 = tpu.vector_load_idx %arg7[%add3A_2274, %broadcast_in_dim3A_2271] : memref<64x128xf32, #tpu.memory_space<vmem>>[vector<16xi32>, vector<16xi32>], vector<16xf32>,
      %mul3A_2276 = arith.constant 8.000000e+00 : f32
      %mul3A_2277 = vector.broadcast %mul3A_2276 : f32 to vector<16xf32>
      %mul3A_2278 = arith.mulf %gather3A_2275, %mul3A_2277 : vector<16xf32>
      %mul3A_2279 = arith.constant 512 : i32
      %mul3A_2280 = vector.broadcast %mul3A_2279 : i32 to vector<16xi32>
      %mul3A_2281 = arith.muli %add3A_2274, %mul3A_2280 : vector<16xi32>
      %add3A_2282 = vector.broadcast %add3A_2264 : i32 to vector<16xi32>
      %add3A_2283 = arith.addi %mul3A_2281, %add3A_2282 : vector<16xi32>
      tpu.vector_store_idx %arg6[%add3A_2283], %mul3A_2278 : memref<32768xf32, #tpu.memory_space<vmem>>[vector<16xi32>], vector<16xf32>,
      %add3A_2284 = arith.constant 16 : i32
      %add3A_2285 = vector.broadcast %add3A_2284 : i32 to vector<16xi32>
      %add3A_2286 = arith.addi %iota3A, %add3A_2285 : vector<16xi32>
      %gather3A_2287 = tpu.vector_load_idx %arg7[%add3A_2286, %broadcast_in_dim3A_2271] : memref<64x128xf32, #tpu.memory_space<vmem>>[vector<16xi32>, vector<16xi32>], vector<16xf32>,
      %mul3A_2288 = arith.constant 8.000000e+00 : f32
      %mul3A_2289 = vector.broadcast %mul3A_2288 : f32 to vector<16xf32>
      %mul3A_2290 = arith.mulf %gather3A_2287, %mul3A_2289 : vector<16xf32>
      %mul3A_2291 = arith.constant 512 : i32
      %mul3A_2292 = vector.broadcast %mul3A_2291 : i32 to vector<16xi32>
      %mul3A_2293 = arith.muli %add3A_2286, %mul3A_2292 : vector<16xi32>
      %add3A_2294 = vector.broadcast %add3A_2264 : i32 to vector<16xi32>
      %add3A_2295 = arith.addi %mul3A_2293, %add3A_2294 : vector<16xi32>
      tpu.vector_store_idx %arg6[%add3A_2295], %mul3A_2290 : memref<32768xf32, #tpu.memory_space<vmem>>[vector<16xi32>], vector<16xf32>,
      %add3A_2296 = arith.constant 32 : i32
      %add3A_2297 = vector.broadcast %add3A_2296 : i32 to vector<16xi32>
      %add3A_2298 = arith.addi %iota3A, %add3A_2297 : vector<16xi32>
      %gather3A_2299 = tpu.vector_load_idx %arg7[%add3A_2298, %broadcast_in_dim3A_2271] : memref<64x128xf32, #tpu.memory_space<vmem>>[vector<16xi32>, vector<16xi32>], vector<16xf32>,
      %mul3A_2300 = arith.constant 8.000000e+00 : f32
      %mul3A_2301 = vector.broadcast %mul3A_2300 : f32 to vector<16xf32>
      %mul3A_2302 = arith.mulf %gather3A_2299, %mul3A_2301 : vector<16xf32>
      %mul3A_2303 = arith.constant 512 : i32
      %mul3A_2304 = vector.broadcast %mul3A_2303 : i32 to vector<16xi32>
      %mul3A_2305 = arith.muli %add3A_2298, %mul3A_2304 : vector<16xi32>
      %add3A_2306 = vector.broadcast %add3A_2264 : i32 to vector<16xi32>
      %add3A_2307 = arith.addi %mul3A_2305, %add3A_2306 : vector<16xi32>
      tpu.vector_store_idx %arg6[%add3A_2307], %mul3A_2302 : memref<32768xf32, #tpu.memory_space<vmem>>[vector<16xi32>], vector<16xf32>,
      %add3A_2308 = arith.constant 48 : i32
      %add3A_2309 = vector.broadcast %add3A_2308 : i32 to vector<16xi32>
      %add3A_2310 = arith.addi %iota3A, %add3A_2309 : vector<16xi32>
      %gather3A_2311 = tpu.vector_load_idx %arg7[%add3A_2310, %broadcast_in_dim3A_2271] : memref<64x128xf32, #tpu.memory_space<vmem>>[vector<16xi32>, vector<16xi32>], vector<16xf32>,
      %mul3A_2312 = arith.constant 8.000000e+00 : f32
      %mul3A_2313 = vector.broadcast %mul3A_2312 : f32 to vector<16xf32>
      %mul3A_2314 = arith.mulf %gather3A_2311, %mul3A_2313 : vector<16xf32>
      %mul3A_2315 = arith.constant 512 : i32
      %mul3A_2316 = vector.broadcast %mul3A_2315 : i32 to vector<16xi32>
      %mul3A_2317 = arith.muli %add3A_2310, %mul3A_2316 : vector<16xi32>
      %add3A_2318 = vector.broadcast %add3A_2264 : i32 to vector<16xi32>
      %add3A_2319 = arith.addi %mul3A_2317, %add3A_2318 : vector<16xi32>
      tpu.vector_store_idx %arg6[%add3A_2319], %mul3A_2314 : memref<32768xf32, #tpu.memory_space<vmem>>[vector<16xi32>], vector<16xf32>,
      %add3A_2320 = arith.constant 11 : i32
      %add3A_2321 = arith.addi %mul3A_2262, %add3A_2320 : i32
      %add3A_2322 = arith.constant 0 : i32
      %add3A_2323 = arith.addi %add3A_2321, %add3A_2322 : i32
      %jit3A_2324 = arith.constant 16 : i32
      %div3A_2325 = arith.divsi %add3A_2323, %jit3A_2324 : i32
      %sign3A_2326 = arith.constant 0 : i32
      %sign3A_2327 = arith.cmpi sgt, %add3A_2323, %sign3A_2326 : i32
      %sign3A_2328 = arith.extui %sign3A_2327 : i1 to i32
      %sign3A_2329 = arith.constant 0 : i32
      %sign3A_2330 = arith.cmpi slt, %add3A_2323, %sign3A_2329 : i32
      %sign3A_2331 = arith.extui %sign3A_2330 : i1 to i32
      %sign3A_2332 = arith.subi %sign3A_2328, %sign3A_2331 : i32
      %sign3A_2333 = arith.constant 0 : i32
      %sign3A_2334 = arith.cmpi sgt, %jit3A_2324, %sign3A_2333 : i32
      %sign3A_2335 = arith.extui %sign3A_2334 : i1 to i32
      %sign3A_2336 = arith.constant 0 : i32
      %sign3A_2337 = arith.cmpi slt, %jit3A_2324, %sign3A_2336 : i32
      %sign3A_2338 = arith.extui %sign3A_2337 : i1 to i32
      %sign3A_2339 = arith.subi %sign3A_2335, %sign3A_2338 : i32
      %ne3A_2340 = arith.cmpi ne, %sign3A_2332, %sign3A_2339 : i32
      %rem3A_2341 = arith.remsi %add3A_2323, %jit3A_2324 : i32
      %ne3A_2342 = arith.constant 0 : i32
      %ne3A_2343 = arith.cmpi ne, %rem3A_2341, %ne3A_2342 : i32
      %and3A_2344 = arith.andi %ne3A_2340, %ne3A_2343 : i1
      %sub3A_2345 = arith.constant 1 : i32
      %sub3A_2346 = arith.subi %div3A_2325, %sub3A_2345 : i32
      %select_n3A_2347 = arith.select %and3A_2344, %sub3A_2346, %div3A_2325 : i32
      %mul3A_2348 = arith.constant 16 : i32
      %mul3A_2349 = arith.muli %select_n3A_2347, %mul3A_2348 : i32
      %multiple_of3A_2350 = tpu.assume_multiple %mul3A_2349, 16 : i32
      %get3A_2351 = arith.index_cast %multiple_of3A_2350 : i32 to index
      %get3A_2352 = tpu.vector_load %arg5[%get3A_2351] {strides = array<i32>} : memref<512xi32, #tpu.memory_space<vmem>>, vector<16xi32>,
      %sub3A_2353 = arith.subi %add3A_2323, %multiple_of3A_2350 : i32
      %eq3A_2354 = vector.broadcast %sub3A_2353 : i32 to vector<16xi32>
      %eq3A_2355 = arith.cmpi eq, %iota3A, %eq3A_2354 : vector<16xi32>
      %jit3A_2356 = arith.constant 0 : i32
      %broadcast_in_dim3A_2357 = vector.broadcast %jit3A_2356 : i32 to vector<16xi32>
      %select_n3A_2358 = arith.select %eq3A_2355, %get3A_2352, %broadcast_in_dim3A_2357 : vector<16xi1>, vector<16xi32>
      %reduce_sum3A_2359 = arith.constant true
      %reduce_sum3A_2360 = vector.broadcast %reduce_sum3A_2359 : i1 to vector<16xi1>
      %reduce_sum3A_2361 = tpu.scan <sum>, %select_n3A_2358 masked %reduce_sum3A_2360 : vector<16xi32>, vector<16xi1> -> vector<16xi32>
      %reduce_sum3A_2362 = vector.extract %reduce_sum3A_2361[15] : i32 from vector<16xi32>
      %jit3A_2363 = arith.constant 128 : i32
      %div3A_2364 = arith.divsi %reduce_sum3A_2362, %jit3A_2363 : i32
      %sign3A_2365 = arith.constant 0 : i32
      %sign3A_2366 = arith.cmpi sgt, %reduce_sum3A_2362, %sign3A_2365 : i32
      %sign3A_2367 = arith.extui %sign3A_2366 : i1 to i32
      %sign3A_2368 = arith.constant 0 : i32
      %sign3A_2369 = arith.cmpi slt, %reduce_sum3A_2362, %sign3A_2368 : i32
      %sign3A_2370 = arith.extui %sign3A_2369 : i1 to i32
      %sign3A_2371 = arith.subi %sign3A_2367, %sign3A_2370 : i32
      %sign3A_2372 = arith.constant 0 : i32
      %sign3A_2373 = arith.cmpi sgt, %jit3A_2363, %sign3A_2372 : i32
      %sign3A_2374 = arith.extui %sign3A_2373 : i1 to i32
      %sign3A_2375 = arith.constant 0 : i32
      %sign3A_2376 = arith.cmpi slt, %jit3A_2363, %sign3A_2375 : i32
      %sign3A_2377 = arith.extui %sign3A_2376 : i1 to i32
      %sign3A_2378 = arith.subi %sign3A_2374, %sign3A_2377 : i32
      %ne3A_2379 = arith.cmpi ne, %sign3A_2371, %sign3A_2378 : i32
      %rem3A_2380 = arith.remsi %reduce_sum3A_2362, %jit3A_2363 : i32
      %ne3A_2381 = arith.constant 0 : i32
      %ne3A_2382 = arith.cmpi ne, %rem3A_2380, %ne3A_2381 : i32
      %and3A_2383 = arith.andi %ne3A_2379, %ne3A_2382 : i1
      %sub3A_2384 = arith.constant 1 : i32
      %sub3A_2385 = arith.subi %div3A_2364, %sub3A_2384 : i32
      %select_n3A_2386 = arith.select %and3A_2383, %sub3A_2385, %div3A_2364 : i32
      %mul3A_2387 = arith.constant 128 : i32
      %mul3A_2388 = arith.muli %select_n3A_2386, %mul3A_2387 : i32
      %multiple_of3A_2389 = tpu.assume_multiple %mul3A_2388, 128 : i32
      %dma_start3A_2390 = arith.constant 0 : i32
      %dma_start3A_2391 = tpu.memref_slice %arg3[%dma_start3A_2390, %multiple_of3A_2389] : memref<64x1000000xf32, #tpu.memory_space<hbm>> -> memref<64x128xf32, #tpu.memory_space<hbm>>
      %dma_start3A_2392 = arith.constant 0 : i32
      %dma_start3A_2393 = tpu.memref_slice %arg3[%dma_start3A_2392, %multiple_of3A_2389] : memref<64x1000000xf32, #tpu.memory_space<hbm>> -> memref<64x128xf32, #tpu.memory_space<hbm>>
      tpu.enqueue_dma source(%dma_start3A_2393 : memref<64x128xf32, #tpu.memory_space<hbm>>) target(%arg7 : memref<64x128xf32, #tpu.memory_space<vmem>>) target_semaphore(%arg18 : memref<!tpu.dma_semaphore, #tpu.memory_space<semaphore_mem>>)
      %sub3A_2394 = arith.subi %reduce_sum3A_2362, %multiple_of3A_2389 : i32
      %add3A_2395 = arith.constant 1 : i32
      %add3A_2396 = arith.addi %mul3A_2262, %add3A_2395 : i32
      %dma_wait3A_2397 = arith.constant 0 : i32
      %dma_wait3A_2398 = arith.constant 0 : i32
      %dma_wait3A_2399 = tpu.memref_slice %arg3[%dma_wait3A_2397, %dma_wait3A_2398] : memref<64x1000000xf32, #tpu.memory_space<hbm>> -> memref<64x128xf32, #tpu.memory_space<hbm>>
      %dma_wait3A_2400 = arith.constant 0 : i32
      %dma_wait3A_2401 = arith.constant 0 : i32
      %dma_wait3A_2402 = tpu.memref_slice %arg3[%dma_wait3A_2400, %dma_wait3A_2401] : memref<64x1000000xf32, #tpu.memory_space<hbm>> -> memref<64x128xf32, #tpu.memory_space<hbm>>
      tpu.wait_dma2 semaphore(%arg19 : memref<!tpu.dma_semaphore, #tpu.memory_space<semaphore_mem>>) src(%dma_wait3A_2402 : memref<64x128xf32, #tpu.memory_space<hbm>>) dst(%arg8 : memref<64x128xf32, #tpu.memory_space<vmem>>)
      %broadcast_in_dim3A_2403 = vector.broadcast %scan3A_2251 : i32 to vector<16xi32>
      %add3A_2404 = arith.constant 0 : i32
      %add3A_2405 = vector.broadcast %add3A_2404 : i32 to vector<16xi32>
      %add3A_2406 = arith.addi %iota3A, %add3A_2405 : vector<16xi32>
      %gather3A_2407 = tpu.vector_load_idx %arg8[%add3A_2406, %broadcast_in_dim3A_2403] : memref<64x128xf32, #tpu.memory_space<vmem>>[vector<16xi32>, vector<16xi32>], vector<16xf32>,
      %mul3A_2408 = arith.constant 8.000000e+00 : f32
      %mul3A_2409 = vector.broadcast %mul3A_2408 : f32 to vector<16xf32>
      %mul3A_2410 = arith.mulf %gather3A_2407, %mul3A_2409 : vector<16xf32>
      %mul3A_2411 = arith.constant 512 : i32
      %mul3A_2412 = vector.broadcast %mul3A_2411 : i32 to vector<16xi32>
      %mul3A_2413 = arith.muli %add3A_2406, %mul3A_2412 : vector<16xi32>
      %add3A_2414 = vector.broadcast %add3A_2396 : i32 to vector<16xi32>
      %add3A_2415 = arith.addi %mul3A_2413, %add3A_2414 : vector<16xi32>
      tpu.vector_store_idx %arg6[%add3A_2415], %mul3A_2410 : memref<32768xf32, #tpu.memory_space<vmem>>[vector<16xi32>], vector<16xf32>,
      %add3A_2416 = arith.constant 16 : i32
      %add3A_2417 = vector.broadcast %add3A_2416 : i32 to vector<16xi32>
      %add3A_2418 = arith.addi %iota3A, %add3A_2417 : vector<16xi32>
      %gather3A_2419 = tpu.vector_load_idx %arg8[%add3A_2418, %broadcast_in_dim3A_2403] : memref<64x128xf32, #tpu.memory_space<vmem>>[vector<16xi32>, vector<16xi32>], vector<16xf32>,
      %mul3A_2420 = arith.constant 8.000000e+00 : f32
      %mul3A_2421 = vector.broadcast %mul3A_2420 : f32 to vector<16xf32>
      %mul3A_2422 = arith.mulf %gather3A_2419, %mul3A_2421 : vector<16xf32>
      %mul3A_2423 = arith.constant 512 : i32
      %mul3A_2424 = vector.broadcast %mul3A_2423 : i32 to vector<16xi32>
      %mul3A_2425 = arith.muli %add3A_2418, %mul3A_2424 : vector<16xi32>
      %add3A_2426 = vector.broadcast %add3A_2396 : i32 to vector<16xi32>
      %add3A_2427 = arith.addi %mul3A_2425, %add3A_2426 : vector<16xi32>
      tpu.vector_store_idx %arg6[%add3A_2427], %mul3A_2422 : memref<32768xf32, #tpu.memory_space<vmem>>[vector<16xi32>], vector<16xf32>,
      %add3A_2428 = arith.constant 32 : i32
      %add3A_2429 = vector.broadcast %add3A_2428 : i32 to vector<16xi32>
      %add3A_2430 = arith.addi %iota3A, %add3A_2429 : vector<16xi32>
      %gather3A_2431 = tpu.vector_load_idx %arg8[%add3A_2430, %broadcast_in_dim3A_2403] : memref<64x128xf32, #tpu.memory_space<vmem>>[vector<16xi32>, vector<16xi32>], vector<16xf32>,
      %mul3A_2432 = arith.constant 8.000000e+00 : f32
      %mul3A_2433 = vector.broadcast %mul3A_2432 : f32 to vector<16xf32>
      %mul3A_2434 = arith.mulf %gather3A_2431, %mul3A_2433 : vector<16xf32>
      %mul3A_2435 = arith.constant 512 : i32
      %mul3A_2436 = vector.broadcast %mul3A_2435 : i32 to vector<16xi32>
      %mul3A_2437 = arith.muli %add3A_2430, %mul3A_2436 : vector<16xi32>
      %add3A_2438 = vector.broadcast %add3A_2396 : i32 to vector<16xi32>
      %add3A_2439 = arith.addi %mul3A_2437, %add3A_2438 : vector<16xi32>
      tpu.vector_store_idx %arg6[%add3A_2439], %mul3A_2434 : memref<32768xf32, #tpu.memory_space<vmem>>[vector<16xi32>], vector<16xf32>,
      %add3A_2440 = arith.constant 48 : i32
      %add3A_2441 = vector.broadcast %add3A_2440 : i32 to vector<16xi32>
      %add3A_2442 = arith.addi %iota3A, %add3A_2441 : vector<16xi32>
      %gather3A_2443 = tpu.vector_load_idx %arg8[%add3A_2442, %broadcast_in_dim3A_2403] : memref<64x128xf32, #tpu.memory_space<vmem>>[vector<16xi32>, vector<16xi32>], vector<16xf32>,
      %mul3A_2444 = arith.constant 8.000000e+00 : f32
      %mul3A_2445 = vector.broadcast %mul3A_2444 : f32 to vector<16xf32>
      %mul3A_2446 = arith.mulf %gather3A_2443, %mul3A_2445 : vector<16xf32>
      %mul3A_2447 = arith.constant 512 : i32
      %mul3A_2448 = vector.broadcast %mul3A_2447 : i32 to vector<16xi32>
      %mul3A_2449 = arith.muli %add3A_2442, %mul3A_2448 : vector<16xi32>
      %add3A_2450 = vector.broadcast %add3A_2396 : i32 to vector<16xi32>
      %add3A_2451 = arith.addi %mul3A_2449, %add3A_2450 : vector<16xi32>
      tpu.vector_store_idx %arg6[%add3A_2451], %mul3A_2446 : memref<32768xf32, #tpu.memory_space<vmem>>[vector<16xi32>], vector<16xf32>,
      %add3A_2452 = arith.constant 11 : i32
      %add3A_2453 = arith.addi %mul3A_2262, %add3A_2452 : i32
      %add3A_2454 = arith.constant 1 : i32
      %add3A_2455 = arith.addi %add3A_2453, %add3A_2454 : i32
      %jit3A_2456 = arith.constant 16 : i32
      %div3A_2457 = arith.divsi %add3A_2455, %jit3A_2456 : i32
      %sign3A_2458 = arith.constant 0 : i32
      %sign3A_2459 = arith.cmpi sgt, %add3A_2455, %sign3A_2458 : i32
      %sign3A_2460 = arith.extui %sign3A_2459 : i1 to i32
      %sign3A_2461 = arith.constant 0 : i32
      %sign3A_2462 = arith.cmpi slt, %add3A_2455, %sign3A_2461 : i32
      %sign3A_2463 = arith.extui %sign3A_2462 : i1 to i32
      %sign3A_2464 = arith.subi %sign3A_2460, %sign3A_2463 : i32
      %sign3A_2465 = arith.constant 0 : i32
      %sign3A_2466 = arith.cmpi sgt, %jit3A_2456, %sign3A_2465 : i32
      %sign3A_2467 = arith.extui %sign3A_2466 : i1 to i32
      %sign3A_2468 = arith.constant 0 : i32
      %sign3A_2469 = arith.cmpi slt, %jit3A_2456, %sign3A_2468 : i32
      %sign3A_2470 = arith.extui %sign3A_2469 : i1 to i32
      %sign3A_2471 = arith.subi %sign3A_2467, %sign3A_2470 : i32
      %ne3A_2472 = arith.cmpi ne, %sign3A_2464, %sign3A_2471 : i32
      %rem3A_2473 = arith.remsi %add3A_2455, %jit3A_2456 : i32
      %ne3A_2474 = arith.constant 0 : i32
      %ne3A_2475 = arith.cmpi ne, %rem3A_2473, %ne3A_2474 : i32
      %and3A_2476 = arith.andi %ne3A_2472, %ne3A_2475 : i1
      %sub3A_2477 = arith.constant 1 : i32
      %sub3A_2478 = arith.subi %div3A_2457, %sub3A_2477 : i32
      %select_n3A_2479 = arith.select %and3A_2476, %sub3A_2478, %div3A_2457 : i32
      %mul3A_2480 = arith.constant 16 : i32
      %mul3A_2481 = arith.muli %select_n3A_2479, %mul3A_2480 : i32
      %multiple_of3A_2482 = tpu.assume_multiple %mul3A_2481, 16 : i32
      %get3A_2483 = arith.index_cast %multiple_of3A_2482 : i32 to index
      %get3A_2484 = tpu.vector_load %arg5[%get3A_2483] {strides = array<i32>} : memref<512xi32, #tpu.memory_space<vmem>>, vector<16xi32>,
      %sub3A_2485 = arith.subi %add3A_2455, %multiple_of3A_2482 : i32
      %eq3A_2486 = vector.broadcast %sub3A_2485 : i32 to vector<16xi32>
      %eq3A_2487 = arith.cmpi eq, %iota3A, %eq3A_2486 : vector<16xi32>
      %jit3A_2488 = arith.constant 0 : i32
      %broadcast_in_dim3A_2489 = vector.broadcast %jit3A_2488 : i32 to vector<16xi32>
      %select_n3A_2490 = arith.select %eq3A_2487, %get3A_2484, %broadcast_in_dim3A_2489 : vector<16xi1>, vector<16xi32>
      %reduce_sum3A_2491 = arith.constant true
      %reduce_sum3A_2492 = vector.broadcast %reduce_sum3A_2491 : i1 to vector<16xi1>
      %reduce_sum3A_2493 = tpu.scan <sum>, %select_n3A_2490 masked %reduce_sum3A_2492 : vector<16xi32>, vector<16xi1> -> vector<16xi32>
      %reduce_sum3A_2494 = vector.extract %reduce_sum3A_2493[15] : i32 from vector<16xi32>
      %jit3A_2495 = arith.constant 128 : i32
      %div3A_2496 = arith.divsi %reduce_sum3A_2494, %jit3A_2495 : i32
      %sign3A_2497 = arith.constant 0 : i32
      %sign3A_2498 = arith.cmpi sgt, %reduce_sum3A_2494, %sign3A_2497 : i32
      %sign3A_2499 = arith.extui %sign3A_2498 : i1 to i32
      %sign3A_2500 = arith.constant 0 : i32
      %sign3A_2501 = arith.cmpi slt, %reduce_sum3A_2494, %sign3A_2500 : i32
      %sign3A_2502 = arith.extui %sign3A_2501 : i1 to i32
      %sign3A_2503 = arith.subi %sign3A_2499, %sign3A_2502 : i32
      %sign3A_2504 = arith.constant 0 : i32
      %sign3A_2505 = arith.cmpi sgt, %jit3A_2495, %sign3A_2504 : i32
      %sign3A_2506 = arith.extui %sign3A_2505 : i1 to i32
      %sign3A_2507 = arith.constant 0 : i32
      %sign3A_2508 = arith.cmpi slt, %jit3A_2495, %sign3A_2507 : i32
      %sign3A_2509 = arith.extui %sign3A_2508 : i1 to i32
      %sign3A_2510 = arith.subi %sign3A_2506, %sign3A_2509 : i32
      %ne3A_2511 = arith.cmpi ne, %sign3A_2503, %sign3A_2510 : i32
      %rem3A_2512 = arith.remsi %reduce_sum3A_2494, %jit3A_2495 : i32
      %ne3A_2513 = arith.constant 0 : i32
      %ne3A_2514 = arith.cmpi ne, %rem3A_2512, %ne3A_2513 : i32
      %and3A_2515 = arith.andi %ne3A_2511, %ne3A_2514 : i1
      %sub3A_2516 = arith.constant 1 : i32
      %sub3A_2517 = arith.subi %div3A_2496, %sub3A_2516 : i32
      %select_n3A_2518 = arith.select %and3A_2515, %sub3A_2517, %div3A_2496 : i32
      %mul3A_2519 = arith.constant 128 : i32
      %mul3A_2520 = arith.muli %select_n3A_2518, %mul3A_2519 : i32
      %multiple_of3A_2521 = tpu.assume_multiple %mul3A_2520, 128 : i32
      %dma_start3A_2522 = arith.constant 0 : i32
      %dma_start3A_2523 = tpu.memref_slice %arg3[%dma_start3A_2522, %multiple_of3A_2521] : memref<64x1000000xf32, #tpu.memory_space<hbm>> -> memref<64x128xf32, #tpu.memory_space<hbm>>
      %dma_start3A_2524 = arith.constant 0 : i32
      %dma_start3A_2525 = tpu.memref_slice %arg3[%dma_start3A_2524, %multiple_of3A_2521] : memref<64x1000000xf32, #tpu.memory_space<hbm>> -> memref<64x128xf32, #tpu.memory_space<hbm>>
      tpu.enqueue_dma source(%dma_start3A_2525 : memref<64x128xf32, #tpu.memory_space<hbm>>) target(%arg8 : memref<64x128xf32, #tpu.memory_space<vmem>>) target_semaphore(%arg19 : memref<!tpu.dma_semaphore, #tpu.memory_space<semaphore_mem>>)
      %sub3A_2526 = arith.subi %reduce_sum3A_2494, %multiple_of3A_2521 : i32
      %add3A_2527 = arith.constant 2 : i32
      %add3A_2528 = arith.addi %mul3A_2262, %add3A_2527 : i32
      %dma_wait3A_2529 = arith.constant 0 : i32
      %dma_wait3A_2530 = arith.constant 0 : i32
      %dma_wait3A_2531 = tpu.memref_slice %arg3[%dma_wait3A_2529, %dma_wait3A_2530] : memref<64x1000000xf32, #tpu.memory_space<hbm>> -> memref<64x128xf32, #tpu.memory_space<hbm>>
      %dma_wait3A_2532 = arith.constant 0 : i32
      %dma_wait3A_2533 = arith.constant 0 : i32
      %dma_wait3A_2534 = tpu.memref_slice %arg3[%dma_wait3A_2532, %dma_wait3A_2533] : memref<64x1000000xf32, #tpu.memory_space<hbm>> -> memref<64x128xf32, #tpu.memory_space<hbm>>
      tpu.wait_dma2 semaphore(%arg20 : memref<!tpu.dma_semaphore, #tpu.memory_space<semaphore_mem>>) src(%dma_wait3A_2534 : memref<64x128xf32, #tpu.memory_space<hbm>>) dst(%arg9 : memref<64x128xf32, #tpu.memory_space<vmem>>)
      %broadcast_in_dim3A_2535 = vector.broadcast %scan3A_2252 : i32 to vector<16xi32>
      %add3A_2536 = arith.constant 0 : i32
      %add3A_2537 = vector.broadcast %add3A_2536 : i32 to vector<16xi32>
      %add3A_2538 = arith.addi %iota3A, %add3A_2537 : vector<16xi32>
      %gather3A_2539 = tpu.vector_load_idx %arg9[%add3A_2538, %broadcast_in_dim3A_2535] : memref<64x128xf32, #tpu.memory_space<vmem>>[vector<16xi32>, vector<16xi32>], vector<16xf32>,
      %mul3A_2540 = arith.constant 8.000000e+00 : f32
      %mul3A_2541 = vector.broadcast %mul3A_2540 : f32 to vector<16xf32>
      %mul3A_2542 = arith.mulf %gather3A_2539, %mul3A_2541 : vector<16xf32>
      %mul3A_2543 = arith.constant 512 : i32
      %mul3A_2544 = vector.broadcast %mul3A_2543 : i32 to vector<16xi32>
      %mul3A_2545 = arith.muli %add3A_2538, %mul3A_2544 : vector<16xi32>
      %add3A_2546 = vector.broadcast %add3A_2528 : i32 to vector<16xi32>
      %add3A_2547 = arith.addi %mul3A_2545, %add3A_2546 : vector<16xi32>
      tpu.vector_store_idx %arg6[%add3A_2547], %mul3A_2542 : memref<32768xf32, #tpu.memory_space<vmem>>[vector<16xi32>], vector<16xf32>,
      %add3A_2548 = arith.constant 16 : i32
      %add3A_2549 = vector.broadcast %add3A_2548 : i32 to vector<16xi32>
      %add3A_2550 = arith.addi %iota3A, %add3A_2549 : vector<16xi32>
      %gather3A_2551 = tpu.vector_load_idx %arg9[%add3A_2550, %broadcast_in_dim3A_2535] : memref<64x128xf32, #tpu.memory_space<vmem>>[vector<16xi32>, vector<16xi32>], vector<16xf32>,
      %mul3A_2552 = arith.constant 8.000000e+00 : f32
      %mul3A_2553 = vector.broadcast %mul3A_2552 : f32 to vector<16xf32>
      %mul3A_2554 = arith.mulf %gather3A_2551, %mul3A_2553 : vector<16xf32>
      %mul3A_2555 = arith.constant 512 : i32
      %mul3A_2556 = vector.broadcast %mul3A_2555 : i32 to vector<16xi32>
      %mul3A_2557 = arith.muli %add3A_2550, %mul3A_2556 : vector<16xi32>
      %add3A_2558 = vector.broadcast %add3A_2528 : i32 to vector<16xi32>
      %add3A_2559 = arith.addi %mul3A_2557, %add3A_2558 : vector<16xi32>
      tpu.vector_store_idx %arg6[%add3A_2559], %mul3A_2554 : memref<32768xf32, #tpu.memory_space<vmem>>[vector<16xi32>], vector<16xf32>,
      %add3A_2560 = arith.constant 32 : i32
      %add3A_2561 = vector.broadcast %add3A_2560 : i32 to vector<16xi32>
      %add3A_2562 = arith.addi %iota3A, %add3A_2561 : vector<16xi32>
      %gather3A_2563 = tpu.vector_load_idx %arg9[%add3A_2562, %broadcast_in_dim3A_2535] : memref<64x128xf32, #tpu.memory_space<vmem>>[vector<16xi32>, vector<16xi32>], vector<16xf32>,
      %mul3A_2564 = arith.constant 8.000000e+00 : f32
      %mul3A_2565 = vector.broadcast %mul3A_2564 : f32 to vector<16xf32>
      %mul3A_2566 = arith.mulf %gather3A_2563, %mul3A_2565 : vector<16xf32>
      %mul3A_2567 = arith.constant 512 : i32
      %mul3A_2568 = vector.broadcast %mul3A_2567 : i32 to vector<16xi32>
      %mul3A_2569 = arith.muli %add3A_2562, %mul3A_2568 : vector<16xi32>
      %add3A_2570 = vector.broadcast %add3A_2528 : i32 to vector<16xi32>
      %add3A_2571 = arith.addi %mul3A_2569, %add3A_2570 : vector<16xi32>
      tpu.vector_store_idx %arg6[%add3A_2571], %mul3A_2566 : memref<32768xf32, #tpu.memory_space<vmem>>[vector<16xi32>], vector<16xf32>,
      %add3A_2572 = arith.constant 48 : i32
      %add3A_2573 = vector.broadcast %add3A_2572 : i32 to vector<16xi32>
      %add3A_2574 = arith.addi %iota3A, %add3A_2573 : vector<16xi32>
      %gather3A_2575 = tpu.vector_load_idx %arg9[%add3A_2574, %broadcast_in_dim3A_2535] : memref<64x128xf32, #tpu.memory_space<vmem>>[vector<16xi32>, vector<16xi32>], vector<16xf32>,
      %mul3A_2576 = arith.constant 8.000000e+00 : f32
      %mul3A_2577 = vector.broadcast %mul3A_2576 : f32 to vector<16xf32>
      %mul3A_2578 = arith.mulf %gather3A_2575, %mul3A_2577 : vector<16xf32>
      %mul3A_2579 = arith.constant 512 : i32
      %mul3A_2580 = vector.broadcast %mul3A_2579 : i32 to vector<16xi32>
      %mul3A_2581 = arith.muli %add3A_2574, %mul3A_2580 : vector<16xi32>
      %add3A_2582 = vector.broadcast %add3A_2528 : i32 to vector<16xi32>
      %add3A_2583 = arith.addi %mul3A_2581, %add3A_2582 : vector<16xi32>
      tpu.vector_store_idx %arg6[%add3A_2583], %mul3A_2578 : memref<32768xf32, #tpu.memory_space<vmem>>[vector<16xi32>], vector<16xf32>,
      %add3A_2584 = arith.constant 11 : i32
      %add3A_2585 = arith.addi %mul3A_2262, %add3A_2584 : i32
      %add3A_2586 = arith.constant 2 : i32
      %add3A_2587 = arith.addi %add3A_2585, %add3A_2586 : i32
      %jit3A_2588 = arith.constant 16 : i32
      %div3A_2589 = arith.divsi %add3A_2587, %jit3A_2588 : i32
      %sign3A_2590 = arith.constant 0 : i32
      %sign3A_2591 = arith.cmpi sgt, %add3A_2587, %sign3A_2590 : i32
      %sign3A_2592 = arith.extui %sign3A_2591 : i1 to i32
      %sign3A_2593 = arith.constant 0 : i32
      %sign3A_2594 = arith.cmpi slt, %add3A_2587, %sign3A_2593 : i32
      %sign3A_2595 = arith.extui %sign3A_2594 : i1 to i32
      %sign3A_2596 = arith.subi %sign3A_2592, %sign3A_2595 : i32
      %sign3A_2597 = arith.constant 0 : i32
      %sign3A_2598 = arith.cmpi sgt, %jit3A_2588, %sign3A_2597 : i32
      %sign3A_2599 = arith.extui %sign3A_2598 : i1 to i32
      %sign3A_2600 = arith.constant 0 : i32
      %sign3A_2601 = arith.cmpi slt, %jit3A_2588, %sign3A_2600 : i32
      %sign3A_2602 = arith.extui %sign3A_2601 : i1 to i32
      %sign3A_2603 = arith.subi %sign3A_2599, %sign3A_2602 : i32
      %ne3A_2604 = arith.cmpi ne, %sign3A_2596, %sign3A_2603 : i32
      %rem3A_2605 = arith.remsi %add3A_2587, %jit3A_2588 : i32
      %ne3A_2606 = arith.constant 0 : i32
      %ne3A_2607 = arith.cmpi ne, %rem3A_2605, %ne3A_2606 : i32
      %and3A_2608 = arith.andi %ne3A_2604, %ne3A_2607 : i1
      %sub3A_2609 = arith.constant 1 : i32
      %sub3A_2610 = arith.subi %div3A_2589, %sub3A_2609 : i32
      %select_n3A_2611 = arith.select %and3A_2608, %sub3A_2610, %div3A_2589 : i32
      %mul3A_2612 = arith.constant 16 : i32
      %mul3A_2613 = arith.muli %select_n3A_2611, %mul3A_2612 : i32
      %multiple_of3A_2614 = tpu.assume_multiple %mul3A_2613, 16 : i32
      %get3A_2615 = arith.index_cast %multiple_of3A_2614 : i32 to index
      %get3A_2616 = tpu.vector_load %arg5[%get3A_2615] {strides = array<i32>} : memref<512xi32, #tpu.memory_space<vmem>>, vector<16xi32>,
      %sub3A_2617 = arith.subi %add3A_2587, %multiple_of3A_2614 : i32
      %eq3A_2618 = vector.broadcast %sub3A_2617 : i32 to vector<16xi32>
      %eq3A_2619 = arith.cmpi eq, %iota3A, %eq3A_2618 : vector<16xi32>
      %jit3A_2620 = arith.constant 0 : i32
      %broadcast_in_dim3A_2621 = vector.broadcast %jit3A_2620 : i32 to vector<16xi32>
      %select_n3A_2622 = arith.select %eq3A_2619, %get3A_2616, %broadcast_in_dim3A_2621 : vector<16xi1>, vector<16xi32>
      %reduce_sum3A_2623 = arith.constant true
      %reduce_sum3A_2624 = vector.broadcast %reduce_sum3A_2623 : i1 to vector<16xi1>
      %reduce_sum3A_2625 = tpu.scan <sum>, %select_n3A_2622 masked %reduce_sum3A_2624 : vector<16xi32>, vector<16xi1> -> vector<16xi32>
      %reduce_sum3A_2626 = vector.extract %reduce_sum3A_2625[15] : i32 from vector<16xi32>
      %jit3A_2627 = arith.constant 128 : i32
      %div3A_2628 = arith.divsi %reduce_sum3A_2626, %jit3A_2627 : i32
      %sign3A_2629 = arith.constant 0 : i32
      %sign3A_2630 = arith.cmpi sgt, %reduce_sum3A_2626, %sign3A_2629 : i32
      %sign3A_2631 = arith.extui %sign3A_2630 : i1 to i32
      %sign3A_2632 = arith.constant 0 : i32
      %sign3A_2633 = arith.cmpi slt, %reduce_sum3A_2626, %sign3A_2632 : i32
      %sign3A_2634 = arith.extui %sign3A_2633 : i1 to i32
      %sign3A_2635 = arith.subi %sign3A_2631, %sign3A_2634 : i32
      %sign3A_2636 = arith.constant 0 : i32
      %sign3A_2637 = arith.cmpi sgt, %jit3A_2627, %sign3A_2636 : i32
      %sign3A_2638 = arith.extui %sign3A_2637 : i1 to i32
      %sign3A_2639 = arith.constant 0 : i32
      %sign3A_2640 = arith.cmpi slt, %jit3A_2627, %sign3A_2639 : i32
      %sign3A_2641 = arith.extui %sign3A_2640 : i1 to i32
      %sign3A_2642 = arith.subi %sign3A_2638, %sign3A_2641 : i32
      %ne3A_2643 = arith.cmpi ne, %sign3A_2635, %sign3A_2642 : i32
      %rem3A_2644 = arith.remsi %reduce_sum3A_2626, %jit3A_2627 : i32
      %ne3A_2645 = arith.constant 0 : i32
      %ne3A_2646 = arith.cmpi ne, %rem3A_2644, %ne3A_2645 : i32
      %and3A_2647 = arith.andi %ne3A_2643, %ne3A_2646 : i1
      %sub3A_2648 = arith.constant 1 : i32
      %sub3A_2649 = arith.subi %div3A_2628, %sub3A_2648 : i32
      %select_n3A_2650 = arith.select %and3A_2647, %sub3A_2649, %div3A_2628 : i32
      %mul3A_2651 = arith.constant 128 : i32
      %mul3A_2652 = arith.muli %select_n3A_2650, %mul3A_2651 : i32
      %multiple_of3A_2653 = tpu.assume_multiple %mul3A_2652, 128 : i32
      %dma_start3A_2654 = arith.constant 0 : i32
      %dma_start3A_2655 = tpu.memref_slice %arg3[%dma_start3A_2654, %multiple_of3A_2653] : memref<64x1000000xf32, #tpu.memory_space<hbm>> -> memref<64x128xf32, #tpu.memory_space<hbm>>
      %dma_start3A_2656 = arith.constant 0 : i32
      %dma_start3A_2657 = tpu.memref_slice %arg3[%dma_start3A_2656, %multiple_of3A_2653] : memref<64x1000000xf32, #tpu.memory_space<hbm>> -> memref<64x128xf32, #tpu.memory_space<hbm>>
      tpu.enqueue_dma source(%dma_start3A_2657 : memref<64x128xf32, #tpu.memory_space<hbm>>) target(%arg9 : memref<64x128xf32, #tpu.memory_space<vmem>>) target_semaphore(%arg20 : memref<!tpu.dma_semaphore, #tpu.memory_space<semaphore_mem>>)
      %sub3A_2658 = arith.subi %reduce_sum3A_2626, %multiple_of3A_2653 : i32
      %add3A_2659 = arith.constant 3 : i32
      %add3A_2660 = arith.addi %mul3A_2262, %add3A_2659 : i32
      %dma_wait3A_2661 = arith.constant 0 : i32
      %dma_wait3A_2662 = arith.constant 0 : i32
      %dma_wait3A_2663 = tpu.memref_slice %arg3[%dma_wait3A_2661, %dma_wait3A_2662] : memref<64x1000000xf32, #tpu.memory_space<hbm>> -> memref<64x128xf32, #tpu.memory_space<hbm>>
      %dma_wait3A_2664 = arith.constant 0 : i32
      %dma_wait3A_2665 = arith.constant 0 : i32
      %dma_wait3A_2666 = tpu.memref_slice %arg3[%dma_wait3A_2664, %dma_wait3A_2665] : memref<64x1000000xf32, #tpu.memory_space<hbm>> -> memref<64x128xf32, #tpu.memory_space<hbm>>
      tpu.wait_dma2 semaphore(%arg21 : memref<!tpu.dma_semaphore, #tpu.memory_space<semaphore_mem>>) src(%dma_wait3A_2666 : memref<64x128xf32, #tpu.memory_space<hbm>>) dst(%arg10 : memref<64x128xf32, #tpu.memory_space<vmem>>)
      %broadcast_in_dim3A_2667 = vector.broadcast %scan3A_2253 : i32 to vector<16xi32>
      %add3A_2668 = arith.constant 0 : i32
      %add3A_2669 = vector.broadcast %add3A_2668 : i32 to vector<16xi32>
      %add3A_2670 = arith.addi %iota3A, %add3A_2669 : vector<16xi32>
      %gather3A_2671 = tpu.vector_load_idx %arg10[%add3A_2670, %broadcast_in_dim3A_2667] : memref<64x128xf32, #tpu.memory_space<vmem>>[vector<16xi32>, vector<16xi32>], vector<16xf32>,
      %mul3A_2672 = arith.constant 8.000000e+00 : f32
      %mul3A_2673 = vector.broadcast %mul3A_2672 : f32 to vector<16xf32>
      %mul3A_2674 = arith.mulf %gather3A_2671, %mul3A_2673 : vector<16xf32>
      %mul3A_2675 = arith.constant 512 : i32
      %mul3A_2676 = vector.broadcast %mul3A_2675 : i32 to vector<16xi32>
      %mul3A_2677 = arith.muli %add3A_2670, %mul3A_2676 : vector<16xi32>
      %add3A_2678 = vector.broadcast %add3A_2660 : i32 to vector<16xi32>
      %add3A_2679 = arith.addi %mul3A_2677, %add3A_2678 : vector<16xi32>
      tpu.vector_store_idx %arg6[%add3A_2679], %mul3A_2674 : memref<32768xf32, #tpu.memory_space<vmem>>[vector<16xi32>], vector<16xf32>,
      %add3A_2680 = arith.constant 16 : i32
      %add3A_2681 = vector.broadcast %add3A_2680 : i32 to vector<16xi32>
      %add3A_2682 = arith.addi %iota3A, %add3A_2681 : vector<16xi32>
      %gather3A_2683 = tpu.vector_load_idx %arg10[%add3A_2682, %broadcast_in_dim3A_2667] : memref<64x128xf32, #tpu.memory_space<vmem>>[vector<16xi32>, vector<16xi32>], vector<16xf32>,
      %mul3A_2684 = arith.constant 8.000000e+00 : f32
      %mul3A_2685 = vector.broadcast %mul3A_2684 : f32 to vector<16xf32>
      %mul3A_2686 = arith.mulf %gather3A_2683, %mul3A_2685 : vector<16xf32>
      %mul3A_2687 = arith.constant 512 : i32
      %mul3A_2688 = vector.broadcast %mul3A_2687 : i32 to vector<16xi32>
      %mul3A_2689 = arith.muli %add3A_2682, %mul3A_2688 : vector<16xi32>
      %add3A_2690 = vector.broadcast %add3A_2660 : i32 to vector<16xi32>
      %add3A_2691 = arith.addi %mul3A_2689, %add3A_2690 : vector<16xi32>
      tpu.vector_store_idx %arg6[%add3A_2691], %mul3A_2686 : memref<32768xf32, #tpu.memory_space<vmem>>[vector<16xi32>], vector<16xf32>,
      %add3A_2692 = arith.constant 32 : i32
      %add3A_2693 = vector.broadcast %add3A_2692 : i32 to vector<16xi32>
      %add3A_2694 = arith.addi %iota3A, %add3A_2693 : vector<16xi32>
      %gather3A_2695 = tpu.vector_load_idx %arg10[%add3A_2694, %broadcast_in_dim3A_2667] : memref<64x128xf32, #tpu.memory_space<vmem>>[vector<16xi32>, vector<16xi32>], vector<16xf32>,
      %mul3A_2696 = arith.constant 8.000000e+00 : f32
      %mul3A_2697 = vector.broadcast %mul3A_2696 : f32 to vector<16xf32>
      %mul3A_2698 = arith.mulf %gather3A_2695, %mul3A_2697 : vector<16xf32>
      %mul3A_2699 = arith.constant 512 : i32
      %mul3A_2700 = vector.broadcast %mul3A_2699 : i32 to vector<16xi32>
      %mul3A_2701 = arith.muli %add3A_2694, %mul3A_2700 : vector<16xi32>
      %add3A_2702 = vector.broadcast %add3A_2660 : i32 to vector<16xi32>
      %add3A_2703 = arith.addi %mul3A_2701, %add3A_2702 : vector<16xi32>
      tpu.vector_store_idx %arg6[%add3A_2703], %mul3A_2698 : memref<32768xf32, #tpu.memory_space<vmem>>[vector<16xi32>], vector<16xf32>,
      %add3A_2704 = arith.constant 48 : i32
      %add3A_2705 = vector.broadcast %add3A_2704 : i32 to vector<16xi32>
      %add3A_2706 = arith.addi %iota3A, %add3A_2705 : vector<16xi32>
      %gather3A_2707 = tpu.vector_load_idx %arg10[%add3A_2706, %broadcast_in_dim3A_2667] : memref<64x128xf32, #tpu.memory_space<vmem>>[vector<16xi32>, vector<16xi32>], vector<16xf32>,
      %mul3A_2708 = arith.constant 8.000000e+00 : f32
      %mul3A_2709 = vector.broadcast %mul3A_2708 : f32 to vector<16xf32>
      %mul3A_2710 = arith.mulf %gather3A_2707, %mul3A_2709 : vector<16xf32>
      %mul3A_2711 = arith.constant 512 : i32
      %mul3A_2712 = vector.broadcast %mul3A_2711 : i32 to vector<16xi32>
      %mul3A_2713 = arith.muli %add3A_2706, %mul3A_2712 : vector<16xi32>
      %add3A_2714 = vector.broadcast %add3A_2660 : i32 to vector<16xi32>
      %add3A_2715 = arith.addi %mul3A_2713, %add3A_2714 : vector<16xi32>
      tpu.vector_store_idx %arg6[%add3A_2715], %mul3A_2710 : memref<32768xf32, #tpu.memory_space<vmem>>[vector<16xi32>], vector<16xf32>,
      %add3A_2716 = arith.constant 11 : i32
      %add3A_2717 = arith.addi %mul3A_2262, %add3A_2716 : i32
      %add3A_2718 = arith.constant 3 : i32
      %add3A_2719 = arith.addi %add3A_2717, %add3A_2718 : i32
      %jit3A_2720 = arith.constant 16 : i32
      %div3A_2721 = arith.divsi %add3A_2719, %jit3A_2720 : i32
      %sign3A_2722 = arith.constant 0 : i32
      %sign3A_2723 = arith.cmpi sgt, %add3A_2719, %sign3A_2722 : i32
      %sign3A_2724 = arith.extui %sign3A_2723 : i1 to i32
      %sign3A_2725 = arith.constant 0 : i32
      %sign3A_2726 = arith.cmpi slt, %add3A_2719, %sign3A_2725 : i32
      %sign3A_2727 = arith.extui %sign3A_2726 : i1 to i32
      %sign3A_2728 = arith.subi %sign3A_2724, %sign3A_2727 : i32
      %sign3A_2729 = arith.constant 0 : i32
      %sign3A_2730 = arith.cmpi sgt, %jit3A_2720, %sign3A_2729 : i32
      %sign3A_2731 = arith.extui %sign3A_2730 : i1 to i32
      %sign3A_2732 = arith.constant 0 : i32
      %sign3A_2733 = arith.cmpi slt, %jit3A_2720, %sign3A_2732 : i32
      %sign3A_2734 = arith.extui %sign3A_2733 : i1 to i32
      %sign3A_2735 = arith.subi %sign3A_2731, %sign3A_2734 : i32
      %ne3A_2736 = arith.cmpi ne, %sign3A_2728, %sign3A_2735 : i32
      %rem3A_2737 = arith.remsi %add3A_2719, %jit3A_2720 : i32
      %ne3A_2738 = arith.constant 0 : i32
      %ne3A_2739 = arith.cmpi ne, %rem3A_2737, %ne3A_2738 : i32
      %and3A_2740 = arith.andi %ne3A_2736, %ne3A_2739 : i1
      %sub3A_2741 = arith.constant 1 : i32
      %sub3A_2742 = arith.subi %div3A_2721, %sub3A_2741 : i32
      %select_n3A_2743 = arith.select %and3A_2740, %sub3A_2742, %div3A_2721 : i32
      %mul3A_2744 = arith.constant 16 : i32
      %mul3A_2745 = arith.muli %select_n3A_2743, %mul3A_2744 : i32
      %multiple_of3A_2746 = tpu.assume_multiple %mul3A_2745, 16 : i32
      %get3A_2747 = arith.index_cast %multiple_of3A_2746 : i32 to index
      %get3A_2748 = tpu.vector_load %arg5[%get3A_2747] {strides = array<i32>} : memref<512xi32, #tpu.memory_space<vmem>>, vector<16xi32>,
      %sub3A_2749 = arith.subi %add3A_2719, %multiple_of3A_2746 : i32
      %eq3A_2750 = vector.broadcast %sub3A_2749 : i32 to vector<16xi32>
      %eq3A_2751 = arith.cmpi eq, %iota3A, %eq3A_2750 : vector<16xi32>
      %jit3A_2752 = arith.constant 0 : i32
      %broadcast_in_dim3A_2753 = vector.broadcast %jit3A_2752 : i32 to vector<16xi32>
      %select_n3A_2754 = arith.select %eq3A_2751, %get3A_2748, %broadcast_in_dim3A_2753 : vector<16xi1>, vector<16xi32>
      %reduce_sum3A_2755 = arith.constant true
      %reduce_sum3A_2756 = vector.broadcast %reduce_sum3A_2755 : i1 to vector<16xi1>
      %reduce_sum3A_2757 = tpu.scan <sum>, %select_n3A_2754 masked %reduce_sum3A_2756 : vector<16xi32>, vector<16xi1> -> vector<16xi32>
      %reduce_sum3A_2758 = vector.extract %reduce_sum3A_2757[15] : i32 from vector<16xi32>
      %jit3A_2759 = arith.constant 128 : i32
      %div3A_2760 = arith.divsi %reduce_sum3A_2758, %jit3A_2759 : i32
      %sign3A_2761 = arith.constant 0 : i32
      %sign3A_2762 = arith.cmpi sgt, %reduce_sum3A_2758, %sign3A_2761 : i32
      %sign3A_2763 = arith.extui %sign3A_2762 : i1 to i32
      %sign3A_2764 = arith.constant 0 : i32
      %sign3A_2765 = arith.cmpi slt, %reduce_sum3A_2758, %sign3A_2764 : i32
      %sign3A_2766 = arith.extui %sign3A_2765 : i1 to i32
      %sign3A_2767 = arith.subi %sign3A_2763, %sign3A_2766 : i32
      %sign3A_2768 = arith.constant 0 : i32
      %sign3A_2769 = arith.cmpi sgt, %jit3A_2759, %sign3A_2768 : i32
      %sign3A_2770 = arith.extui %sign3A_2769 : i1 to i32
      %sign3A_2771 = arith.constant 0 : i32
      %sign3A_2772 = arith.cmpi slt, %jit3A_2759, %sign3A_2771 : i32
      %sign3A_2773 = arith.extui %sign3A_2772 : i1 to i32
      %sign3A_2774 = arith.subi %sign3A_2770, %sign3A_2773 : i32
      %ne3A_2775 = arith.cmpi ne, %sign3A_2767, %sign3A_2774 : i32
      %rem3A_2776 = arith.remsi %reduce_sum3A_2758, %jit3A_2759 : i32
      %ne3A_2777 = arith.constant 0 : i32
      %ne3A_2778 = arith.cmpi ne, %rem3A_2776, %ne3A_2777 : i32
      %and3A_2779 = arith.andi %ne3A_2775, %ne3A_2778 : i1
      %sub3A_2780 = arith.constant 1 : i32
      %sub3A_2781 = arith.subi %div3A_2760, %sub3A_2780 : i32
      %select_n3A_2782 = arith.select %and3A_2779, %sub3A_2781, %div3A_2760 : i32
      %mul3A_2783 = arith.constant 128 : i32
      %mul3A_2784 = arith.muli %select_n3A_2782, %mul3A_2783 : i32
      %multiple_of3A_2785 = tpu.assume_multiple %mul3A_2784, 128 : i32
      %dma_start3A_2786 = arith.constant 0 : i32
      %dma_start3A_2787 = tpu.memref_slice %arg3[%dma_start3A_2786, %multiple_of3A_2785] : memref<64x1000000xf32, #tpu.memory_space<hbm>> -> memref<64x128xf32, #tpu.memory_space<hbm>>
      %dma_start3A_2788 = arith.constant 0 : i32
      %dma_start3A_2789 = tpu.memref_slice %arg3[%dma_start3A_2788, %multiple_of3A_2785] : memref<64x1000000xf32, #tpu.memory_space<hbm>> -> memref<64x128xf32, #tpu.memory_space<hbm>>
      tpu.enqueue_dma source(%dma_start3A_2789 : memref<64x128xf32, #tpu.memory_space<hbm>>) target(%arg10 : memref<64x128xf32, #tpu.memory_space<vmem>>) target_semaphore(%arg21 : memref<!tpu.dma_semaphore, #tpu.memory_space<semaphore_mem>>)
      %sub3A_2790 = arith.subi %reduce_sum3A_2758, %multiple_of3A_2785 : i32
      %add3A_2791 = arith.constant 4 : i32
      %add3A_2792 = arith.addi %mul3A_2262, %add3A_2791 : i32
      %dma_wait3A_2793 = arith.constant 0 : i32
      %dma_wait3A_2794 = arith.constant 0 : i32
      %dma_wait3A_2795 = tpu.memref_slice %arg3[%dma_wait3A_2793, %dma_wait3A_2794] : memref<64x1000000xf32, #tpu.memory_space<hbm>> -> memref<64x128xf32, #tpu.memory_space<hbm>>
      %dma_wait3A_2796 = arith.constant 0 : i32
      %dma_wait3A_2797 = arith.constant 0 : i32
      %dma_wait3A_2798 = tpu.memref_slice %arg3[%dma_wait3A_2796, %dma_wait3A_2797] : memref<64x1000000xf32, #tpu.memory_space<hbm>> -> memref<64x128xf32, #tpu.memory_space<hbm>>
      tpu.wait_dma2 semaphore(%arg22 : memref<!tpu.dma_semaphore, #tpu.memory_space<semaphore_mem>>) src(%dma_wait3A_2798 : memref<64x128xf32, #tpu.memory_space<hbm>>) dst(%arg11 : memref<64x128xf32, #tpu.memory_space<vmem>>)
      %broadcast_in_dim3A_2799 = vector.broadcast %scan3A_2254 : i32 to vector<16xi32>
      %add3A_2800 = arith.constant 0 : i32
      %add3A_2801 = vector.broadcast %add3A_2800 : i32 to vector<16xi32>
      %add3A_2802 = arith.addi %iota3A, %add3A_2801 : vector<16xi32>
      %gather3A_2803 = tpu.vector_load_idx %arg11[%add3A_2802, %broadcast_in_dim3A_2799] : memref<64x128xf32, #tpu.memory_space<vmem>>[vector<16xi32>, vector<16xi32>], vector<16xf32>,
      %mul3A_2804 = arith.constant 8.000000e+00 : f32
      %mul3A_2805 = vector.broadcast %mul3A_2804 : f32 to vector<16xf32>
      %mul3A_2806 = arith.mulf %gather3A_2803, %mul3A_2805 : vector<16xf32>
      %mul3A_2807 = arith.constant 512 : i32
      %mul3A_2808 = vector.broadcast %mul3A_2807 : i32 to vector<16xi32>
      %mul3A_2809 = arith.muli %add3A_2802, %mul3A_2808 : vector<16xi32>
      %add3A_2810 = vector.broadcast %add3A_2792 : i32 to vector<16xi32>
      %add3A_2811 = arith.addi %mul3A_2809, %add3A_2810 : vector<16xi32>
      tpu.vector_store_idx %arg6[%add3A_2811], %mul3A_2806 : memref<32768xf32, #tpu.memory_space<vmem>>[vector<16xi32>], vector<16xf32>,
      %add3A_2812 = arith.constant 16 : i32
      %add3A_2813 = vector.broadcast %add3A_2812 : i32 to vector<16xi32>
      %add3A_2814 = arith.addi %iota3A, %add3A_2813 : vector<16xi32>
      %gather3A_2815 = tpu.vector_load_idx %arg11[%add3A_2814, %broadcast_in_dim3A_2799] : memref<64x128xf32, #tpu.memory_space<vmem>>[vector<16xi32>, vector<16xi32>], vector<16xf32>,
      %mul3A_2816 = arith.constant 8.000000e+00 : f32
      %mul3A_2817 = vector.broadcast %mul3A_2816 : f32 to vector<16xf32>
      %mul3A_2818 = arith.mulf %gather3A_2815, %mul3A_2817 : vector<16xf32>
      %mul3A_2819 = arith.constant 512 : i32
      %mul3A_2820 = vector.broadcast %mul3A_2819 : i32 to vector<16xi32>
      %mul3A_2821 = arith.muli %add3A_2814, %mul3A_2820 : vector<16xi32>
      %add3A_2822 = vector.broadcast %add3A_2792 : i32 to vector<16xi32>
      %add3A_2823 = arith.addi %mul3A_2821, %add3A_2822 : vector<16xi32>
      tpu.vector_store_idx %arg6[%add3A_2823], %mul3A_2818 : memref<32768xf32, #tpu.memory_space<vmem>>[vector<16xi32>], vector<16xf32>,
      %add3A_2824 = arith.constant 32 : i32
      %add3A_2825 = vector.broadcast %add3A_2824 : i32 to vector<16xi32>
      %add3A_2826 = arith.addi %iota3A, %add3A_2825 : vector<16xi32>
      %gather3A_2827 = tpu.vector_load_idx %arg11[%add3A_2826, %broadcast_in_dim3A_2799] : memref<64x128xf32, #tpu.memory_space<vmem>>[vector<16xi32>, vector<16xi32>], vector<16xf32>,
      %mul3A_2828 = arith.constant 8.000000e+00 : f32
      %mul3A_2829 = vector.broadcast %mul3A_2828 : f32 to vector<16xf32>
      %mul3A_2830 = arith.mulf %gather3A_2827, %mul3A_2829 : vector<16xf32>
      %mul3A_2831 = arith.constant 512 : i32
      %mul3A_2832 = vector.broadcast %mul3A_2831 : i32 to vector<16xi32>
      %mul3A_2833 = arith.muli %add3A_2826, %mul3A_2832 : vector<16xi32>
      %add3A_2834 = vector.broadcast %add3A_2792 : i32 to vector<16xi32>
      %add3A_2835 = arith.addi %mul3A_2833, %add3A_2834 : vector<16xi32>
      tpu.vector_store_idx %arg6[%add3A_2835], %mul3A_2830 : memref<32768xf32, #tpu.memory_space<vmem>>[vector<16xi32>], vector<16xf32>,
      %add3A_2836 = arith.constant 48 : i32
      %add3A_2837 = vector.broadcast %add3A_2836 : i32 to vector<16xi32>
      %add3A_2838 = arith.addi %iota3A, %add3A_2837 : vector<16xi32>
      %gather3A_2839 = tpu.vector_load_idx %arg11[%add3A_2838, %broadcast_in_dim3A_2799] : memref<64x128xf32, #tpu.memory_space<vmem>>[vector<16xi32>, vector<16xi32>], vector<16xf32>,
      %mul3A_2840 = arith.constant 8.000000e+00 : f32
      %mul3A_2841 = vector.broadcast %mul3A_2840 : f32 to vector<16xf32>
      %mul3A_2842 = arith.mulf %gather3A_2839, %mul3A_2841 : vector<16xf32>
      %mul3A_2843 = arith.constant 512 : i32
      %mul3A_2844 = vector.broadcast %mul3A_2843 : i32 to vector<16xi32>
      %mul3A_2845 = arith.muli %add3A_2838, %mul3A_2844 : vector<16xi32>
      %add3A_2846 = vector.broadcast %add3A_2792 : i32 to vector<16xi32>
      %add3A_2847 = arith.addi %mul3A_2845, %add3A_2846 : vector<16xi32>
      tpu.vector_store_idx %arg6[%add3A_2847], %mul3A_2842 : memref<32768xf32, #tpu.memory_space<vmem>>[vector<16xi32>], vector<16xf32>,
      %add3A_2848 = arith.constant 11 : i32
      %add3A_2849 = arith.addi %mul3A_2262, %add3A_2848 : i32
      %add3A_2850 = arith.constant 4 : i32
      %add3A_2851 = arith.addi %add3A_2849, %add3A_2850 : i32
      %jit3A_2852 = arith.constant 16 : i32
      %div3A_2853 = arith.divsi %add3A_2851, %jit3A_2852 : i32
      %sign3A_2854 = arith.constant 0 : i32
      %sign3A_2855 = arith.cmpi sgt, %add3A_2851, %sign3A_2854 : i32
      %sign3A_2856 = arith.extui %sign3A_2855 : i1 to i32
      %sign3A_2857 = arith.constant 0 : i32
      %sign3A_2858 = arith.cmpi slt, %add3A_2851, %sign3A_2857 : i32
      %sign3A_2859 = arith.extui %sign3A_2858 : i1 to i32
      %sign3A_2860 = arith.subi %sign3A_2856, %sign3A_2859 : i32
      %sign3A_2861 = arith.constant 0 : i32
      %sign3A_2862 = arith.cmpi sgt, %jit3A_2852, %sign3A_2861 : i32
      %sign3A_2863 = arith.extui %sign3A_2862 : i1 to i32
      %sign3A_2864 = arith.constant 0 : i32
      %sign3A_2865 = arith.cmpi slt, %jit3A_2852, %sign3A_2864 : i32
      %sign3A_2866 = arith.extui %sign3A_2865 : i1 to i32
      %sign3A_2867 = arith.subi %sign3A_2863, %sign3A_2866 : i32
      %ne3A_2868 = arith.cmpi ne, %sign3A_2860, %sign3A_2867 : i32
      %rem3A_2869 = arith.remsi %add3A_2851, %jit3A_2852 : i32
      %ne3A_2870 = arith.constant 0 : i32
      %ne3A_2871 = arith.cmpi ne, %rem3A_2869, %ne3A_2870 : i32
      %and3A_2872 = arith.andi %ne3A_2868, %ne3A_2871 : i1
      %sub3A_2873 = arith.constant 1 : i32
      %sub3A_2874 = arith.subi %div3A_2853, %sub3A_2873 : i32
      %select_n3A_2875 = arith.select %and3A_2872, %sub3A_2874, %div3A_2853 : i32
      %mul3A_2876 = arith.constant 16 : i32
      %mul3A_2877 = arith.muli %select_n3A_2875, %mul3A_2876 : i32
      %multiple_of3A_2878 = tpu.assume_multiple %mul3A_2877, 16 : i32
      %get3A_2879 = arith.index_cast %multiple_of3A_2878 : i32 to index
      %get3A_2880 = tpu.vector_load %arg5[%get3A_2879] {strides = array<i32>} : memref<512xi32, #tpu.memory_space<vmem>>, vector<16xi32>,
      %sub3A_2881 = arith.subi %add3A_2851, %multiple_of3A_2878 : i32
      %eq3A_2882 = vector.broadcast %sub3A_2881 : i32 to vector<16xi32>
      %eq3A_2883 = arith.cmpi eq, %iota3A, %eq3A_2882 : vector<16xi32>
      %jit3A_2884 = arith.constant 0 : i32
      %broadcast_in_dim3A_2885 = vector.broadcast %jit3A_2884 : i32 to vector<16xi32>
      %select_n3A_2886 = arith.select %eq3A_2883, %get3A_2880, %broadcast_in_dim3A_2885 : vector<16xi1>, vector<16xi32>
      %reduce_sum3A_2887 = arith.constant true
      %reduce_sum3A_2888 = vector.broadcast %reduce_sum3A_2887 : i1 to vector<16xi1>
      %reduce_sum3A_2889 = tpu.scan <sum>, %select_n3A_2886 masked %reduce_sum3A_2888 : vector<16xi32>, vector<16xi1> -> vector<16xi32>
      %reduce_sum3A_2890 = vector.extract %reduce_sum3A_2889[15] : i32 from vector<16xi32>
      %jit3A_2891 = arith.constant 128 : i32
      %div3A_2892 = arith.divsi %reduce_sum3A_2890, %jit3A_2891 : i32
      %sign3A_2893 = arith.constant 0 : i32
      %sign3A_2894 = arith.cmpi sgt, %reduce_sum3A_2890, %sign3A_2893 : i32
      %sign3A_2895 = arith.extui %sign3A_2894 : i1 to i32
      %sign3A_2896 = arith.constant 0 : i32
      %sign3A_2897 = arith.cmpi slt, %reduce_sum3A_2890, %sign3A_2896 : i32
      %sign3A_2898 = arith.extui %sign3A_2897 : i1 to i32
      %sign3A_2899 = arith.subi %sign3A_2895, %sign3A_2898 : i32
      %sign3A_2900 = arith.constant 0 : i32
      %sign3A_2901 = arith.cmpi sgt, %jit3A_2891, %sign3A_2900 : i32
      %sign3A_2902 = arith.extui %sign3A_2901 : i1 to i32
      %sign3A_2903 = arith.constant 0 : i32
      %sign3A_2904 = arith.cmpi slt, %jit3A_2891, %sign3A_2903 : i32
      %sign3A_2905 = arith.extui %sign3A_2904 : i1 to i32
      %sign3A_2906 = arith.subi %sign3A_2902, %sign3A_2905 : i32
      %ne3A_2907 = arith.cmpi ne, %sign3A_2899, %sign3A_2906 : i32
      %rem3A_2908 = arith.remsi %reduce_sum3A_2890, %jit3A_2891 : i32
      %ne3A_2909 = arith.constant 0 : i32
      %ne3A_2910 = arith.cmpi ne, %rem3A_2908, %ne3A_2909 : i32
      %and3A_2911 = arith.andi %ne3A_2907, %ne3A_2910 : i1
      %sub3A_2912 = arith.constant 1 : i32
      %sub3A_2913 = arith.subi %div3A_2892, %sub3A_2912 : i32
      %select_n3A_2914 = arith.select %and3A_2911, %sub3A_2913, %div3A_2892 : i32
      %mul3A_2915 = arith.constant 128 : i32
      %mul3A_2916 = arith.muli %select_n3A_2914, %mul3A_2915 : i32
      %multiple_of3A_2917 = tpu.assume_multiple %mul3A_2916, 128 : i32
      %dma_start3A_2918 = arith.constant 0 : i32
      %dma_start3A_2919 = tpu.memref_slice %arg3[%dma_start3A_2918, %multiple_of3A_2917] : memref<64x1000000xf32, #tpu.memory_space<hbm>> -> memref<64x128xf32, #tpu.memory_space<hbm>>
      %dma_start3A_2920 = arith.constant 0 : i32
      %dma_start3A_2921 = tpu.memref_slice %arg3[%dma_start3A_2920, %multiple_of3A_2917] : memref<64x1000000xf32, #tpu.memory_space<hbm>> -> memref<64x128xf32, #tpu.memory_space<hbm>>
      tpu.enqueue_dma source(%dma_start3A_2921 : memref<64x128xf32, #tpu.memory_space<hbm>>) target(%arg11 : memref<64x128xf32, #tpu.memory_space<vmem>>) target_semaphore(%arg22 : memref<!tpu.dma_semaphore, #tpu.memory_space<semaphore_mem>>)
      %sub3A_2922 = arith.subi %reduce_sum3A_2890, %multiple_of3A_2917 : i32
      %add3A_2923 = arith.constant 5 : i32
      %add3A_2924 = arith.addi %mul3A_2262, %add3A_2923 : i32
      %dma_wait3A_2925 = arith.constant 0 : i32
      %dma_wait3A_2926 = arith.constant 0 : i32
      %dma_wait3A_2927 = tpu.memref_slice %arg3[%dma_wait3A_2925, %dma_wait3A_2926] : memref<64x1000000xf32, #tpu.memory_space<hbm>> -> memref<64x128xf32, #tpu.memory_space<hbm>>
      %dma_wait3A_2928 = arith.constant 0 : i32
      %dma_wait3A_2929 = arith.constant 0 : i32
      %dma_wait3A_2930 = tpu.memref_slice %arg3[%dma_wait3A_2928, %dma_wait3A_2929] : memref<64x1000000xf32, #tpu.memory_space<hbm>> -> memref<64x128xf32, #tpu.memory_space<hbm>>
      tpu.wait_dma2 semaphore(%arg23 : memref<!tpu.dma_semaphore, #tpu.memory_space<semaphore_mem>>) src(%dma_wait3A_2930 : memref<64x128xf32, #tpu.memory_space<hbm>>) dst(%arg12 : memref<64x128xf32, #tpu.memory_space<vmem>>)
      %broadcast_in_dim3A_2931 = vector.broadcast %scan3A_2255 : i32 to vector<16xi32>
      %add3A_2932 = arith.constant 0 : i32
      %add3A_2933 = vector.broadcast %add3A_2932 : i32 to vector<16xi32>
      %add3A_2934 = arith.addi %iota3A, %add3A_2933 : vector<16xi32>
      %gather3A_2935 = tpu.vector_load_idx %arg12[%add3A_2934, %broadcast_in_dim3A_2931] : memref<64x128xf32, #tpu.memory_space<vmem>>[vector<16xi32>, vector<16xi32>], vector<16xf32>,
      %mul3A_2936 = arith.constant 8.000000e+00 : f32
      %mul3A_2937 = vector.broadcast %mul3A_2936 : f32 to vector<16xf32>
      %mul3A_2938 = arith.mulf %gather3A_2935, %mul3A_2937 : vector<16xf32>
      %mul3A_2939 = arith.constant 512 : i32
      %mul3A_2940 = vector.broadcast %mul3A_2939 : i32 to vector<16xi32>
      %mul3A_2941 = arith.muli %add3A_2934, %mul3A_2940 : vector<16xi32>
      %add3A_2942 = vector.broadcast %add3A_2924 : i32 to vector<16xi32>
      %add3A_2943 = arith.addi %mul3A_2941, %add3A_2942 : vector<16xi32>
      tpu.vector_store_idx %arg6[%add3A_2943], %mul3A_2938 : memref<32768xf32, #tpu.memory_space<vmem>>[vector<16xi32>], vector<16xf32>,
      %add3A_2944 = arith.constant 16 : i32
      %add3A_2945 = vector.broadcast %add3A_2944 : i32 to vector<16xi32>
      %add3A_2946 = arith.addi %iota3A, %add3A_2945 : vector<16xi32>
      %gather3A_2947 = tpu.vector_load_idx %arg12[%add3A_2946, %broadcast_in_dim3A_2931] : memref<64x128xf32, #tpu.memory_space<vmem>>[vector<16xi32>, vector<16xi32>], vector<16xf32>,
      %mul3A_2948 = arith.constant 8.000000e+00 : f32
      %mul3A_2949 = vector.broadcast %mul3A_2948 : f32 to vector<16xf32>
      %mul3A_2950 = arith.mulf %gather3A_2947, %mul3A_2949 : vector<16xf32>
      %mul3A_2951 = arith.constant 512 : i32
      %mul3A_2952 = vector.broadcast %mul3A_2951 : i32 to vector<16xi32>
      %mul3A_2953 = arith.muli %add3A_2946, %mul3A_2952 : vector<16xi32>
      %add3A_2954 = vector.broadcast %add3A_2924 : i32 to vector<16xi32>
      %add3A_2955 = arith.addi %mul3A_2953, %add3A_2954 : vector<16xi32>
      tpu.vector_store_idx %arg6[%add3A_2955], %mul3A_2950 : memref<32768xf32, #tpu.memory_space<vmem>>[vector<16xi32>], vector<16xf32>,
      %add3A_2956 = arith.constant 32 : i32
      %add3A_2957 = vector.broadcast %add3A_2956 : i32 to vector<16xi32>
      %add3A_2958 = arith.addi %iota3A, %add3A_2957 : vector<16xi32>
      %gather3A_2959 = tpu.vector_load_idx %arg12[%add3A_2958, %broadcast_in_dim3A_2931] : memref<64x128xf32, #tpu.memory_space<vmem>>[vector<16xi32>, vector<16xi32>], vector<16xf32>,
      %mul3A_2960 = arith.constant 8.000000e+00 : f32
      %mul3A_2961 = vector.broadcast %mul3A_2960 : f32 to vector<16xf32>
      %mul3A_2962 = arith.mulf %gather3A_2959, %mul3A_2961 : vector<16xf32>
      %mul3A_2963 = arith.constant 512 : i32
      %mul3A_2964 = vector.broadcast %mul3A_2963 : i32 to vector<16xi32>
      %mul3A_2965 = arith.muli %add3A_2958, %mul3A_2964 : vector<16xi32>
      %add3A_2966 = vector.broadcast %add3A_2924 : i32 to vector<16xi32>
      %add3A_2967 = arith.addi %mul3A_2965, %add3A_2966 : vector<16xi32>
      tpu.vector_store_idx %arg6[%add3A_2967], %mul3A_2962 : memref<32768xf32, #tpu.memory_space<vmem>>[vector<16xi32>], vector<16xf32>,
      %add3A_2968 = arith.constant 48 : i32
      %add3A_2969 = vector.broadcast %add3A_2968 : i32 to vector<16xi32>
      %add3A_2970 = arith.addi %iota3A, %add3A_2969 : vector<16xi32>
      %gather3A_2971 = tpu.vector_load_idx %arg12[%add3A_2970, %broadcast_in_dim3A_2931] : memref<64x128xf32, #tpu.memory_space<vmem>>[vector<16xi32>, vector<16xi32>], vector<16xf32>,
      %mul3A_2972 = arith.constant 8.000000e+00 : f32
      %mul3A_2973 = vector.broadcast %mul3A_2972 : f32 to vector<16xf32>
      %mul3A_2974 = arith.mulf %gather3A_2971, %mul3A_2973 : vector<16xf32>
      %mul3A_2975 = arith.constant 512 : i32
      %mul3A_2976 = vector.broadcast %mul3A_2975 : i32 to vector<16xi32>
      %mul3A_2977 = arith.muli %add3A_2970, %mul3A_2976 : vector<16xi32>
      %add3A_2978 = vector.broadcast %add3A_2924 : i32 to vector<16xi32>
      %add3A_2979 = arith.addi %mul3A_2977, %add3A_2978 : vector<16xi32>
      tpu.vector_store_idx %arg6[%add3A_2979], %mul3A_2974 : memref<32768xf32, #tpu.memory_space<vmem>>[vector<16xi32>], vector<16xf32>,
      %add3A_2980 = arith.constant 11 : i32
      %add3A_2981 = arith.addi %mul3A_2262, %add3A_2980 : i32
      %add3A_2982 = arith.constant 5 : i32
      %add3A_2983 = arith.addi %add3A_2981, %add3A_2982 : i32
      %jit3A_2984 = arith.constant 16 : i32
      %div3A_2985 = arith.divsi %add3A_2983, %jit3A_2984 : i32
      %sign3A_2986 = arith.constant 0 : i32
      %sign3A_2987 = arith.cmpi sgt, %add3A_2983, %sign3A_2986 : i32
      %sign3A_2988 = arith.extui %sign3A_2987 : i1 to i32
      %sign3A_2989 = arith.constant 0 : i32
      %sign3A_2990 = arith.cmpi slt, %add3A_2983, %sign3A_2989 : i32
      %sign3A_2991 = arith.extui %sign3A_2990 : i1 to i32
      %sign3A_2992 = arith.subi %sign3A_2988, %sign3A_2991 : i32
      %sign3A_2993 = arith.constant 0 : i32
      %sign3A_2994 = arith.cmpi sgt, %jit3A_2984, %sign3A_2993 : i32
      %sign3A_2995 = arith.extui %sign3A_2994 : i1 to i32
      %sign3A_2996 = arith.constant 0 : i32
      %sign3A_2997 = arith.cmpi slt, %jit3A_2984, %sign3A_2996 : i32
      %sign3A_2998 = arith.extui %sign3A_2997 : i1 to i32
      %sign3A_2999 = arith.subi %sign3A_2995, %sign3A_2998 : i32
      %ne3A_3000 = arith.cmpi ne, %sign3A_2992, %sign3A_2999 : i32
      %rem3A_3001 = arith.remsi %add3A_2983, %jit3A_2984 : i32
      %ne3A_3002 = arith.constant 0 : i32
      %ne3A_3003 = arith.cmpi ne, %rem3A_3001, %ne3A_3002 : i32
      %and3A_3004 = arith.andi %ne3A_3000, %ne3A_3003 : i1
      %sub3A_3005 = arith.constant 1 : i32
      %sub3A_3006 = arith.subi %div3A_2985, %sub3A_3005 : i32
      %select_n3A_3007 = arith.select %and3A_3004, %sub3A_3006, %div3A_2985 : i32
      %mul3A_3008 = arith.constant 16 : i32
      %mul3A_3009 = arith.muli %select_n3A_3007, %mul3A_3008 : i32
      %multiple_of3A_3010 = tpu.assume_multiple %mul3A_3009, 16 : i32
      %get3A_3011 = arith.index_cast %multiple_of3A_3010 : i32 to index
      %get3A_3012 = tpu.vector_load %arg5[%get3A_3011] {strides = array<i32>} : memref<512xi32, #tpu.memory_space<vmem>>, vector<16xi32>,
      %sub3A_3013 = arith.subi %add3A_2983, %multiple_of3A_3010 : i32
      %eq3A_3014 = vector.broadcast %sub3A_3013 : i32 to vector<16xi32>
      %eq3A_3015 = arith.cmpi eq, %iota3A, %eq3A_3014 : vector<16xi32>
      %jit3A_3016 = arith.constant 0 : i32
      %broadcast_in_dim3A_3017 = vector.broadcast %jit3A_3016 : i32 to vector<16xi32>
      %select_n3A_3018 = arith.select %eq3A_3015, %get3A_3012, %broadcast_in_dim3A_3017 : vector<16xi1>, vector<16xi32>
      %reduce_sum3A_3019 = arith.constant true
      %reduce_sum3A_3020 = vector.broadcast %reduce_sum3A_3019 : i1 to vector<16xi1>
      %reduce_sum3A_3021 = tpu.scan <sum>, %select_n3A_3018 masked %reduce_sum3A_3020 : vector<16xi32>, vector<16xi1> -> vector<16xi32>
      %reduce_sum3A_3022 = vector.extract %reduce_sum3A_3021[15] : i32 from vector<16xi32>
      %jit3A_3023 = arith.constant 128 : i32
      %div3A_3024 = arith.divsi %reduce_sum3A_3022, %jit3A_3023 : i32
      %sign3A_3025 = arith.constant 0 : i32
      %sign3A_3026 = arith.cmpi sgt, %reduce_sum3A_3022, %sign3A_3025 : i32
      %sign3A_3027 = arith.extui %sign3A_3026 : i1 to i32
      %sign3A_3028 = arith.constant 0 : i32
      %sign3A_3029 = arith.cmpi slt, %reduce_sum3A_3022, %sign3A_3028 : i32
      %sign3A_3030 = arith.extui %sign3A_3029 : i1 to i32
      %sign3A_3031 = arith.subi %sign3A_3027, %sign3A_3030 : i32
      %sign3A_3032 = arith.constant 0 : i32
      %sign3A_3033 = arith.cmpi sgt, %jit3A_3023, %sign3A_3032 : i32
      %sign3A_3034 = arith.extui %sign3A_3033 : i1 to i32
      %sign3A_3035 = arith.constant 0 : i32
      %sign3A_3036 = arith.cmpi slt, %jit3A_3023, %sign3A_3035 : i32
      %sign3A_3037 = arith.extui %sign3A_3036 : i1 to i32
      %sign3A_3038 = arith.subi %sign3A_3034, %sign3A_3037 : i32
      %ne3A_3039 = arith.cmpi ne, %sign3A_3031, %sign3A_3038 : i32
      %rem3A_3040 = arith.remsi %reduce_sum3A_3022, %jit3A_3023 : i32
      %ne3A_3041 = arith.constant 0 : i32
      %ne3A_3042 = arith.cmpi ne, %rem3A_3040, %ne3A_3041 : i32
      %and3A_3043 = arith.andi %ne3A_3039, %ne3A_3042 : i1
      %sub3A_3044 = arith.constant 1 : i32
      %sub3A_3045 = arith.subi %div3A_3024, %sub3A_3044 : i32
      %select_n3A_3046 = arith.select %and3A_3043, %sub3A_3045, %div3A_3024 : i32
      %mul3A_3047 = arith.constant 128 : i32
      %mul3A_3048 = arith.muli %select_n3A_3046, %mul3A_3047 : i32
      %multiple_of3A_3049 = tpu.assume_multiple %mul3A_3048, 128 : i32
      %dma_start3A_3050 = arith.constant 0 : i32
      %dma_start3A_3051 = tpu.memref_slice %arg3[%dma_start3A_3050, %multiple_of3A_3049] : memref<64x1000000xf32, #tpu.memory_space<hbm>> -> memref<64x128xf32, #tpu.memory_space<hbm>>
      %dma_start3A_3052 = arith.constant 0 : i32
      %dma_start3A_3053 = tpu.memref_slice %arg3[%dma_start3A_3052, %multiple_of3A_3049] : memref<64x1000000xf32, #tpu.memory_space<hbm>> -> memref<64x128xf32, #tpu.memory_space<hbm>>
      tpu.enqueue_dma source(%dma_start3A_3053 : memref<64x128xf32, #tpu.memory_space<hbm>>) target(%arg12 : memref<64x128xf32, #tpu.memory_space<vmem>>) target_semaphore(%arg23 : memref<!tpu.dma_semaphore, #tpu.memory_space<semaphore_mem>>)
      %sub3A_3054 = arith.subi %reduce_sum3A_3022, %multiple_of3A_3049 : i32
      %add3A_3055 = arith.constant 6 : i32
      %add3A_3056 = arith.addi %mul3A_2262, %add3A_3055 : i32
      %dma_wait3A_3057 = arith.constant 0 : i32
      %dma_wait3A_3058 = arith.constant 0 : i32
      %dma_wait3A_3059 = tpu.memref_slice %arg3[%dma_wait3A_3057, %dma_wait3A_3058] : memref<64x1000000xf32, #tpu.memory_space<hbm>> -> memref<64x128xf32, #tpu.memory_space<hbm>>
      %dma_wait3A_3060 = arith.constant 0 : i32
      %dma_wait3A_3061 = arith.constant 0 : i32
      %dma_wait3A_3062 = tpu.memref_slice %arg3[%dma_wait3A_3060, %dma_wait3A_3061] : memref<64x1000000xf32, #tpu.memory_space<hbm>> -> memref<64x128xf32, #tpu.memory_space<hbm>>
      tpu.wait_dma2 semaphore(%arg24 : memref<!tpu.dma_semaphore, #tpu.memory_space<semaphore_mem>>) src(%dma_wait3A_3062 : memref<64x128xf32, #tpu.memory_space<hbm>>) dst(%arg13 : memref<64x128xf32, #tpu.memory_space<vmem>>)
      %broadcast_in_dim3A_3063 = vector.broadcast %scan3A_2256 : i32 to vector<16xi32>
      %add3A_3064 = arith.constant 0 : i32
      %add3A_3065 = vector.broadcast %add3A_3064 : i32 to vector<16xi32>
      %add3A_3066 = arith.addi %iota3A, %add3A_3065 : vector<16xi32>
      %gather3A_3067 = tpu.vector_load_idx %arg13[%add3A_3066, %broadcast_in_dim3A_3063] : memref<64x128xf32, #tpu.memory_space<vmem>>[vector<16xi32>, vector<16xi32>], vector<16xf32>,
      %mul3A_3068 = arith.constant 8.000000e+00 : f32
      %mul3A_3069 = vector.broadcast %mul3A_3068 : f32 to vector<16xf32>
      %mul3A_3070 = arith.mulf %gather3A_3067, %mul3A_3069 : vector<16xf32>
      %mul3A_3071 = arith.constant 512 : i32
      %mul3A_3072 = vector.broadcast %mul3A_3071 : i32 to vector<16xi32>
      %mul3A_3073 = arith.muli %add3A_3066, %mul3A_3072 : vector<16xi32>
      %add3A_3074 = vector.broadcast %add3A_3056 : i32 to vector<16xi32>
      %add3A_3075 = arith.addi %mul3A_3073, %add3A_3074 : vector<16xi32>
      tpu.vector_store_idx %arg6[%add3A_3075], %mul3A_3070 : memref<32768xf32, #tpu.memory_space<vmem>>[vector<16xi32>], vector<16xf32>,
      %add3A_3076 = arith.constant 16 : i32
      %add3A_3077 = vector.broadcast %add3A_3076 : i32 to vector<16xi32>
      %add3A_3078 = arith.addi %iota3A, %add3A_3077 : vector<16xi32>
      %gather3A_3079 = tpu.vector_load_idx %arg13[%add3A_3078, %broadcast_in_dim3A_3063] : memref<64x128xf32, #tpu.memory_space<vmem>>[vector<16xi32>, vector<16xi32>], vector<16xf32>,
      %mul3A_3080 = arith.constant 8.000000e+00 : f32
      %mul3A_3081 = vector.broadcast %mul3A_3080 : f32 to vector<16xf32>
      %mul3A_3082 = arith.mulf %gather3A_3079, %mul3A_3081 : vector<16xf32>
      %mul3A_3083 = arith.constant 512 : i32
      %mul3A_3084 = vector.broadcast %mul3A_3083 : i32 to vector<16xi32>
      %mul3A_3085 = arith.muli %add3A_3078, %mul3A_3084 : vector<16xi32>
      %add3A_3086 = vector.broadcast %add3A_3056 : i32 to vector<16xi32>
      %add3A_3087 = arith.addi %mul3A_3085, %add3A_3086 : vector<16xi32>
      tpu.vector_store_idx %arg6[%add3A_3087], %mul3A_3082 : memref<32768xf32, #tpu.memory_space<vmem>>[vector<16xi32>], vector<16xf32>,
      %add3A_3088 = arith.constant 32 : i32
      %add3A_3089 = vector.broadcast %add3A_3088 : i32 to vector<16xi32>
      %add3A_3090 = arith.addi %iota3A, %add3A_3089 : vector<16xi32>
      %gather3A_3091 = tpu.vector_load_idx %arg13[%add3A_3090, %broadcast_in_dim3A_3063] : memref<64x128xf32, #tpu.memory_space<vmem>>[vector<16xi32>, vector<16xi32>], vector<16xf32>,
      %mul3A_3092 = arith.constant 8.000000e+00 : f32
      %mul3A_3093 = vector.broadcast %mul3A_3092 : f32 to vector<16xf32>
      %mul3A_3094 = arith.mulf %gather3A_3091, %mul3A_3093 : vector<16xf32>
      %mul3A_3095 = arith.constant 512 : i32
      %mul3A_3096 = vector.broadcast %mul3A_3095 : i32 to vector<16xi32>
      %mul3A_3097 = arith.muli %add3A_3090, %mul3A_3096 : vector<16xi32>
      %add3A_3098 = vector.broadcast %add3A_3056 : i32 to vector<16xi32>
      %add3A_3099 = arith.addi %mul3A_3097, %add3A_3098 : vector<16xi32>
      tpu.vector_store_idx %arg6[%add3A_3099], %mul3A_3094 : memref<32768xf32, #tpu.memory_space<vmem>>[vector<16xi32>], vector<16xf32>,
      %add3A_3100 = arith.constant 48 : i32
      %add3A_3101 = vector.broadcast %add3A_3100 : i32 to vector<16xi32>
      %add3A_3102 = arith.addi %iota3A, %add3A_3101 : vector<16xi32>
      %gather3A_3103 = tpu.vector_load_idx %arg13[%add3A_3102, %broadcast_in_dim3A_3063] : memref<64x128xf32, #tpu.memory_space<vmem>>[vector<16xi32>, vector<16xi32>], vector<16xf32>,
      %mul3A_3104 = arith.constant 8.000000e+00 : f32
      %mul3A_3105 = vector.broadcast %mul3A_3104 : f32 to vector<16xf32>
      %mul3A_3106 = arith.mulf %gather3A_3103, %mul3A_3105 : vector<16xf32>
      %mul3A_3107 = arith.constant 512 : i32
      %mul3A_3108 = vector.broadcast %mul3A_3107 : i32 to vector<16xi32>
      %mul3A_3109 = arith.muli %add3A_3102, %mul3A_3108 : vector<16xi32>
      %add3A_3110 = vector.broadcast %add3A_3056 : i32 to vector<16xi32>
      %add3A_3111 = arith.addi %mul3A_3109, %add3A_3110 : vector<16xi32>
      tpu.vector_store_idx %arg6[%add3A_3111], %mul3A_3106 : memref<32768xf32, #tpu.memory_space<vmem>>[vector<16xi32>], vector<16xf32>,
      %add3A_3112 = arith.constant 11 : i32
      %add3A_3113 = arith.addi %mul3A_2262, %add3A_3112 : i32
      %add3A_3114 = arith.constant 6 : i32
      %add3A_3115 = arith.addi %add3A_3113, %add3A_3114 : i32
      %jit3A_3116 = arith.constant 16 : i32
      %div3A_3117 = arith.divsi %add3A_3115, %jit3A_3116 : i32
      %sign3A_3118 = arith.constant 0 : i32
      %sign3A_3119 = arith.cmpi sgt, %add3A_3115, %sign3A_3118 : i32
      %sign3A_3120 = arith.extui %sign3A_3119 : i1 to i32
      %sign3A_3121 = arith.constant 0 : i32
      %sign3A_3122 = arith.cmpi slt, %add3A_3115, %sign3A_3121 : i32
      %sign3A_3123 = arith.extui %sign3A_3122 : i1 to i32
      %sign3A_3124 = arith.subi %sign3A_3120, %sign3A_3123 : i32
      %sign3A_3125 = arith.constant 0 : i32
      %sign3A_3126 = arith.cmpi sgt, %jit3A_3116, %sign3A_3125 : i32
      %sign3A_3127 = arith.extui %sign3A_3126 : i1 to i32
      %sign3A_3128 = arith.constant 0 : i32
      %sign3A_3129 = arith.cmpi slt, %jit3A_3116, %sign3A_3128 : i32
      %sign3A_3130 = arith.extui %sign3A_3129 : i1 to i32
      %sign3A_3131 = arith.subi %sign3A_3127, %sign3A_3130 : i32
      %ne3A_3132 = arith.cmpi ne, %sign3A_3124, %sign3A_3131 : i32
      %rem3A_3133 = arith.remsi %add3A_3115, %jit3A_3116 : i32
      %ne3A_3134 = arith.constant 0 : i32
      %ne3A_3135 = arith.cmpi ne, %rem3A_3133, %ne3A_3134 : i32
      %and3A_3136 = arith.andi %ne3A_3132, %ne3A_3135 : i1
      %sub3A_3137 = arith.constant 1 : i32
      %sub3A_3138 = arith.subi %div3A_3117, %sub3A_3137 : i32
      %select_n3A_3139 = arith.select %and3A_3136, %sub3A_3138, %div3A_3117 : i32
      %mul3A_3140 = arith.constant 16 : i32
      %mul3A_3141 = arith.muli %select_n3A_3139, %mul3A_3140 : i32
      %multiple_of3A_3142 = tpu.assume_multiple %mul3A_3141, 16 : i32
      %get3A_3143 = arith.index_cast %multiple_of3A_3142 : i32 to index
      %get3A_3144 = tpu.vector_load %arg5[%get3A_3143] {strides = array<i32>} : memref<512xi32, #tpu.memory_space<vmem>>, vector<16xi32>,
      %sub3A_3145 = arith.subi %add3A_3115, %multiple_of3A_3142 : i32
      %eq3A_3146 = vector.broadcast %sub3A_3145 : i32 to vector<16xi32>
      %eq3A_3147 = arith.cmpi eq, %iota3A, %eq3A_3146 : vector<16xi32>
      %jit3A_3148 = arith.constant 0 : i32
      %broadcast_in_dim3A_3149 = vector.broadcast %jit3A_3148 : i32 to vector<16xi32>
      %select_n3A_3150 = arith.select %eq3A_3147, %get3A_3144, %broadcast_in_dim3A_3149 : vector<16xi1>, vector<16xi32>
      %reduce_sum3A_3151 = arith.constant true
      %reduce_sum3A_3152 = vector.broadcast %reduce_sum3A_3151 : i1 to vector<16xi1>
      %reduce_sum3A_3153 = tpu.scan <sum>, %select_n3A_3150 masked %reduce_sum3A_3152 : vector<16xi32>, vector<16xi1> -> vector<16xi32>
      %reduce_sum3A_3154 = vector.extract %reduce_sum3A_3153[15] : i32 from vector<16xi32>
      %jit3A_3155 = arith.constant 128 : i32
      %div3A_3156 = arith.divsi %reduce_sum3A_3154, %jit3A_3155 : i32
      %sign3A_3157 = arith.constant 0 : i32
      %sign3A_3158 = arith.cmpi sgt, %reduce_sum3A_3154, %sign3A_3157 : i32
      %sign3A_3159 = arith.extui %sign3A_3158 : i1 to i32
      %sign3A_3160 = arith.constant 0 : i32
      %sign3A_3161 = arith.cmpi slt, %reduce_sum3A_3154, %sign3A_3160 : i32
      %sign3A_3162 = arith.extui %sign3A_3161 : i1 to i32
      %sign3A_3163 = arith.subi %sign3A_3159, %sign3A_3162 : i32
      %sign3A_3164 = arith.constant 0 : i32
      %sign3A_3165 = arith.cmpi sgt, %jit3A_3155, %sign3A_3164 : i32
      %sign3A_3166 = arith.extui %sign3A_3165 : i1 to i32
      %sign3A_3167 = arith.constant 0 : i32
      %sign3A_3168 = arith.cmpi slt, %jit3A_3155, %sign3A_3167 : i32
      %sign3A_3169 = arith.extui %sign3A_3168 : i1 to i32
      %sign3A_3170 = arith.subi %sign3A_3166, %sign3A_3169 : i32
      %ne3A_3171 = arith.cmpi ne, %sign3A_3163, %sign3A_3170 : i32
      %rem3A_3172 = arith.remsi %reduce_sum3A_3154, %jit3A_3155 : i32
      %ne3A_3173 = arith.constant 0 : i32
      %ne3A_3174 = arith.cmpi ne, %rem3A_3172, %ne3A_3173 : i32
      %and3A_3175 = arith.andi %ne3A_3171, %ne3A_3174 : i1
      %sub3A_3176 = arith.constant 1 : i32
      %sub3A_3177 = arith.subi %div3A_3156, %sub3A_3176 : i32
      %select_n3A_3178 = arith.select %and3A_3175, %sub3A_3177, %div3A_3156 : i32
      %mul3A_3179 = arith.constant 128 : i32
      %mul3A_3180 = arith.muli %select_n3A_3178, %mul3A_3179 : i32
      %multiple_of3A_3181 = tpu.assume_multiple %mul3A_3180, 128 : i32
      %dma_start3A_3182 = arith.constant 0 : i32
      %dma_start3A_3183 = tpu.memref_slice %arg3[%dma_start3A_3182, %multiple_of3A_3181] : memref<64x1000000xf32, #tpu.memory_space<hbm>> -> memref<64x128xf32, #tpu.memory_space<hbm>>
      %dma_start3A_3184 = arith.constant 0 : i32
      %dma_start3A_3185 = tpu.memref_slice %arg3[%dma_start3A_3184, %multiple_of3A_3181] : memref<64x1000000xf32, #tpu.memory_space<hbm>> -> memref<64x128xf32, #tpu.memory_space<hbm>>
      tpu.enqueue_dma source(%dma_start3A_3185 : memref<64x128xf32, #tpu.memory_space<hbm>>) target(%arg13 : memref<64x128xf32, #tpu.memory_space<vmem>>) target_semaphore(%arg24 : memref<!tpu.dma_semaphore, #tpu.memory_space<semaphore_mem>>)
      %sub3A_3186 = arith.subi %reduce_sum3A_3154, %multiple_of3A_3181 : i32
      %add3A_3187 = arith.constant 7 : i32
      %add3A_3188 = arith.addi %mul3A_2262, %add3A_3187 : i32
      %dma_wait3A_3189 = arith.constant 0 : i32
      %dma_wait3A_3190 = arith.constant 0 : i32
      %dma_wait3A_3191 = tpu.memref_slice %arg3[%dma_wait3A_3189, %dma_wait3A_3190] : memref<64x1000000xf32, #tpu.memory_space<hbm>> -> memref<64x128xf32, #tpu.memory_space<hbm>>
      %dma_wait3A_3192 = arith.constant 0 : i32
      %dma_wait3A_3193 = arith.constant 0 : i32
      %dma_wait3A_3194 = tpu.memref_slice %arg3[%dma_wait3A_3192, %dma_wait3A_3193] : memref<64x1000000xf32, #tpu.memory_space<hbm>> -> memref<64x128xf32, #tpu.memory_space<hbm>>
      tpu.wait_dma2 semaphore(%arg25 : memref<!tpu.dma_semaphore, #tpu.memory_space<semaphore_mem>>) src(%dma_wait3A_3194 : memref<64x128xf32, #tpu.memory_space<hbm>>) dst(%arg14 : memref<64x128xf32, #tpu.memory_space<vmem>>)
      %broadcast_in_dim3A_3195 = vector.broadcast %scan3A_2257 : i32 to vector<16xi32>
      %add3A_3196 = arith.constant 0 : i32
      %add3A_3197 = vector.broadcast %add3A_3196 : i32 to vector<16xi32>
      %add3A_3198 = arith.addi %iota3A, %add3A_3197 : vector<16xi32>
      %gather3A_3199 = tpu.vector_load_idx %arg14[%add3A_3198, %broadcast_in_dim3A_3195] : memref<64x128xf32, #tpu.memory_space<vmem>>[vector<16xi32>, vector<16xi32>], vector<16xf32>,
      %mul3A_3200 = arith.constant 8.000000e+00 : f32
      %mul3A_3201 = vector.broadcast %mul3A_3200 : f32 to vector<16xf32>
      %mul3A_3202 = arith.mulf %gather3A_3199, %mul3A_3201 : vector<16xf32>
      %mul3A_3203 = arith.constant 512 : i32
      %mul3A_3204 = vector.broadcast %mul3A_3203 : i32 to vector<16xi32>
      %mul3A_3205 = arith.muli %add3A_3198, %mul3A_3204 : vector<16xi32>
      %add3A_3206 = vector.broadcast %add3A_3188 : i32 to vector<16xi32>
      %add3A_3207 = arith.addi %mul3A_3205, %add3A_3206 : vector<16xi32>
      tpu.vector_store_idx %arg6[%add3A_3207], %mul3A_3202 : memref<32768xf32, #tpu.memory_space<vmem>>[vector<16xi32>], vector<16xf32>,
      %add3A_3208 = arith.constant 16 : i32
      %add3A_3209 = vector.broadcast %add3A_3208 : i32 to vector<16xi32>
      %add3A_3210 = arith.addi %iota3A, %add3A_3209 : vector<16xi32>
      %gather3A_3211 = tpu.vector_load_idx %arg14[%add3A_3210, %broadcast_in_dim3A_3195] : memref<64x128xf32, #tpu.memory_space<vmem>>[vector<16xi32>, vector<16xi32>], vector<16xf32>,
      %mul3A_3212 = arith.constant 8.000000e+00 : f32
      %mul3A_3213 = vector.broadcast %mul3A_3212 : f32 to vector<16xf32>
      %mul3A_3214 = arith.mulf %gather3A_3211, %mul3A_3213 : vector<16xf32>
      %mul3A_3215 = arith.constant 512 : i32
      %mul3A_3216 = vector.broadcast %mul3A_3215 : i32 to vector<16xi32>
      %mul3A_3217 = arith.muli %add3A_3210, %mul3A_3216 : vector<16xi32>
      %add3A_3218 = vector.broadcast %add3A_3188 : i32 to vector<16xi32>
      %add3A_3219 = arith.addi %mul3A_3217, %add3A_3218 : vector<16xi32>
      tpu.vector_store_idx %arg6[%add3A_3219], %mul3A_3214 : memref<32768xf32, #tpu.memory_space<vmem>>[vector<16xi32>], vector<16xf32>,
      %add3A_3220 = arith.constant 32 : i32
      %add3A_3221 = vector.broadcast %add3A_3220 : i32 to vector<16xi32>
      %add3A_3222 = arith.addi %iota3A, %add3A_3221 : vector<16xi32>
      %gather3A_3223 = tpu.vector_load_idx %arg14[%add3A_3222, %broadcast_in_dim3A_3195] : memref<64x128xf32, #tpu.memory_space<vmem>>[vector<16xi32>, vector<16xi32>], vector<16xf32>,
      %mul3A_3224 = arith.constant 8.000000e+00 : f32
      %mul3A_3225 = vector.broadcast %mul3A_3224 : f32 to vector<16xf32>
      %mul3A_3226 = arith.mulf %gather3A_3223, %mul3A_3225 : vector<16xf32>
      %mul3A_3227 = arith.constant 512 : i32
      %mul3A_3228 = vector.broadcast %mul3A_3227 : i32 to vector<16xi32>
      %mul3A_3229 = arith.muli %add3A_3222, %mul3A_3228 : vector<16xi32>
      %add3A_3230 = vector.broadcast %add3A_3188 : i32 to vector<16xi32>
      %add3A_3231 = arith.addi %mul3A_3229, %add3A_3230 : vector<16xi32>
      tpu.vector_store_idx %arg6[%add3A_3231], %mul3A_3226 : memref<32768xf32, #tpu.memory_space<vmem>>[vector<16xi32>], vector<16xf32>,
      %add3A_3232 = arith.constant 48 : i32
      %add3A_3233 = vector.broadcast %add3A_3232 : i32 to vector<16xi32>
      %add3A_3234 = arith.addi %iota3A, %add3A_3233 : vector<16xi32>
      %gather3A_3235 = tpu.vector_load_idx %arg14[%add3A_3234, %broadcast_in_dim3A_3195] : memref<64x128xf32, #tpu.memory_space<vmem>>[vector<16xi32>, vector<16xi32>], vector<16xf32>,
      %mul3A_3236 = arith.constant 8.000000e+00 : f32
      %mul3A_3237 = vector.broadcast %mul3A_3236 : f32 to vector<16xf32>
      %mul3A_3238 = arith.mulf %gather3A_3235, %mul3A_3237 : vector<16xf32>
      %mul3A_3239 = arith.constant 512 : i32
      %mul3A_3240 = vector.broadcast %mul3A_3239 : i32 to vector<16xi32>
      %mul3A_3241 = arith.muli %add3A_3234, %mul3A_3240 : vector<16xi32>
      %add3A_3242 = vector.broadcast %add3A_3188 : i32 to vector<16xi32>
      %add3A_3243 = arith.addi %mul3A_3241, %add3A_3242 : vector<16xi32>
      tpu.vector_store_idx %arg6[%add3A_3243], %mul3A_3238 : memref<32768xf32, #tpu.memory_space<vmem>>[vector<16xi32>], vector<16xf32>,
      %add3A_3244 = arith.constant 11 : i32
      %add3A_3245 = arith.addi %mul3A_2262, %add3A_3244 : i32
      %add3A_3246 = arith.constant 7 : i32
      %add3A_3247 = arith.addi %add3A_3245, %add3A_3246 : i32
      %jit3A_3248 = arith.constant 16 : i32
      %div3A_3249 = arith.divsi %add3A_3247, %jit3A_3248 : i32
      %sign3A_3250 = arith.constant 0 : i32
      %sign3A_3251 = arith.cmpi sgt, %add3A_3247, %sign3A_3250 : i32
      %sign3A_3252 = arith.extui %sign3A_3251 : i1 to i32
      %sign3A_3253 = arith.constant 0 : i32
      %sign3A_3254 = arith.cmpi slt, %add3A_3247, %sign3A_3253 : i32
      %sign3A_3255 = arith.extui %sign3A_3254 : i1 to i32
      %sign3A_3256 = arith.subi %sign3A_3252, %sign3A_3255 : i32
      %sign3A_3257 = arith.constant 0 : i32
      %sign3A_3258 = arith.cmpi sgt, %jit3A_3248, %sign3A_3257 : i32
      %sign3A_3259 = arith.extui %sign3A_3258 : i1 to i32
      %sign3A_3260 = arith.constant 0 : i32
      %sign3A_3261 = arith.cmpi slt, %jit3A_3248, %sign3A_3260 : i32
      %sign3A_3262 = arith.extui %sign3A_3261 : i1 to i32
      %sign3A_3263 = arith.subi %sign3A_3259, %sign3A_3262 : i32
      %ne3A_3264 = arith.cmpi ne, %sign3A_3256, %sign3A_3263 : i32
      %rem3A_3265 = arith.remsi %add3A_3247, %jit3A_3248 : i32
      %ne3A_3266 = arith.constant 0 : i32
      %ne3A_3267 = arith.cmpi ne, %rem3A_3265, %ne3A_3266 : i32
      %and3A_3268 = arith.andi %ne3A_3264, %ne3A_3267 : i1
      %sub3A_3269 = arith.constant 1 : i32
      %sub3A_3270 = arith.subi %div3A_3249, %sub3A_3269 : i32
      %select_n3A_3271 = arith.select %and3A_3268, %sub3A_3270, %div3A_3249 : i32
      %mul3A_3272 = arith.constant 16 : i32
      %mul3A_3273 = arith.muli %select_n3A_3271, %mul3A_3272 : i32
      %multiple_of3A_3274 = tpu.assume_multiple %mul3A_3273, 16 : i32
      %get3A_3275 = arith.index_cast %multiple_of3A_3274 : i32 to index
      %get3A_3276 = tpu.vector_load %arg5[%get3A_3275] {strides = array<i32>} : memref<512xi32, #tpu.memory_space<vmem>>, vector<16xi32>,
      %sub3A_3277 = arith.subi %add3A_3247, %multiple_of3A_3274 : i32
      %eq3A_3278 = vector.broadcast %sub3A_3277 : i32 to vector<16xi32>
      %eq3A_3279 = arith.cmpi eq, %iota3A, %eq3A_3278 : vector<16xi32>
      %jit3A_3280 = arith.constant 0 : i32
      %broadcast_in_dim3A_3281 = vector.broadcast %jit3A_3280 : i32 to vector<16xi32>
      %select_n3A_3282 = arith.select %eq3A_3279, %get3A_3276, %broadcast_in_dim3A_3281 : vector<16xi1>, vector<16xi32>
      %reduce_sum3A_3283 = arith.constant true
      %reduce_sum3A_3284 = vector.broadcast %reduce_sum3A_3283 : i1 to vector<16xi1>
      %reduce_sum3A_3285 = tpu.scan <sum>, %select_n3A_3282 masked %reduce_sum3A_3284 : vector<16xi32>, vector<16xi1> -> vector<16xi32>
      %reduce_sum3A_3286 = vector.extract %reduce_sum3A_3285[15] : i32 from vector<16xi32>
      %jit3A_3287 = arith.constant 128 : i32
      %div3A_3288 = arith.divsi %reduce_sum3A_3286, %jit3A_3287 : i32
      %sign3A_3289 = arith.constant 0 : i32
      %sign3A_3290 = arith.cmpi sgt, %reduce_sum3A_3286, %sign3A_3289 : i32
      %sign3A_3291 = arith.extui %sign3A_3290 : i1 to i32
      %sign3A_3292 = arith.constant 0 : i32
      %sign3A_3293 = arith.cmpi slt, %reduce_sum3A_3286, %sign3A_3292 : i32
      %sign3A_3294 = arith.extui %sign3A_3293 : i1 to i32
      %sign3A_3295 = arith.subi %sign3A_3291, %sign3A_3294 : i32
      %sign3A_3296 = arith.constant 0 : i32
      %sign3A_3297 = arith.cmpi sgt, %jit3A_3287, %sign3A_3296 : i32
      %sign3A_3298 = arith.extui %sign3A_3297 : i1 to i32
      %sign3A_3299 = arith.constant 0 : i32
      %sign3A_3300 = arith.cmpi slt, %jit3A_3287, %sign3A_3299 : i32
      %sign3A_3301 = arith.extui %sign3A_3300 : i1 to i32
      %sign3A_3302 = arith.subi %sign3A_3298, %sign3A_3301 : i32
      %ne3A_3303 = arith.cmpi ne, %sign3A_3295, %sign3A_3302 : i32
      %rem3A_3304 = arith.remsi %reduce_sum3A_3286, %jit3A_3287 : i32
      %ne3A_3305 = arith.constant 0 : i32
      %ne3A_3306 = arith.cmpi ne, %rem3A_3304, %ne3A_3305 : i32
      %and3A_3307 = arith.andi %ne3A_3303, %ne3A_3306 : i1
      %sub3A_3308 = arith.constant 1 : i32
      %sub3A_3309 = arith.subi %div3A_3288, %sub3A_3308 : i32
      %select_n3A_3310 = arith.select %and3A_3307, %sub3A_3309, %div3A_3288 : i32
      %mul3A_3311 = arith.constant 128 : i32
      %mul3A_3312 = arith.muli %select_n3A_3310, %mul3A_3311 : i32
      %multiple_of3A_3313 = tpu.assume_multiple %mul3A_3312, 128 : i32
      %dma_start3A_3314 = arith.constant 0 : i32
      %dma_start3A_3315 = tpu.memref_slice %arg3[%dma_start3A_3314, %multiple_of3A_3313] : memref<64x1000000xf32, #tpu.memory_space<hbm>> -> memref<64x128xf32, #tpu.memory_space<hbm>>
      %dma_start3A_3316 = arith.constant 0 : i32
      %dma_start3A_3317 = tpu.memref_slice %arg3[%dma_start3A_3316, %multiple_of3A_3313] : memref<64x1000000xf32, #tpu.memory_space<hbm>> -> memref<64x128xf32, #tpu.memory_space<hbm>>
      tpu.enqueue_dma source(%dma_start3A_3317 : memref<64x128xf32, #tpu.memory_space<hbm>>) target(%arg14 : memref<64x128xf32, #tpu.memory_space<vmem>>) target_semaphore(%arg25 : memref<!tpu.dma_semaphore, #tpu.memory_space<semaphore_mem>>)
      %sub3A_3318 = arith.subi %reduce_sum3A_3286, %multiple_of3A_3313 : i32
      %add3A_3319 = arith.constant 8 : i32
      %add3A_3320 = arith.addi %mul3A_2262, %add3A_3319 : i32
      %dma_wait3A_3321 = arith.constant 0 : i32
      %dma_wait3A_3322 = arith.constant 0 : i32
      %dma_wait3A_3323 = tpu.memref_slice %arg3[%dma_wait3A_3321, %dma_wait3A_3322] : memref<64x1000000xf32, #tpu.memory_space<hbm>> -> memref<64x128xf32, #tpu.memory_space<hbm>>
      %dma_wait3A_3324 = arith.constant 0 : i32
      %dma_wait3A_3325 = arith.constant 0 : i32
      %dma_wait3A_3326 = tpu.memref_slice %arg3[%dma_wait3A_3324, %dma_wait3A_3325] : memref<64x1000000xf32, #tpu.memory_space<hbm>> -> memref<64x128xf32, #tpu.memory_space<hbm>>
      tpu.wait_dma2 semaphore(%arg26 : memref<!tpu.dma_semaphore, #tpu.memory_space<semaphore_mem>>) src(%dma_wait3A_3326 : memref<64x128xf32, #tpu.memory_space<hbm>>) dst(%arg15 : memref<64x128xf32, #tpu.memory_space<vmem>>)
      %broadcast_in_dim3A_3327 = vector.broadcast %scan3A_2258 : i32 to vector<16xi32>
      %add3A_3328 = arith.constant 0 : i32
      %add3A_3329 = vector.broadcast %add3A_3328 : i32 to vector<16xi32>
      %add3A_3330 = arith.addi %iota3A, %add3A_3329 : vector<16xi32>
      %gather3A_3331 = tpu.vector_load_idx %arg15[%add3A_3330, %broadcast_in_dim3A_3327] : memref<64x128xf32, #tpu.memory_space<vmem>>[vector<16xi32>, vector<16xi32>], vector<16xf32>,
      %mul3A_3332 = arith.constant 8.000000e+00 : f32
      %mul3A_3333 = vector.broadcast %mul3A_3332 : f32 to vector<16xf32>
      %mul3A_3334 = arith.mulf %gather3A_3331, %mul3A_3333 : vector<16xf32>
      %mul3A_3335 = arith.constant 512 : i32
      %mul3A_3336 = vector.broadcast %mul3A_3335 : i32 to vector<16xi32>
      %mul3A_3337 = arith.muli %add3A_3330, %mul3A_3336 : vector<16xi32>
      %add3A_3338 = vector.broadcast %add3A_3320 : i32 to vector<16xi32>
      %add3A_3339 = arith.addi %mul3A_3337, %add3A_3338 : vector<16xi32>
      tpu.vector_store_idx %arg6[%add3A_3339], %mul3A_3334 : memref<32768xf32, #tpu.memory_space<vmem>>[vector<16xi32>], vector<16xf32>,
      %add3A_3340 = arith.constant 16 : i32
      %add3A_3341 = vector.broadcast %add3A_3340 : i32 to vector<16xi32>
      %add3A_3342 = arith.addi %iota3A, %add3A_3341 : vector<16xi32>
      %gather3A_3343 = tpu.vector_load_idx %arg15[%add3A_3342, %broadcast_in_dim3A_3327] : memref<64x128xf32, #tpu.memory_space<vmem>>[vector<16xi32>, vector<16xi32>], vector<16xf32>,
      %mul3A_3344 = arith.constant 8.000000e+00 : f32
      %mul3A_3345 = vector.broadcast %mul3A_3344 : f32 to vector<16xf32>
      %mul3A_3346 = arith.mulf %gather3A_3343, %mul3A_3345 : vector<16xf32>
      %mul3A_3347 = arith.constant 512 : i32
      %mul3A_3348 = vector.broadcast %mul3A_3347 : i32 to vector<16xi32>
      %mul3A_3349 = arith.muli %add3A_3342, %mul3A_3348 : vector<16xi32>
      %add3A_3350 = vector.broadcast %add3A_3320 : i32 to vector<16xi32>
      %add3A_3351 = arith.addi %mul3A_3349, %add3A_3350 : vector<16xi32>
      tpu.vector_store_idx %arg6[%add3A_3351], %mul3A_3346 : memref<32768xf32, #tpu.memory_space<vmem>>[vector<16xi32>], vector<16xf32>,
      %add3A_3352 = arith.constant 32 : i32
      %add3A_3353 = vector.broadcast %add3A_3352 : i32 to vector<16xi32>
      %add3A_3354 = arith.addi %iota3A, %add3A_3353 : vector<16xi32>
      %gather3A_3355 = tpu.vector_load_idx %arg15[%add3A_3354, %broadcast_in_dim3A_3327] : memref<64x128xf32, #tpu.memory_space<vmem>>[vector<16xi32>, vector<16xi32>], vector<16xf32>,
      %mul3A_3356 = arith.constant 8.000000e+00 : f32
      %mul3A_3357 = vector.broadcast %mul3A_3356 : f32 to vector<16xf32>
      %mul3A_3358 = arith.mulf %gather3A_3355, %mul3A_3357 : vector<16xf32>
      %mul3A_3359 = arith.constant 512 : i32
      %mul3A_3360 = vector.broadcast %mul3A_3359 : i32 to vector<16xi32>
      %mul3A_3361 = arith.muli %add3A_3354, %mul3A_3360 : vector<16xi32>
      %add3A_3362 = vector.broadcast %add3A_3320 : i32 to vector<16xi32>
      %add3A_3363 = arith.addi %mul3A_3361, %add3A_3362 : vector<16xi32>
      tpu.vector_store_idx %arg6[%add3A_3363], %mul3A_3358 : memref<32768xf32, #tpu.memory_space<vmem>>[vector<16xi32>], vector<16xf32>,
      %add3A_3364 = arith.constant 48 : i32
      %add3A_3365 = vector.broadcast %add3A_3364 : i32 to vector<16xi32>
      %add3A_3366 = arith.addi %iota3A, %add3A_3365 : vector<16xi32>
      %gather3A_3367 = tpu.vector_load_idx %arg15[%add3A_3366, %broadcast_in_dim3A_3327] : memref<64x128xf32, #tpu.memory_space<vmem>>[vector<16xi32>, vector<16xi32>], vector<16xf32>,
      %mul3A_3368 = arith.constant 8.000000e+00 : f32
      %mul3A_3369 = vector.broadcast %mul3A_3368 : f32 to vector<16xf32>
      %mul3A_3370 = arith.mulf %gather3A_3367, %mul3A_3369 : vector<16xf32>
      %mul3A_3371 = arith.constant 512 : i32
      %mul3A_3372 = vector.broadcast %mul3A_3371 : i32 to vector<16xi32>
      %mul3A_3373 = arith.muli %add3A_3366, %mul3A_3372 : vector<16xi32>
      %add3A_3374 = vector.broadcast %add3A_3320 : i32 to vector<16xi32>
      %add3A_3375 = arith.addi %mul3A_3373, %add3A_3374 : vector<16xi32>
      tpu.vector_store_idx %arg6[%add3A_3375], %mul3A_3370 : memref<32768xf32, #tpu.memory_space<vmem>>[vector<16xi32>], vector<16xf32>,
      %add3A_3376 = arith.constant 11 : i32
      %add3A_3377 = arith.addi %mul3A_2262, %add3A_3376 : i32
      %add3A_3378 = arith.constant 8 : i32
      %add3A_3379 = arith.addi %add3A_3377, %add3A_3378 : i32
      %jit3A_3380 = arith.constant 16 : i32
      %div3A_3381 = arith.divsi %add3A_3379, %jit3A_3380 : i32
      %sign3A_3382 = arith.constant 0 : i32
      %sign3A_3383 = arith.cmpi sgt, %add3A_3379, %sign3A_3382 : i32
      %sign3A_3384 = arith.extui %sign3A_3383 : i1 to i32
      %sign3A_3385 = arith.constant 0 : i32
      %sign3A_3386 = arith.cmpi slt, %add3A_3379, %sign3A_3385 : i32
      %sign3A_3387 = arith.extui %sign3A_3386 : i1 to i32
      %sign3A_3388 = arith.subi %sign3A_3384, %sign3A_3387 : i32
      %sign3A_3389 = arith.constant 0 : i32
      %sign3A_3390 = arith.cmpi sgt, %jit3A_3380, %sign3A_3389 : i32
      %sign3A_3391 = arith.extui %sign3A_3390 : i1 to i32
      %sign3A_3392 = arith.constant 0 : i32
      %sign3A_3393 = arith.cmpi slt, %jit3A_3380, %sign3A_3392 : i32
      %sign3A_3394 = arith.extui %sign3A_3393 : i1 to i32
      %sign3A_3395 = arith.subi %sign3A_3391, %sign3A_3394 : i32
      %ne3A_3396 = arith.cmpi ne, %sign3A_3388, %sign3A_3395 : i32
      %rem3A_3397 = arith.remsi %add3A_3379, %jit3A_3380 : i32
      %ne3A_3398 = arith.constant 0 : i32
      %ne3A_3399 = arith.cmpi ne, %rem3A_3397, %ne3A_3398 : i32
      %and3A_3400 = arith.andi %ne3A_3396, %ne3A_3399 : i1
      %sub3A_3401 = arith.constant 1 : i32
      %sub3A_3402 = arith.subi %div3A_3381, %sub3A_3401 : i32
      %select_n3A_3403 = arith.select %and3A_3400, %sub3A_3402, %div3A_3381 : i32
      %mul3A_3404 = arith.constant 16 : i32
      %mul3A_3405 = arith.muli %select_n3A_3403, %mul3A_3404 : i32
      %multiple_of3A_3406 = tpu.assume_multiple %mul3A_3405, 16 : i32
      %get3A_3407 = arith.index_cast %multiple_of3A_3406 : i32 to index
      %get3A_3408 = tpu.vector_load %arg5[%get3A_3407] {strides = array<i32>} : memref<512xi32, #tpu.memory_space<vmem>>, vector<16xi32>,
      %sub3A_3409 = arith.subi %add3A_3379, %multiple_of3A_3406 : i32
      %eq3A_3410 = vector.broadcast %sub3A_3409 : i32 to vector<16xi32>
      %eq3A_3411 = arith.cmpi eq, %iota3A, %eq3A_3410 : vector<16xi32>
      %jit3A_3412 = arith.constant 0 : i32
      %broadcast_in_dim3A_3413 = vector.broadcast %jit3A_3412 : i32 to vector<16xi32>
      %select_n3A_3414 = arith.select %eq3A_3411, %get3A_3408, %broadcast_in_dim3A_3413 : vector<16xi1>, vector<16xi32>
      %reduce_sum3A_3415 = arith.constant true
      %reduce_sum3A_3416 = vector.broadcast %reduce_sum3A_3415 : i1 to vector<16xi1>
      %reduce_sum3A_3417 = tpu.scan <sum>, %select_n3A_3414 masked %reduce_sum3A_3416 : vector<16xi32>, vector<16xi1> -> vector<16xi32>
      %reduce_sum3A_3418 = vector.extract %reduce_sum3A_3417[15] : i32 from vector<16xi32>
      %jit3A_3419 = arith.constant 128 : i32
      %div3A_3420 = arith.divsi %reduce_sum3A_3418, %jit3A_3419 : i32
      %sign3A_3421 = arith.constant 0 : i32
      %sign3A_3422 = arith.cmpi sgt, %reduce_sum3A_3418, %sign3A_3421 : i32
      %sign3A_3423 = arith.extui %sign3A_3422 : i1 to i32
      %sign3A_3424 = arith.constant 0 : i32
      %sign3A_3425 = arith.cmpi slt, %reduce_sum3A_3418, %sign3A_3424 : i32
      %sign3A_3426 = arith.extui %sign3A_3425 : i1 to i32
      %sign3A_3427 = arith.subi %sign3A_3423, %sign3A_3426 : i32
      %sign3A_3428 = arith.constant 0 : i32
      %sign3A_3429 = arith.cmpi sgt, %jit3A_3419, %sign3A_3428 : i32
      %sign3A_3430 = arith.extui %sign3A_3429 : i1 to i32
      %sign3A_3431 = arith.constant 0 : i32
      %sign3A_3432 = arith.cmpi slt, %jit3A_3419, %sign3A_3431 : i32
      %sign3A_3433 = arith.extui %sign3A_3432 : i1 to i32
      %sign3A_3434 = arith.subi %sign3A_3430, %sign3A_3433 : i32
      %ne3A_3435 = arith.cmpi ne, %sign3A_3427, %sign3A_3434 : i32
      %rem3A_3436 = arith.remsi %reduce_sum3A_3418, %jit3A_3419 : i32
      %ne3A_3437 = arith.constant 0 : i32
      %ne3A_3438 = arith.cmpi ne, %rem3A_3436, %ne3A_3437 : i32
      %and3A_3439 = arith.andi %ne3A_3435, %ne3A_3438 : i1
      %sub3A_3440 = arith.constant 1 : i32
      %sub3A_3441 = arith.subi %div3A_3420, %sub3A_3440 : i32
      %select_n3A_3442 = arith.select %and3A_3439, %sub3A_3441, %div3A_3420 : i32
      %mul3A_3443 = arith.constant 128 : i32
      %mul3A_3444 = arith.muli %select_n3A_3442, %mul3A_3443 : i32
      %multiple_of3A_3445 = tpu.assume_multiple %mul3A_3444, 128 : i32
      %dma_start3A_3446 = arith.constant 0 : i32
      %dma_start3A_3447 = tpu.memref_slice %arg3[%dma_start3A_3446, %multiple_of3A_3445] : memref<64x1000000xf32, #tpu.memory_space<hbm>> -> memref<64x128xf32, #tpu.memory_space<hbm>>
      %dma_start3A_3448 = arith.constant 0 : i32
      %dma_start3A_3449 = tpu.memref_slice %arg3[%dma_start3A_3448, %multiple_of3A_3445] : memref<64x1000000xf32, #tpu.memory_space<hbm>> -> memref<64x128xf32, #tpu.memory_space<hbm>>
      tpu.enqueue_dma source(%dma_start3A_3449 : memref<64x128xf32, #tpu.memory_space<hbm>>) target(%arg15 : memref<64x128xf32, #tpu.memory_space<vmem>>) target_semaphore(%arg26 : memref<!tpu.dma_semaphore, #tpu.memory_space<semaphore_mem>>)
      %sub3A_3450 = arith.subi %reduce_sum3A_3418, %multiple_of3A_3445 : i32
      %add3A_3451 = arith.constant 9 : i32
      %add3A_3452 = arith.addi %mul3A_2262, %add3A_3451 : i32
      %dma_wait3A_3453 = arith.constant 0 : i32
      %dma_wait3A_3454 = arith.constant 0 : i32
      %dma_wait3A_3455 = tpu.memref_slice %arg3[%dma_wait3A_3453, %dma_wait3A_3454] : memref<64x1000000xf32, #tpu.memory_space<hbm>> -> memref<64x128xf32, #tpu.memory_space<hbm>>
      %dma_wait3A_3456 = arith.constant 0 : i32
      %dma_wait3A_3457 = arith.constant 0 : i32
      %dma_wait3A_3458 = tpu.memref_slice %arg3[%dma_wait3A_3456, %dma_wait3A_3457] : memref<64x1000000xf32, #tpu.memory_space<hbm>> -> memref<64x128xf32, #tpu.memory_space<hbm>>
      tpu.wait_dma2 semaphore(%arg27 : memref<!tpu.dma_semaphore, #tpu.memory_space<semaphore_mem>>) src(%dma_wait3A_3458 : memref<64x128xf32, #tpu.memory_space<hbm>>) dst(%arg16 : memref<64x128xf32, #tpu.memory_space<vmem>>)
      %broadcast_in_dim3A_3459 = vector.broadcast %scan3A_2259 : i32 to vector<16xi32>
      %add3A_3460 = arith.constant 0 : i32
      %add3A_3461 = vector.broadcast %add3A_3460 : i32 to vector<16xi32>
      %add3A_3462 = arith.addi %iota3A, %add3A_3461 : vector<16xi32>
      %gather3A_3463 = tpu.vector_load_idx %arg16[%add3A_3462, %broadcast_in_dim3A_3459] : memref<64x128xf32, #tpu.memory_space<vmem>>[vector<16xi32>, vector<16xi32>], vector<16xf32>,
      %mul3A_3464 = arith.constant 8.000000e+00 : f32
      %mul3A_3465 = vector.broadcast %mul3A_3464 : f32 to vector<16xf32>
      %mul3A_3466 = arith.mulf %gather3A_3463, %mul3A_3465 : vector<16xf32>
      %mul3A_3467 = arith.constant 512 : i32
      %mul3A_3468 = vector.broadcast %mul3A_3467 : i32 to vector<16xi32>
      %mul3A_3469 = arith.muli %add3A_3462, %mul3A_3468 : vector<16xi32>
      %add3A_3470 = vector.broadcast %add3A_3452 : i32 to vector<16xi32>
      %add3A_3471 = arith.addi %mul3A_3469, %add3A_3470 : vector<16xi32>
      tpu.vector_store_idx %arg6[%add3A_3471], %mul3A_3466 : memref<32768xf32, #tpu.memory_space<vmem>>[vector<16xi32>], vector<16xf32>,
      %add3A_3472 = arith.constant 16 : i32
      %add3A_3473 = vector.broadcast %add3A_3472 : i32 to vector<16xi32>
      %add3A_3474 = arith.addi %iota3A, %add3A_3473 : vector<16xi32>
      %gather3A_3475 = tpu.vector_load_idx %arg16[%add3A_3474, %broadcast_in_dim3A_3459] : memref<64x128xf32, #tpu.memory_space<vmem>>[vector<16xi32>, vector<16xi32>], vector<16xf32>,
      %mul3A_3476 = arith.constant 8.000000e+00 : f32
      %mul3A_3477 = vector.broadcast %mul3A_3476 : f32 to vector<16xf32>
      %mul3A_3478 = arith.mulf %gather3A_3475, %mul3A_3477 : vector<16xf32>
      %mul3A_3479 = arith.constant 512 : i32
      %mul3A_3480 = vector.broadcast %mul3A_3479 : i32 to vector<16xi32>
      %mul3A_3481 = arith.muli %add3A_3474, %mul3A_3480 : vector<16xi32>
      %add3A_3482 = vector.broadcast %add3A_3452 : i32 to vector<16xi32>
      %add3A_3483 = arith.addi %mul3A_3481, %add3A_3482 : vector<16xi32>
      tpu.vector_store_idx %arg6[%add3A_3483], %mul3A_3478 : memref<32768xf32, #tpu.memory_space<vmem>>[vector<16xi32>], vector<16xf32>,
      %add3A_3484 = arith.constant 32 : i32
      %add3A_3485 = vector.broadcast %add3A_3484 : i32 to vector<16xi32>
      %add3A_3486 = arith.addi %iota3A, %add3A_3485 : vector<16xi32>
      %gather3A_3487 = tpu.vector_load_idx %arg16[%add3A_3486, %broadcast_in_dim3A_3459] : memref<64x128xf32, #tpu.memory_space<vmem>>[vector<16xi32>, vector<16xi32>], vector<16xf32>,
      %mul3A_3488 = arith.constant 8.000000e+00 : f32
      %mul3A_3489 = vector.broadcast %mul3A_3488 : f32 to vector<16xf32>
      %mul3A_3490 = arith.mulf %gather3A_3487, %mul3A_3489 : vector<16xf32>
      %mul3A_3491 = arith.constant 512 : i32
      %mul3A_3492 = vector.broadcast %mul3A_3491 : i32 to vector<16xi32>
      %mul3A_3493 = arith.muli %add3A_3486, %mul3A_3492 : vector<16xi32>
      %add3A_3494 = vector.broadcast %add3A_3452 : i32 to vector<16xi32>
      %add3A_3495 = arith.addi %mul3A_3493, %add3A_3494 : vector<16xi32>
      tpu.vector_store_idx %arg6[%add3A_3495], %mul3A_3490 : memref<32768xf32, #tpu.memory_space<vmem>>[vector<16xi32>], vector<16xf32>,
      %add3A_3496 = arith.constant 48 : i32
      %add3A_3497 = vector.broadcast %add3A_3496 : i32 to vector<16xi32>
      %add3A_3498 = arith.addi %iota3A, %add3A_3497 : vector<16xi32>
      %gather3A_3499 = tpu.vector_load_idx %arg16[%add3A_3498, %broadcast_in_dim3A_3459] : memref<64x128xf32, #tpu.memory_space<vmem>>[vector<16xi32>, vector<16xi32>], vector<16xf32>,
      %mul3A_3500 = arith.constant 8.000000e+00 : f32
      %mul3A_3501 = vector.broadcast %mul3A_3500 : f32 to vector<16xf32>
      %mul3A_3502 = arith.mulf %gather3A_3499, %mul3A_3501 : vector<16xf32>
      %mul3A_3503 = arith.constant 512 : i32
      %mul3A_3504 = vector.broadcast %mul3A_3503 : i32 to vector<16xi32>
      %mul3A_3505 = arith.muli %add3A_3498, %mul3A_3504 : vector<16xi32>
      %add3A_3506 = vector.broadcast %add3A_3452 : i32 to vector<16xi32>
      %add3A_3507 = arith.addi %mul3A_3505, %add3A_3506 : vector<16xi32>
      tpu.vector_store_idx %arg6[%add3A_3507], %mul3A_3502 : memref<32768xf32, #tpu.memory_space<vmem>>[vector<16xi32>], vector<16xf32>,
      %add3A_3508 = arith.constant 11 : i32
      %add3A_3509 = arith.addi %mul3A_2262, %add3A_3508 : i32
      %add3A_3510 = arith.constant 9 : i32
      %add3A_3511 = arith.addi %add3A_3509, %add3A_3510 : i32
      %jit3A_3512 = arith.constant 16 : i32
      %div3A_3513 = arith.divsi %add3A_3511, %jit3A_3512 : i32
      %sign3A_3514 = arith.constant 0 : i32
      %sign3A_3515 = arith.cmpi sgt, %add3A_3511, %sign3A_3514 : i32
      %sign3A_3516 = arith.extui %sign3A_3515 : i1 to i32
      %sign3A_3517 = arith.constant 0 : i32
      %sign3A_3518 = arith.cmpi slt, %add3A_3511, %sign3A_3517 : i32
      %sign3A_3519 = arith.extui %sign3A_3518 : i1 to i32
      %sign3A_3520 = arith.subi %sign3A_3516, %sign3A_3519 : i32
      %sign3A_3521 = arith.constant 0 : i32
      %sign3A_3522 = arith.cmpi sgt, %jit3A_3512, %sign3A_3521 : i32
      %sign3A_3523 = arith.extui %sign3A_3522 : i1 to i32
      %sign3A_3524 = arith.constant 0 : i32
      %sign3A_3525 = arith.cmpi slt, %jit3A_3512, %sign3A_3524 : i32
      %sign3A_3526 = arith.extui %sign3A_3525 : i1 to i32
      %sign3A_3527 = arith.subi %sign3A_3523, %sign3A_3526 : i32
      %ne3A_3528 = arith.cmpi ne, %sign3A_3520, %sign3A_3527 : i32
      %rem3A_3529 = arith.remsi %add3A_3511, %jit3A_3512 : i32
      %ne3A_3530 = arith.constant 0 : i32
      %ne3A_3531 = arith.cmpi ne, %rem3A_3529, %ne3A_3530 : i32
      %and3A_3532 = arith.andi %ne3A_3528, %ne3A_3531 : i1
      %sub3A_3533 = arith.constant 1 : i32
      %sub3A_3534 = arith.subi %div3A_3513, %sub3A_3533 : i32
      %select_n3A_3535 = arith.select %and3A_3532, %sub3A_3534, %div3A_3513 : i32
      %mul3A_3536 = arith.constant 16 : i32
      %mul3A_3537 = arith.muli %select_n3A_3535, %mul3A_3536 : i32
      %multiple_of3A_3538 = tpu.assume_multiple %mul3A_3537, 16 : i32
      %get3A_3539 = arith.index_cast %multiple_of3A_3538 : i32 to index
      %get3A_3540 = tpu.vector_load %arg5[%get3A_3539] {strides = array<i32>} : memref<512xi32, #tpu.memory_space<vmem>>, vector<16xi32>,
      %sub3A_3541 = arith.subi %add3A_3511, %multiple_of3A_3538 : i32
      %eq3A_3542 = vector.broadcast %sub3A_3541 : i32 to vector<16xi32>
      %eq3A_3543 = arith.cmpi eq, %iota3A, %eq3A_3542 : vector<16xi32>
      %jit3A_3544 = arith.constant 0 : i32
      %broadcast_in_dim3A_3545 = vector.broadcast %jit3A_3544 : i32 to vector<16xi32>
      %select_n3A_3546 = arith.select %eq3A_3543, %get3A_3540, %broadcast_in_dim3A_3545 : vector<16xi1>, vector<16xi32>
      %reduce_sum3A_3547 = arith.constant true
      %reduce_sum3A_3548 = vector.broadcast %reduce_sum3A_3547 : i1 to vector<16xi1>
      %reduce_sum3A_3549 = tpu.scan <sum>, %select_n3A_3546 masked %reduce_sum3A_3548 : vector<16xi32>, vector<16xi1> -> vector<16xi32>
      %reduce_sum3A_3550 = vector.extract %reduce_sum3A_3549[15] : i32 from vector<16xi32>
      %jit3A_3551 = arith.constant 128 : i32
      %div3A_3552 = arith.divsi %reduce_sum3A_3550, %jit3A_3551 : i32
      %sign3A_3553 = arith.constant 0 : i32
      %sign3A_3554 = arith.cmpi sgt, %reduce_sum3A_3550, %sign3A_3553 : i32
      %sign3A_3555 = arith.extui %sign3A_3554 : i1 to i32
      %sign3A_3556 = arith.constant 0 : i32
      %sign3A_3557 = arith.cmpi slt, %reduce_sum3A_3550, %sign3A_3556 : i32
      %sign3A_3558 = arith.extui %sign3A_3557 : i1 to i32
      %sign3A_3559 = arith.subi %sign3A_3555, %sign3A_3558 : i32
      %sign3A_3560 = arith.constant 0 : i32
      %sign3A_3561 = arith.cmpi sgt, %jit3A_3551, %sign3A_3560 : i32
      %sign3A_3562 = arith.extui %sign3A_3561 : i1 to i32
      %sign3A_3563 = arith.constant 0 : i32
      %sign3A_3564 = arith.cmpi slt, %jit3A_3551, %sign3A_3563 : i32
      %sign3A_3565 = arith.extui %sign3A_3564 : i1 to i32
      %sign3A_3566 = arith.subi %sign3A_3562, %sign3A_3565 : i32
      %ne3A_3567 = arith.cmpi ne, %sign3A_3559, %sign3A_3566 : i32
      %rem3A_3568 = arith.remsi %reduce_sum3A_3550, %jit3A_3551 : i32
      %ne3A_3569 = arith.constant 0 : i32
      %ne3A_3570 = arith.cmpi ne, %rem3A_3568, %ne3A_3569 : i32
      %and3A_3571 = arith.andi %ne3A_3567, %ne3A_3570 : i1
      %sub3A_3572 = arith.constant 1 : i32
      %sub3A_3573 = arith.subi %div3A_3552, %sub3A_3572 : i32
      %select_n3A_3574 = arith.select %and3A_3571, %sub3A_3573, %div3A_3552 : i32
      %mul3A_3575 = arith.constant 128 : i32
      %mul3A_3576 = arith.muli %select_n3A_3574, %mul3A_3575 : i32
      %multiple_of3A_3577 = tpu.assume_multiple %mul3A_3576, 128 : i32
      %dma_start3A_3578 = arith.constant 0 : i32
      %dma_start3A_3579 = tpu.memref_slice %arg3[%dma_start3A_3578, %multiple_of3A_3577] : memref<64x1000000xf32, #tpu.memory_space<hbm>> -> memref<64x128xf32, #tpu.memory_space<hbm>>
      %dma_start3A_3580 = arith.constant 0 : i32
      %dma_start3A_3581 = tpu.memref_slice %arg3[%dma_start3A_3580, %multiple_of3A_3577] : memref<64x1000000xf32, #tpu.memory_space<hbm>> -> memref<64x128xf32, #tpu.memory_space<hbm>>
      tpu.enqueue_dma source(%dma_start3A_3581 : memref<64x128xf32, #tpu.memory_space<hbm>>) target(%arg16 : memref<64x128xf32, #tpu.memory_space<vmem>>) target_semaphore(%arg27 : memref<!tpu.dma_semaphore, #tpu.memory_space<semaphore_mem>>)
      %sub3A_3582 = arith.subi %reduce_sum3A_3550, %multiple_of3A_3577 : i32
      %add3A_3583 = arith.constant 10 : i32
      %add3A_3584 = arith.addi %mul3A_2262, %add3A_3583 : i32
      %dma_wait3A_3585 = arith.constant 0 : i32
      %dma_wait3A_3586 = arith.constant 0 : i32
      %dma_wait3A_3587 = tpu.memref_slice %arg3[%dma_wait3A_3585, %dma_wait3A_3586] : memref<64x1000000xf32, #tpu.memory_space<hbm>> -> memref<64x128xf32, #tpu.memory_space<hbm>>
      %dma_wait3A_3588 = arith.constant 0 : i32
      %dma_wait3A_3589 = arith.constant 0 : i32
      %dma_wait3A_3590 = tpu.memref_slice %arg3[%dma_wait3A_3588, %dma_wait3A_3589] : memref<64x1000000xf32, #tpu.memory_space<hbm>> -> memref<64x128xf32, #tpu.memory_space<hbm>>
      tpu.wait_dma2 semaphore(%arg28 : memref<!tpu.dma_semaphore, #tpu.memory_space<semaphore_mem>>) src(%dma_wait3A_3590 : memref<64x128xf32, #tpu.memory_space<hbm>>) dst(%arg17 : memref<64x128xf32, #tpu.memory_space<vmem>>)
      %broadcast_in_dim3A_3591 = vector.broadcast %scan3A_2260 : i32 to vector<16xi32>
      %add3A_3592 = arith.constant 0 : i32
      %add3A_3593 = vector.broadcast %add3A_3592 : i32 to vector<16xi32>
      %add3A_3594 = arith.addi %iota3A, %add3A_3593 : vector<16xi32>
      %gather3A_3595 = tpu.vector_load_idx %arg17[%add3A_3594, %broadcast_in_dim3A_3591] : memref<64x128xf32, #tpu.memory_space<vmem>>[vector<16xi32>, vector<16xi32>], vector<16xf32>,
      %mul3A_3596 = arith.constant 8.000000e+00 : f32
      %mul3A_3597 = vector.broadcast %mul3A_3596 : f32 to vector<16xf32>
      %mul3A_3598 = arith.mulf %gather3A_3595, %mul3A_3597 : vector<16xf32>
      %mul3A_3599 = arith.constant 512 : i32
      %mul3A_3600 = vector.broadcast %mul3A_3599 : i32 to vector<16xi32>
      %mul3A_3601 = arith.muli %add3A_3594, %mul3A_3600 : vector<16xi32>
      %add3A_3602 = vector.broadcast %add3A_3584 : i32 to vector<16xi32>
      %add3A_3603 = arith.addi %mul3A_3601, %add3A_3602 : vector<16xi32>
      tpu.vector_store_idx %arg6[%add3A_3603], %mul3A_3598 : memref<32768xf32, #tpu.memory_space<vmem>>[vector<16xi32>], vector<16xf32>,
      %add3A_3604 = arith.constant 16 : i32
      %add3A_3605 = vector.broadcast %add3A_3604 : i32 to vector<16xi32>
      %add3A_3606 = arith.addi %iota3A, %add3A_3605 : vector<16xi32>
      %gather3A_3607 = tpu.vector_load_idx %arg17[%add3A_3606, %broadcast_in_dim3A_3591] : memref<64x128xf32, #tpu.memory_space<vmem>>[vector<16xi32>, vector<16xi32>], vector<16xf32>,
      %mul3A_3608 = arith.constant 8.000000e+00 : f32
      %mul3A_3609 = vector.broadcast %mul3A_3608 : f32 to vector<16xf32>
      %mul3A_3610 = arith.mulf %gather3A_3607, %mul3A_3609 : vector<16xf32>
      %mul3A_3611 = arith.constant 512 : i32
      %mul3A_3612 = vector.broadcast %mul3A_3611 : i32 to vector<16xi32>
      %mul3A_3613 = arith.muli %add3A_3606, %mul3A_3612 : vector<16xi32>
      %add3A_3614 = vector.broadcast %add3A_3584 : i32 to vector<16xi32>
      %add3A_3615 = arith.addi %mul3A_3613, %add3A_3614 : vector<16xi32>
      tpu.vector_store_idx %arg6[%add3A_3615], %mul3A_3610 : memref<32768xf32, #tpu.memory_space<vmem>>[vector<16xi32>], vector<16xf32>,
      %add3A_3616 = arith.constant 32 : i32
      %add3A_3617 = vector.broadcast %add3A_3616 : i32 to vector<16xi32>
      %add3A_3618 = arith.addi %iota3A, %add3A_3617 : vector<16xi32>
      %gather3A_3619 = tpu.vector_load_idx %arg17[%add3A_3618, %broadcast_in_dim3A_3591] : memref<64x128xf32, #tpu.memory_space<vmem>>[vector<16xi32>, vector<16xi32>], vector<16xf32>,
      %mul3A_3620 = arith.constant 8.000000e+00 : f32
      %mul3A_3621 = vector.broadcast %mul3A_3620 : f32 to vector<16xf32>
      %mul3A_3622 = arith.mulf %gather3A_3619, %mul3A_3621 : vector<16xf32>
      %mul3A_3623 = arith.constant 512 : i32
      %mul3A_3624 = vector.broadcast %mul3A_3623 : i32 to vector<16xi32>
      %mul3A_3625 = arith.muli %add3A_3618, %mul3A_3624 : vector<16xi32>
      %add3A_3626 = vector.broadcast %add3A_3584 : i32 to vector<16xi32>
      %add3A_3627 = arith.addi %mul3A_3625, %add3A_3626 : vector<16xi32>
      tpu.vector_store_idx %arg6[%add3A_3627], %mul3A_3622 : memref<32768xf32, #tpu.memory_space<vmem>>[vector<16xi32>], vector<16xf32>,
      %add3A_3628 = arith.constant 48 : i32
      %add3A_3629 = vector.broadcast %add3A_3628 : i32 to vector<16xi32>
      %add3A_3630 = arith.addi %iota3A, %add3A_3629 : vector<16xi32>
      %gather3A_3631 = tpu.vector_load_idx %arg17[%add3A_3630, %broadcast_in_dim3A_3591] : memref<64x128xf32, #tpu.memory_space<vmem>>[vector<16xi32>, vector<16xi32>], vector<16xf32>,
      %mul3A_3632 = arith.constant 8.000000e+00 : f32
      %mul3A_3633 = vector.broadcast %mul3A_3632 : f32 to vector<16xf32>
      %mul3A_3634 = arith.mulf %gather3A_3631, %mul3A_3633 : vector<16xf32>
      %mul3A_3635 = arith.constant 512 : i32
      %mul3A_3636 = vector.broadcast %mul3A_3635 : i32 to vector<16xi32>
      %mul3A_3637 = arith.muli %add3A_3630, %mul3A_3636 : vector<16xi32>
      %add3A_3638 = vector.broadcast %add3A_3584 : i32 to vector<16xi32>
      %add3A_3639 = arith.addi %mul3A_3637, %add3A_3638 : vector<16xi32>
      tpu.vector_store_idx %arg6[%add3A_3639], %mul3A_3634 : memref<32768xf32, #tpu.memory_space<vmem>>[vector<16xi32>], vector<16xf32>,
      %add3A_3640 = arith.constant 11 : i32
      %add3A_3641 = arith.addi %mul3A_2262, %add3A_3640 : i32
      %add3A_3642 = arith.constant 10 : i32
      %add3A_3643 = arith.addi %add3A_3641, %add3A_3642 : i32
      %jit3A_3644 = arith.constant 16 : i32
      %div3A_3645 = arith.divsi %add3A_3643, %jit3A_3644 : i32
      %sign3A_3646 = arith.constant 0 : i32
      %sign3A_3647 = arith.cmpi sgt, %add3A_3643, %sign3A_3646 : i32
      %sign3A_3648 = arith.extui %sign3A_3647 : i1 to i32
      %sign3A_3649 = arith.constant 0 : i32
      %sign3A_3650 = arith.cmpi slt, %add3A_3643, %sign3A_3649 : i32
      %sign3A_3651 = arith.extui %sign3A_3650 : i1 to i32
      %sign3A_3652 = arith.subi %sign3A_3648, %sign3A_3651 : i32
      %sign3A_3653 = arith.constant 0 : i32
      %sign3A_3654 = arith.cmpi sgt, %jit3A_3644, %sign3A_3653 : i32
      %sign3A_3655 = arith.extui %sign3A_3654 : i1 to i32
      %sign3A_3656 = arith.constant 0 : i32
      %sign3A_3657 = arith.cmpi slt, %jit3A_3644, %sign3A_3656 : i32
      %sign3A_3658 = arith.extui %sign3A_3657 : i1 to i32
      %sign3A_3659 = arith.subi %sign3A_3655, %sign3A_3658 : i32
      %ne3A_3660 = arith.cmpi ne, %sign3A_3652, %sign3A_3659 : i32
      %rem3A_3661 = arith.remsi %add3A_3643, %jit3A_3644 : i32
      %ne3A_3662 = arith.constant 0 : i32
      %ne3A_3663 = arith.cmpi ne, %rem3A_3661, %ne3A_3662 : i32
      %and3A_3664 = arith.andi %ne3A_3660, %ne3A_3663 : i1
      %sub3A_3665 = arith.constant 1 : i32
      %sub3A_3666 = arith.subi %div3A_3645, %sub3A_3665 : i32
      %select_n3A_3667 = arith.select %and3A_3664, %sub3A_3666, %div3A_3645 : i32
      %mul3A_3668 = arith.constant 16 : i32
      %mul3A_3669 = arith.muli %select_n3A_3667, %mul3A_3668 : i32
      %multiple_of3A_3670 = tpu.assume_multiple %mul3A_3669, 16 : i32
      %get3A_3671 = arith.index_cast %multiple_of3A_3670 : i32 to index
      %get3A_3672 = tpu.vector_load %arg5[%get3A_3671] {strides = array<i32>} : memref<512xi32, #tpu.memory_space<vmem>>, vector<16xi32>,
      %sub3A_3673 = arith.subi %add3A_3643, %multiple_of3A_3670 : i32
      %eq3A_3674 = vector.broadcast %sub3A_3673 : i32 to vector<16xi32>
      %eq3A_3675 = arith.cmpi eq, %iota3A, %eq3A_3674 : vector<16xi32>
      %jit3A_3676 = arith.constant 0 : i32
      %broadcast_in_dim3A_3677 = vector.broadcast %jit3A_3676 : i32 to vector<16xi32>
      %select_n3A_3678 = arith.select %eq3A_3675, %get3A_3672, %broadcast_in_dim3A_3677 : vector<16xi1>, vector<16xi32>
      %reduce_sum3A_3679 = arith.constant true
      %reduce_sum3A_3680 = vector.broadcast %reduce_sum3A_3679 : i1 to vector<16xi1>
      %reduce_sum3A_3681 = tpu.scan <sum>, %select_n3A_3678 masked %reduce_sum3A_3680 : vector<16xi32>, vector<16xi1> -> vector<16xi32>
      %reduce_sum3A_3682 = vector.extract %reduce_sum3A_3681[15] : i32 from vector<16xi32>
      %jit3A_3683 = arith.constant 128 : i32
      %div3A_3684 = arith.divsi %reduce_sum3A_3682, %jit3A_3683 : i32
      %sign3A_3685 = arith.constant 0 : i32
      %sign3A_3686 = arith.cmpi sgt, %reduce_sum3A_3682, %sign3A_3685 : i32
      %sign3A_3687 = arith.extui %sign3A_3686 : i1 to i32
      %sign3A_3688 = arith.constant 0 : i32
      %sign3A_3689 = arith.cmpi slt, %reduce_sum3A_3682, %sign3A_3688 : i32
      %sign3A_3690 = arith.extui %sign3A_3689 : i1 to i32
      %sign3A_3691 = arith.subi %sign3A_3687, %sign3A_3690 : i32
      %sign3A_3692 = arith.constant 0 : i32
      %sign3A_3693 = arith.cmpi sgt, %jit3A_3683, %sign3A_3692 : i32
      %sign3A_3694 = arith.extui %sign3A_3693 : i1 to i32
      %sign3A_3695 = arith.constant 0 : i32
      %sign3A_3696 = arith.cmpi slt, %jit3A_3683, %sign3A_3695 : i32
      %sign3A_3697 = arith.extui %sign3A_3696 : i1 to i32
      %sign3A_3698 = arith.subi %sign3A_3694, %sign3A_3697 : i32
      %ne3A_3699 = arith.cmpi ne, %sign3A_3691, %sign3A_3698 : i32
      %rem3A_3700 = arith.remsi %reduce_sum3A_3682, %jit3A_3683 : i32
      %ne3A_3701 = arith.constant 0 : i32
      %ne3A_3702 = arith.cmpi ne, %rem3A_3700, %ne3A_3701 : i32
      %and3A_3703 = arith.andi %ne3A_3699, %ne3A_3702 : i1
      %sub3A_3704 = arith.constant 1 : i32
      %sub3A_3705 = arith.subi %div3A_3684, %sub3A_3704 : i32
      %select_n3A_3706 = arith.select %and3A_3703, %sub3A_3705, %div3A_3684 : i32
      %mul3A_3707 = arith.constant 128 : i32
      %mul3A_3708 = arith.muli %select_n3A_3706, %mul3A_3707 : i32
      %multiple_of3A_3709 = tpu.assume_multiple %mul3A_3708, 128 : i32
      %dma_start3A_3710 = arith.constant 0 : i32
      %dma_start3A_3711 = tpu.memref_slice %arg3[%dma_start3A_3710, %multiple_of3A_3709] : memref<64x1000000xf32, #tpu.memory_space<hbm>> -> memref<64x128xf32, #tpu.memory_space<hbm>>
      %dma_start3A_3712 = arith.constant 0 : i32
      %dma_start3A_3713 = tpu.memref_slice %arg3[%dma_start3A_3712, %multiple_of3A_3709] : memref<64x1000000xf32, #tpu.memory_space<hbm>> -> memref<64x128xf32, #tpu.memory_space<hbm>>
      tpu.enqueue_dma source(%dma_start3A_3713 : memref<64x128xf32, #tpu.memory_space<hbm>>) target(%arg17 : memref<64x128xf32, #tpu.memory_space<vmem>>) target_semaphore(%arg28 : memref<!tpu.dma_semaphore, #tpu.memory_space<semaphore_mem>>)
      %sub3A_3714 = arith.subi %reduce_sum3A_3682, %multiple_of3A_3709 : i32
      scf.yield %sub3A_2394, %sub3A_2526, %sub3A_2658, %sub3A_2790, %sub3A_2922, %sub3A_3054, %sub3A_3186, %sub3A_3318, %sub3A_3450, %sub3A_3582, %sub3A_3714 : i32, i32, i32, i32, i32, i32, i32, i32, i32, i32, i32
    }
    %scan3A_797 = arith.constant 45 : i32
    %dma_wait3A = arith.constant 0 : i32
    %dma_wait3A_798 = arith.constant 0 : i32
    %dma_wait3A_799 = tpu.memref_slice %arg3[%dma_wait3A, %dma_wait3A_798] : memref<64x1000000xf32, #tpu.memory_space<hbm>> -> memref<64x128xf32, #tpu.memory_space<hbm>>
    %dma_wait3A_800 = arith.constant 0 : i32
    %dma_wait3A_801 = arith.constant 0 : i32
    %dma_wait3A_802 = tpu.memref_slice %arg3[%dma_wait3A_800, %dma_wait3A_801] : memref<64x1000000xf32, #tpu.memory_space<hbm>> -> memref<64x128xf32, #tpu.memory_space<hbm>>
    tpu.wait_dma2 semaphore(%arg18 : memref<!tpu.dma_semaphore, #tpu.memory_space<semaphore_mem>>) src(%dma_wait3A_802 : memref<64x128xf32, #tpu.memory_space<hbm>>) dst(%arg7 : memref<64x128xf32, #tpu.memory_space<vmem>>)
    %broadcast_in_dim3A_803 = vector.broadcast %scan3A_796#0 : i32 to vector<16xi32>
    %add3A_804 = arith.constant 0 : i32
    %add3A_805 = vector.broadcast %add3A_804 : i32 to vector<16xi32>
    %add3A_806 = arith.addi %iota3A, %add3A_805 : vector<16xi32>
    %gather3A = tpu.vector_load_idx %arg7[%add3A_806, %broadcast_in_dim3A_803] : memref<64x128xf32, #tpu.memory_space<vmem>>[vector<16xi32>, vector<16xi32>], vector<16xf32>,
    %mul3A_807 = arith.constant 8.000000e+00 : f32
    %mul3A_808 = vector.broadcast %mul3A_807 : f32 to vector<16xf32>
    %mul3A_809 = arith.mulf %gather3A, %mul3A_808 : vector<16xf32>
    %mul3A_810 = arith.constant 512 : i32
    %mul3A_811 = vector.broadcast %mul3A_810 : i32 to vector<16xi32>
    %mul3A_812 = arith.muli %add3A_806, %mul3A_811 : vector<16xi32>
    %add3A_813 = arith.constant 495 : i32
    %add3A_814 = vector.broadcast %add3A_813 : i32 to vector<16xi32>
    %add3A_815 = arith.addi %mul3A_812, %add3A_814 : vector<16xi32>
    tpu.vector_store_idx %arg6[%add3A_815], %mul3A_809 : memref<32768xf32, #tpu.memory_space<vmem>>[vector<16xi32>], vector<16xf32>,
    %add3A_816 = arith.constant 16 : i32
    %add3A_817 = vector.broadcast %add3A_816 : i32 to vector<16xi32>
    %add3A_818 = arith.addi %iota3A, %add3A_817 : vector<16xi32>
    %gather3A_819 = tpu.vector_load_idx %arg7[%add3A_818, %broadcast_in_dim3A_803] : memref<64x128xf32, #tpu.memory_space<vmem>>[vector<16xi32>, vector<16xi32>], vector<16xf32>,
    %mul3A_820 = arith.constant 8.000000e+00 : f32
    %mul3A_821 = vector.broadcast %mul3A_820 : f32 to vector<16xf32>
    %mul3A_822 = arith.mulf %gather3A_819, %mul3A_821 : vector<16xf32>
    %mul3A_823 = arith.constant 512 : i32
    %mul3A_824 = vector.broadcast %mul3A_823 : i32 to vector<16xi32>
    %mul3A_825 = arith.muli %add3A_818, %mul3A_824 : vector<16xi32>
    %add3A_826 = arith.constant 495 : i32
    %add3A_827 = vector.broadcast %add3A_826 : i32 to vector<16xi32>
    %add3A_828 = arith.addi %mul3A_825, %add3A_827 : vector<16xi32>
    tpu.vector_store_idx %arg6[%add3A_828], %mul3A_822 : memref<32768xf32, #tpu.memory_space<vmem>>[vector<16xi32>], vector<16xf32>,
    %add3A_829 = arith.constant 32 : i32
    %add3A_830 = vector.broadcast %add3A_829 : i32 to vector<16xi32>
    %add3A_831 = arith.addi %iota3A, %add3A_830 : vector<16xi32>
    %gather3A_832 = tpu.vector_load_idx %arg7[%add3A_831, %broadcast_in_dim3A_803] : memref<64x128xf32, #tpu.memory_space<vmem>>[vector<16xi32>, vector<16xi32>], vector<16xf32>,
    %mul3A_833 = arith.constant 8.000000e+00 : f32
    %mul3A_834 = vector.broadcast %mul3A_833 : f32 to vector<16xf32>
    %mul3A_835 = arith.mulf %gather3A_832, %mul3A_834 : vector<16xf32>
    %mul3A_836 = arith.constant 512 : i32
    %mul3A_837 = vector.broadcast %mul3A_836 : i32 to vector<16xi32>
    %mul3A_838 = arith.muli %add3A_831, %mul3A_837 : vector<16xi32>
    %add3A_839 = arith.constant 495 : i32
    %add3A_840 = vector.broadcast %add3A_839 : i32 to vector<16xi32>
    %add3A_841 = arith.addi %mul3A_838, %add3A_840 : vector<16xi32>
    tpu.vector_store_idx %arg6[%add3A_841], %mul3A_835 : memref<32768xf32, #tpu.memory_space<vmem>>[vector<16xi32>], vector<16xf32>,
    %add3A_842 = arith.constant 48 : i32
    %add3A_843 = vector.broadcast %add3A_842 : i32 to vector<16xi32>
    %add3A_844 = arith.addi %iota3A, %add3A_843 : vector<16xi32>
    %gather3A_845 = tpu.vector_load_idx %arg7[%add3A_844, %broadcast_in_dim3A_803] : memref<64x128xf32, #tpu.memory_space<vmem>>[vector<16xi32>, vector<16xi32>], vector<16xf32>,
    %mul3A_846 = arith.constant 8.000000e+00 : f32
    %mul3A_847 = vector.broadcast %mul3A_846 : f32 to vector<16xf32>
    %mul3A_848 = arith.mulf %gather3A_845, %mul3A_847 : vector<16xf32>
    %mul3A_849 = arith.constant 512 : i32
    %mul3A_850 = vector.broadcast %mul3A_849 : i32 to vector<16xi32>
    %mul3A_851 = arith.muli %add3A_844, %mul3A_850 : vector<16xi32>
    %add3A_852 = arith.constant 495 : i32
    %add3A_853 = vector.broadcast %add3A_852 : i32 to vector<16xi32>
    %add3A_854 = arith.addi %mul3A_851, %add3A_853 : vector<16xi32>
    tpu.vector_store_idx %arg6[%add3A_854], %mul3A_848 : memref<32768xf32, #tpu.memory_space<vmem>>[vector<16xi32>], vector<16xf32>,
    %dma_wait3A_855 = arith.constant 0 : i32
    %dma_wait3A_856 = arith.constant 0 : i32
    %dma_wait3A_857 = tpu.memref_slice %arg3[%dma_wait3A_855, %dma_wait3A_856] : memref<64x1000000xf32, #tpu.memory_space<hbm>> -> memref<64x128xf32, #tpu.memory_space<hbm>>
    %dma_wait3A_858 = arith.constant 0 : i32
    %dma_wait3A_859 = arith.constant 0 : i32
    %dma_wait3A_860 = tpu.memref_slice %arg3[%dma_wait3A_858, %dma_wait3A_859] : memref<64x1000000xf32, #tpu.memory_space<hbm>> -> memref<64x128xf32, #tpu.memory_space<hbm>>
    tpu.wait_dma2 semaphore(%arg19 : memref<!tpu.dma_semaphore, #tpu.memory_space<semaphore_mem>>) src(%dma_wait3A_860 : memref<64x128xf32, #tpu.memory_space<hbm>>) dst(%arg8 : memref<64x128xf32, #tpu.memory_space<vmem>>)
    %broadcast_in_dim3A_861 = vector.broadcast %scan3A_796#1 : i32 to vector<16xi32>
    %add3A_862 = arith.constant 0 : i32
    %add3A_863 = vector.broadcast %add3A_862 : i32 to vector<16xi32>
    %add3A_864 = arith.addi %iota3A, %add3A_863 : vector<16xi32>
    %gather3A_865 = tpu.vector_load_idx %arg8[%add3A_864, %broadcast_in_dim3A_861] : memref<64x128xf32, #tpu.memory_space<vmem>>[vector<16xi32>, vector<16xi32>], vector<16xf32>,
    %mul3A_866 = arith.constant 8.000000e+00 : f32
    %mul3A_867 = vector.broadcast %mul3A_866 : f32 to vector<16xf32>
    %mul3A_868 = arith.mulf %gather3A_865, %mul3A_867 : vector<16xf32>
    %mul3A_869 = arith.constant 512 : i32
    %mul3A_870 = vector.broadcast %mul3A_869 : i32 to vector<16xi32>
    %mul3A_871 = arith.muli %add3A_864, %mul3A_870 : vector<16xi32>
    %add3A_872 = arith.constant 496 : i32
    %add3A_873 = vector.broadcast %add3A_872 : i32 to vector<16xi32>
    %add3A_874 = arith.addi %mul3A_871, %add3A_873 : vector<16xi32>
    tpu.vector_store_idx %arg6[%add3A_874], %mul3A_868 : memref<32768xf32, #tpu.memory_space<vmem>>[vector<16xi32>], vector<16xf32>,
    %add3A_875 = arith.constant 16 : i32
    %add3A_876 = vector.broadcast %add3A_875 : i32 to vector<16xi32>
    %add3A_877 = arith.addi %iota3A, %add3A_876 : vector<16xi32>
    %gather3A_878 = tpu.vector_load_idx %arg8[%add3A_877, %broadcast_in_dim3A_861] : memref<64x128xf32, #tpu.memory_space<vmem>>[vector<16xi32>, vector<16xi32>], vector<16xf32>,
    %mul3A_879 = arith.constant 8.000000e+00 : f32
    %mul3A_880 = vector.broadcast %mul3A_879 : f32 to vector<16xf32>
    %mul3A_881 = arith.mulf %gather3A_878, %mul3A_880 : vector<16xf32>
    %mul3A_882 = arith.constant 512 : i32
    %mul3A_883 = vector.broadcast %mul3A_882 : i32 to vector<16xi32>
    %mul3A_884 = arith.muli %add3A_877, %mul3A_883 : vector<16xi32>
    %add3A_885 = arith.constant 496 : i32
    %add3A_886 = vector.broadcast %add3A_885 : i32 to vector<16xi32>
    %add3A_887 = arith.addi %mul3A_884, %add3A_886 : vector<16xi32>
    tpu.vector_store_idx %arg6[%add3A_887], %mul3A_881 : memref<32768xf32, #tpu.memory_space<vmem>>[vector<16xi32>], vector<16xf32>,
    %add3A_888 = arith.constant 32 : i32
    %add3A_889 = vector.broadcast %add3A_888 : i32 to vector<16xi32>
    %add3A_890 = arith.addi %iota3A, %add3A_889 : vector<16xi32>
    %gather3A_891 = tpu.vector_load_idx %arg8[%add3A_890, %broadcast_in_dim3A_861] : memref<64x128xf32, #tpu.memory_space<vmem>>[vector<16xi32>, vector<16xi32>], vector<16xf32>,
    %mul3A_892 = arith.constant 8.000000e+00 : f32
    %mul3A_893 = vector.broadcast %mul3A_892 : f32 to vector<16xf32>
    %mul3A_894 = arith.mulf %gather3A_891, %mul3A_893 : vector<16xf32>
    %mul3A_895 = arith.constant 512 : i32
    %mul3A_896 = vector.broadcast %mul3A_895 : i32 to vector<16xi32>
    %mul3A_897 = arith.muli %add3A_890, %mul3A_896 : vector<16xi32>
    %add3A_898 = arith.constant 496 : i32
    %add3A_899 = vector.broadcast %add3A_898 : i32 to vector<16xi32>
    %add3A_900 = arith.addi %mul3A_897, %add3A_899 : vector<16xi32>
    tpu.vector_store_idx %arg6[%add3A_900], %mul3A_894 : memref<32768xf32, #tpu.memory_space<vmem>>[vector<16xi32>], vector<16xf32>,
    %add3A_901 = arith.constant 48 : i32
    %add3A_902 = vector.broadcast %add3A_901 : i32 to vector<16xi32>
    %add3A_903 = arith.addi %iota3A, %add3A_902 : vector<16xi32>
    %gather3A_904 = tpu.vector_load_idx %arg8[%add3A_903, %broadcast_in_dim3A_861] : memref<64x128xf32, #tpu.memory_space<vmem>>[vector<16xi32>, vector<16xi32>], vector<16xf32>,
    %mul3A_905 = arith.constant 8.000000e+00 : f32
    %mul3A_906 = vector.broadcast %mul3A_905 : f32 to vector<16xf32>
    %mul3A_907 = arith.mulf %gather3A_904, %mul3A_906 : vector<16xf32>
    %mul3A_908 = arith.constant 512 : i32
    %mul3A_909 = vector.broadcast %mul3A_908 : i32 to vector<16xi32>
    %mul3A_910 = arith.muli %add3A_903, %mul3A_909 : vector<16xi32>
    %add3A_911 = arith.constant 496 : i32
    %add3A_912 = vector.broadcast %add3A_911 : i32 to vector<16xi32>
    %add3A_913 = arith.addi %mul3A_910, %add3A_912 : vector<16xi32>
    tpu.vector_store_idx %arg6[%add3A_913], %mul3A_907 : memref<32768xf32, #tpu.memory_space<vmem>>[vector<16xi32>], vector<16xf32>,
    %dma_wait3A_914 = arith.constant 0 : i32
    %dma_wait3A_915 = arith.constant 0 : i32
    %dma_wait3A_916 = tpu.memref_slice %arg3[%dma_wait3A_914, %dma_wait3A_915] : memref<64x1000000xf32, #tpu.memory_space<hbm>> -> memref<64x128xf32, #tpu.memory_space<hbm>>
    %dma_wait3A_917 = arith.constant 0 : i32
    %dma_wait3A_918 = arith.constant 0 : i32
    %dma_wait3A_919 = tpu.memref_slice %arg3[%dma_wait3A_917, %dma_wait3A_918] : memref<64x1000000xf32, #tpu.memory_space<hbm>> -> memref<64x128xf32, #tpu.memory_space<hbm>>
    tpu.wait_dma2 semaphore(%arg20 : memref<!tpu.dma_semaphore, #tpu.memory_space<semaphore_mem>>) src(%dma_wait3A_919 : memref<64x128xf32, #tpu.memory_space<hbm>>) dst(%arg9 : memref<64x128xf32, #tpu.memory_space<vmem>>)
    %broadcast_in_dim3A_920 = vector.broadcast %scan3A_796#2 : i32 to vector<16xi32>
    %add3A_921 = arith.constant 0 : i32
    %add3A_922 = vector.broadcast %add3A_921 : i32 to vector<16xi32>
    %add3A_923 = arith.addi %iota3A, %add3A_922 : vector<16xi32>
    %gather3A_924 = tpu.vector_load_idx %arg9[%add3A_923, %broadcast_in_dim3A_920] : memref<64x128xf32, #tpu.memory_space<vmem>>[vector<16xi32>, vector<16xi32>], vector<16xf32>,
    %mul3A_925 = arith.constant 8.000000e+00 : f32
    %mul3A_926 = vector.broadcast %mul3A_925 : f32 to vector<16xf32>
    %mul3A_927 = arith.mulf %gather3A_924, %mul3A_926 : vector<16xf32>
    %mul3A_928 = arith.constant 512 : i32
    %mul3A_929 = vector.broadcast %mul3A_928 : i32 to vector<16xi32>
    %mul3A_930 = arith.muli %add3A_923, %mul3A_929 : vector<16xi32>
    %add3A_931 = arith.constant 497 : i32
    %add3A_932 = vector.broadcast %add3A_931 : i32 to vector<16xi32>
    %add3A_933 = arith.addi %mul3A_930, %add3A_932 : vector<16xi32>
    tpu.vector_store_idx %arg6[%add3A_933], %mul3A_927 : memref<32768xf32, #tpu.memory_space<vmem>>[vector<16xi32>], vector<16xf32>,
    %add3A_934 = arith.constant 16 : i32
    %add3A_935 = vector.broadcast %add3A_934 : i32 to vector<16xi32>
    %add3A_936 = arith.addi %iota3A, %add3A_935 : vector<16xi32>
    %gather3A_937 = tpu.vector_load_idx %arg9[%add3A_936, %broadcast_in_dim3A_920] : memref<64x128xf32, #tpu.memory_space<vmem>>[vector<16xi32>, vector<16xi32>], vector<16xf32>,
    %mul3A_938 = arith.constant 8.000000e+00 : f32
    %mul3A_939 = vector.broadcast %mul3A_938 : f32 to vector<16xf32>
    %mul3A_940 = arith.mulf %gather3A_937, %mul3A_939 : vector<16xf32>
    %mul3A_941 = arith.constant 512 : i32
    %mul3A_942 = vector.broadcast %mul3A_941 : i32 to vector<16xi32>
    %mul3A_943 = arith.muli %add3A_936, %mul3A_942 : vector<16xi32>
    %add3A_944 = arith.constant 497 : i32
    %add3A_945 = vector.broadcast %add3A_944 : i32 to vector<16xi32>
    %add3A_946 = arith.addi %mul3A_943, %add3A_945 : vector<16xi32>
    tpu.vector_store_idx %arg6[%add3A_946], %mul3A_940 : memref<32768xf32, #tpu.memory_space<vmem>>[vector<16xi32>], vector<16xf32>,
    %add3A_947 = arith.constant 32 : i32
    %add3A_948 = vector.broadcast %add3A_947 : i32 to vector<16xi32>
    %add3A_949 = arith.addi %iota3A, %add3A_948 : vector<16xi32>
    %gather3A_950 = tpu.vector_load_idx %arg9[%add3A_949, %broadcast_in_dim3A_920] : memref<64x128xf32, #tpu.memory_space<vmem>>[vector<16xi32>, vector<16xi32>], vector<16xf32>,
    %mul3A_951 = arith.constant 8.000000e+00 : f32
    %mul3A_952 = vector.broadcast %mul3A_951 : f32 to vector<16xf32>
    %mul3A_953 = arith.mulf %gather3A_950, %mul3A_952 : vector<16xf32>
    %mul3A_954 = arith.constant 512 : i32
    %mul3A_955 = vector.broadcast %mul3A_954 : i32 to vector<16xi32>
    %mul3A_956 = arith.muli %add3A_949, %mul3A_955 : vector<16xi32>
    %add3A_957 = arith.constant 497 : i32
    %add3A_958 = vector.broadcast %add3A_957 : i32 to vector<16xi32>
    %add3A_959 = arith.addi %mul3A_956, %add3A_958 : vector<16xi32>
    tpu.vector_store_idx %arg6[%add3A_959], %mul3A_953 : memref<32768xf32, #tpu.memory_space<vmem>>[vector<16xi32>], vector<16xf32>,
    %add3A_960 = arith.constant 48 : i32
    %add3A_961 = vector.broadcast %add3A_960 : i32 to vector<16xi32>
    %add3A_962 = arith.addi %iota3A, %add3A_961 : vector<16xi32>
    %gather3A_963 = tpu.vector_load_idx %arg9[%add3A_962, %broadcast_in_dim3A_920] : memref<64x128xf32, #tpu.memory_space<vmem>>[vector<16xi32>, vector<16xi32>], vector<16xf32>,
    %mul3A_964 = arith.constant 8.000000e+00 : f32
    %mul3A_965 = vector.broadcast %mul3A_964 : f32 to vector<16xf32>
    %mul3A_966 = arith.mulf %gather3A_963, %mul3A_965 : vector<16xf32>
    %mul3A_967 = arith.constant 512 : i32
    %mul3A_968 = vector.broadcast %mul3A_967 : i32 to vector<16xi32>
    %mul3A_969 = arith.muli %add3A_962, %mul3A_968 : vector<16xi32>
    %add3A_970 = arith.constant 497 : i32
    %add3A_971 = vector.broadcast %add3A_970 : i32 to vector<16xi32>
    %add3A_972 = arith.addi %mul3A_969, %add3A_971 : vector<16xi32>
    tpu.vector_store_idx %arg6[%add3A_972], %mul3A_966 : memref<32768xf32, #tpu.memory_space<vmem>>[vector<16xi32>], vector<16xf32>,
    %dma_wait3A_973 = arith.constant 0 : i32
    %dma_wait3A_974 = arith.constant 0 : i32
    %dma_wait3A_975 = tpu.memref_slice %arg3[%dma_wait3A_973, %dma_wait3A_974] : memref<64x1000000xf32, #tpu.memory_space<hbm>> -> memref<64x128xf32, #tpu.memory_space<hbm>>
    %dma_wait3A_976 = arith.constant 0 : i32
    %dma_wait3A_977 = arith.constant 0 : i32
    %dma_wait3A_978 = tpu.memref_slice %arg3[%dma_wait3A_976, %dma_wait3A_977] : memref<64x1000000xf32, #tpu.memory_space<hbm>> -> memref<64x128xf32, #tpu.memory_space<hbm>>
    tpu.wait_dma2 semaphore(%arg21 : memref<!tpu.dma_semaphore, #tpu.memory_space<semaphore_mem>>) src(%dma_wait3A_978 : memref<64x128xf32, #tpu.memory_space<hbm>>) dst(%arg10 : memref<64x128xf32, #tpu.memory_space<vmem>>)
    %broadcast_in_dim3A_979 = vector.broadcast %scan3A_796#3 : i32 to vector<16xi32>
    %add3A_980 = arith.constant 0 : i32
    %add3A_981 = vector.broadcast %add3A_980 : i32 to vector<16xi32>
    %add3A_982 = arith.addi %iota3A, %add3A_981 : vector<16xi32>
    %gather3A_983 = tpu.vector_load_idx %arg10[%add3A_982, %broadcast_in_dim3A_979] : memref<64x128xf32, #tpu.memory_space<vmem>>[vector<16xi32>, vector<16xi32>], vector<16xf32>,
    %mul3A_984 = arith.constant 8.000000e+00 : f32
    %mul3A_985 = vector.broadcast %mul3A_984 : f32 to vector<16xf32>
    %mul3A_986 = arith.mulf %gather3A_983, %mul3A_985 : vector<16xf32>
    %mul3A_987 = arith.constant 512 : i32
    %mul3A_988 = vector.broadcast %mul3A_987 : i32 to vector<16xi32>
    %mul3A_989 = arith.muli %add3A_982, %mul3A_988 : vector<16xi32>
    %add3A_990 = arith.constant 498 : i32
    %add3A_991 = vector.broadcast %add3A_990 : i32 to vector<16xi32>
    %add3A_992 = arith.addi %mul3A_989, %add3A_991 : vector<16xi32>
    tpu.vector_store_idx %arg6[%add3A_992], %mul3A_986 : memref<32768xf32, #tpu.memory_space<vmem>>[vector<16xi32>], vector<16xf32>,
    %add3A_993 = arith.constant 16 : i32
    %add3A_994 = vector.broadcast %add3A_993 : i32 to vector<16xi32>
    %add3A_995 = arith.addi %iota3A, %add3A_994 : vector<16xi32>
    %gather3A_996 = tpu.vector_load_idx %arg10[%add3A_995, %broadcast_in_dim3A_979] : memref<64x128xf32, #tpu.memory_space<vmem>>[vector<16xi32>, vector<16xi32>], vector<16xf32>,
    %mul3A_997 = arith.constant 8.000000e+00 : f32
    %mul3A_998 = vector.broadcast %mul3A_997 : f32 to vector<16xf32>
    %mul3A_999 = arith.mulf %gather3A_996, %mul3A_998 : vector<16xf32>
    %mul3A_1000 = arith.constant 512 : i32
    %mul3A_1001 = vector.broadcast %mul3A_1000 : i32 to vector<16xi32>
    %mul3A_1002 = arith.muli %add3A_995, %mul3A_1001 : vector<16xi32>
    %add3A_1003 = arith.constant 498 : i32
    %add3A_1004 = vector.broadcast %add3A_1003 : i32 to vector<16xi32>
    %add3A_1005 = arith.addi %mul3A_1002, %add3A_1004 : vector<16xi32>
    tpu.vector_store_idx %arg6[%add3A_1005], %mul3A_999 : memref<32768xf32, #tpu.memory_space<vmem>>[vector<16xi32>], vector<16xf32>,
    %add3A_1006 = arith.constant 32 : i32
    %add3A_1007 = vector.broadcast %add3A_1006 : i32 to vector<16xi32>
    %add3A_1008 = arith.addi %iota3A, %add3A_1007 : vector<16xi32>
    %gather3A_1009 = tpu.vector_load_idx %arg10[%add3A_1008, %broadcast_in_dim3A_979] : memref<64x128xf32, #tpu.memory_space<vmem>>[vector<16xi32>, vector<16xi32>], vector<16xf32>,
    %mul3A_1010 = arith.constant 8.000000e+00 : f32
    %mul3A_1011 = vector.broadcast %mul3A_1010 : f32 to vector<16xf32>
    %mul3A_1012 = arith.mulf %gather3A_1009, %mul3A_1011 : vector<16xf32>
    %mul3A_1013 = arith.constant 512 : i32
    %mul3A_1014 = vector.broadcast %mul3A_1013 : i32 to vector<16xi32>
    %mul3A_1015 = arith.muli %add3A_1008, %mul3A_1014 : vector<16xi32>
    %add3A_1016 = arith.constant 498 : i32
    %add3A_1017 = vector.broadcast %add3A_1016 : i32 to vector<16xi32>
    %add3A_1018 = arith.addi %mul3A_1015, %add3A_1017 : vector<16xi32>
    tpu.vector_store_idx %arg6[%add3A_1018], %mul3A_1012 : memref<32768xf32, #tpu.memory_space<vmem>>[vector<16xi32>], vector<16xf32>,
    %add3A_1019 = arith.constant 48 : i32
    %add3A_1020 = vector.broadcast %add3A_1019 : i32 to vector<16xi32>
    %add3A_1021 = arith.addi %iota3A, %add3A_1020 : vector<16xi32>
    %gather3A_1022 = tpu.vector_load_idx %arg10[%add3A_1021, %broadcast_in_dim3A_979] : memref<64x128xf32, #tpu.memory_space<vmem>>[vector<16xi32>, vector<16xi32>], vector<16xf32>,
    %mul3A_1023 = arith.constant 8.000000e+00 : f32
    %mul3A_1024 = vector.broadcast %mul3A_1023 : f32 to vector<16xf32>
    %mul3A_1025 = arith.mulf %gather3A_1022, %mul3A_1024 : vector<16xf32>
    %mul3A_1026 = arith.constant 512 : i32
    %mul3A_1027 = vector.broadcast %mul3A_1026 : i32 to vector<16xi32>
    %mul3A_1028 = arith.muli %add3A_1021, %mul3A_1027 : vector<16xi32>
    %add3A_1029 = arith.constant 498 : i32
    %add3A_1030 = vector.broadcast %add3A_1029 : i32 to vector<16xi32>
    %add3A_1031 = arith.addi %mul3A_1028, %add3A_1030 : vector<16xi32>
    tpu.vector_store_idx %arg6[%add3A_1031], %mul3A_1025 : memref<32768xf32, #tpu.memory_space<vmem>>[vector<16xi32>], vector<16xf32>,
    %dma_wait3A_1032 = arith.constant 0 : i32
    %dma_wait3A_1033 = arith.constant 0 : i32
    %dma_wait3A_1034 = tpu.memref_slice %arg3[%dma_wait3A_1032, %dma_wait3A_1033] : memref<64x1000000xf32, #tpu.memory_space<hbm>> -> memref<64x128xf32, #tpu.memory_space<hbm>>
    %dma_wait3A_1035 = arith.constant 0 : i32
    %dma_wait3A_1036 = arith.constant 0 : i32
    %dma_wait3A_1037 = tpu.memref_slice %arg3[%dma_wait3A_1035, %dma_wait3A_1036] : memref<64x1000000xf32, #tpu.memory_space<hbm>> -> memref<64x128xf32, #tpu.memory_space<hbm>>
    tpu.wait_dma2 semaphore(%arg22 : memref<!tpu.dma_semaphore, #tpu.memory_space<semaphore_mem>>) src(%dma_wait3A_1037 : memref<64x128xf32, #tpu.memory_space<hbm>>) dst(%arg11 : memref<64x128xf32, #tpu.memory_space<vmem>>)
    %broadcast_in_dim3A_1038 = vector.broadcast %scan3A_796#4 : i32 to vector<16xi32>
    %add3A_1039 = arith.constant 0 : i32
    %add3A_1040 = vector.broadcast %add3A_1039 : i32 to vector<16xi32>
    %add3A_1041 = arith.addi %iota3A, %add3A_1040 : vector<16xi32>
    %gather3A_1042 = tpu.vector_load_idx %arg11[%add3A_1041, %broadcast_in_dim3A_1038] : memref<64x128xf32, #tpu.memory_space<vmem>>[vector<16xi32>, vector<16xi32>], vector<16xf32>,
    %mul3A_1043 = arith.constant 8.000000e+00 : f32
    %mul3A_1044 = vector.broadcast %mul3A_1043 : f32 to vector<16xf32>
    %mul3A_1045 = arith.mulf %gather3A_1042, %mul3A_1044 : vector<16xf32>
    %mul3A_1046 = arith.constant 512 : i32
    %mul3A_1047 = vector.broadcast %mul3A_1046 : i32 to vector<16xi32>
    %mul3A_1048 = arith.muli %add3A_1041, %mul3A_1047 : vector<16xi32>
    %add3A_1049 = arith.constant 499 : i32
    %add3A_1050 = vector.broadcast %add3A_1049 : i32 to vector<16xi32>
    %add3A_1051 = arith.addi %mul3A_1048, %add3A_1050 : vector<16xi32>
    tpu.vector_store_idx %arg6[%add3A_1051], %mul3A_1045 : memref<32768xf32, #tpu.memory_space<vmem>>[vector<16xi32>], vector<16xf32>,
    %add3A_1052 = arith.constant 16 : i32
    %add3A_1053 = vector.broadcast %add3A_1052 : i32 to vector<16xi32>
    %add3A_1054 = arith.addi %iota3A, %add3A_1053 : vector<16xi32>
    %gather3A_1055 = tpu.vector_load_idx %arg11[%add3A_1054, %broadcast_in_dim3A_1038] : memref<64x128xf32, #tpu.memory_space<vmem>>[vector<16xi32>, vector<16xi32>], vector<16xf32>,
    %mul3A_1056 = arith.constant 8.000000e+00 : f32
    %mul3A_1057 = vector.broadcast %mul3A_1056 : f32 to vector<16xf32>
    %mul3A_1058 = arith.mulf %gather3A_1055, %mul3A_1057 : vector<16xf32>
    %mul3A_1059 = arith.constant 512 : i32
    %mul3A_1060 = vector.broadcast %mul3A_1059 : i32 to vector<16xi32>
    %mul3A_1061 = arith.muli %add3A_1054, %mul3A_1060 : vector<16xi32>
    %add3A_1062 = arith.constant 499 : i32
    %add3A_1063 = vector.broadcast %add3A_1062 : i32 to vector<16xi32>
    %add3A_1064 = arith.addi %mul3A_1061, %add3A_1063 : vector<16xi32>
    tpu.vector_store_idx %arg6[%add3A_1064], %mul3A_1058 : memref<32768xf32, #tpu.memory_space<vmem>>[vector<16xi32>], vector<16xf32>,
    %add3A_1065 = arith.constant 32 : i32
    %add3A_1066 = vector.broadcast %add3A_1065 : i32 to vector<16xi32>
    %add3A_1067 = arith.addi %iota3A, %add3A_1066 : vector<16xi32>
    %gather3A_1068 = tpu.vector_load_idx %arg11[%add3A_1067, %broadcast_in_dim3A_1038] : memref<64x128xf32, #tpu.memory_space<vmem>>[vector<16xi32>, vector<16xi32>], vector<16xf32>,
    %mul3A_1069 = arith.constant 8.000000e+00 : f32
    %mul3A_1070 = vector.broadcast %mul3A_1069 : f32 to vector<16xf32>
    %mul3A_1071 = arith.mulf %gather3A_1068, %mul3A_1070 : vector<16xf32>
    %mul3A_1072 = arith.constant 512 : i32
    %mul3A_1073 = vector.broadcast %mul3A_1072 : i32 to vector<16xi32>
    %mul3A_1074 = arith.muli %add3A_1067, %mul3A_1073 : vector<16xi32>
    %add3A_1075 = arith.constant 499 : i32
    %add3A_1076 = vector.broadcast %add3A_1075 : i32 to vector<16xi32>
    %add3A_1077 = arith.addi %mul3A_1074, %add3A_1076 : vector<16xi32>
    tpu.vector_store_idx %arg6[%add3A_1077], %mul3A_1071 : memref<32768xf32, #tpu.memory_space<vmem>>[vector<16xi32>], vector<16xf32>,
    %add3A_1078 = arith.constant 48 : i32
    %add3A_1079 = vector.broadcast %add3A_1078 : i32 to vector<16xi32>
    %add3A_1080 = arith.addi %iota3A, %add3A_1079 : vector<16xi32>
    %gather3A_1081 = tpu.vector_load_idx %arg11[%add3A_1080, %broadcast_in_dim3A_1038] : memref<64x128xf32, #tpu.memory_space<vmem>>[vector<16xi32>, vector<16xi32>], vector<16xf32>,
    %mul3A_1082 = arith.constant 8.000000e+00 : f32
    %mul3A_1083 = vector.broadcast %mul3A_1082 : f32 to vector<16xf32>
    %mul3A_1084 = arith.mulf %gather3A_1081, %mul3A_1083 : vector<16xf32>
    %mul3A_1085 = arith.constant 512 : i32
    %mul3A_1086 = vector.broadcast %mul3A_1085 : i32 to vector<16xi32>
    %mul3A_1087 = arith.muli %add3A_1080, %mul3A_1086 : vector<16xi32>
    %add3A_1088 = arith.constant 499 : i32
    %add3A_1089 = vector.broadcast %add3A_1088 : i32 to vector<16xi32>
    %add3A_1090 = arith.addi %mul3A_1087, %add3A_1089 : vector<16xi32>
    tpu.vector_store_idx %arg6[%add3A_1090], %mul3A_1084 : memref<32768xf32, #tpu.memory_space<vmem>>[vector<16xi32>], vector<16xf32>,
    %dma_wait3A_1091 = arith.constant 0 : i32
    %dma_wait3A_1092 = arith.constant 0 : i32
    %dma_wait3A_1093 = tpu.memref_slice %arg3[%dma_wait3A_1091, %dma_wait3A_1092] : memref<64x1000000xf32, #tpu.memory_space<hbm>> -> memref<64x128xf32, #tpu.memory_space<hbm>>
    %dma_wait3A_1094 = arith.constant 0 : i32
    %dma_wait3A_1095 = arith.constant 0 : i32
    %dma_wait3A_1096 = tpu.memref_slice %arg3[%dma_wait3A_1094, %dma_wait3A_1095] : memref<64x1000000xf32, #tpu.memory_space<hbm>> -> memref<64x128xf32, #tpu.memory_space<hbm>>
    tpu.wait_dma2 semaphore(%arg23 : memref<!tpu.dma_semaphore, #tpu.memory_space<semaphore_mem>>) src(%dma_wait3A_1096 : memref<64x128xf32, #tpu.memory_space<hbm>>) dst(%arg12 : memref<64x128xf32, #tpu.memory_space<vmem>>)
    %broadcast_in_dim3A_1097 = vector.broadcast %scan3A_796#5 : i32 to vector<16xi32>
    %add3A_1098 = arith.constant 0 : i32
    %add3A_1099 = vector.broadcast %add3A_1098 : i32 to vector<16xi32>
    %add3A_1100 = arith.addi %iota3A, %add3A_1099 : vector<16xi32>
    %gather3A_1101 = tpu.vector_load_idx %arg12[%add3A_1100, %broadcast_in_dim3A_1097] : memref<64x128xf32, #tpu.memory_space<vmem>>[vector<16xi32>, vector<16xi32>], vector<16xf32>,
    %mul3A_1102 = arith.constant 8.000000e+00 : f32
    %mul3A_1103 = vector.broadcast %mul3A_1102 : f32 to vector<16xf32>
    %mul3A_1104 = arith.mulf %gather3A_1101, %mul3A_1103 : vector<16xf32>
    %mul3A_1105 = arith.constant 512 : i32
    %mul3A_1106 = vector.broadcast %mul3A_1105 : i32 to vector<16xi32>
    %mul3A_1107 = arith.muli %add3A_1100, %mul3A_1106 : vector<16xi32>
    %add3A_1108 = arith.constant 500 : i32
    %add3A_1109 = vector.broadcast %add3A_1108 : i32 to vector<16xi32>
    %add3A_1110 = arith.addi %mul3A_1107, %add3A_1109 : vector<16xi32>
    tpu.vector_store_idx %arg6[%add3A_1110], %mul3A_1104 : memref<32768xf32, #tpu.memory_space<vmem>>[vector<16xi32>], vector<16xf32>,
    %add3A_1111 = arith.constant 16 : i32
    %add3A_1112 = vector.broadcast %add3A_1111 : i32 to vector<16xi32>
    %add3A_1113 = arith.addi %iota3A, %add3A_1112 : vector<16xi32>
    %gather3A_1114 = tpu.vector_load_idx %arg12[%add3A_1113, %broadcast_in_dim3A_1097] : memref<64x128xf32, #tpu.memory_space<vmem>>[vector<16xi32>, vector<16xi32>], vector<16xf32>,
    %mul3A_1115 = arith.constant 8.000000e+00 : f32
    %mul3A_1116 = vector.broadcast %mul3A_1115 : f32 to vector<16xf32>
    %mul3A_1117 = arith.mulf %gather3A_1114, %mul3A_1116 : vector<16xf32>
    %mul3A_1118 = arith.constant 512 : i32
    %mul3A_1119 = vector.broadcast %mul3A_1118 : i32 to vector<16xi32>
    %mul3A_1120 = arith.muli %add3A_1113, %mul3A_1119 : vector<16xi32>
    %add3A_1121 = arith.constant 500 : i32
    %add3A_1122 = vector.broadcast %add3A_1121 : i32 to vector<16xi32>
    %add3A_1123 = arith.addi %mul3A_1120, %add3A_1122 : vector<16xi32>
    tpu.vector_store_idx %arg6[%add3A_1123], %mul3A_1117 : memref<32768xf32, #tpu.memory_space<vmem>>[vector<16xi32>], vector<16xf32>,
    %add3A_1124 = arith.constant 32 : i32
    %add3A_1125 = vector.broadcast %add3A_1124 : i32 to vector<16xi32>
    %add3A_1126 = arith.addi %iota3A, %add3A_1125 : vector<16xi32>
    %gather3A_1127 = tpu.vector_load_idx %arg12[%add3A_1126, %broadcast_in_dim3A_1097] : memref<64x128xf32, #tpu.memory_space<vmem>>[vector<16xi32>, vector<16xi32>], vector<16xf32>,
    %mul3A_1128 = arith.constant 8.000000e+00 : f32
    %mul3A_1129 = vector.broadcast %mul3A_1128 : f32 to vector<16xf32>
    %mul3A_1130 = arith.mulf %gather3A_1127, %mul3A_1129 : vector<16xf32>
    %mul3A_1131 = arith.constant 512 : i32
    %mul3A_1132 = vector.broadcast %mul3A_1131 : i32 to vector<16xi32>
    %mul3A_1133 = arith.muli %add3A_1126, %mul3A_1132 : vector<16xi32>
    %add3A_1134 = arith.constant 500 : i32
    %add3A_1135 = vector.broadcast %add3A_1134 : i32 to vector<16xi32>
    %add3A_1136 = arith.addi %mul3A_1133, %add3A_1135 : vector<16xi32>
    tpu.vector_store_idx %arg6[%add3A_1136], %mul3A_1130 : memref<32768xf32, #tpu.memory_space<vmem>>[vector<16xi32>], vector<16xf32>,
    %add3A_1137 = arith.constant 48 : i32
    %add3A_1138 = vector.broadcast %add3A_1137 : i32 to vector<16xi32>
    %add3A_1139 = arith.addi %iota3A, %add3A_1138 : vector<16xi32>
    %gather3A_1140 = tpu.vector_load_idx %arg12[%add3A_1139, %broadcast_in_dim3A_1097] : memref<64x128xf32, #tpu.memory_space<vmem>>[vector<16xi32>, vector<16xi32>], vector<16xf32>,
    %mul3A_1141 = arith.constant 8.000000e+00 : f32
    %mul3A_1142 = vector.broadcast %mul3A_1141 : f32 to vector<16xf32>
    %mul3A_1143 = arith.mulf %gather3A_1140, %mul3A_1142 : vector<16xf32>
    %mul3A_1144 = arith.constant 512 : i32
    %mul3A_1145 = vector.broadcast %mul3A_1144 : i32 to vector<16xi32>
    %mul3A_1146 = arith.muli %add3A_1139, %mul3A_1145 : vector<16xi32>
    %add3A_1147 = arith.constant 500 : i32
    %add3A_1148 = vector.broadcast %add3A_1147 : i32 to vector<16xi32>
    %add3A_1149 = arith.addi %mul3A_1146, %add3A_1148 : vector<16xi32>
    tpu.vector_store_idx %arg6[%add3A_1149], %mul3A_1143 : memref<32768xf32, #tpu.memory_space<vmem>>[vector<16xi32>], vector<16xf32>,
    %dma_wait3A_1150 = arith.constant 0 : i32
    %dma_wait3A_1151 = arith.constant 0 : i32
    %dma_wait3A_1152 = tpu.memref_slice %arg3[%dma_wait3A_1150, %dma_wait3A_1151] : memref<64x1000000xf32, #tpu.memory_space<hbm>> -> memref<64x128xf32, #tpu.memory_space<hbm>>
    %dma_wait3A_1153 = arith.constant 0 : i32
    %dma_wait3A_1154 = arith.constant 0 : i32
    %dma_wait3A_1155 = tpu.memref_slice %arg3[%dma_wait3A_1153, %dma_wait3A_1154] : memref<64x1000000xf32, #tpu.memory_space<hbm>> -> memref<64x128xf32, #tpu.memory_space<hbm>>
    tpu.wait_dma2 semaphore(%arg24 : memref<!tpu.dma_semaphore, #tpu.memory_space<semaphore_mem>>) src(%dma_wait3A_1155 : memref<64x128xf32, #tpu.memory_space<hbm>>) dst(%arg13 : memref<64x128xf32, #tpu.memory_space<vmem>>)
    %broadcast_in_dim3A_1156 = vector.broadcast %scan3A_796#6 : i32 to vector<16xi32>
    %add3A_1157 = arith.constant 0 : i32
    %add3A_1158 = vector.broadcast %add3A_1157 : i32 to vector<16xi32>
    %add3A_1159 = arith.addi %iota3A, %add3A_1158 : vector<16xi32>
    %gather3A_1160 = tpu.vector_load_idx %arg13[%add3A_1159, %broadcast_in_dim3A_1156] : memref<64x128xf32, #tpu.memory_space<vmem>>[vector<16xi32>, vector<16xi32>], vector<16xf32>,
    %mul3A_1161 = arith.constant 8.000000e+00 : f32
    %mul3A_1162 = vector.broadcast %mul3A_1161 : f32 to vector<16xf32>
    %mul3A_1163 = arith.mulf %gather3A_1160, %mul3A_1162 : vector<16xf32>
    %mul3A_1164 = arith.constant 512 : i32
    %mul3A_1165 = vector.broadcast %mul3A_1164 : i32 to vector<16xi32>
    %mul3A_1166 = arith.muli %add3A_1159, %mul3A_1165 : vector<16xi32>
    %add3A_1167 = arith.constant 501 : i32
    %add3A_1168 = vector.broadcast %add3A_1167 : i32 to vector<16xi32>
    %add3A_1169 = arith.addi %mul3A_1166, %add3A_1168 : vector<16xi32>
    tpu.vector_store_idx %arg6[%add3A_1169], %mul3A_1163 : memref<32768xf32, #tpu.memory_space<vmem>>[vector<16xi32>], vector<16xf32>,
    %add3A_1170 = arith.constant 16 : i32
    %add3A_1171 = vector.broadcast %add3A_1170 : i32 to vector<16xi32>
    %add3A_1172 = arith.addi %iota3A, %add3A_1171 : vector<16xi32>
    %gather3A_1173 = tpu.vector_load_idx %arg13[%add3A_1172, %broadcast_in_dim3A_1156] : memref<64x128xf32, #tpu.memory_space<vmem>>[vector<16xi32>, vector<16xi32>], vector<16xf32>,
    %mul3A_1174 = arith.constant 8.000000e+00 : f32
    %mul3A_1175 = vector.broadcast %mul3A_1174 : f32 to vector<16xf32>
    %mul3A_1176 = arith.mulf %gather3A_1173, %mul3A_1175 : vector<16xf32>
    %mul3A_1177 = arith.constant 512 : i32
    %mul3A_1178 = vector.broadcast %mul3A_1177 : i32 to vector<16xi32>
    %mul3A_1179 = arith.muli %add3A_1172, %mul3A_1178 : vector<16xi32>
    %add3A_1180 = arith.constant 501 : i32
    %add3A_1181 = vector.broadcast %add3A_1180 : i32 to vector<16xi32>
    %add3A_1182 = arith.addi %mul3A_1179, %add3A_1181 : vector<16xi32>
    tpu.vector_store_idx %arg6[%add3A_1182], %mul3A_1176 : memref<32768xf32, #tpu.memory_space<vmem>>[vector<16xi32>], vector<16xf32>,
    %add3A_1183 = arith.constant 32 : i32
    %add3A_1184 = vector.broadcast %add3A_1183 : i32 to vector<16xi32>
    %add3A_1185 = arith.addi %iota3A, %add3A_1184 : vector<16xi32>
    %gather3A_1186 = tpu.vector_load_idx %arg13[%add3A_1185, %broadcast_in_dim3A_1156] : memref<64x128xf32, #tpu.memory_space<vmem>>[vector<16xi32>, vector<16xi32>], vector<16xf32>,
    %mul3A_1187 = arith.constant 8.000000e+00 : f32
    %mul3A_1188 = vector.broadcast %mul3A_1187 : f32 to vector<16xf32>
    %mul3A_1189 = arith.mulf %gather3A_1186, %mul3A_1188 : vector<16xf32>
    %mul3A_1190 = arith.constant 512 : i32
    %mul3A_1191 = vector.broadcast %mul3A_1190 : i32 to vector<16xi32>
    %mul3A_1192 = arith.muli %add3A_1185, %mul3A_1191 : vector<16xi32>
    %add3A_1193 = arith.constant 501 : i32
    %add3A_1194 = vector.broadcast %add3A_1193 : i32 to vector<16xi32>
    %add3A_1195 = arith.addi %mul3A_1192, %add3A_1194 : vector<16xi32>
    tpu.vector_store_idx %arg6[%add3A_1195], %mul3A_1189 : memref<32768xf32, #tpu.memory_space<vmem>>[vector<16xi32>], vector<16xf32>,
    %add3A_1196 = arith.constant 48 : i32
    %add3A_1197 = vector.broadcast %add3A_1196 : i32 to vector<16xi32>
    %add3A_1198 = arith.addi %iota3A, %add3A_1197 : vector<16xi32>
    %gather3A_1199 = tpu.vector_load_idx %arg13[%add3A_1198, %broadcast_in_dim3A_1156] : memref<64x128xf32, #tpu.memory_space<vmem>>[vector<16xi32>, vector<16xi32>], vector<16xf32>,
    %mul3A_1200 = arith.constant 8.000000e+00 : f32
    %mul3A_1201 = vector.broadcast %mul3A_1200 : f32 to vector<16xf32>
    %mul3A_1202 = arith.mulf %gather3A_1199, %mul3A_1201 : vector<16xf32>
    %mul3A_1203 = arith.constant 512 : i32
    %mul3A_1204 = vector.broadcast %mul3A_1203 : i32 to vector<16xi32>
    %mul3A_1205 = arith.muli %add3A_1198, %mul3A_1204 : vector<16xi32>
    %add3A_1206 = arith.constant 501 : i32
    %add3A_1207 = vector.broadcast %add3A_1206 : i32 to vector<16xi32>
    %add3A_1208 = arith.addi %mul3A_1205, %add3A_1207 : vector<16xi32>
    tpu.vector_store_idx %arg6[%add3A_1208], %mul3A_1202 : memref<32768xf32, #tpu.memory_space<vmem>>[vector<16xi32>], vector<16xf32>,
    %dma_wait3A_1209 = arith.constant 0 : i32
    %dma_wait3A_1210 = arith.constant 0 : i32
    %dma_wait3A_1211 = tpu.memref_slice %arg3[%dma_wait3A_1209, %dma_wait3A_1210] : memref<64x1000000xf32, #tpu.memory_space<hbm>> -> memref<64x128xf32, #tpu.memory_space<hbm>>
    %dma_wait3A_1212 = arith.constant 0 : i32
    %dma_wait3A_1213 = arith.constant 0 : i32
    %dma_wait3A_1214 = tpu.memref_slice %arg3[%dma_wait3A_1212, %dma_wait3A_1213] : memref<64x1000000xf32, #tpu.memory_space<hbm>> -> memref<64x128xf32, #tpu.memory_space<hbm>>
    tpu.wait_dma2 semaphore(%arg25 : memref<!tpu.dma_semaphore, #tpu.memory_space<semaphore_mem>>) src(%dma_wait3A_1214 : memref<64x128xf32, #tpu.memory_space<hbm>>) dst(%arg14 : memref<64x128xf32, #tpu.memory_space<vmem>>)
    %broadcast_in_dim3A_1215 = vector.broadcast %scan3A_796#7 : i32 to vector<16xi32>
    %add3A_1216 = arith.constant 0 : i32
    %add3A_1217 = vector.broadcast %add3A_1216 : i32 to vector<16xi32>
    %add3A_1218 = arith.addi %iota3A, %add3A_1217 : vector<16xi32>
    %gather3A_1219 = tpu.vector_load_idx %arg14[%add3A_1218, %broadcast_in_dim3A_1215] : memref<64x128xf32, #tpu.memory_space<vmem>>[vector<16xi32>, vector<16xi32>], vector<16xf32>,
    %mul3A_1220 = arith.constant 8.000000e+00 : f32
    %mul3A_1221 = vector.broadcast %mul3A_1220 : f32 to vector<16xf32>
    %mul3A_1222 = arith.mulf %gather3A_1219, %mul3A_1221 : vector<16xf32>
    %mul3A_1223 = arith.constant 512 : i32
    %mul3A_1224 = vector.broadcast %mul3A_1223 : i32 to vector<16xi32>
    %mul3A_1225 = arith.muli %add3A_1218, %mul3A_1224 : vector<16xi32>
    %add3A_1226 = arith.constant 502 : i32
    %add3A_1227 = vector.broadcast %add3A_1226 : i32 to vector<16xi32>
    %add3A_1228 = arith.addi %mul3A_1225, %add3A_1227 : vector<16xi32>
    tpu.vector_store_idx %arg6[%add3A_1228], %mul3A_1222 : memref<32768xf32, #tpu.memory_space<vmem>>[vector<16xi32>], vector<16xf32>,
    %add3A_1229 = arith.constant 16 : i32
    %add3A_1230 = vector.broadcast %add3A_1229 : i32 to vector<16xi32>
    %add3A_1231 = arith.addi %iota3A, %add3A_1230 : vector<16xi32>
    %gather3A_1232 = tpu.vector_load_idx %arg14[%add3A_1231, %broadcast_in_dim3A_1215] : memref<64x128xf32, #tpu.memory_space<vmem>>[vector<16xi32>, vector<16xi32>], vector<16xf32>,
    %mul3A_1233 = arith.constant 8.000000e+00 : f32
    %mul3A_1234 = vector.broadcast %mul3A_1233 : f32 to vector<16xf32>
    %mul3A_1235 = arith.mulf %gather3A_1232, %mul3A_1234 : vector<16xf32>
    %mul3A_1236 = arith.constant 512 : i32
    %mul3A_1237 = vector.broadcast %mul3A_1236 : i32 to vector<16xi32>
    %mul3A_1238 = arith.muli %add3A_1231, %mul3A_1237 : vector<16xi32>
    %add3A_1239 = arith.constant 502 : i32
    %add3A_1240 = vector.broadcast %add3A_1239 : i32 to vector<16xi32>
    %add3A_1241 = arith.addi %mul3A_1238, %add3A_1240 : vector<16xi32>
    tpu.vector_store_idx %arg6[%add3A_1241], %mul3A_1235 : memref<32768xf32, #tpu.memory_space<vmem>>[vector<16xi32>], vector<16xf32>,
    %add3A_1242 = arith.constant 32 : i32
    %add3A_1243 = vector.broadcast %add3A_1242 : i32 to vector<16xi32>
    %add3A_1244 = arith.addi %iota3A, %add3A_1243 : vector<16xi32>
    %gather3A_1245 = tpu.vector_load_idx %arg14[%add3A_1244, %broadcast_in_dim3A_1215] : memref<64x128xf32, #tpu.memory_space<vmem>>[vector<16xi32>, vector<16xi32>], vector<16xf32>,
    %mul3A_1246 = arith.constant 8.000000e+00 : f32
    %mul3A_1247 = vector.broadcast %mul3A_1246 : f32 to vector<16xf32>
    %mul3A_1248 = arith.mulf %gather3A_1245, %mul3A_1247 : vector<16xf32>
    %mul3A_1249 = arith.constant 512 : i32
    %mul3A_1250 = vector.broadcast %mul3A_1249 : i32 to vector<16xi32>
    %mul3A_1251 = arith.muli %add3A_1244, %mul3A_1250 : vector<16xi32>
    %add3A_1252 = arith.constant 502 : i32
    %add3A_1253 = vector.broadcast %add3A_1252 : i32 to vector<16xi32>
    %add3A_1254 = arith.addi %mul3A_1251, %add3A_1253 : vector<16xi32>
    tpu.vector_store_idx %arg6[%add3A_1254], %mul3A_1248 : memref<32768xf32, #tpu.memory_space<vmem>>[vector<16xi32>], vector<16xf32>,
    %add3A_1255 = arith.constant 48 : i32
    %add3A_1256 = vector.broadcast %add3A_1255 : i32 to vector<16xi32>
    %add3A_1257 = arith.addi %iota3A, %add3A_1256 : vector<16xi32>
    %gather3A_1258 = tpu.vector_load_idx %arg14[%add3A_1257, %broadcast_in_dim3A_1215] : memref<64x128xf32, #tpu.memory_space<vmem>>[vector<16xi32>, vector<16xi32>], vector<16xf32>,
    %mul3A_1259 = arith.constant 8.000000e+00 : f32
    %mul3A_1260 = vector.broadcast %mul3A_1259 : f32 to vector<16xf32>
    %mul3A_1261 = arith.mulf %gather3A_1258, %mul3A_1260 : vector<16xf32>
    %mul3A_1262 = arith.constant 512 : i32
    %mul3A_1263 = vector.broadcast %mul3A_1262 : i32 to vector<16xi32>
    %mul3A_1264 = arith.muli %add3A_1257, %mul3A_1263 : vector<16xi32>
    %add3A_1265 = arith.constant 502 : i32
    %add3A_1266 = vector.broadcast %add3A_1265 : i32 to vector<16xi32>
    %add3A_1267 = arith.addi %mul3A_1264, %add3A_1266 : vector<16xi32>
    tpu.vector_store_idx %arg6[%add3A_1267], %mul3A_1261 : memref<32768xf32, #tpu.memory_space<vmem>>[vector<16xi32>], vector<16xf32>,
    %dma_wait3A_1268 = arith.constant 0 : i32
    %dma_wait3A_1269 = arith.constant 0 : i32
    %dma_wait3A_1270 = tpu.memref_slice %arg3[%dma_wait3A_1268, %dma_wait3A_1269] : memref<64x1000000xf32, #tpu.memory_space<hbm>> -> memref<64x128xf32, #tpu.memory_space<hbm>>
    %dma_wait3A_1271 = arith.constant 0 : i32
    %dma_wait3A_1272 = arith.constant 0 : i32
    %dma_wait3A_1273 = tpu.memref_slice %arg3[%dma_wait3A_1271, %dma_wait3A_1272] : memref<64x1000000xf32, #tpu.memory_space<hbm>> -> memref<64x128xf32, #tpu.memory_space<hbm>>
    tpu.wait_dma2 semaphore(%arg26 : memref<!tpu.dma_semaphore, #tpu.memory_space<semaphore_mem>>) src(%dma_wait3A_1273 : memref<64x128xf32, #tpu.memory_space<hbm>>) dst(%arg15 : memref<64x128xf32, #tpu.memory_space<vmem>>)
    %broadcast_in_dim3A_1274 = vector.broadcast %scan3A_796#8 : i32 to vector<16xi32>
    %add3A_1275 = arith.constant 0 : i32
    %add3A_1276 = vector.broadcast %add3A_1275 : i32 to vector<16xi32>
    %add3A_1277 = arith.addi %iota3A, %add3A_1276 : vector<16xi32>
    %gather3A_1278 = tpu.vector_load_idx %arg15[%add3A_1277, %broadcast_in_dim3A_1274] : memref<64x128xf32, #tpu.memory_space<vmem>>[vector<16xi32>, vector<16xi32>], vector<16xf32>,
    %mul3A_1279 = arith.constant 8.000000e+00 : f32
    %mul3A_1280 = vector.broadcast %mul3A_1279 : f32 to vector<16xf32>
    %mul3A_1281 = arith.mulf %gather3A_1278, %mul3A_1280 : vector<16xf32>
    %mul3A_1282 = arith.constant 512 : i32
    %mul3A_1283 = vector.broadcast %mul3A_1282 : i32 to vector<16xi32>
    %mul3A_1284 = arith.muli %add3A_1277, %mul3A_1283 : vector<16xi32>
    %add3A_1285 = arith.constant 503 : i32
    %add3A_1286 = vector.broadcast %add3A_1285 : i32 to vector<16xi32>
    %add3A_1287 = arith.addi %mul3A_1284, %add3A_1286 : vector<16xi32>
    tpu.vector_store_idx %arg6[%add3A_1287], %mul3A_1281 : memref<32768xf32, #tpu.memory_space<vmem>>[vector<16xi32>], vector<16xf32>,
    %add3A_1288 = arith.constant 16 : i32
    %add3A_1289 = vector.broadcast %add3A_1288 : i32 to vector<16xi32>
    %add3A_1290 = arith.addi %iota3A, %add3A_1289 : vector<16xi32>
    %gather3A_1291 = tpu.vector_load_idx %arg15[%add3A_1290, %broadcast_in_dim3A_1274] : memref<64x128xf32, #tpu.memory_space<vmem>>[vector<16xi32>, vector<16xi32>], vector<16xf32>,
    %mul3A_1292 = arith.constant 8.000000e+00 : f32
    %mul3A_1293 = vector.broadcast %mul3A_1292 : f32 to vector<16xf32>
    %mul3A_1294 = arith.mulf %gather3A_1291, %mul3A_1293 : vector<16xf32>
    %mul3A_1295 = arith.constant 512 : i32
    %mul3A_1296 = vector.broadcast %mul3A_1295 : i32 to vector<16xi32>
    %mul3A_1297 = arith.muli %add3A_1290, %mul3A_1296 : vector<16xi32>
    %add3A_1298 = arith.constant 503 : i32
    %add3A_1299 = vector.broadcast %add3A_1298 : i32 to vector<16xi32>
    %add3A_1300 = arith.addi %mul3A_1297, %add3A_1299 : vector<16xi32>
    tpu.vector_store_idx %arg6[%add3A_1300], %mul3A_1294 : memref<32768xf32, #tpu.memory_space<vmem>>[vector<16xi32>], vector<16xf32>,
    %add3A_1301 = arith.constant 32 : i32
    %add3A_1302 = vector.broadcast %add3A_1301 : i32 to vector<16xi32>
    %add3A_1303 = arith.addi %iota3A, %add3A_1302 : vector<16xi32>
    %gather3A_1304 = tpu.vector_load_idx %arg15[%add3A_1303, %broadcast_in_dim3A_1274] : memref<64x128xf32, #tpu.memory_space<vmem>>[vector<16xi32>, vector<16xi32>], vector<16xf32>,
    %mul3A_1305 = arith.constant 8.000000e+00 : f32
    %mul3A_1306 = vector.broadcast %mul3A_1305 : f32 to vector<16xf32>
    %mul3A_1307 = arith.mulf %gather3A_1304, %mul3A_1306 : vector<16xf32>
    %mul3A_1308 = arith.constant 512 : i32
    %mul3A_1309 = vector.broadcast %mul3A_1308 : i32 to vector<16xi32>
    %mul3A_1310 = arith.muli %add3A_1303, %mul3A_1309 : vector<16xi32>
    %add3A_1311 = arith.constant 503 : i32
    %add3A_1312 = vector.broadcast %add3A_1311 : i32 to vector<16xi32>
    %add3A_1313 = arith.addi %mul3A_1310, %add3A_1312 : vector<16xi32>
    tpu.vector_store_idx %arg6[%add3A_1313], %mul3A_1307 : memref<32768xf32, #tpu.memory_space<vmem>>[vector<16xi32>], vector<16xf32>,
    %add3A_1314 = arith.constant 48 : i32
    %add3A_1315 = vector.broadcast %add3A_1314 : i32 to vector<16xi32>
    %add3A_1316 = arith.addi %iota3A, %add3A_1315 : vector<16xi32>
    %gather3A_1317 = tpu.vector_load_idx %arg15[%add3A_1316, %broadcast_in_dim3A_1274] : memref<64x128xf32, #tpu.memory_space<vmem>>[vector<16xi32>, vector<16xi32>], vector<16xf32>,
    %mul3A_1318 = arith.constant 8.000000e+00 : f32
    %mul3A_1319 = vector.broadcast %mul3A_1318 : f32 to vector<16xf32>
    %mul3A_1320 = arith.mulf %gather3A_1317, %mul3A_1319 : vector<16xf32>
    %mul3A_1321 = arith.constant 512 : i32
    %mul3A_1322 = vector.broadcast %mul3A_1321 : i32 to vector<16xi32>
    %mul3A_1323 = arith.muli %add3A_1316, %mul3A_1322 : vector<16xi32>
    %add3A_1324 = arith.constant 503 : i32
    %add3A_1325 = vector.broadcast %add3A_1324 : i32 to vector<16xi32>
    %add3A_1326 = arith.addi %mul3A_1323, %add3A_1325 : vector<16xi32>
    tpu.vector_store_idx %arg6[%add3A_1326], %mul3A_1320 : memref<32768xf32, #tpu.memory_space<vmem>>[vector<16xi32>], vector<16xf32>,
    %dma_wait3A_1327 = arith.constant 0 : i32
    %dma_wait3A_1328 = arith.constant 0 : i32
    %dma_wait3A_1329 = tpu.memref_slice %arg3[%dma_wait3A_1327, %dma_wait3A_1328] : memref<64x1000000xf32, #tpu.memory_space<hbm>> -> memref<64x128xf32, #tpu.memory_space<hbm>>
    %dma_wait3A_1330 = arith.constant 0 : i32
    %dma_wait3A_1331 = arith.constant 0 : i32
    %dma_wait3A_1332 = tpu.memref_slice %arg3[%dma_wait3A_1330, %dma_wait3A_1331] : memref<64x1000000xf32, #tpu.memory_space<hbm>> -> memref<64x128xf32, #tpu.memory_space<hbm>>
    tpu.wait_dma2 semaphore(%arg27 : memref<!tpu.dma_semaphore, #tpu.memory_space<semaphore_mem>>) src(%dma_wait3A_1332 : memref<64x128xf32, #tpu.memory_space<hbm>>) dst(%arg16 : memref<64x128xf32, #tpu.memory_space<vmem>>)
    %broadcast_in_dim3A_1333 = vector.broadcast %scan3A_796#9 : i32 to vector<16xi32>
    %add3A_1334 = arith.constant 0 : i32
    %add3A_1335 = vector.broadcast %add3A_1334 : i32 to vector<16xi32>
    %add3A_1336 = arith.addi %iota3A, %add3A_1335 : vector<16xi32>
    %gather3A_1337 = tpu.vector_load_idx %arg16[%add3A_1336, %broadcast_in_dim3A_1333] : memref<64x128xf32, #tpu.memory_space<vmem>>[vector<16xi32>, vector<16xi32>], vector<16xf32>,
    %mul3A_1338 = arith.constant 8.000000e+00 : f32
    %mul3A_1339 = vector.broadcast %mul3A_1338 : f32 to vector<16xf32>
    %mul3A_1340 = arith.mulf %gather3A_1337, %mul3A_1339 : vector<16xf32>
    %mul3A_1341 = arith.constant 512 : i32
    %mul3A_1342 = vector.broadcast %mul3A_1341 : i32 to vector<16xi32>
    %mul3A_1343 = arith.muli %add3A_1336, %mul3A_1342 : vector<16xi32>
    %add3A_1344 = arith.constant 504 : i32
    %add3A_1345 = vector.broadcast %add3A_1344 : i32 to vector<16xi32>
    %add3A_1346 = arith.addi %mul3A_1343, %add3A_1345 : vector<16xi32>
    tpu.vector_store_idx %arg6[%add3A_1346], %mul3A_1340 : memref<32768xf32, #tpu.memory_space<vmem>>[vector<16xi32>], vector<16xf32>,
    %add3A_1347 = arith.constant 16 : i32
    %add3A_1348 = vector.broadcast %add3A_1347 : i32 to vector<16xi32>
    %add3A_1349 = arith.addi %iota3A, %add3A_1348 : vector<16xi32>
    %gather3A_1350 = tpu.vector_load_idx %arg16[%add3A_1349, %broadcast_in_dim3A_1333] : memref<64x128xf32, #tpu.memory_space<vmem>>[vector<16xi32>, vector<16xi32>], vector<16xf32>,
    %mul3A_1351 = arith.constant 8.000000e+00 : f32
    %mul3A_1352 = vector.broadcast %mul3A_1351 : f32 to vector<16xf32>
    %mul3A_1353 = arith.mulf %gather3A_1350, %mul3A_1352 : vector<16xf32>
    %mul3A_1354 = arith.constant 512 : i32
    %mul3A_1355 = vector.broadcast %mul3A_1354 : i32 to vector<16xi32>
    %mul3A_1356 = arith.muli %add3A_1349, %mul3A_1355 : vector<16xi32>
    %add3A_1357 = arith.constant 504 : i32
    %add3A_1358 = vector.broadcast %add3A_1357 : i32 to vector<16xi32>
    %add3A_1359 = arith.addi %mul3A_1356, %add3A_1358 : vector<16xi32>
    tpu.vector_store_idx %arg6[%add3A_1359], %mul3A_1353 : memref<32768xf32, #tpu.memory_space<vmem>>[vector<16xi32>], vector<16xf32>,
    %add3A_1360 = arith.constant 32 : i32
    %add3A_1361 = vector.broadcast %add3A_1360 : i32 to vector<16xi32>
    %add3A_1362 = arith.addi %iota3A, %add3A_1361 : vector<16xi32>
    %gather3A_1363 = tpu.vector_load_idx %arg16[%add3A_1362, %broadcast_in_dim3A_1333] : memref<64x128xf32, #tpu.memory_space<vmem>>[vector<16xi32>, vector<16xi32>], vector<16xf32>,
    %mul3A_1364 = arith.constant 8.000000e+00 : f32
    %mul3A_1365 = vector.broadcast %mul3A_1364 : f32 to vector<16xf32>
    %mul3A_1366 = arith.mulf %gather3A_1363, %mul3A_1365 : vector<16xf32>
    %mul3A_1367 = arith.constant 512 : i32
    %mul3A_1368 = vector.broadcast %mul3A_1367 : i32 to vector<16xi32>
    %mul3A_1369 = arith.muli %add3A_1362, %mul3A_1368 : vector<16xi32>
    %add3A_1370 = arith.constant 504 : i32
    %add3A_1371 = vector.broadcast %add3A_1370 : i32 to vector<16xi32>
    %add3A_1372 = arith.addi %mul3A_1369, %add3A_1371 : vector<16xi32>
    tpu.vector_store_idx %arg6[%add3A_1372], %mul3A_1366 : memref<32768xf32, #tpu.memory_space<vmem>>[vector<16xi32>], vector<16xf32>,
    %add3A_1373 = arith.constant 48 : i32
    %add3A_1374 = vector.broadcast %add3A_1373 : i32 to vector<16xi32>
    %add3A_1375 = arith.addi %iota3A, %add3A_1374 : vector<16xi32>
    %gather3A_1376 = tpu.vector_load_idx %arg16[%add3A_1375, %broadcast_in_dim3A_1333] : memref<64x128xf32, #tpu.memory_space<vmem>>[vector<16xi32>, vector<16xi32>], vector<16xf32>,
    %mul3A_1377 = arith.constant 8.000000e+00 : f32
    %mul3A_1378 = vector.broadcast %mul3A_1377 : f32 to vector<16xf32>
    %mul3A_1379 = arith.mulf %gather3A_1376, %mul3A_1378 : vector<16xf32>
    %mul3A_1380 = arith.constant 512 : i32
    %mul3A_1381 = vector.broadcast %mul3A_1380 : i32 to vector<16xi32>
    %mul3A_1382 = arith.muli %add3A_1375, %mul3A_1381 : vector<16xi32>
    %add3A_1383 = arith.constant 504 : i32
    %add3A_1384 = vector.broadcast %add3A_1383 : i32 to vector<16xi32>
    %add3A_1385 = arith.addi %mul3A_1382, %add3A_1384 : vector<16xi32>
    tpu.vector_store_idx %arg6[%add3A_1385], %mul3A_1379 : memref<32768xf32, #tpu.memory_space<vmem>>[vector<16xi32>], vector<16xf32>,
    %dma_wait3A_1386 = arith.constant 0 : i32
    %dma_wait3A_1387 = arith.constant 0 : i32
    %dma_wait3A_1388 = tpu.memref_slice %arg3[%dma_wait3A_1386, %dma_wait3A_1387] : memref<64x1000000xf32, #tpu.memory_space<hbm>> -> memref<64x128xf32, #tpu.memory_space<hbm>>
    %dma_wait3A_1389 = arith.constant 0 : i32
    %dma_wait3A_1390 = arith.constant 0 : i32
    %dma_wait3A_1391 = tpu.memref_slice %arg3[%dma_wait3A_1389, %dma_wait3A_1390] : memref<64x1000000xf32, #tpu.memory_space<hbm>> -> memref<64x128xf32, #tpu.memory_space<hbm>>
    tpu.wait_dma2 semaphore(%arg28 : memref<!tpu.dma_semaphore, #tpu.memory_space<semaphore_mem>>) src(%dma_wait3A_1391 : memref<64x128xf32, #tpu.memory_space<hbm>>) dst(%arg17 : memref<64x128xf32, #tpu.memory_space<vmem>>)
    %broadcast_in_dim3A_1392 = vector.broadcast %scan3A_796#10 : i32 to vector<16xi32>
    %add3A_1393 = arith.constant 0 : i32
    %add3A_1394 = vector.broadcast %add3A_1393 : i32 to vector<16xi32>
    %add3A_1395 = arith.addi %iota3A, %add3A_1394 : vector<16xi32>
    %gather3A_1396 = tpu.vector_load_idx %arg17[%add3A_1395, %broadcast_in_dim3A_1392] : memref<64x128xf32, #tpu.memory_space<vmem>>[vector<16xi32>, vector<16xi32>], vector<16xf32>,
    %mul3A_1397 = arith.constant 8.000000e+00 : f32
    %mul3A_1398 = vector.broadcast %mul3A_1397 : f32 to vector<16xf32>
    %mul3A_1399 = arith.mulf %gather3A_1396, %mul3A_1398 : vector<16xf32>
    %mul3A_1400 = arith.constant 512 : i32
    %mul3A_1401 = vector.broadcast %mul3A_1400 : i32 to vector<16xi32>
    %mul3A_1402 = arith.muli %add3A_1395, %mul3A_1401 : vector<16xi32>
    %add3A_1403 = arith.constant 505 : i32
    %add3A_1404 = vector.broadcast %add3A_1403 : i32 to vector<16xi32>
    %add3A_1405 = arith.addi %mul3A_1402, %add3A_1404 : vector<16xi32>
    tpu.vector_store_idx %arg6[%add3A_1405], %mul3A_1399 : memref<32768xf32, #tpu.memory_space<vmem>>[vector<16xi32>], vector<16xf32>,
    %add3A_1406 = arith.constant 16 : i32
    %add3A_1407 = vector.broadcast %add3A_1406 : i32 to vector<16xi32>
    %add3A_1408 = arith.addi %iota3A, %add3A_1407 : vector<16xi32>
    %gather3A_1409 = tpu.vector_load_idx %arg17[%add3A_1408, %broadcast_in_dim3A_1392] : memref<64x128xf32, #tpu.memory_space<vmem>>[vector<16xi32>, vector<16xi32>], vector<16xf32>,
    %mul3A_1410 = arith.constant 8.000000e+00 : f32
    %mul3A_1411 = vector.broadcast %mul3A_1410 : f32 to vector<16xf32>
    %mul3A_1412 = arith.mulf %gather3A_1409, %mul3A_1411 : vector<16xf32>
    %mul3A_1413 = arith.constant 512 : i32
    %mul3A_1414 = vector.broadcast %mul3A_1413 : i32 to vector<16xi32>
    %mul3A_1415 = arith.muli %add3A_1408, %mul3A_1414 : vector<16xi32>
    %add3A_1416 = arith.constant 505 : i32
    %add3A_1417 = vector.broadcast %add3A_1416 : i32 to vector<16xi32>
    %add3A_1418 = arith.addi %mul3A_1415, %add3A_1417 : vector<16xi32>
    tpu.vector_store_idx %arg6[%add3A_1418], %mul3A_1412 : memref<32768xf32, #tpu.memory_space<vmem>>[vector<16xi32>], vector<16xf32>,
    %add3A_1419 = arith.constant 32 : i32
    %add3A_1420 = vector.broadcast %add3A_1419 : i32 to vector<16xi32>
    %add3A_1421 = arith.addi %iota3A, %add3A_1420 : vector<16xi32>
    %gather3A_1422 = tpu.vector_load_idx %arg17[%add3A_1421, %broadcast_in_dim3A_1392] : memref<64x128xf32, #tpu.memory_space<vmem>>[vector<16xi32>, vector<16xi32>], vector<16xf32>,
    %mul3A_1423 = arith.constant 8.000000e+00 : f32
    %mul3A_1424 = vector.broadcast %mul3A_1423 : f32 to vector<16xf32>
    %mul3A_1425 = arith.mulf %gather3A_1422, %mul3A_1424 : vector<16xf32>
    %mul3A_1426 = arith.constant 512 : i32
    %mul3A_1427 = vector.broadcast %mul3A_1426 : i32 to vector<16xi32>
    %mul3A_1428 = arith.muli %add3A_1421, %mul3A_1427 : vector<16xi32>
    %add3A_1429 = arith.constant 505 : i32
    %add3A_1430 = vector.broadcast %add3A_1429 : i32 to vector<16xi32>
    %add3A_1431 = arith.addi %mul3A_1428, %add3A_1430 : vector<16xi32>
    tpu.vector_store_idx %arg6[%add3A_1431], %mul3A_1425 : memref<32768xf32, #tpu.memory_space<vmem>>[vector<16xi32>], vector<16xf32>,
    %add3A_1432 = arith.constant 48 : i32
    %add3A_1433 = vector.broadcast %add3A_1432 : i32 to vector<16xi32>
    %add3A_1434 = arith.addi %iota3A, %add3A_1433 : vector<16xi32>
    %gather3A_1435 = tpu.vector_load_idx %arg17[%add3A_1434, %broadcast_in_dim3A_1392] : memref<64x128xf32, #tpu.memory_space<vmem>>[vector<16xi32>, vector<16xi32>], vector<16xf32>,
    %mul3A_1436 = arith.constant 8.000000e+00 : f32
    %mul3A_1437 = vector.broadcast %mul3A_1436 : f32 to vector<16xf32>
    %mul3A_1438 = arith.mulf %gather3A_1435, %mul3A_1437 : vector<16xf32>
    %mul3A_1439 = arith.constant 512 : i32
    %mul3A_1440 = vector.broadcast %mul3A_1439 : i32 to vector<16xi32>
    %mul3A_1441 = arith.muli %add3A_1434, %mul3A_1440 : vector<16xi32>
    %add3A_1442 = arith.constant 505 : i32
    %add3A_1443 = vector.broadcast %add3A_1442 : i32 to vector<16xi32>
    %add3A_1444 = arith.addi %mul3A_1441, %add3A_1443 : vector<16xi32>
    tpu.vector_store_idx %arg6[%add3A_1444], %mul3A_1438 : memref<32768xf32, #tpu.memory_space<vmem>>[vector<16xi32>], vector<16xf32>,
    %jit3A_1445 = arith.constant 506 : i32
    %jit3A_1446 = arith.constant 16 : i32
    %div3A_1447 = arith.divsi %jit3A_1445, %jit3A_1446 : i32
    %sign3A_1448 = arith.constant 0 : i32
    %sign3A_1449 = arith.cmpi sgt, %jit3A_1445, %sign3A_1448 : i32
    %sign3A_1450 = arith.extui %sign3A_1449 : i1 to i32
    %sign3A_1451 = arith.constant 0 : i32
    %sign3A_1452 = arith.cmpi slt, %jit3A_1445, %sign3A_1451 : i32
    %sign3A_1453 = arith.extui %sign3A_1452 : i1 to i32
    %sign3A_1454 = arith.subi %sign3A_1450, %sign3A_1453 : i32
    %sign3A_1455 = arith.constant 0 : i32
    %sign3A_1456 = arith.cmpi sgt, %jit3A_1446, %sign3A_1455 : i32
    %sign3A_1457 = arith.extui %sign3A_1456 : i1 to i32
    %sign3A_1458 = arith.constant 0 : i32
    %sign3A_1459 = arith.cmpi slt, %jit3A_1446, %sign3A_1458 : i32
    %sign3A_1460 = arith.extui %sign3A_1459 : i1 to i32
    %sign3A_1461 = arith.subi %sign3A_1457, %sign3A_1460 : i32
    %ne3A_1462 = arith.cmpi ne, %sign3A_1454, %sign3A_1461 : i32
    %rem3A_1463 = arith.remsi %jit3A_1445, %jit3A_1446 : i32
    %ne3A_1464 = arith.constant 0 : i32
    %ne3A_1465 = arith.cmpi ne, %rem3A_1463, %ne3A_1464 : i32
    %and3A_1466 = arith.andi %ne3A_1462, %ne3A_1465 : i1
    %sub3A_1467 = arith.constant 1 : i32
    %sub3A_1468 = arith.subi %div3A_1447, %sub3A_1467 : i32
    %select_n3A_1469 = arith.select %and3A_1466, %sub3A_1468, %div3A_1447 : i32
    %mul3A_1470 = arith.constant 16 : i32
    %mul3A_1471 = arith.muli %select_n3A_1469, %mul3A_1470 : i32
    %multiple_of3A_1472 = tpu.assume_multiple %mul3A_1471, 16 : i32
    %get3A_1473 = arith.index_cast %multiple_of3A_1472 : i32 to index
    %get3A_1474 = tpu.vector_load %arg5[%get3A_1473] {strides = array<i32>} : memref<512xi32, #tpu.memory_space<vmem>>, vector<16xi32>,
    %sub3A_1475 = arith.constant 506 : i32
    %sub3A_1476 = arith.subi %sub3A_1475, %multiple_of3A_1472 : i32
    %eq3A_1477 = vector.broadcast %sub3A_1476 : i32 to vector<16xi32>
    %eq3A_1478 = arith.cmpi eq, %iota3A, %eq3A_1477 : vector<16xi32>
    %jit3A_1479 = arith.constant 0 : i32
    %broadcast_in_dim3A_1480 = vector.broadcast %jit3A_1479 : i32 to vector<16xi32>
    %select_n3A_1481 = arith.select %eq3A_1478, %get3A_1474, %broadcast_in_dim3A_1480 : vector<16xi1>, vector<16xi32>
    %reduce_sum3A_1482 = arith.constant true
    %reduce_sum3A_1483 = vector.broadcast %reduce_sum3A_1482 : i1 to vector<16xi1>
    %reduce_sum3A_1484 = tpu.scan <sum>, %select_n3A_1481 masked %reduce_sum3A_1483 : vector<16xi32>, vector<16xi1> -> vector<16xi32>
    %reduce_sum3A_1485 = vector.extract %reduce_sum3A_1484[15] : i32 from vector<16xi32>
    %jit3A_1486 = arith.constant 128 : i32
    %div3A_1487 = arith.divsi %reduce_sum3A_1485, %jit3A_1486 : i32
    %sign3A_1488 = arith.constant 0 : i32
    %sign3A_1489 = arith.cmpi sgt, %reduce_sum3A_1485, %sign3A_1488 : i32
    %sign3A_1490 = arith.extui %sign3A_1489 : i1 to i32
    %sign3A_1491 = arith.constant 0 : i32
    %sign3A_1492 = arith.cmpi slt, %reduce_sum3A_1485, %sign3A_1491 : i32
    %sign3A_1493 = arith.extui %sign3A_1492 : i1 to i32
    %sign3A_1494 = arith.subi %sign3A_1490, %sign3A_1493 : i32
    %sign3A_1495 = arith.constant 0 : i32
    %sign3A_1496 = arith.cmpi sgt, %jit3A_1486, %sign3A_1495 : i32
    %sign3A_1497 = arith.extui %sign3A_1496 : i1 to i32
    %sign3A_1498 = arith.constant 0 : i32
    %sign3A_1499 = arith.cmpi slt, %jit3A_1486, %sign3A_1498 : i32
    %sign3A_1500 = arith.extui %sign3A_1499 : i1 to i32
    %sign3A_1501 = arith.subi %sign3A_1497, %sign3A_1500 : i32
    %ne3A_1502 = arith.cmpi ne, %sign3A_1494, %sign3A_1501 : i32
    %rem3A_1503 = arith.remsi %reduce_sum3A_1485, %jit3A_1486 : i32
    %ne3A_1504 = arith.constant 0 : i32
    %ne3A_1505 = arith.cmpi ne, %rem3A_1503, %ne3A_1504 : i32
    %and3A_1506 = arith.andi %ne3A_1502, %ne3A_1505 : i1
    %sub3A_1507 = arith.constant 1 : i32
    %sub3A_1508 = arith.subi %div3A_1487, %sub3A_1507 : i32
    %select_n3A_1509 = arith.select %and3A_1506, %sub3A_1508, %div3A_1487 : i32
    %mul3A_1510 = arith.constant 128 : i32
    %mul3A_1511 = arith.muli %select_n3A_1509, %mul3A_1510 : i32
    %multiple_of3A_1512 = tpu.assume_multiple %mul3A_1511, 128 : i32
    %dma_start3A_1513 = arith.constant 0 : i32
    %dma_start3A_1514 = tpu.memref_slice %arg3[%dma_start3A_1513, %multiple_of3A_1512] : memref<64x1000000xf32, #tpu.memory_space<hbm>> -> memref<64x128xf32, #tpu.memory_space<hbm>>
    %dma_start3A_1515 = arith.constant 0 : i32
    %dma_start3A_1516 = tpu.memref_slice %arg3[%dma_start3A_1515, %multiple_of3A_1512] : memref<64x1000000xf32, #tpu.memory_space<hbm>> -> memref<64x128xf32, #tpu.memory_space<hbm>>
    tpu.enqueue_dma source(%dma_start3A_1516 : memref<64x128xf32, #tpu.memory_space<hbm>>) target(%arg7 : memref<64x128xf32, #tpu.memory_space<vmem>>) target_semaphore(%arg18 : memref<!tpu.dma_semaphore, #tpu.memory_space<semaphore_mem>>)
    %sub3A_1517 = arith.subi %reduce_sum3A_1485, %multiple_of3A_1512 : i32
    %jit3A_1518 = arith.constant 507 : i32
    %jit3A_1519 = arith.constant 16 : i32
    %div3A_1520 = arith.divsi %jit3A_1518, %jit3A_1519 : i32
    %sign3A_1521 = arith.constant 0 : i32
    %sign3A_1522 = arith.cmpi sgt, %jit3A_1518, %sign3A_1521 : i32
    %sign3A_1523 = arith.extui %sign3A_1522 : i1 to i32
    %sign3A_1524 = arith.constant 0 : i32
    %sign3A_1525 = arith.cmpi slt, %jit3A_1518, %sign3A_1524 : i32
    %sign3A_1526 = arith.extui %sign3A_1525 : i1 to i32
    %sign3A_1527 = arith.subi %sign3A_1523, %sign3A_1526 : i32
    %sign3A_1528 = arith.constant 0 : i32
    %sign3A_1529 = arith.cmpi sgt, %jit3A_1519, %sign3A_1528 : i32
    %sign3A_1530 = arith.extui %sign3A_1529 : i1 to i32
    %sign3A_1531 = arith.constant 0 : i32
    %sign3A_1532 = arith.cmpi slt, %jit3A_1519, %sign3A_1531 : i32
    %sign3A_1533 = arith.extui %sign3A_1532 : i1 to i32
    %sign3A_1534 = arith.subi %sign3A_1530, %sign3A_1533 : i32
    %ne3A_1535 = arith.cmpi ne, %sign3A_1527, %sign3A_1534 : i32
    %rem3A_1536 = arith.remsi %jit3A_1518, %jit3A_1519 : i32
    %ne3A_1537 = arith.constant 0 : i32
    %ne3A_1538 = arith.cmpi ne, %rem3A_1536, %ne3A_1537 : i32
    %and3A_1539 = arith.andi %ne3A_1535, %ne3A_1538 : i1
    %sub3A_1540 = arith.constant 1 : i32
    %sub3A_1541 = arith.subi %div3A_1520, %sub3A_1540 : i32
    %select_n3A_1542 = arith.select %and3A_1539, %sub3A_1541, %div3A_1520 : i32
    %mul3A_1543 = arith.constant 16 : i32
    %mul3A_1544 = arith.muli %select_n3A_1542, %mul3A_1543 : i32
    %multiple_of3A_1545 = tpu.assume_multiple %mul3A_1544, 16 : i32
    %get3A_1546 = arith.index_cast %multiple_of3A_1545 : i32 to index
    %get3A_1547 = tpu.vector_load %arg5[%get3A_1546] {strides = array<i32>} : memref<512xi32, #tpu.memory_space<vmem>>, vector<16xi32>,
    %sub3A_1548 = arith.constant 507 : i32
    %sub3A_1549 = arith.subi %sub3A_1548, %multiple_of3A_1545 : i32
    %eq3A_1550 = vector.broadcast %sub3A_1549 : i32 to vector<16xi32>
    %eq3A_1551 = arith.cmpi eq, %iota3A, %eq3A_1550 : vector<16xi32>
    %jit3A_1552 = arith.constant 0 : i32
    %broadcast_in_dim3A_1553 = vector.broadcast %jit3A_1552 : i32 to vector<16xi32>
    %select_n3A_1554 = arith.select %eq3A_1551, %get3A_1547, %broadcast_in_dim3A_1553 : vector<16xi1>, vector<16xi32>
    %reduce_sum3A_1555 = arith.constant true
    %reduce_sum3A_1556 = vector.broadcast %reduce_sum3A_1555 : i1 to vector<16xi1>
    %reduce_sum3A_1557 = tpu.scan <sum>, %select_n3A_1554 masked %reduce_sum3A_1556 : vector<16xi32>, vector<16xi1> -> vector<16xi32>
    %reduce_sum3A_1558 = vector.extract %reduce_sum3A_1557[15] : i32 from vector<16xi32>
    %jit3A_1559 = arith.constant 128 : i32
    %div3A_1560 = arith.divsi %reduce_sum3A_1558, %jit3A_1559 : i32
    %sign3A_1561 = arith.constant 0 : i32
    %sign3A_1562 = arith.cmpi sgt, %reduce_sum3A_1558, %sign3A_1561 : i32
    %sign3A_1563 = arith.extui %sign3A_1562 : i1 to i32
    %sign3A_1564 = arith.constant 0 : i32
    %sign3A_1565 = arith.cmpi slt, %reduce_sum3A_1558, %sign3A_1564 : i32
    %sign3A_1566 = arith.extui %sign3A_1565 : i1 to i32
    %sign3A_1567 = arith.subi %sign3A_1563, %sign3A_1566 : i32
    %sign3A_1568 = arith.constant 0 : i32
    %sign3A_1569 = arith.cmpi sgt, %jit3A_1559, %sign3A_1568 : i32
    %sign3A_1570 = arith.extui %sign3A_1569 : i1 to i32
    %sign3A_1571 = arith.constant 0 : i32
    %sign3A_1572 = arith.cmpi slt, %jit3A_1559, %sign3A_1571 : i32
    %sign3A_1573 = arith.extui %sign3A_1572 : i1 to i32
    %sign3A_1574 = arith.subi %sign3A_1570, %sign3A_1573 : i32
    %ne3A_1575 = arith.cmpi ne, %sign3A_1567, %sign3A_1574 : i32
    %rem3A_1576 = arith.remsi %reduce_sum3A_1558, %jit3A_1559 : i32
    %ne3A_1577 = arith.constant 0 : i32
    %ne3A_1578 = arith.cmpi ne, %rem3A_1576, %ne3A_1577 : i32
    %and3A_1579 = arith.andi %ne3A_1575, %ne3A_1578 : i1
    %sub3A_1580 = arith.constant 1 : i32
    %sub3A_1581 = arith.subi %div3A_1560, %sub3A_1580 : i32
    %select_n3A_1582 = arith.select %and3A_1579, %sub3A_1581, %div3A_1560 : i32
    %mul3A_1583 = arith.constant 128 : i32
    %mul3A_1584 = arith.muli %select_n3A_1582, %mul3A_1583 : i32
    %multiple_of3A_1585 = tpu.assume_multiple %mul3A_1584, 128 : i32
    %dma_start3A_1586 = arith.constant 0 : i32
    %dma_start3A_1587 = tpu.memref_slice %arg3[%dma_start3A_1586, %multiple_of3A_1585] : memref<64x1000000xf32, #tpu.memory_space<hbm>> -> memref<64x128xf32, #tpu.memory_space<hbm>>
    %dma_start3A_1588 = arith.constant 0 : i32
    %dma_start3A_1589 = tpu.memref_slice %arg3[%dma_start3A_1588, %multiple_of3A_1585] : memref<64x1000000xf32, #tpu.memory_space<hbm>> -> memref<64x128xf32, #tpu.memory_space<hbm>>
    tpu.enqueue_dma source(%dma_start3A_1589 : memref<64x128xf32, #tpu.memory_space<hbm>>) target(%arg8 : memref<64x128xf32, #tpu.memory_space<vmem>>) target_semaphore(%arg19 : memref<!tpu.dma_semaphore, #tpu.memory_space<semaphore_mem>>)
    %sub3A_1590 = arith.subi %reduce_sum3A_1558, %multiple_of3A_1585 : i32
    %jit3A_1591 = arith.constant 508 : i32
    %jit3A_1592 = arith.constant 16 : i32
    %div3A_1593 = arith.divsi %jit3A_1591, %jit3A_1592 : i32
    %sign3A_1594 = arith.constant 0 : i32
    %sign3A_1595 = arith.cmpi sgt, %jit3A_1591, %sign3A_1594 : i32
    %sign3A_1596 = arith.extui %sign3A_1595 : i1 to i32
    %sign3A_1597 = arith.constant 0 : i32
    %sign3A_1598 = arith.cmpi slt, %jit3A_1591, %sign3A_1597 : i32
    %sign3A_1599 = arith.extui %sign3A_1598 : i1 to i32
    %sign3A_1600 = arith.subi %sign3A_1596, %sign3A_1599 : i32
    %sign3A_1601 = arith.constant 0 : i32
    %sign3A_1602 = arith.cmpi sgt, %jit3A_1592, %sign3A_1601 : i32
    %sign3A_1603 = arith.extui %sign3A_1602 : i1 to i32
    %sign3A_1604 = arith.constant 0 : i32
    %sign3A_1605 = arith.cmpi slt, %jit3A_1592, %sign3A_1604 : i32
    %sign3A_1606 = arith.extui %sign3A_1605 : i1 to i32
    %sign3A_1607 = arith.subi %sign3A_1603, %sign3A_1606 : i32
    %ne3A_1608 = arith.cmpi ne, %sign3A_1600, %sign3A_1607 : i32
    %rem3A_1609 = arith.remsi %jit3A_1591, %jit3A_1592 : i32
    %ne3A_1610 = arith.constant 0 : i32
    %ne3A_1611 = arith.cmpi ne, %rem3A_1609, %ne3A_1610 : i32
    %and3A_1612 = arith.andi %ne3A_1608, %ne3A_1611 : i1
    %sub3A_1613 = arith.constant 1 : i32
    %sub3A_1614 = arith.subi %div3A_1593, %sub3A_1613 : i32
    %select_n3A_1615 = arith.select %and3A_1612, %sub3A_1614, %div3A_1593 : i32
    %mul3A_1616 = arith.constant 16 : i32
    %mul3A_1617 = arith.muli %select_n3A_1615, %mul3A_1616 : i32
    %multiple_of3A_1618 = tpu.assume_multiple %mul3A_1617, 16 : i32
    %get3A_1619 = arith.index_cast %multiple_of3A_1618 : i32 to index
    %get3A_1620 = tpu.vector_load %arg5[%get3A_1619] {strides = array<i32>} : memref<512xi32, #tpu.memory_space<vmem>>, vector<16xi32>,
    %sub3A_1621 = arith.constant 508 : i32
    %sub3A_1622 = arith.subi %sub3A_1621, %multiple_of3A_1618 : i32
    %eq3A_1623 = vector.broadcast %sub3A_1622 : i32 to vector<16xi32>
    %eq3A_1624 = arith.cmpi eq, %iota3A, %eq3A_1623 : vector<16xi32>
    %jit3A_1625 = arith.constant 0 : i32
    %broadcast_in_dim3A_1626 = vector.broadcast %jit3A_1625 : i32 to vector<16xi32>
    %select_n3A_1627 = arith.select %eq3A_1624, %get3A_1620, %broadcast_in_dim3A_1626 : vector<16xi1>, vector<16xi32>
    %reduce_sum3A_1628 = arith.constant true
    %reduce_sum3A_1629 = vector.broadcast %reduce_sum3A_1628 : i1 to vector<16xi1>
    %reduce_sum3A_1630 = tpu.scan <sum>, %select_n3A_1627 masked %reduce_sum3A_1629 : vector<16xi32>, vector<16xi1> -> vector<16xi32>
    %reduce_sum3A_1631 = vector.extract %reduce_sum3A_1630[15] : i32 from vector<16xi32>
    %jit3A_1632 = arith.constant 128 : i32
    %div3A_1633 = arith.divsi %reduce_sum3A_1631, %jit3A_1632 : i32
    %sign3A_1634 = arith.constant 0 : i32
    %sign3A_1635 = arith.cmpi sgt, %reduce_sum3A_1631, %sign3A_1634 : i32
    %sign3A_1636 = arith.extui %sign3A_1635 : i1 to i32
    %sign3A_1637 = arith.constant 0 : i32
    %sign3A_1638 = arith.cmpi slt, %reduce_sum3A_1631, %sign3A_1637 : i32
    %sign3A_1639 = arith.extui %sign3A_1638 : i1 to i32
    %sign3A_1640 = arith.subi %sign3A_1636, %sign3A_1639 : i32
    %sign3A_1641 = arith.constant 0 : i32
    %sign3A_1642 = arith.cmpi sgt, %jit3A_1632, %sign3A_1641 : i32
    %sign3A_1643 = arith.extui %sign3A_1642 : i1 to i32
    %sign3A_1644 = arith.constant 0 : i32
    %sign3A_1645 = arith.cmpi slt, %jit3A_1632, %sign3A_1644 : i32
    %sign3A_1646 = arith.extui %sign3A_1645 : i1 to i32
    %sign3A_1647 = arith.subi %sign3A_1643, %sign3A_1646 : i32
    %ne3A_1648 = arith.cmpi ne, %sign3A_1640, %sign3A_1647 : i32
    %rem3A_1649 = arith.remsi %reduce_sum3A_1631, %jit3A_1632 : i32
    %ne3A_1650 = arith.constant 0 : i32
    %ne3A_1651 = arith.cmpi ne, %rem3A_1649, %ne3A_1650 : i32
    %and3A_1652 = arith.andi %ne3A_1648, %ne3A_1651 : i1
    %sub3A_1653 = arith.constant 1 : i32
    %sub3A_1654 = arith.subi %div3A_1633, %sub3A_1653 : i32
    %select_n3A_1655 = arith.select %and3A_1652, %sub3A_1654, %div3A_1633 : i32
    %mul3A_1656 = arith.constant 128 : i32
    %mul3A_1657 = arith.muli %select_n3A_1655, %mul3A_1656 : i32
    %multiple_of3A_1658 = tpu.assume_multiple %mul3A_1657, 128 : i32
    %dma_start3A_1659 = arith.constant 0 : i32
    %dma_start3A_1660 = tpu.memref_slice %arg3[%dma_start3A_1659, %multiple_of3A_1658] : memref<64x1000000xf32, #tpu.memory_space<hbm>> -> memref<64x128xf32, #tpu.memory_space<hbm>>
    %dma_start3A_1661 = arith.constant 0 : i32
    %dma_start3A_1662 = tpu.memref_slice %arg3[%dma_start3A_1661, %multiple_of3A_1658] : memref<64x1000000xf32, #tpu.memory_space<hbm>> -> memref<64x128xf32, #tpu.memory_space<hbm>>
    tpu.enqueue_dma source(%dma_start3A_1662 : memref<64x128xf32, #tpu.memory_space<hbm>>) target(%arg9 : memref<64x128xf32, #tpu.memory_space<vmem>>) target_semaphore(%arg20 : memref<!tpu.dma_semaphore, #tpu.memory_space<semaphore_mem>>)
    %sub3A_1663 = arith.subi %reduce_sum3A_1631, %multiple_of3A_1658 : i32
    %jit3A_1664 = arith.constant 509 : i32
    %jit3A_1665 = arith.constant 16 : i32
    %div3A_1666 = arith.divsi %jit3A_1664, %jit3A_1665 : i32
    %sign3A_1667 = arith.constant 0 : i32
    %sign3A_1668 = arith.cmpi sgt, %jit3A_1664, %sign3A_1667 : i32
    %sign3A_1669 = arith.extui %sign3A_1668 : i1 to i32
    %sign3A_1670 = arith.constant 0 : i32
    %sign3A_1671 = arith.cmpi slt, %jit3A_1664, %sign3A_1670 : i32
    %sign3A_1672 = arith.extui %sign3A_1671 : i1 to i32
    %sign3A_1673 = arith.subi %sign3A_1669, %sign3A_1672 : i32
    %sign3A_1674 = arith.constant 0 : i32
    %sign3A_1675 = arith.cmpi sgt, %jit3A_1665, %sign3A_1674 : i32
    %sign3A_1676 = arith.extui %sign3A_1675 : i1 to i32
    %sign3A_1677 = arith.constant 0 : i32
    %sign3A_1678 = arith.cmpi slt, %jit3A_1665, %sign3A_1677 : i32
    %sign3A_1679 = arith.extui %sign3A_1678 : i1 to i32
    %sign3A_1680 = arith.subi %sign3A_1676, %sign3A_1679 : i32
    %ne3A_1681 = arith.cmpi ne, %sign3A_1673, %sign3A_1680 : i32
    %rem3A_1682 = arith.remsi %jit3A_1664, %jit3A_1665 : i32
    %ne3A_1683 = arith.constant 0 : i32
    %ne3A_1684 = arith.cmpi ne, %rem3A_1682, %ne3A_1683 : i32
    %and3A_1685 = arith.andi %ne3A_1681, %ne3A_1684 : i1
    %sub3A_1686 = arith.constant 1 : i32
    %sub3A_1687 = arith.subi %div3A_1666, %sub3A_1686 : i32
    %select_n3A_1688 = arith.select %and3A_1685, %sub3A_1687, %div3A_1666 : i32
    %mul3A_1689 = arith.constant 16 : i32
    %mul3A_1690 = arith.muli %select_n3A_1688, %mul3A_1689 : i32
    %multiple_of3A_1691 = tpu.assume_multiple %mul3A_1690, 16 : i32
    %get3A_1692 = arith.index_cast %multiple_of3A_1691 : i32 to index
    %get3A_1693 = tpu.vector_load %arg5[%get3A_1692] {strides = array<i32>} : memref<512xi32, #tpu.memory_space<vmem>>, vector<16xi32>,
    %sub3A_1694 = arith.constant 509 : i32
    %sub3A_1695 = arith.subi %sub3A_1694, %multiple_of3A_1691 : i32
    %eq3A_1696 = vector.broadcast %sub3A_1695 : i32 to vector<16xi32>
    %eq3A_1697 = arith.cmpi eq, %iota3A, %eq3A_1696 : vector<16xi32>
    %jit3A_1698 = arith.constant 0 : i32
    %broadcast_in_dim3A_1699 = vector.broadcast %jit3A_1698 : i32 to vector<16xi32>
    %select_n3A_1700 = arith.select %eq3A_1697, %get3A_1693, %broadcast_in_dim3A_1699 : vector<16xi1>, vector<16xi32>
    %reduce_sum3A_1701 = arith.constant true
    %reduce_sum3A_1702 = vector.broadcast %reduce_sum3A_1701 : i1 to vector<16xi1>
    %reduce_sum3A_1703 = tpu.scan <sum>, %select_n3A_1700 masked %reduce_sum3A_1702 : vector<16xi32>, vector<16xi1> -> vector<16xi32>
    %reduce_sum3A_1704 = vector.extract %reduce_sum3A_1703[15] : i32 from vector<16xi32>
    %jit3A_1705 = arith.constant 128 : i32
    %div3A_1706 = arith.divsi %reduce_sum3A_1704, %jit3A_1705 : i32
    %sign3A_1707 = arith.constant 0 : i32
    %sign3A_1708 = arith.cmpi sgt, %reduce_sum3A_1704, %sign3A_1707 : i32
    %sign3A_1709 = arith.extui %sign3A_1708 : i1 to i32
    %sign3A_1710 = arith.constant 0 : i32
    %sign3A_1711 = arith.cmpi slt, %reduce_sum3A_1704, %sign3A_1710 : i32
    %sign3A_1712 = arith.extui %sign3A_1711 : i1 to i32
    %sign3A_1713 = arith.subi %sign3A_1709, %sign3A_1712 : i32
    %sign3A_1714 = arith.constant 0 : i32
    %sign3A_1715 = arith.cmpi sgt, %jit3A_1705, %sign3A_1714 : i32
    %sign3A_1716 = arith.extui %sign3A_1715 : i1 to i32
    %sign3A_1717 = arith.constant 0 : i32
    %sign3A_1718 = arith.cmpi slt, %jit3A_1705, %sign3A_1717 : i32
    %sign3A_1719 = arith.extui %sign3A_1718 : i1 to i32
    %sign3A_1720 = arith.subi %sign3A_1716, %sign3A_1719 : i32
    %ne3A_1721 = arith.cmpi ne, %sign3A_1713, %sign3A_1720 : i32
    %rem3A_1722 = arith.remsi %reduce_sum3A_1704, %jit3A_1705 : i32
    %ne3A_1723 = arith.constant 0 : i32
    %ne3A_1724 = arith.cmpi ne, %rem3A_1722, %ne3A_1723 : i32
    %and3A_1725 = arith.andi %ne3A_1721, %ne3A_1724 : i1
    %sub3A_1726 = arith.constant 1 : i32
    %sub3A_1727 = arith.subi %div3A_1706, %sub3A_1726 : i32
    %select_n3A_1728 = arith.select %and3A_1725, %sub3A_1727, %div3A_1706 : i32
    %mul3A_1729 = arith.constant 128 : i32
    %mul3A_1730 = arith.muli %select_n3A_1728, %mul3A_1729 : i32
    %multiple_of3A_1731 = tpu.assume_multiple %mul3A_1730, 128 : i32
    %dma_start3A_1732 = arith.constant 0 : i32
    %dma_start3A_1733 = tpu.memref_slice %arg3[%dma_start3A_1732, %multiple_of3A_1731] : memref<64x1000000xf32, #tpu.memory_space<hbm>> -> memref<64x128xf32, #tpu.memory_space<hbm>>
    %dma_start3A_1734 = arith.constant 0 : i32
    %dma_start3A_1735 = tpu.memref_slice %arg3[%dma_start3A_1734, %multiple_of3A_1731] : memref<64x1000000xf32, #tpu.memory_space<hbm>> -> memref<64x128xf32, #tpu.memory_space<hbm>>
    tpu.enqueue_dma source(%dma_start3A_1735 : memref<64x128xf32, #tpu.memory_space<hbm>>) target(%arg10 : memref<64x128xf32, #tpu.memory_space<vmem>>) target_semaphore(%arg21 : memref<!tpu.dma_semaphore, #tpu.memory_space<semaphore_mem>>)
    %sub3A_1736 = arith.subi %reduce_sum3A_1704, %multiple_of3A_1731 : i32
    %jit3A_1737 = arith.constant 510 : i32
    %jit3A_1738 = arith.constant 16 : i32
    %div3A_1739 = arith.divsi %jit3A_1737, %jit3A_1738 : i32
    %sign3A_1740 = arith.constant 0 : i32
    %sign3A_1741 = arith.cmpi sgt, %jit3A_1737, %sign3A_1740 : i32
    %sign3A_1742 = arith.extui %sign3A_1741 : i1 to i32
    %sign3A_1743 = arith.constant 0 : i32
    %sign3A_1744 = arith.cmpi slt, %jit3A_1737, %sign3A_1743 : i32
    %sign3A_1745 = arith.extui %sign3A_1744 : i1 to i32
    %sign3A_1746 = arith.subi %sign3A_1742, %sign3A_1745 : i32
    %sign3A_1747 = arith.constant 0 : i32
    %sign3A_1748 = arith.cmpi sgt, %jit3A_1738, %sign3A_1747 : i32
    %sign3A_1749 = arith.extui %sign3A_1748 : i1 to i32
    %sign3A_1750 = arith.constant 0 : i32
    %sign3A_1751 = arith.cmpi slt, %jit3A_1738, %sign3A_1750 : i32
    %sign3A_1752 = arith.extui %sign3A_1751 : i1 to i32
    %sign3A_1753 = arith.subi %sign3A_1749, %sign3A_1752 : i32
    %ne3A_1754 = arith.cmpi ne, %sign3A_1746, %sign3A_1753 : i32
    %rem3A_1755 = arith.remsi %jit3A_1737, %jit3A_1738 : i32
    %ne3A_1756 = arith.constant 0 : i32
    %ne3A_1757 = arith.cmpi ne, %rem3A_1755, %ne3A_1756 : i32
    %and3A_1758 = arith.andi %ne3A_1754, %ne3A_1757 : i1
    %sub3A_1759 = arith.constant 1 : i32
    %sub3A_1760 = arith.subi %div3A_1739, %sub3A_1759 : i32
    %select_n3A_1761 = arith.select %and3A_1758, %sub3A_1760, %div3A_1739 : i32
    %mul3A_1762 = arith.constant 16 : i32
    %mul3A_1763 = arith.muli %select_n3A_1761, %mul3A_1762 : i32
    %multiple_of3A_1764 = tpu.assume_multiple %mul3A_1763, 16 : i32
    %get3A_1765 = arith.index_cast %multiple_of3A_1764 : i32 to index
    %get3A_1766 = tpu.vector_load %arg5[%get3A_1765] {strides = array<i32>} : memref<512xi32, #tpu.memory_space<vmem>>, vector<16xi32>,
    %sub3A_1767 = arith.constant 510 : i32
    %sub3A_1768 = arith.subi %sub3A_1767, %multiple_of3A_1764 : i32
    %eq3A_1769 = vector.broadcast %sub3A_1768 : i32 to vector<16xi32>
    %eq3A_1770 = arith.cmpi eq, %iota3A, %eq3A_1769 : vector<16xi32>
    %jit3A_1771 = arith.constant 0 : i32
    %broadcast_in_dim3A_1772 = vector.broadcast %jit3A_1771 : i32 to vector<16xi32>
    %select_n3A_1773 = arith.select %eq3A_1770, %get3A_1766, %broadcast_in_dim3A_1772 : vector<16xi1>, vector<16xi32>
    %reduce_sum3A_1774 = arith.constant true
    %reduce_sum3A_1775 = vector.broadcast %reduce_sum3A_1774 : i1 to vector<16xi1>
    %reduce_sum3A_1776 = tpu.scan <sum>, %select_n3A_1773 masked %reduce_sum3A_1775 : vector<16xi32>, vector<16xi1> -> vector<16xi32>
    %reduce_sum3A_1777 = vector.extract %reduce_sum3A_1776[15] : i32 from vector<16xi32>
    %jit3A_1778 = arith.constant 128 : i32
    %div3A_1779 = arith.divsi %reduce_sum3A_1777, %jit3A_1778 : i32
    %sign3A_1780 = arith.constant 0 : i32
    %sign3A_1781 = arith.cmpi sgt, %reduce_sum3A_1777, %sign3A_1780 : i32
    %sign3A_1782 = arith.extui %sign3A_1781 : i1 to i32
    %sign3A_1783 = arith.constant 0 : i32
    %sign3A_1784 = arith.cmpi slt, %reduce_sum3A_1777, %sign3A_1783 : i32
    %sign3A_1785 = arith.extui %sign3A_1784 : i1 to i32
    %sign3A_1786 = arith.subi %sign3A_1782, %sign3A_1785 : i32
    %sign3A_1787 = arith.constant 0 : i32
    %sign3A_1788 = arith.cmpi sgt, %jit3A_1778, %sign3A_1787 : i32
    %sign3A_1789 = arith.extui %sign3A_1788 : i1 to i32
    %sign3A_1790 = arith.constant 0 : i32
    %sign3A_1791 = arith.cmpi slt, %jit3A_1778, %sign3A_1790 : i32
    %sign3A_1792 = arith.extui %sign3A_1791 : i1 to i32
    %sign3A_1793 = arith.subi %sign3A_1789, %sign3A_1792 : i32
    %ne3A_1794 = arith.cmpi ne, %sign3A_1786, %sign3A_1793 : i32
    %rem3A_1795 = arith.remsi %reduce_sum3A_1777, %jit3A_1778 : i32
    %ne3A_1796 = arith.constant 0 : i32
    %ne3A_1797 = arith.cmpi ne, %rem3A_1795, %ne3A_1796 : i32
    %and3A_1798 = arith.andi %ne3A_1794, %ne3A_1797 : i1
    %sub3A_1799 = arith.constant 1 : i32
    %sub3A_1800 = arith.subi %div3A_1779, %sub3A_1799 : i32
    %select_n3A_1801 = arith.select %and3A_1798, %sub3A_1800, %div3A_1779 : i32
    %mul3A_1802 = arith.constant 128 : i32
    %mul3A_1803 = arith.muli %select_n3A_1801, %mul3A_1802 : i32
    %multiple_of3A_1804 = tpu.assume_multiple %mul3A_1803, 128 : i32
    %dma_start3A_1805 = arith.constant 0 : i32
    %dma_start3A_1806 = tpu.memref_slice %arg3[%dma_start3A_1805, %multiple_of3A_1804] : memref<64x1000000xf32, #tpu.memory_space<hbm>> -> memref<64x128xf32, #tpu.memory_space<hbm>>
    %dma_start3A_1807 = arith.constant 0 : i32
    %dma_start3A_1808 = tpu.memref_slice %arg3[%dma_start3A_1807, %multiple_of3A_1804] : memref<64x1000000xf32, #tpu.memory_space<hbm>> -> memref<64x128xf32, #tpu.memory_space<hbm>>
    tpu.enqueue_dma source(%dma_start3A_1808 : memref<64x128xf32, #tpu.memory_space<hbm>>) target(%arg11 : memref<64x128xf32, #tpu.memory_space<vmem>>) target_semaphore(%arg22 : memref<!tpu.dma_semaphore, #tpu.memory_space<semaphore_mem>>)
    %sub3A_1809 = arith.subi %reduce_sum3A_1777, %multiple_of3A_1804 : i32
    %jit3A_1810 = arith.constant 511 : i32
    %jit3A_1811 = arith.constant 16 : i32
    %div3A_1812 = arith.divsi %jit3A_1810, %jit3A_1811 : i32
    %sign3A_1813 = arith.constant 0 : i32
    %sign3A_1814 = arith.cmpi sgt, %jit3A_1810, %sign3A_1813 : i32
    %sign3A_1815 = arith.extui %sign3A_1814 : i1 to i32
    %sign3A_1816 = arith.constant 0 : i32
    %sign3A_1817 = arith.cmpi slt, %jit3A_1810, %sign3A_1816 : i32
    %sign3A_1818 = arith.extui %sign3A_1817 : i1 to i32
    %sign3A_1819 = arith.subi %sign3A_1815, %sign3A_1818 : i32
    %sign3A_1820 = arith.constant 0 : i32
    %sign3A_1821 = arith.cmpi sgt, %jit3A_1811, %sign3A_1820 : i32
    %sign3A_1822 = arith.extui %sign3A_1821 : i1 to i32
    %sign3A_1823 = arith.constant 0 : i32
    %sign3A_1824 = arith.cmpi slt, %jit3A_1811, %sign3A_1823 : i32
    %sign3A_1825 = arith.extui %sign3A_1824 : i1 to i32
    %sign3A_1826 = arith.subi %sign3A_1822, %sign3A_1825 : i32
    %ne3A_1827 = arith.cmpi ne, %sign3A_1819, %sign3A_1826 : i32
    %rem3A_1828 = arith.remsi %jit3A_1810, %jit3A_1811 : i32
    %ne3A_1829 = arith.constant 0 : i32
    %ne3A_1830 = arith.cmpi ne, %rem3A_1828, %ne3A_1829 : i32
    %and3A_1831 = arith.andi %ne3A_1827, %ne3A_1830 : i1
    %sub3A_1832 = arith.constant 1 : i32
    %sub3A_1833 = arith.subi %div3A_1812, %sub3A_1832 : i32
    %select_n3A_1834 = arith.select %and3A_1831, %sub3A_1833, %div3A_1812 : i32
    %mul3A_1835 = arith.constant 16 : i32
    %mul3A_1836 = arith.muli %select_n3A_1834, %mul3A_1835 : i32
    %multiple_of3A_1837 = tpu.assume_multiple %mul3A_1836, 16 : i32
    %get3A_1838 = arith.index_cast %multiple_of3A_1837 : i32 to index
    %get3A_1839 = tpu.vector_load %arg5[%get3A_1838] {strides = array<i32>} : memref<512xi32, #tpu.memory_space<vmem>>, vector<16xi32>,
    %sub3A_1840 = arith.constant 511 : i32
    %sub3A_1841 = arith.subi %sub3A_1840, %multiple_of3A_1837 : i32
    %eq3A_1842 = vector.broadcast %sub3A_1841 : i32 to vector<16xi32>
    %eq3A_1843 = arith.cmpi eq, %iota3A, %eq3A_1842 : vector<16xi32>
    %jit3A_1844 = arith.constant 0 : i32
    %broadcast_in_dim3A_1845 = vector.broadcast %jit3A_1844 : i32 to vector<16xi32>
    %select_n3A_1846 = arith.select %eq3A_1843, %get3A_1839, %broadcast_in_dim3A_1845 : vector<16xi1>, vector<16xi32>
    %reduce_sum3A_1847 = arith.constant true
    %reduce_sum3A_1848 = vector.broadcast %reduce_sum3A_1847 : i1 to vector<16xi1>
    %reduce_sum3A_1849 = tpu.scan <sum>, %select_n3A_1846 masked %reduce_sum3A_1848 : vector<16xi32>, vector<16xi1> -> vector<16xi32>
    %reduce_sum3A_1850 = vector.extract %reduce_sum3A_1849[15] : i32 from vector<16xi32>
    %jit3A_1851 = arith.constant 128 : i32
    %div3A_1852 = arith.divsi %reduce_sum3A_1850, %jit3A_1851 : i32
    %sign3A_1853 = arith.constant 0 : i32
    %sign3A_1854 = arith.cmpi sgt, %reduce_sum3A_1850, %sign3A_1853 : i32
    %sign3A_1855 = arith.extui %sign3A_1854 : i1 to i32
    %sign3A_1856 = arith.constant 0 : i32
    %sign3A_1857 = arith.cmpi slt, %reduce_sum3A_1850, %sign3A_1856 : i32
    %sign3A_1858 = arith.extui %sign3A_1857 : i1 to i32
    %sign3A_1859 = arith.subi %sign3A_1855, %sign3A_1858 : i32
    %sign3A_1860 = arith.constant 0 : i32
    %sign3A_1861 = arith.cmpi sgt, %jit3A_1851, %sign3A_1860 : i32
    %sign3A_1862 = arith.extui %sign3A_1861 : i1 to i32
    %sign3A_1863 = arith.constant 0 : i32
    %sign3A_1864 = arith.cmpi slt, %jit3A_1851, %sign3A_1863 : i32
    %sign3A_1865 = arith.extui %sign3A_1864 : i1 to i32
    %sign3A_1866 = arith.subi %sign3A_1862, %sign3A_1865 : i32
    %ne3A_1867 = arith.cmpi ne, %sign3A_1859, %sign3A_1866 : i32
    %rem3A_1868 = arith.remsi %reduce_sum3A_1850, %jit3A_1851 : i32
    %ne3A_1869 = arith.constant 0 : i32
    %ne3A_1870 = arith.cmpi ne, %rem3A_1868, %ne3A_1869 : i32
    %and3A_1871 = arith.andi %ne3A_1867, %ne3A_1870 : i1
    %sub3A_1872 = arith.constant 1 : i32
    %sub3A_1873 = arith.subi %div3A_1852, %sub3A_1872 : i32
    %select_n3A_1874 = arith.select %and3A_1871, %sub3A_1873, %div3A_1852 : i32
    %mul3A_1875 = arith.constant 128 : i32
    %mul3A_1876 = arith.muli %select_n3A_1874, %mul3A_1875 : i32
    %multiple_of3A_1877 = tpu.assume_multiple %mul3A_1876, 128 : i32
    %dma_start3A_1878 = arith.constant 0 : i32
    %dma_start3A_1879 = tpu.memref_slice %arg3[%dma_start3A_1878, %multiple_of3A_1877] : memref<64x1000000xf32, #tpu.memory_space<hbm>> -> memref<64x128xf32, #tpu.memory_space<hbm>>
    %dma_start3A_1880 = arith.constant 0 : i32
    %dma_start3A_1881 = tpu.memref_slice %arg3[%dma_start3A_1880, %multiple_of3A_1877] : memref<64x1000000xf32, #tpu.memory_space<hbm>> -> memref<64x128xf32, #tpu.memory_space<hbm>>
    tpu.enqueue_dma source(%dma_start3A_1881 : memref<64x128xf32, #tpu.memory_space<hbm>>) target(%arg12 : memref<64x128xf32, #tpu.memory_space<vmem>>) target_semaphore(%arg23 : memref<!tpu.dma_semaphore, #tpu.memory_space<semaphore_mem>>)
    %sub3A_1882 = arith.subi %reduce_sum3A_1850, %multiple_of3A_1877 : i32
    %dma_wait3A_1883 = arith.constant 0 : i32
    %dma_wait3A_1884 = arith.constant 0 : i32
    %dma_wait3A_1885 = tpu.memref_slice %arg3[%dma_wait3A_1883, %dma_wait3A_1884] : memref<64x1000000xf32, #tpu.memory_space<hbm>> -> memref<64x128xf32, #tpu.memory_space<hbm>>
    %dma_wait3A_1886 = arith.constant 0 : i32
    %dma_wait3A_1887 = arith.constant 0 : i32
    %dma_wait3A_1888 = tpu.memref_slice %arg3[%dma_wait3A_1886, %dma_wait3A_1887] : memref<64x1000000xf32, #tpu.memory_space<hbm>> -> memref<64x128xf32, #tpu.memory_space<hbm>>
    tpu.wait_dma2 semaphore(%arg18 : memref<!tpu.dma_semaphore, #tpu.memory_space<semaphore_mem>>) src(%dma_wait3A_1888 : memref<64x128xf32, #tpu.memory_space<hbm>>) dst(%arg7 : memref<64x128xf32, #tpu.memory_space<vmem>>)
    %broadcast_in_dim3A_1889 = vector.broadcast %sub3A_1517 : i32 to vector<16xi32>
    %add3A_1890 = arith.constant 0 : i32
    %add3A_1891 = vector.broadcast %add3A_1890 : i32 to vector<16xi32>
    %add3A_1892 = arith.addi %iota3A, %add3A_1891 : vector<16xi32>
    %gather3A_1893 = tpu.vector_load_idx %arg7[%add3A_1892, %broadcast_in_dim3A_1889] : memref<64x128xf32, #tpu.memory_space<vmem>>[vector<16xi32>, vector<16xi32>], vector<16xf32>,
    %mul3A_1894 = arith.constant 8.000000e+00 : f32
    %mul3A_1895 = vector.broadcast %mul3A_1894 : f32 to vector<16xf32>
    %mul3A_1896 = arith.mulf %gather3A_1893, %mul3A_1895 : vector<16xf32>
    %mul3A_1897 = arith.constant 512 : i32
    %mul3A_1898 = vector.broadcast %mul3A_1897 : i32 to vector<16xi32>
    %mul3A_1899 = arith.muli %add3A_1892, %mul3A_1898 : vector<16xi32>
    %add3A_1900 = arith.constant 506 : i32
    %add3A_1901 = vector.broadcast %add3A_1900 : i32 to vector<16xi32>
    %add3A_1902 = arith.addi %mul3A_1899, %add3A_1901 : vector<16xi32>
    tpu.vector_store_idx %arg6[%add3A_1902], %mul3A_1896 : memref<32768xf32, #tpu.memory_space<vmem>>[vector<16xi32>], vector<16xf32>,
    %add3A_1903 = arith.constant 16 : i32
    %add3A_1904 = vector.broadcast %add3A_1903 : i32 to vector<16xi32>
    %add3A_1905 = arith.addi %iota3A, %add3A_1904 : vector<16xi32>
    %gather3A_1906 = tpu.vector_load_idx %arg7[%add3A_1905, %broadcast_in_dim3A_1889] : memref<64x128xf32, #tpu.memory_space<vmem>>[vector<16xi32>, vector<16xi32>], vector<16xf32>,
    %mul3A_1907 = arith.constant 8.000000e+00 : f32
    %mul3A_1908 = vector.broadcast %mul3A_1907 : f32 to vector<16xf32>
    %mul3A_1909 = arith.mulf %gather3A_1906, %mul3A_1908 : vector<16xf32>
    %mul3A_1910 = arith.constant 512 : i32
    %mul3A_1911 = vector.broadcast %mul3A_1910 : i32 to vector<16xi32>
    %mul3A_1912 = arith.muli %add3A_1905, %mul3A_1911 : vector<16xi32>
    %add3A_1913 = arith.constant 506 : i32
    %add3A_1914 = vector.broadcast %add3A_1913 : i32 to vector<16xi32>
    %add3A_1915 = arith.addi %mul3A_1912, %add3A_1914 : vector<16xi32>
    tpu.vector_store_idx %arg6[%add3A_1915], %mul3A_1909 : memref<32768xf32, #tpu.memory_space<vmem>>[vector<16xi32>], vector<16xf32>,
    %add3A_1916 = arith.constant 32 : i32
    %add3A_1917 = vector.broadcast %add3A_1916 : i32 to vector<16xi32>
    %add3A_1918 = arith.addi %iota3A, %add3A_1917 : vector<16xi32>
    %gather3A_1919 = tpu.vector_load_idx %arg7[%add3A_1918, %broadcast_in_dim3A_1889] : memref<64x128xf32, #tpu.memory_space<vmem>>[vector<16xi32>, vector<16xi32>], vector<16xf32>,
    %mul3A_1920 = arith.constant 8.000000e+00 : f32
    %mul3A_1921 = vector.broadcast %mul3A_1920 : f32 to vector<16xf32>
    %mul3A_1922 = arith.mulf %gather3A_1919, %mul3A_1921 : vector<16xf32>
    %mul3A_1923 = arith.constant 512 : i32
    %mul3A_1924 = vector.broadcast %mul3A_1923 : i32 to vector<16xi32>
    %mul3A_1925 = arith.muli %add3A_1918, %mul3A_1924 : vector<16xi32>
    %add3A_1926 = arith.constant 506 : i32
    %add3A_1927 = vector.broadcast %add3A_1926 : i32 to vector<16xi32>
    %add3A_1928 = arith.addi %mul3A_1925, %add3A_1927 : vector<16xi32>
    tpu.vector_store_idx %arg6[%add3A_1928], %mul3A_1922 : memref<32768xf32, #tpu.memory_space<vmem>>[vector<16xi32>], vector<16xf32>,
    %add3A_1929 = arith.constant 48 : i32
    %add3A_1930 = vector.broadcast %add3A_1929 : i32 to vector<16xi32>
    %add3A_1931 = arith.addi %iota3A, %add3A_1930 : vector<16xi32>
    %gather3A_1932 = tpu.vector_load_idx %arg7[%add3A_1931, %broadcast_in_dim3A_1889] : memref<64x128xf32, #tpu.memory_space<vmem>>[vector<16xi32>, vector<16xi32>], vector<16xf32>,
    %mul3A_1933 = arith.constant 8.000000e+00 : f32
    %mul3A_1934 = vector.broadcast %mul3A_1933 : f32 to vector<16xf32>
    %mul3A_1935 = arith.mulf %gather3A_1932, %mul3A_1934 : vector<16xf32>
    %mul3A_1936 = arith.constant 512 : i32
    %mul3A_1937 = vector.broadcast %mul3A_1936 : i32 to vector<16xi32>
    %mul3A_1938 = arith.muli %add3A_1931, %mul3A_1937 : vector<16xi32>
    %add3A_1939 = arith.constant 506 : i32
    %add3A_1940 = vector.broadcast %add3A_1939 : i32 to vector<16xi32>
    %add3A_1941 = arith.addi %mul3A_1938, %add3A_1940 : vector<16xi32>
    tpu.vector_store_idx %arg6[%add3A_1941], %mul3A_1935 : memref<32768xf32, #tpu.memory_space<vmem>>[vector<16xi32>], vector<16xf32>,
    %dma_wait3A_1942 = arith.constant 0 : i32
    %dma_wait3A_1943 = arith.constant 0 : i32
    %dma_wait3A_1944 = tpu.memref_slice %arg3[%dma_wait3A_1942, %dma_wait3A_1943] : memref<64x1000000xf32, #tpu.memory_space<hbm>> -> memref<64x128xf32, #tpu.memory_space<hbm>>
    %dma_wait3A_1945 = arith.constant 0 : i32
    %dma_wait3A_1946 = arith.constant 0 : i32
    %dma_wait3A_1947 = tpu.memref_slice %arg3[%dma_wait3A_1945, %dma_wait3A_1946] : memref<64x1000000xf32, #tpu.memory_space<hbm>> -> memref<64x128xf32, #tpu.memory_space<hbm>>
    tpu.wait_dma2 semaphore(%arg19 : memref<!tpu.dma_semaphore, #tpu.memory_space<semaphore_mem>>) src(%dma_wait3A_1947 : memref<64x128xf32, #tpu.memory_space<hbm>>) dst(%arg8 : memref<64x128xf32, #tpu.memory_space<vmem>>)
    %broadcast_in_dim3A_1948 = vector.broadcast %sub3A_1590 : i32 to vector<16xi32>
    %add3A_1949 = arith.constant 0 : i32
    %add3A_1950 = vector.broadcast %add3A_1949 : i32 to vector<16xi32>
    %add3A_1951 = arith.addi %iota3A, %add3A_1950 : vector<16xi32>
    %gather3A_1952 = tpu.vector_load_idx %arg8[%add3A_1951, %broadcast_in_dim3A_1948] : memref<64x128xf32, #tpu.memory_space<vmem>>[vector<16xi32>, vector<16xi32>], vector<16xf32>,
    %mul3A_1953 = arith.constant 8.000000e+00 : f32
    %mul3A_1954 = vector.broadcast %mul3A_1953 : f32 to vector<16xf32>
    %mul3A_1955 = arith.mulf %gather3A_1952, %mul3A_1954 : vector<16xf32>
    %mul3A_1956 = arith.constant 512 : i32
    %mul3A_1957 = vector.broadcast %mul3A_1956 : i32 to vector<16xi32>
    %mul3A_1958 = arith.muli %add3A_1951, %mul3A_1957 : vector<16xi32>
    %add3A_1959 = arith.constant 507 : i32
    %add3A_1960 = vector.broadcast %add3A_1959 : i32 to vector<16xi32>
    %add3A_1961 = arith.addi %mul3A_1958, %add3A_1960 : vector<16xi32>
    tpu.vector_store_idx %arg6[%add3A_1961], %mul3A_1955 : memref<32768xf32, #tpu.memory_space<vmem>>[vector<16xi32>], vector<16xf32>,
    %add3A_1962 = arith.constant 16 : i32
    %add3A_1963 = vector.broadcast %add3A_1962 : i32 to vector<16xi32>
    %add3A_1964 = arith.addi %iota3A, %add3A_1963 : vector<16xi32>
    %gather3A_1965 = tpu.vector_load_idx %arg8[%add3A_1964, %broadcast_in_dim3A_1948] : memref<64x128xf32, #tpu.memory_space<vmem>>[vector<16xi32>, vector<16xi32>], vector<16xf32>,
    %mul3A_1966 = arith.constant 8.000000e+00 : f32
    %mul3A_1967 = vector.broadcast %mul3A_1966 : f32 to vector<16xf32>
    %mul3A_1968 = arith.mulf %gather3A_1965, %mul3A_1967 : vector<16xf32>
    %mul3A_1969 = arith.constant 512 : i32
    %mul3A_1970 = vector.broadcast %mul3A_1969 : i32 to vector<16xi32>
    %mul3A_1971 = arith.muli %add3A_1964, %mul3A_1970 : vector<16xi32>
    %add3A_1972 = arith.constant 507 : i32
    %add3A_1973 = vector.broadcast %add3A_1972 : i32 to vector<16xi32>
    %add3A_1974 = arith.addi %mul3A_1971, %add3A_1973 : vector<16xi32>
    tpu.vector_store_idx %arg6[%add3A_1974], %mul3A_1968 : memref<32768xf32, #tpu.memory_space<vmem>>[vector<16xi32>], vector<16xf32>,
    %add3A_1975 = arith.constant 32 : i32
    %add3A_1976 = vector.broadcast %add3A_1975 : i32 to vector<16xi32>
    %add3A_1977 = arith.addi %iota3A, %add3A_1976 : vector<16xi32>
    %gather3A_1978 = tpu.vector_load_idx %arg8[%add3A_1977, %broadcast_in_dim3A_1948] : memref<64x128xf32, #tpu.memory_space<vmem>>[vector<16xi32>, vector<16xi32>], vector<16xf32>,
    %mul3A_1979 = arith.constant 8.000000e+00 : f32
    %mul3A_1980 = vector.broadcast %mul3A_1979 : f32 to vector<16xf32>
    %mul3A_1981 = arith.mulf %gather3A_1978, %mul3A_1980 : vector<16xf32>
    %mul3A_1982 = arith.constant 512 : i32
    %mul3A_1983 = vector.broadcast %mul3A_1982 : i32 to vector<16xi32>
    %mul3A_1984 = arith.muli %add3A_1977, %mul3A_1983 : vector<16xi32>
    %add3A_1985 = arith.constant 507 : i32
    %add3A_1986 = vector.broadcast %add3A_1985 : i32 to vector<16xi32>
    %add3A_1987 = arith.addi %mul3A_1984, %add3A_1986 : vector<16xi32>
    tpu.vector_store_idx %arg6[%add3A_1987], %mul3A_1981 : memref<32768xf32, #tpu.memory_space<vmem>>[vector<16xi32>], vector<16xf32>,
    %add3A_1988 = arith.constant 48 : i32
    %add3A_1989 = vector.broadcast %add3A_1988 : i32 to vector<16xi32>
    %add3A_1990 = arith.addi %iota3A, %add3A_1989 : vector<16xi32>
    %gather3A_1991 = tpu.vector_load_idx %arg8[%add3A_1990, %broadcast_in_dim3A_1948] : memref<64x128xf32, #tpu.memory_space<vmem>>[vector<16xi32>, vector<16xi32>], vector<16xf32>,
    %mul3A_1992 = arith.constant 8.000000e+00 : f32
    %mul3A_1993 = vector.broadcast %mul3A_1992 : f32 to vector<16xf32>
    %mul3A_1994 = arith.mulf %gather3A_1991, %mul3A_1993 : vector<16xf32>
    %mul3A_1995 = arith.constant 512 : i32
    %mul3A_1996 = vector.broadcast %mul3A_1995 : i32 to vector<16xi32>
    %mul3A_1997 = arith.muli %add3A_1990, %mul3A_1996 : vector<16xi32>
    %add3A_1998 = arith.constant 507 : i32
    %add3A_1999 = vector.broadcast %add3A_1998 : i32 to vector<16xi32>
    %add3A_2000 = arith.addi %mul3A_1997, %add3A_1999 : vector<16xi32>
    tpu.vector_store_idx %arg6[%add3A_2000], %mul3A_1994 : memref<32768xf32, #tpu.memory_space<vmem>>[vector<16xi32>], vector<16xf32>,
    %dma_wait3A_2001 = arith.constant 0 : i32
    %dma_wait3A_2002 = arith.constant 0 : i32
    %dma_wait3A_2003 = tpu.memref_slice %arg3[%dma_wait3A_2001, %dma_wait3A_2002] : memref<64x1000000xf32, #tpu.memory_space<hbm>> -> memref<64x128xf32, #tpu.memory_space<hbm>>
    %dma_wait3A_2004 = arith.constant 0 : i32
    %dma_wait3A_2005 = arith.constant 0 : i32
    %dma_wait3A_2006 = tpu.memref_slice %arg3[%dma_wait3A_2004, %dma_wait3A_2005] : memref<64x1000000xf32, #tpu.memory_space<hbm>> -> memref<64x128xf32, #tpu.memory_space<hbm>>
    tpu.wait_dma2 semaphore(%arg20 : memref<!tpu.dma_semaphore, #tpu.memory_space<semaphore_mem>>) src(%dma_wait3A_2006 : memref<64x128xf32, #tpu.memory_space<hbm>>) dst(%arg9 : memref<64x128xf32, #tpu.memory_space<vmem>>)
    %broadcast_in_dim3A_2007 = vector.broadcast %sub3A_1663 : i32 to vector<16xi32>
    %add3A_2008 = arith.constant 0 : i32
    %add3A_2009 = vector.broadcast %add3A_2008 : i32 to vector<16xi32>
    %add3A_2010 = arith.addi %iota3A, %add3A_2009 : vector<16xi32>
    %gather3A_2011 = tpu.vector_load_idx %arg9[%add3A_2010, %broadcast_in_dim3A_2007] : memref<64x128xf32, #tpu.memory_space<vmem>>[vector<16xi32>, vector<16xi32>], vector<16xf32>,
    %mul3A_2012 = arith.constant 8.000000e+00 : f32
    %mul3A_2013 = vector.broadcast %mul3A_2012 : f32 to vector<16xf32>
    %mul3A_2014 = arith.mulf %gather3A_2011, %mul3A_2013 : vector<16xf32>
    %mul3A_2015 = arith.constant 512 : i32
    %mul3A_2016 = vector.broadcast %mul3A_2015 : i32 to vector<16xi32>
    %mul3A_2017 = arith.muli %add3A_2010, %mul3A_2016 : vector<16xi32>
    %add3A_2018 = arith.constant 508 : i32
    %add3A_2019 = vector.broadcast %add3A_2018 : i32 to vector<16xi32>
    %add3A_2020 = arith.addi %mul3A_2017, %add3A_2019 : vector<16xi32>
    tpu.vector_store_idx %arg6[%add3A_2020], %mul3A_2014 : memref<32768xf32, #tpu.memory_space<vmem>>[vector<16xi32>], vector<16xf32>,
    %add3A_2021 = arith.constant 16 : i32
    %add3A_2022 = vector.broadcast %add3A_2021 : i32 to vector<16xi32>
    %add3A_2023 = arith.addi %iota3A, %add3A_2022 : vector<16xi32>
    %gather3A_2024 = tpu.vector_load_idx %arg9[%add3A_2023, %broadcast_in_dim3A_2007] : memref<64x128xf32, #tpu.memory_space<vmem>>[vector<16xi32>, vector<16xi32>], vector<16xf32>,
    %mul3A_2025 = arith.constant 8.000000e+00 : f32
    %mul3A_2026 = vector.broadcast %mul3A_2025 : f32 to vector<16xf32>
    %mul3A_2027 = arith.mulf %gather3A_2024, %mul3A_2026 : vector<16xf32>
    %mul3A_2028 = arith.constant 512 : i32
    %mul3A_2029 = vector.broadcast %mul3A_2028 : i32 to vector<16xi32>
    %mul3A_2030 = arith.muli %add3A_2023, %mul3A_2029 : vector<16xi32>
    %add3A_2031 = arith.constant 508 : i32
    %add3A_2032 = vector.broadcast %add3A_2031 : i32 to vector<16xi32>
    %add3A_2033 = arith.addi %mul3A_2030, %add3A_2032 : vector<16xi32>
    tpu.vector_store_idx %arg6[%add3A_2033], %mul3A_2027 : memref<32768xf32, #tpu.memory_space<vmem>>[vector<16xi32>], vector<16xf32>,
    %add3A_2034 = arith.constant 32 : i32
    %add3A_2035 = vector.broadcast %add3A_2034 : i32 to vector<16xi32>
    %add3A_2036 = arith.addi %iota3A, %add3A_2035 : vector<16xi32>
    %gather3A_2037 = tpu.vector_load_idx %arg9[%add3A_2036, %broadcast_in_dim3A_2007] : memref<64x128xf32, #tpu.memory_space<vmem>>[vector<16xi32>, vector<16xi32>], vector<16xf32>,
    %mul3A_2038 = arith.constant 8.000000e+00 : f32
    %mul3A_2039 = vector.broadcast %mul3A_2038 : f32 to vector<16xf32>
    %mul3A_2040 = arith.mulf %gather3A_2037, %mul3A_2039 : vector<16xf32>
    %mul3A_2041 = arith.constant 512 : i32
    %mul3A_2042 = vector.broadcast %mul3A_2041 : i32 to vector<16xi32>
    %mul3A_2043 = arith.muli %add3A_2036, %mul3A_2042 : vector<16xi32>
    %add3A_2044 = arith.constant 508 : i32
    %add3A_2045 = vector.broadcast %add3A_2044 : i32 to vector<16xi32>
    %add3A_2046 = arith.addi %mul3A_2043, %add3A_2045 : vector<16xi32>
    tpu.vector_store_idx %arg6[%add3A_2046], %mul3A_2040 : memref<32768xf32, #tpu.memory_space<vmem>>[vector<16xi32>], vector<16xf32>,
    %add3A_2047 = arith.constant 48 : i32
    %add3A_2048 = vector.broadcast %add3A_2047 : i32 to vector<16xi32>
    %add3A_2049 = arith.addi %iota3A, %add3A_2048 : vector<16xi32>
    %gather3A_2050 = tpu.vector_load_idx %arg9[%add3A_2049, %broadcast_in_dim3A_2007] : memref<64x128xf32, #tpu.memory_space<vmem>>[vector<16xi32>, vector<16xi32>], vector<16xf32>,
    %mul3A_2051 = arith.constant 8.000000e+00 : f32
    %mul3A_2052 = vector.broadcast %mul3A_2051 : f32 to vector<16xf32>
    %mul3A_2053 = arith.mulf %gather3A_2050, %mul3A_2052 : vector<16xf32>
    %mul3A_2054 = arith.constant 512 : i32
    %mul3A_2055 = vector.broadcast %mul3A_2054 : i32 to vector<16xi32>
    %mul3A_2056 = arith.muli %add3A_2049, %mul3A_2055 : vector<16xi32>
    %add3A_2057 = arith.constant 508 : i32
    %add3A_2058 = vector.broadcast %add3A_2057 : i32 to vector<16xi32>
    %add3A_2059 = arith.addi %mul3A_2056, %add3A_2058 : vector<16xi32>
    tpu.vector_store_idx %arg6[%add3A_2059], %mul3A_2053 : memref<32768xf32, #tpu.memory_space<vmem>>[vector<16xi32>], vector<16xf32>,
    %dma_wait3A_2060 = arith.constant 0 : i32
    %dma_wait3A_2061 = arith.constant 0 : i32
    %dma_wait3A_2062 = tpu.memref_slice %arg3[%dma_wait3A_2060, %dma_wait3A_2061] : memref<64x1000000xf32, #tpu.memory_space<hbm>> -> memref<64x128xf32, #tpu.memory_space<hbm>>
    %dma_wait3A_2063 = arith.constant 0 : i32
    %dma_wait3A_2064 = arith.constant 0 : i32
    %dma_wait3A_2065 = tpu.memref_slice %arg3[%dma_wait3A_2063, %dma_wait3A_2064] : memref<64x1000000xf32, #tpu.memory_space<hbm>> -> memref<64x128xf32, #tpu.memory_space<hbm>>
    tpu.wait_dma2 semaphore(%arg21 : memref<!tpu.dma_semaphore, #tpu.memory_space<semaphore_mem>>) src(%dma_wait3A_2065 : memref<64x128xf32, #tpu.memory_space<hbm>>) dst(%arg10 : memref<64x128xf32, #tpu.memory_space<vmem>>)
    %broadcast_in_dim3A_2066 = vector.broadcast %sub3A_1736 : i32 to vector<16xi32>
    %add3A_2067 = arith.constant 0 : i32
    %add3A_2068 = vector.broadcast %add3A_2067 : i32 to vector<16xi32>
    %add3A_2069 = arith.addi %iota3A, %add3A_2068 : vector<16xi32>
    %gather3A_2070 = tpu.vector_load_idx %arg10[%add3A_2069, %broadcast_in_dim3A_2066] : memref<64x128xf32, #tpu.memory_space<vmem>>[vector<16xi32>, vector<16xi32>], vector<16xf32>,
    %mul3A_2071 = arith.constant 8.000000e+00 : f32
    %mul3A_2072 = vector.broadcast %mul3A_2071 : f32 to vector<16xf32>
    %mul3A_2073 = arith.mulf %gather3A_2070, %mul3A_2072 : vector<16xf32>
    %mul3A_2074 = arith.constant 512 : i32
    %mul3A_2075 = vector.broadcast %mul3A_2074 : i32 to vector<16xi32>
    %mul3A_2076 = arith.muli %add3A_2069, %mul3A_2075 : vector<16xi32>
    %add3A_2077 = arith.constant 509 : i32
    %add3A_2078 = vector.broadcast %add3A_2077 : i32 to vector<16xi32>
    %add3A_2079 = arith.addi %mul3A_2076, %add3A_2078 : vector<16xi32>
    tpu.vector_store_idx %arg6[%add3A_2079], %mul3A_2073 : memref<32768xf32, #tpu.memory_space<vmem>>[vector<16xi32>], vector<16xf32>,
    %add3A_2080 = arith.constant 16 : i32
    %add3A_2081 = vector.broadcast %add3A_2080 : i32 to vector<16xi32>
    %add3A_2082 = arith.addi %iota3A, %add3A_2081 : vector<16xi32>
    %gather3A_2083 = tpu.vector_load_idx %arg10[%add3A_2082, %broadcast_in_dim3A_2066] : memref<64x128xf32, #tpu.memory_space<vmem>>[vector<16xi32>, vector<16xi32>], vector<16xf32>,
    %mul3A_2084 = arith.constant 8.000000e+00 : f32
    %mul3A_2085 = vector.broadcast %mul3A_2084 : f32 to vector<16xf32>
    %mul3A_2086 = arith.mulf %gather3A_2083, %mul3A_2085 : vector<16xf32>
    %mul3A_2087 = arith.constant 512 : i32
    %mul3A_2088 = vector.broadcast %mul3A_2087 : i32 to vector<16xi32>
    %mul3A_2089 = arith.muli %add3A_2082, %mul3A_2088 : vector<16xi32>
    %add3A_2090 = arith.constant 509 : i32
    %add3A_2091 = vector.broadcast %add3A_2090 : i32 to vector<16xi32>
    %add3A_2092 = arith.addi %mul3A_2089, %add3A_2091 : vector<16xi32>
    tpu.vector_store_idx %arg6[%add3A_2092], %mul3A_2086 : memref<32768xf32, #tpu.memory_space<vmem>>[vector<16xi32>], vector<16xf32>,
    %add3A_2093 = arith.constant 32 : i32
    %add3A_2094 = vector.broadcast %add3A_2093 : i32 to vector<16xi32>
    %add3A_2095 = arith.addi %iota3A, %add3A_2094 : vector<16xi32>
    %gather3A_2096 = tpu.vector_load_idx %arg10[%add3A_2095, %broadcast_in_dim3A_2066] : memref<64x128xf32, #tpu.memory_space<vmem>>[vector<16xi32>, vector<16xi32>], vector<16xf32>,
    %mul3A_2097 = arith.constant 8.000000e+00 : f32
    %mul3A_2098 = vector.broadcast %mul3A_2097 : f32 to vector<16xf32>
    %mul3A_2099 = arith.mulf %gather3A_2096, %mul3A_2098 : vector<16xf32>
    %mul3A_2100 = arith.constant 512 : i32
    %mul3A_2101 = vector.broadcast %mul3A_2100 : i32 to vector<16xi32>
    %mul3A_2102 = arith.muli %add3A_2095, %mul3A_2101 : vector<16xi32>
    %add3A_2103 = arith.constant 509 : i32
    %add3A_2104 = vector.broadcast %add3A_2103 : i32 to vector<16xi32>
    %add3A_2105 = arith.addi %mul3A_2102, %add3A_2104 : vector<16xi32>
    tpu.vector_store_idx %arg6[%add3A_2105], %mul3A_2099 : memref<32768xf32, #tpu.memory_space<vmem>>[vector<16xi32>], vector<16xf32>,
    %add3A_2106 = arith.constant 48 : i32
    %add3A_2107 = vector.broadcast %add3A_2106 : i32 to vector<16xi32>
    %add3A_2108 = arith.addi %iota3A, %add3A_2107 : vector<16xi32>
    %gather3A_2109 = tpu.vector_load_idx %arg10[%add3A_2108, %broadcast_in_dim3A_2066] : memref<64x128xf32, #tpu.memory_space<vmem>>[vector<16xi32>, vector<16xi32>], vector<16xf32>,
    %mul3A_2110 = arith.constant 8.000000e+00 : f32
    %mul3A_2111 = vector.broadcast %mul3A_2110 : f32 to vector<16xf32>
    %mul3A_2112 = arith.mulf %gather3A_2109, %mul3A_2111 : vector<16xf32>
    %mul3A_2113 = arith.constant 512 : i32
    %mul3A_2114 = vector.broadcast %mul3A_2113 : i32 to vector<16xi32>
    %mul3A_2115 = arith.muli %add3A_2108, %mul3A_2114 : vector<16xi32>
    %add3A_2116 = arith.constant 509 : i32
    %add3A_2117 = vector.broadcast %add3A_2116 : i32 to vector<16xi32>
    %add3A_2118 = arith.addi %mul3A_2115, %add3A_2117 : vector<16xi32>
    tpu.vector_store_idx %arg6[%add3A_2118], %mul3A_2112 : memref<32768xf32, #tpu.memory_space<vmem>>[vector<16xi32>], vector<16xf32>,
    %dma_wait3A_2119 = arith.constant 0 : i32
    %dma_wait3A_2120 = arith.constant 0 : i32
    %dma_wait3A_2121 = tpu.memref_slice %arg3[%dma_wait3A_2119, %dma_wait3A_2120] : memref<64x1000000xf32, #tpu.memory_space<hbm>> -> memref<64x128xf32, #tpu.memory_space<hbm>>
    %dma_wait3A_2122 = arith.constant 0 : i32
    %dma_wait3A_2123 = arith.constant 0 : i32
    %dma_wait3A_2124 = tpu.memref_slice %arg3[%dma_wait3A_2122, %dma_wait3A_2123] : memref<64x1000000xf32, #tpu.memory_space<hbm>> -> memref<64x128xf32, #tpu.memory_space<hbm>>
    tpu.wait_dma2 semaphore(%arg22 : memref<!tpu.dma_semaphore, #tpu.memory_space<semaphore_mem>>) src(%dma_wait3A_2124 : memref<64x128xf32, #tpu.memory_space<hbm>>) dst(%arg11 : memref<64x128xf32, #tpu.memory_space<vmem>>)
    %broadcast_in_dim3A_2125 = vector.broadcast %sub3A_1809 : i32 to vector<16xi32>
    %add3A_2126 = arith.constant 0 : i32
    %add3A_2127 = vector.broadcast %add3A_2126 : i32 to vector<16xi32>
    %add3A_2128 = arith.addi %iota3A, %add3A_2127 : vector<16xi32>
    %gather3A_2129 = tpu.vector_load_idx %arg11[%add3A_2128, %broadcast_in_dim3A_2125] : memref<64x128xf32, #tpu.memory_space<vmem>>[vector<16xi32>, vector<16xi32>], vector<16xf32>,
    %mul3A_2130 = arith.constant 8.000000e+00 : f32
    %mul3A_2131 = vector.broadcast %mul3A_2130 : f32 to vector<16xf32>
    %mul3A_2132 = arith.mulf %gather3A_2129, %mul3A_2131 : vector<16xf32>
    %mul3A_2133 = arith.constant 512 : i32
    %mul3A_2134 = vector.broadcast %mul3A_2133 : i32 to vector<16xi32>
    %mul3A_2135 = arith.muli %add3A_2128, %mul3A_2134 : vector<16xi32>
    %add3A_2136 = arith.constant 510 : i32
    %add3A_2137 = vector.broadcast %add3A_2136 : i32 to vector<16xi32>
    %add3A_2138 = arith.addi %mul3A_2135, %add3A_2137 : vector<16xi32>
    tpu.vector_store_idx %arg6[%add3A_2138], %mul3A_2132 : memref<32768xf32, #tpu.memory_space<vmem>>[vector<16xi32>], vector<16xf32>,
    %add3A_2139 = arith.constant 16 : i32
    %add3A_2140 = vector.broadcast %add3A_2139 : i32 to vector<16xi32>
    %add3A_2141 = arith.addi %iota3A, %add3A_2140 : vector<16xi32>
    %gather3A_2142 = tpu.vector_load_idx %arg11[%add3A_2141, %broadcast_in_dim3A_2125] : memref<64x128xf32, #tpu.memory_space<vmem>>[vector<16xi32>, vector<16xi32>], vector<16xf32>,
    %mul3A_2143 = arith.constant 8.000000e+00 : f32
    %mul3A_2144 = vector.broadcast %mul3A_2143 : f32 to vector<16xf32>
    %mul3A_2145 = arith.mulf %gather3A_2142, %mul3A_2144 : vector<16xf32>
    %mul3A_2146 = arith.constant 512 : i32
    %mul3A_2147 = vector.broadcast %mul3A_2146 : i32 to vector<16xi32>
    %mul3A_2148 = arith.muli %add3A_2141, %mul3A_2147 : vector<16xi32>
    %add3A_2149 = arith.constant 510 : i32
    %add3A_2150 = vector.broadcast %add3A_2149 : i32 to vector<16xi32>
    %add3A_2151 = arith.addi %mul3A_2148, %add3A_2150 : vector<16xi32>
    tpu.vector_store_idx %arg6[%add3A_2151], %mul3A_2145 : memref<32768xf32, #tpu.memory_space<vmem>>[vector<16xi32>], vector<16xf32>,
    %add3A_2152 = arith.constant 32 : i32
    %add3A_2153 = vector.broadcast %add3A_2152 : i32 to vector<16xi32>
    %add3A_2154 = arith.addi %iota3A, %add3A_2153 : vector<16xi32>
    %gather3A_2155 = tpu.vector_load_idx %arg11[%add3A_2154, %broadcast_in_dim3A_2125] : memref<64x128xf32, #tpu.memory_space<vmem>>[vector<16xi32>, vector<16xi32>], vector<16xf32>,
    %mul3A_2156 = arith.constant 8.000000e+00 : f32
    %mul3A_2157 = vector.broadcast %mul3A_2156 : f32 to vector<16xf32>
    %mul3A_2158 = arith.mulf %gather3A_2155, %mul3A_2157 : vector<16xf32>
    %mul3A_2159 = arith.constant 512 : i32
    %mul3A_2160 = vector.broadcast %mul3A_2159 : i32 to vector<16xi32>
    %mul3A_2161 = arith.muli %add3A_2154, %mul3A_2160 : vector<16xi32>
    %add3A_2162 = arith.constant 510 : i32
    %add3A_2163 = vector.broadcast %add3A_2162 : i32 to vector<16xi32>
    %add3A_2164 = arith.addi %mul3A_2161, %add3A_2163 : vector<16xi32>
    tpu.vector_store_idx %arg6[%add3A_2164], %mul3A_2158 : memref<32768xf32, #tpu.memory_space<vmem>>[vector<16xi32>], vector<16xf32>,
    %add3A_2165 = arith.constant 48 : i32
    %add3A_2166 = vector.broadcast %add3A_2165 : i32 to vector<16xi32>
    %add3A_2167 = arith.addi %iota3A, %add3A_2166 : vector<16xi32>
    %gather3A_2168 = tpu.vector_load_idx %arg11[%add3A_2167, %broadcast_in_dim3A_2125] : memref<64x128xf32, #tpu.memory_space<vmem>>[vector<16xi32>, vector<16xi32>], vector<16xf32>,
    %mul3A_2169 = arith.constant 8.000000e+00 : f32
    %mul3A_2170 = vector.broadcast %mul3A_2169 : f32 to vector<16xf32>
    %mul3A_2171 = arith.mulf %gather3A_2168, %mul3A_2170 : vector<16xf32>
    %mul3A_2172 = arith.constant 512 : i32
    %mul3A_2173 = vector.broadcast %mul3A_2172 : i32 to vector<16xi32>
    %mul3A_2174 = arith.muli %add3A_2167, %mul3A_2173 : vector<16xi32>
    %add3A_2175 = arith.constant 510 : i32
    %add3A_2176 = vector.broadcast %add3A_2175 : i32 to vector<16xi32>
    %add3A_2177 = arith.addi %mul3A_2174, %add3A_2176 : vector<16xi32>
    tpu.vector_store_idx %arg6[%add3A_2177], %mul3A_2171 : memref<32768xf32, #tpu.memory_space<vmem>>[vector<16xi32>], vector<16xf32>,
    %dma_wait3A_2178 = arith.constant 0 : i32
    %dma_wait3A_2179 = arith.constant 0 : i32
    %dma_wait3A_2180 = tpu.memref_slice %arg3[%dma_wait3A_2178, %dma_wait3A_2179] : memref<64x1000000xf32, #tpu.memory_space<hbm>> -> memref<64x128xf32, #tpu.memory_space<hbm>>
    %dma_wait3A_2181 = arith.constant 0 : i32
    %dma_wait3A_2182 = arith.constant 0 : i32
    %dma_wait3A_2183 = tpu.memref_slice %arg3[%dma_wait3A_2181, %dma_wait3A_2182] : memref<64x1000000xf32, #tpu.memory_space<hbm>> -> memref<64x128xf32, #tpu.memory_space<hbm>>
    tpu.wait_dma2 semaphore(%arg23 : memref<!tpu.dma_semaphore, #tpu.memory_space<semaphore_mem>>) src(%dma_wait3A_2183 : memref<64x128xf32, #tpu.memory_space<hbm>>) dst(%arg12 : memref<64x128xf32, #tpu.memory_space<vmem>>)
    %broadcast_in_dim3A_2184 = vector.broadcast %sub3A_1882 : i32 to vector<16xi32>
    %add3A_2185 = arith.constant 0 : i32
    %add3A_2186 = vector.broadcast %add3A_2185 : i32 to vector<16xi32>
    %add3A_2187 = arith.addi %iota3A, %add3A_2186 : vector<16xi32>
    %gather3A_2188 = tpu.vector_load_idx %arg12[%add3A_2187, %broadcast_in_dim3A_2184] : memref<64x128xf32, #tpu.memory_space<vmem>>[vector<16xi32>, vector<16xi32>], vector<16xf32>,
    %mul3A_2189 = arith.constant 8.000000e+00 : f32
    %mul3A_2190 = vector.broadcast %mul3A_2189 : f32 to vector<16xf32>
    %mul3A_2191 = arith.mulf %gather3A_2188, %mul3A_2190 : vector<16xf32>
    %mul3A_2192 = arith.constant 512 : i32
    %mul3A_2193 = vector.broadcast %mul3A_2192 : i32 to vector<16xi32>
    %mul3A_2194 = arith.muli %add3A_2187, %mul3A_2193 : vector<16xi32>
    %add3A_2195 = arith.constant 511 : i32
    %add3A_2196 = vector.broadcast %add3A_2195 : i32 to vector<16xi32>
    %add3A_2197 = arith.addi %mul3A_2194, %add3A_2196 : vector<16xi32>
    tpu.vector_store_idx %arg6[%add3A_2197], %mul3A_2191 : memref<32768xf32, #tpu.memory_space<vmem>>[vector<16xi32>], vector<16xf32>,
    %add3A_2198 = arith.constant 16 : i32
    %add3A_2199 = vector.broadcast %add3A_2198 : i32 to vector<16xi32>
    %add3A_2200 = arith.addi %iota3A, %add3A_2199 : vector<16xi32>
    %gather3A_2201 = tpu.vector_load_idx %arg12[%add3A_2200, %broadcast_in_dim3A_2184] : memref<64x128xf32, #tpu.memory_space<vmem>>[vector<16xi32>, vector<16xi32>], vector<16xf32>,
    %mul3A_2202 = arith.constant 8.000000e+00 : f32
    %mul3A_2203 = vector.broadcast %mul3A_2202 : f32 to vector<16xf32>
    %mul3A_2204 = arith.mulf %gather3A_2201, %mul3A_2203 : vector<16xf32>
    %mul3A_2205 = arith.constant 512 : i32
    %mul3A_2206 = vector.broadcast %mul3A_2205 : i32 to vector<16xi32>
    %mul3A_2207 = arith.muli %add3A_2200, %mul3A_2206 : vector<16xi32>
    %add3A_2208 = arith.constant 511 : i32
    %add3A_2209 = vector.broadcast %add3A_2208 : i32 to vector<16xi32>
    %add3A_2210 = arith.addi %mul3A_2207, %add3A_2209 : vector<16xi32>
    tpu.vector_store_idx %arg6[%add3A_2210], %mul3A_2204 : memref<32768xf32, #tpu.memory_space<vmem>>[vector<16xi32>], vector<16xf32>,
    %add3A_2211 = arith.constant 32 : i32
    %add3A_2212 = vector.broadcast %add3A_2211 : i32 to vector<16xi32>
    %add3A_2213 = arith.addi %iota3A, %add3A_2212 : vector<16xi32>
    %gather3A_2214 = tpu.vector_load_idx %arg12[%add3A_2213, %broadcast_in_dim3A_2184] : memref<64x128xf32, #tpu.memory_space<vmem>>[vector<16xi32>, vector<16xi32>], vector<16xf32>,
    %mul3A_2215 = arith.constant 8.000000e+00 : f32
    %mul3A_2216 = vector.broadcast %mul3A_2215 : f32 to vector<16xf32>
    %mul3A_2217 = arith.mulf %gather3A_2214, %mul3A_2216 : vector<16xf32>
    %mul3A_2218 = arith.constant 512 : i32
    %mul3A_2219 = vector.broadcast %mul3A_2218 : i32 to vector<16xi32>
    %mul3A_2220 = arith.muli %add3A_2213, %mul3A_2219 : vector<16xi32>
    %add3A_2221 = arith.constant 511 : i32
    %add3A_2222 = vector.broadcast %add3A_2221 : i32 to vector<16xi32>
    %add3A_2223 = arith.addi %mul3A_2220, %add3A_2222 : vector<16xi32>
    tpu.vector_store_idx %arg6[%add3A_2223], %mul3A_2217 : memref<32768xf32, #tpu.memory_space<vmem>>[vector<16xi32>], vector<16xf32>,
    %add3A_2224 = arith.constant 48 : i32
    %add3A_2225 = vector.broadcast %add3A_2224 : i32 to vector<16xi32>
    %add3A_2226 = arith.addi %iota3A, %add3A_2225 : vector<16xi32>
    %gather3A_2227 = tpu.vector_load_idx %arg12[%add3A_2226, %broadcast_in_dim3A_2184] : memref<64x128xf32, #tpu.memory_space<vmem>>[vector<16xi32>, vector<16xi32>], vector<16xf32>,
    %mul3A_2228 = arith.constant 8.000000e+00 : f32
    %mul3A_2229 = vector.broadcast %mul3A_2228 : f32 to vector<16xf32>
    %mul3A_2230 = arith.mulf %gather3A_2227, %mul3A_2229 : vector<16xf32>
    %mul3A_2231 = arith.constant 512 : i32
    %mul3A_2232 = vector.broadcast %mul3A_2231 : i32 to vector<16xi32>
    %mul3A_2233 = arith.muli %add3A_2226, %mul3A_2232 : vector<16xi32>
    %add3A_2234 = arith.constant 511 : i32
    %add3A_2235 = vector.broadcast %add3A_2234 : i32 to vector<16xi32>
    %add3A_2236 = arith.addi %mul3A_2233, %add3A_2235 : vector<16xi32>
    tpu.vector_store_idx %arg6[%add3A_2236], %mul3A_2230 : memref<32768xf32, #tpu.memory_space<vmem>>[vector<16xi32>], vector<16xf32>,
    %scan3A_2237 = arith.constant 0 : i32
    %scan3A_2238 = arith.constant 0 : i32
    %scan3A_2239 = arith.constant 64 : i32
    %scan3A_2240 = arith.addi %scan3A_2238, %scan3A_2239 : i32
    %scan3A_2241 = arith.constant 1 : i32
    scf.for %scan3A_2249 = %scan3A_2238 to %scan3A_2240 step %scan3A_2241  : i32 {
      %mul3A_2250 = arith.constant 512 : i32
      %mul3A_2251 = arith.muli %scan3A_2249, %mul3A_2250 : i32
      %dma_start3A_2252 = tpu.memref_slice %arg6[%mul3A_2251] : memref<32768xf32, #tpu.memory_space<vmem>> -> memref<512xf32, #tpu.memory_space<vmem>>
      %dma_start3A_2253 = tpu.memref_slice %arg4[%scan3A_2249, %multiple_of3A] : memref<64x16384xf32, #tpu.memory_space<hbm>> -> memref<1x512xf32, #tpu.memory_space<hbm>>
      %dma_start3A_2254 = tpu.memref_squeeze %dma_start3A_2253 : memref<1x512xf32, #tpu.memory_space<hbm>> -> memref<512xf32, #tpu.memory_space<hbm>>
      %dma_start3A_2255 = tpu.memref_slice %arg4[%scan3A_2249, %multiple_of3A] : memref<64x16384xf32, #tpu.memory_space<hbm>> -> memref<1x512xf32, #tpu.memory_space<hbm>>
      %dma_start3A_2256 = tpu.memref_squeeze %dma_start3A_2255 : memref<1x512xf32, #tpu.memory_space<hbm>> -> memref<512xf32, #tpu.memory_space<hbm>>
      %dma_start3A_2257 = tpu.memref_slice %arg6[%mul3A_2251] : memref<32768xf32, #tpu.memory_space<vmem>> -> memref<512xf32, #tpu.memory_space<vmem>>
      tpu.enqueue_dma source(%dma_start3A_2257 : memref<512xf32, #tpu.memory_space<vmem>>) target(%dma_start3A_2256 : memref<512xf32, #tpu.memory_space<hbm>>) target_semaphore(%arg29 : memref<!tpu.dma_semaphore, #tpu.memory_space<semaphore_mem>>)
    }
    %scan3A_2242 = arith.constant 64 : i32
    %scan3A_2243 = arith.constant 0 : i32
    %scan3A_2244 = arith.constant 0 : i32
    %scan3A_2245 = arith.constant 64 : i32
    %scan3A_2246 = arith.addi %scan3A_2244, %scan3A_2245 : i32
    %scan3A_2247 = arith.constant 8 : i32
    scf.for %scan3A_2249 = %scan3A_2244 to %scan3A_2246 step %scan3A_2247  : i32 {
      %dma_wait3A_2250 = arith.constant 0 : i32
      %dma_wait3A_2251 = arith.constant 0 : i32
      %dma_wait3A_2252 = tpu.memref_slice %arg6[%dma_wait3A_2251] : memref<32768xf32, #tpu.memory_space<vmem>> -> memref<512xf32, #tpu.memory_space<vmem>>
      %dma_wait3A_2253 = tpu.memref_slice %arg4[%dma_wait3A_2250, %multiple_of3A] : memref<64x16384xf32, #tpu.memory_space<hbm>> -> memref<1x512xf32, #tpu.memory_space<hbm>>
      %dma_wait3A_2254 = tpu.memref_squeeze %dma_wait3A_2253 : memref<1x512xf32, #tpu.memory_space<hbm>> -> memref<512xf32, #tpu.memory_space<hbm>>
      %dma_wait3A_2255 = tpu.memref_slice %arg4[%dma_wait3A_2250, %multiple_of3A] : memref<64x16384xf32, #tpu.memory_space<hbm>> -> memref<1x512xf32, #tpu.memory_space<hbm>>
      %dma_wait3A_2256 = tpu.memref_squeeze %dma_wait3A_2255 : memref<1x512xf32, #tpu.memory_space<hbm>> -> memref<512xf32, #tpu.memory_space<hbm>>
      %dma_wait3A_2257 = arith.constant 0 : i32
      %dma_wait3A_2258 = tpu.memref_slice %arg6[%dma_wait3A_2257] : memref<32768xf32, #tpu.memory_space<vmem>> -> memref<512xf32, #tpu.memory_space<vmem>>
      tpu.wait_dma2 semaphore(%arg29 : memref<!tpu.dma_semaphore, #tpu.memory_space<semaphore_mem>>) src(%dma_wait3A_2258 : memref<512xf32, #tpu.memory_space<vmem>>) dst(%dma_wait3A_2256 : memref<512xf32, #tpu.memory_space<hbm>>)
      %scan3A_2259 = arith.constant 1 : i32
      %scan3A_2260 = arith.addi %scan3A_2249, %scan3A_2259 : i32
      %dma_wait3A_2261 = arith.constant 0 : i32
      %dma_wait3A_2262 = arith.constant 0 : i32
      %dma_wait3A_2263 = tpu.memref_slice %arg6[%dma_wait3A_2262] : memref<32768xf32, #tpu.memory_space<vmem>> -> memref<512xf32, #tpu.memory_space<vmem>>
      %dma_wait3A_2264 = tpu.memref_slice %arg4[%dma_wait3A_2261, %multiple_of3A] : memref<64x16384xf32, #tpu.memory_space<hbm>> -> memref<1x512xf32, #tpu.memory_space<hbm>>
      %dma_wait3A_2265 = tpu.memref_squeeze %dma_wait3A_2264 : memref<1x512xf32, #tpu.memory_space<hbm>> -> memref<512xf32, #tpu.memory_space<hbm>>
      %dma_wait3A_2266 = tpu.memref_slice %arg4[%dma_wait3A_2261, %multiple_of3A] : memref<64x16384xf32, #tpu.memory_space<hbm>> -> memref<1x512xf32, #tpu.memory_space<hbm>>
      %dma_wait3A_2267 = tpu.memref_squeeze %dma_wait3A_2266 : memref<1x512xf32, #tpu.memory_space<hbm>> -> memref<512xf32, #tpu.memory_space<hbm>>
      %dma_wait3A_2268 = arith.constant 0 : i32
      %dma_wait3A_2269 = tpu.memref_slice %arg6[%dma_wait3A_2268] : memref<32768xf32, #tpu.memory_space<vmem>> -> memref<512xf32, #tpu.memory_space<vmem>>
      tpu.wait_dma2 semaphore(%arg29 : memref<!tpu.dma_semaphore, #tpu.memory_space<semaphore_mem>>) src(%dma_wait3A_2269 : memref<512xf32, #tpu.memory_space<vmem>>) dst(%dma_wait3A_2267 : memref<512xf32, #tpu.memory_space<hbm>>)
      %scan3A_2270 = arith.constant 2 : i32
      %scan3A_2271 = arith.addi %scan3A_2249, %scan3A_2270 : i32
      %dma_wait3A_2272 = arith.constant 0 : i32
      %dma_wait3A_2273 = arith.constant 0 : i32
      %dma_wait3A_2274 = tpu.memref_slice %arg6[%dma_wait3A_2273] : memref<32768xf32, #tpu.memory_space<vmem>> -> memref<512xf32, #tpu.memory_space<vmem>>
      %dma_wait3A_2275 = tpu.memref_slice %arg4[%dma_wait3A_2272, %multiple_of3A] : memref<64x16384xf32, #tpu.memory_space<hbm>> -> memref<1x512xf32, #tpu.memory_space<hbm>>
      %dma_wait3A_2276 = tpu.memref_squeeze %dma_wait3A_2275 : memref<1x512xf32, #tpu.memory_space<hbm>> -> memref<512xf32, #tpu.memory_space<hbm>>
      %dma_wait3A_2277 = tpu.memref_slice %arg4[%dma_wait3A_2272, %multiple_of3A] : memref<64x16384xf32, #tpu.memory_space<hbm>> -> memref<1x512xf32, #tpu.memory_space<hbm>>
      %dma_wait3A_2278 = tpu.memref_squeeze %dma_wait3A_2277 : memref<1x512xf32, #tpu.memory_space<hbm>> -> memref<512xf32, #tpu.memory_space<hbm>>
      %dma_wait3A_2279 = arith.constant 0 : i32
      %dma_wait3A_2280 = tpu.memref_slice %arg6[%dma_wait3A_2279] : memref<32768xf32, #tpu.memory_space<vmem>> -> memref<512xf32, #tpu.memory_space<vmem>>
      tpu.wait_dma2 semaphore(%arg29 : memref<!tpu.dma_semaphore, #tpu.memory_space<semaphore_mem>>) src(%dma_wait3A_2280 : memref<512xf32, #tpu.memory_space<vmem>>) dst(%dma_wait3A_2278 : memref<512xf32, #tpu.memory_space<hbm>>)
      %scan3A_2281 = arith.constant 3 : i32
      %scan3A_2282 = arith.addi %scan3A_2249, %scan3A_2281 : i32
      %dma_wait3A_2283 = arith.constant 0 : i32
      %dma_wait3A_2284 = arith.constant 0 : i32
      %dma_wait3A_2285 = tpu.memref_slice %arg6[%dma_wait3A_2284] : memref<32768xf32, #tpu.memory_space<vmem>> -> memref<512xf32, #tpu.memory_space<vmem>>
      %dma_wait3A_2286 = tpu.memref_slice %arg4[%dma_wait3A_2283, %multiple_of3A] : memref<64x16384xf32, #tpu.memory_space<hbm>> -> memref<1x512xf32, #tpu.memory_space<hbm>>
      %dma_wait3A_2287 = tpu.memref_squeeze %dma_wait3A_2286 : memref<1x512xf32, #tpu.memory_space<hbm>> -> memref<512xf32, #tpu.memory_space<hbm>>
      %dma_wait3A_2288 = tpu.memref_slice %arg4[%dma_wait3A_2283, %multiple_of3A] : memref<64x16384xf32, #tpu.memory_space<hbm>> -> memref<1x512xf32, #tpu.memory_space<hbm>>
      %dma_wait3A_2289 = tpu.memref_squeeze %dma_wait3A_2288 : memref<1x512xf32, #tpu.memory_space<hbm>> -> memref<512xf32, #tpu.memory_space<hbm>>
      %dma_wait3A_2290 = arith.constant 0 : i32
      %dma_wait3A_2291 = tpu.memref_slice %arg6[%dma_wait3A_2290] : memref<32768xf32, #tpu.memory_space<vmem>> -> memref<512xf32, #tpu.memory_space<vmem>>
      tpu.wait_dma2 semaphore(%arg29 : memref<!tpu.dma_semaphore, #tpu.memory_space<semaphore_mem>>) src(%dma_wait3A_2291 : memref<512xf32, #tpu.memory_space<vmem>>) dst(%dma_wait3A_2289 : memref<512xf32, #tpu.memory_space<hbm>>)
      %scan3A_2292 = arith.constant 4 : i32
      %scan3A_2293 = arith.addi %scan3A_2249, %scan3A_2292 : i32
      %dma_wait3A_2294 = arith.constant 0 : i32
      %dma_wait3A_2295 = arith.constant 0 : i32
      %dma_wait3A_2296 = tpu.memref_slice %arg6[%dma_wait3A_2295] : memref<32768xf32, #tpu.memory_space<vmem>> -> memref<512xf32, #tpu.memory_space<vmem>>
      %dma_wait3A_2297 = tpu.memref_slice %arg4[%dma_wait3A_2294, %multiple_of3A] : memref<64x16384xf32, #tpu.memory_space<hbm>> -> memref<1x512xf32, #tpu.memory_space<hbm>>
      %dma_wait3A_2298 = tpu.memref_squeeze %dma_wait3A_2297 : memref<1x512xf32, #tpu.memory_space<hbm>> -> memref<512xf32, #tpu.memory_space<hbm>>
      %dma_wait3A_2299 = tpu.memref_slice %arg4[%dma_wait3A_2294, %multiple_of3A] : memref<64x16384xf32, #tpu.memory_space<hbm>> -> memref<1x512xf32, #tpu.memory_space<hbm>>
      %dma_wait3A_2300 = tpu.memref_squeeze %dma_wait3A_2299 : memref<1x512xf32, #tpu.memory_space<hbm>> -> memref<512xf32, #tpu.memory_space<hbm>>
      %dma_wait3A_2301 = arith.constant 0 : i32
      %dma_wait3A_2302 = tpu.memref_slice %arg6[%dma_wait3A_2301] : memref<32768xf32, #tpu.memory_space<vmem>> -> memref<512xf32, #tpu.memory_space<vmem>>
      tpu.wait_dma2 semaphore(%arg29 : memref<!tpu.dma_semaphore, #tpu.memory_space<semaphore_mem>>) src(%dma_wait3A_2302 : memref<512xf32, #tpu.memory_space<vmem>>) dst(%dma_wait3A_2300 : memref<512xf32, #tpu.memory_space<hbm>>)
      %scan3A_2303 = arith.constant 5 : i32
      %scan3A_2304 = arith.addi %scan3A_2249, %scan3A_2303 : i32
      %dma_wait3A_2305 = arith.constant 0 : i32
      %dma_wait3A_2306 = arith.constant 0 : i32
      %dma_wait3A_2307 = tpu.memref_slice %arg6[%dma_wait3A_2306] : memref<32768xf32, #tpu.memory_space<vmem>> -> memref<512xf32, #tpu.memory_space<vmem>>
      %dma_wait3A_2308 = tpu.memref_slice %arg4[%dma_wait3A_2305, %multiple_of3A] : memref<64x16384xf32, #tpu.memory_space<hbm>> -> memref<1x512xf32, #tpu.memory_space<hbm>>
      %dma_wait3A_2309 = tpu.memref_squeeze %dma_wait3A_2308 : memref<1x512xf32, #tpu.memory_space<hbm>> -> memref<512xf32, #tpu.memory_space<hbm>>
      %dma_wait3A_2310 = tpu.memref_slice %arg4[%dma_wait3A_2305, %multiple_of3A] : memref<64x16384xf32, #tpu.memory_space<hbm>> -> memref<1x512xf32, #tpu.memory_space<hbm>>
      %dma_wait3A_2311 = tpu.memref_squeeze %dma_wait3A_2310 : memref<1x512xf32, #tpu.memory_space<hbm>> -> memref<512xf32, #tpu.memory_space<hbm>>
      %dma_wait3A_2312 = arith.constant 0 : i32
      %dma_wait3A_2313 = tpu.memref_slice %arg6[%dma_wait3A_2312] : memref<32768xf32, #tpu.memory_space<vmem>> -> memref<512xf32, #tpu.memory_space<vmem>>
      tpu.wait_dma2 semaphore(%arg29 : memref<!tpu.dma_semaphore, #tpu.memory_space<semaphore_mem>>) src(%dma_wait3A_2313 : memref<512xf32, #tpu.memory_space<vmem>>) dst(%dma_wait3A_2311 : memref<512xf32, #tpu.memory_space<hbm>>)
      %scan3A_2314 = arith.constant 6 : i32
      %scan3A_2315 = arith.addi %scan3A_2249, %scan3A_2314 : i32
      %dma_wait3A_2316 = arith.constant 0 : i32
      %dma_wait3A_2317 = arith.constant 0 : i32
      %dma_wait3A_2318 = tpu.memref_slice %arg6[%dma_wait3A_2317] : memref<32768xf32, #tpu.memory_space<vmem>> -> memref<512xf32, #tpu.memory_space<vmem>>
      %dma_wait3A_2319 = tpu.memref_slice %arg4[%dma_wait3A_2316, %multiple_of3A] : memref<64x16384xf32, #tpu.memory_space<hbm>> -> memref<1x512xf32, #tpu.memory_space<hbm>>
      %dma_wait3A_2320 = tpu.memref_squeeze %dma_wait3A_2319 : memref<1x512xf32, #tpu.memory_space<hbm>> -> memref<512xf32, #tpu.memory_space<hbm>>
      %dma_wait3A_2321 = tpu.memref_slice %arg4[%dma_wait3A_2316, %multiple_of3A] : memref<64x16384xf32, #tpu.memory_space<hbm>> -> memref<1x512xf32, #tpu.memory_space<hbm>>
      %dma_wait3A_2322 = tpu.memref_squeeze %dma_wait3A_2321 : memref<1x512xf32, #tpu.memory_space<hbm>> -> memref<512xf32, #tpu.memory_space<hbm>>
      %dma_wait3A_2323 = arith.constant 0 : i32
      %dma_wait3A_2324 = tpu.memref_slice %arg6[%dma_wait3A_2323] : memref<32768xf32, #tpu.memory_space<vmem>> -> memref<512xf32, #tpu.memory_space<vmem>>
      tpu.wait_dma2 semaphore(%arg29 : memref<!tpu.dma_semaphore, #tpu.memory_space<semaphore_mem>>) src(%dma_wait3A_2324 : memref<512xf32, #tpu.memory_space<vmem>>) dst(%dma_wait3A_2322 : memref<512xf32, #tpu.memory_space<hbm>>)
      %scan3A_2325 = arith.constant 7 : i32
      %scan3A_2326 = arith.addi %scan3A_2249, %scan3A_2325 : i32
      %dma_wait3A_2327 = arith.constant 0 : i32
      %dma_wait3A_2328 = arith.constant 0 : i32
      %dma_wait3A_2329 = tpu.memref_slice %arg6[%dma_wait3A_2328] : memref<32768xf32, #tpu.memory_space<vmem>> -> memref<512xf32, #tpu.memory_space<vmem>>
      %dma_wait3A_2330 = tpu.memref_slice %arg4[%dma_wait3A_2327, %multiple_of3A] : memref<64x16384xf32, #tpu.memory_space<hbm>> -> memref<1x512xf32, #tpu.memory_space<hbm>>
      %dma_wait3A_2331 = tpu.memref_squeeze %dma_wait3A_2330 : memref<1x512xf32, #tpu.memory_space<hbm>> -> memref<512xf32, #tpu.memory_space<hbm>>
      %dma_wait3A_2332 = tpu.memref_slice %arg4[%dma_wait3A_2327, %multiple_of3A] : memref<64x16384xf32, #tpu.memory_space<hbm>> -> memref<1x512xf32, #tpu.memory_space<hbm>>
      %dma_wait3A_2333 = tpu.memref_squeeze %dma_wait3A_2332 : memref<1x512xf32, #tpu.memory_space<hbm>> -> memref<512xf32, #tpu.memory_space<hbm>>
      %dma_wait3A_2334 = arith.constant 0 : i32
      %dma_wait3A_2335 = tpu.memref_slice %arg6[%dma_wait3A_2334] : memref<32768xf32, #tpu.memory_space<vmem>> -> memref<512xf32, #tpu.memory_space<vmem>>
      tpu.wait_dma2 semaphore(%arg29 : memref<!tpu.dma_semaphore, #tpu.memory_space<semaphore_mem>>) src(%dma_wait3A_2335 : memref<512xf32, #tpu.memory_space<vmem>>) dst(%dma_wait3A_2333 : memref<512xf32, #tpu.memory_space<hbm>>)
    }
    %scan3A_2248 = arith.constant 64 : i32
    return
  }
}

</mosaic_0001>

<sc_bundles>
// kernel: kernel.3.cloned.1.call-start
scs
__scs_entry_jumppad:
0x0: {  	(pc) =	sbr.rel $0x88, $3  }
0x1: {  	(tag) =	ssettag $0x0;
	lr =	simm.s32 $0x1  }
0x2: {  	[smem:$0x3F9F] =	sst lr;
	_ =	strace $0xD0000000  }
0x3: {  	_ = 	snop  }
0x4: {  	_ = 	snop  }
0x5: {  	_ = 	snop  }
0x6: {  	_ = 	snop  }
0x7: {  	_ = 	snop  }
__scs_overlays_trampoline_lowered:
0x8: {  	[smem:$0x3FAE] =	sst s0  }
0x9: {  	[smem:$0x3FAF] =	sst s1  }
0xa: {  	[smem:$0x3FB0] =	sst s2  }
0xb: {  	[smem:$0x3FB1] =	sst s3  }
0xc: {  	[smem:$0x3FB2] =	sst s4  }
0xd: {  	[smem:$0x3FB3] =	sst s5  }
0xe: {  	[smem:$0x3FB4] =	sst s6  }
0xf: {  	[smem:$0x3FB5] =	sst s7  }
0x10: {  	[smem:$0x3FB6] =	sst s8  }
0x11: {  	[smem:$0x3FB7] =	sst s9;
	s0 =	simm.s32 @!p0 $0x0  }
0x12: {  	s1 =	sld [smem:$0x3F9D];
	s0 =	simm.s32 @p0 $0x1  }
0x13: {  	[smem:$0x3FB8] =	sst s0;
	s0 =	simm.s32 @!p1 $0x0  }
0x14: {  	s2 =	sld [smem:$0x3F9C];
	s0 =	simm.s32 @p1 $0x1  }
0x15: {  	[smem:$0x3FB9] =	sst s0;
	s0 =	simm.s32 @!p2 $0x0  }
0x16: {  	s3 =	sld [smem:$0x3FDB];
	s0 =	simm.s32 @p2 $0x1  }
0x17: {  	s4 =	simm.s32 $0x1BF5;
	[smem:$0x3FBB] =	sst s0  }
0x18: {  	s0 =	sld [smem:$0x3F9E];
	_ =	swait.ge [sflag:s4], $0x0  }
0x19: {  	s7 =	sld [smem:$0x3F9F]  }
0x1a: {  	s8 =	sadd.s32 $0xFFFFE003, lr  }
0x1b: {  	s9 =	sadd.s32 $0xFFFFFEF7, lr;
	s5 =	simm.s32 $0xFFFFFFFF;
	p2 =	slt.u32 s8, $0xFFFFF086  }
0x1c: {  	p1 =	slt.u32 s9, $0xF7A;
	s5 =	simm.s32 @!p2 $0x0  }
0x1d: {  	s5 =	simm.s32 @p1 $0x1;
	p0 =	seq.s32 s7, s2  }
0x1e: {  	s7 =	smul.u32 @!p0 $0xF7A, s2;
	p2 =	seq.s32 @!p0 s5, $0x0  }
0x1f: {  	s9 =	smul.u32 $0xF7A, s1;
	s8 =	simm.s32 @!p0 $0x1BF5;
	p2 =	por !p2, p0  }
0x20: {  	[sflag:s8] =	ssyncset.s32 @!p0 $0xFFFFF086;
	s6 =	sadd.s32 @!p0 s3, s7;
	s7 =	simm.s32 @!p0 $0x108  }
0x21: {  	s3 =	sadd.s32 s3, s9;
	s6 =	sadd.s32 @!p0 $0x88, s6;
	s7 =	simm.s32 @p2 $0x1082  }
0x22: {  	[simem:s7], [sflag:s8] =	dma.local @!p0 [hbm:s6], $0xF7A  }
0x23: {  	s9 =	sor.u32 $0xD0000000, s2;
	s6 =	simm.s32 $0x108;
	_ =	swait.ge @!p0 [sflag:s8], $0x0  }
0x24: {  	s3 =	sadd.s32 $0x88, s3;
	s6 =	simm.s32 @!p1 $0x1082;
	[sflag:s4] =	ssyncset.s32 $0xFFFFF086  }
0x25: {  	[simem:s6], [sflag:s4] =	dma.local [hbm:s3], $0xF7A  }
0x26: {  	[smem:$0x3F9F] =	sst s1;
	(tag) =	ssettag s2;
	_ =	strace s9  }
0x27: {  	s1 =	sld [smem:$0x3FAF]  }
0x28: {  	s2 =	sld [smem:$0x3FB0]  }
0x29: {  	s4 =	sld [smem:$0x3FB2]  }
0x2a: {  	p0 =	seq.s32 s5, $0x0;
	s5 =	sld [smem:$0x3FB3]  }
0x2b: {  	s6 =	sld [smem:$0x3FB4]  }
0x2c: {  	s7 =	sld [smem:$0x3FB5]  }
0x2d: {  	s3 =	simm.s32 $0x108;
	s8 =	sld [smem:$0x3FB6]  }
0x2e: {  	s3 =	simm.s32 @!p0 $0x1082;
	s9 =	sld [smem:$0x3FB7]  }
0x2f: {  	lr =	sadd.s32 s0, s3;
	s0 =	sld [smem:$0x3FAE]  }
0x30: {  	s3 =	sld [smem:$0x3FB1]  }
0x31: {  	[smem:$0x3FBA] =	sst s10  }
0x32: {  	s10 =	sld [smem:$0x3FB8];
	_ =	sdelay $0x3  }
0x33: {  	p0 =	seq.s32 s10, $0x1;
	s10 =	sld [smem:$0x3FBA];
	_ =	sdelay $0x3  }
0x34: {  	[smem:$0x3FBA] =	sst s10  }
0x35: {  	s10 =	sld [smem:$0x3FB9];
	_ =	sdelay $0x3  }
0x36: {  	p1 =	seq.s32 s10, $0x1;
	s10 =	sld [smem:$0x3FBA];
	_ =	sdelay $0x3  }
0x37: {  	[smem:$0x3FBA] =	sst s10  }
0x38: {  	s10 =	sld [smem:$0x3FBB]  }
0x39: {  	_ = 	snop;
	(pc) =	sbr.ind lr, $3  }
0x3a: {  	_ = 	snop  }
0x3b: {  	_ = 	snop  }
0x3c: {  	p2 =	seq.s32 s10, $0x1;
	s10 =	sld [smem:$0x3FBA]  }
0x3d: {  	_ =	shalt  }
0x3e: {  	_ =	shalt  }
0x3f: {  	_ =	shalt  }
0x40: {  	_ =	shalt  }
0x41: {  	_ =	shalt  }
0x42: {  	_ =	shalt  }
0x43: {  	_ =	shalt  }
0x44: {  	_ =	shalt  }
0x45: {  	_ =	shalt  }
0x46: {  	_ =	shalt  }
0x47: {  	_ =	shalt  }
0x48: {  	_ =	shalt  }
0x49: {  	_ =	shalt  }
0x4a: {  	_ =	shalt  }
0x4b: {  	_ =	shalt  }
0x4c: {  	_ =	shalt  }
0x4d: {  	_ =	shalt  }
0x4e: {  	_ =	shalt  }
0x4f: {  	_ =	shalt  }
0x50: {  	_ =	shalt  }
0x51: {  	_ =	shalt  }
0x52: {  	_ =	shalt  }
0x53: {  	_ =	shalt  }
0x54: {  	_ =	shalt  }
0x55: {  	_ =	shalt  }
0x56: {  	_ =	shalt  }
0x57: {  	_ =	shalt  }
0x58: {  	_ =	shalt  }
0x59: {  	_ =	shalt  }
0x5a: {  	_ =	shalt  }
0x5b: {  	_ =	shalt  }
0x5c: {  	_ =	shalt  }
0x5d: {  	_ =	shalt  }
0x5e: {  	_ =	shalt  }
0x5f: {  	_ =	shalt  }
0x60: {  	_ =	shalt  }
0x61: {  	_ =	shalt  }
0x62: {  	_ =	shalt  }
0x63: {  	_ =	shalt  }
0x64: {  	_ =	shalt  }
0x65: {  	_ =	shalt  }
0x66: {  	_ =	shalt  }
0x67: {  	_ =	shalt  }
0x68: {  	_ =	shalt  }
0x69: {  	_ =	shalt  }
0x6a: {  	_ =	shalt  }
0x6b: {  	_ =	shalt  }
0x6c: {  	_ =	shalt  }
0x6d: {  	_ =	shalt  }
0x6e: {  	_ =	shalt  }
0x6f: {  	_ =	shalt  }
0x70: {  	_ =	shalt  }
0x71: {  	_ =	shalt  }
0x72: {  	_ =	shalt  }
0x73: {  	_ =	shalt  }
0x74: {  	_ =	shalt  }
0x75: {  	_ =	shalt  }
0x76: {  	_ =	shalt  }
0x77: {  	_ =	shalt  }
0x78: {  	_ =	shalt  }
0x79: {  	_ =	shalt  }
0x7a: {  	_ =	shalt  }
0x7b: {  	_ =	shalt  }
0x7c: {  	_ =	shalt  }
0x7d: {  	_ =	shalt  }
0x7e: {  	_ =	shalt  }
0x7f: {  	_ =	shalt  }
0x80: {  	_ =	shalt  }
0x81: {  	_ =	shalt  }
0x82: {  	_ =	shalt  }
0x83: {  	_ =	shalt  }
0x84: {  	_ =	shalt  }
0x85: {  	_ =	shalt  }
0x86: {  	_ =	shalt  }
0x87: {  	_ =	shalt  }
.Lfunc_end0:
.L_simem_size_0:
called_computation_lowered:
.L_overlay_start_0:
0x88: {  	s2 =	sld [smem:$0x3FD9]  }
0x89: {  	s3 =	sld [smem:$0x3FFE];
	_ =	sdelay $0x1  }
0x8a: {  	s1 =	srdreg.scid  }
0x8b: {  	s0 =	sand.u32 $0x1, s1  }
0x8c: {  	s18 =	sshll.u32 s0, $0xA;
	s2 =	sadd.s32 s3, s2  }
0x8d: {  	s2 =	sadd.s32 s2, s18  }
0x8e: {  	[smem:$0x3FC6] =	sst s2  }
0x8f: {  	_ = 	snop  }
0x90: {  	s2 =	sld [smem:$0x3FC9]  }
0x91: {  	s19 =	sld [smem:$0x3FC8]  }
0x92: {  	s4 =	sld [smem:$0x3FD0];
	(tm) =	ssettm $0x1  }
0x93: {  	s5 =	sld [smem:$0x3FFB];
	_ =	sdelay $0x3  }
0x94: {  	_ =	strace s5  }
0x95: {  	s5 =	sld [smem:$0x3FFC];
	_ =	sdelay $0x3  }
0x96: {  	_ =	strace s5  }
0x97: {  	s5 =	sld [smem:$0x3FFD];
	_ =	sdelay $0x3  }
0x98: {  	_ =	strace s5  }
0x99: {  	_ =	strace $0x8FFFFFFF  }
0x9a: {  	s20 =	sld [smem:$0x3FDB];
	_ =	sdelay $0x1  }
0x9b: {  	s6 =	simm.s32 $_scs_section_size  }
0x9c: {  	s7 =	simm.s32 $_size__tile_overlayer_lowered;
	s8 =	simm.s32 $_tile_overlayer_lowered  }
0x9d: {  	s23 =	simm.s32 $0x1BFF;
	s22 =	sshll.u32 s8, $0x1;
	s5 =	sadd.s32 s6, s20  }
0x9e: {  	s9 =	simm.s32 $0x0;
	s21 =	sshll.u32 s7, $0x1;
	s7 =	sadd.s32 s22, s5  }
0x9f: {  	[timem:s9], [sflag:s23] =	dma.local [hbm:s7], s21  }
0xa0: {  	_ =	swait.ge [sflag:s23], s21  }
0xa1: {  	s6 =	ssub.s32 $0x0, s21;
	[sflag:s23] =	ssyncset.done $0x0  }
0xa2: {  	[sflag:s23] =	ssyncadd.s32 s6;
	_ =	sdelay $0x1  }
0xa3: {  	s24 =	simm.s32 $0x1B8B  }
0xa4: {  	_ =	swait.ge [sflag:s24], $0x1  }
0xa5: {  	[sflag:s24] =	ssyncset.done $0x0  }
0xa6: {  	s25 =	simm.s32 $0x1B8E;
	[sflag:s24] =	ssyncadd.s32 $0xFFFFFFFF  }
0xa7: {  	s26 =	simm.s32 $execute0_lowered;
	[smem:$0x3FD2] =	sst s25  }
0xa8: {  	s6 =	sshll.u32 s26, $0x1;
	_ =	strace $0x80000046;
	[dreg:$0x1] =	wrdreg $0xFFFFFFFF  }
0xa9: {  	s28 =	simm.s32 $_size_execute0_lowered;
	s5 =	sadd.s32 s5, s6;
	[dreg:$0x0] =	wrdreg $0x0  }
0xaa: {  	s6 =	sshll.u32 s28, $0x1;
	[dreg:$0x2] =	wrdreg s5  }
0xab: {  	[dreg:$0x3] =	wrdreg s6  }
0xac: {  	[dreg:$0x4] =	wrdreg $0xC0  }
0xad: {  	_ =	task [dreg:s9], $0x5FFFF  }
0xae: {  	[dreg:$0x1] =	wrdreg $0xFFFFFFFF  }
0xaf: {  	[dreg:$0x0] =	wrdreg $0x60  }
0xb0: {  	[dreg:$0x2] =	wrdreg s2  }
0xb1: {  	[dreg:$0x3] =	wrdreg s19  }
0xb2: {  	[dreg:$0x4] =	wrdreg s4  }
0xb3: {  	[dreg:$0x5] =	wrdreg $0x9  }
0xb4: {  	_ =	task.clear_ibuf [dreg:s9], $0x6FFFF;
	_ =	strace $0x90000046  }
0xb5: {  	s29 =	simm.s32 $0x9;
	_ =	strace $0x80000048  }
0xb6: {  	_ =	swait.ge [sflag:s29], $0x1  }
0xb7: {  	[sflag:s29] =	ssyncadd.s32 $0xFFFFFFFF  }
0xb8: {  	_ =	strace $0x90000048  }
0xb9: {  	_ =	sfence  }
0xba: {  	s30 =	sld [smem:$0x0];
	_ =	sdelay $0x2  }
0xbb: {  	s31 =	sshll.u32 s1, $0xD;
	s1 =	sshrl.u32 s1, $0x2  }
0xbc: {  	s3 =	sand.u32 $0x4000, s31;
	s1 =	sadd.s32 s1, s30  }
0xbd: {  	s0 =	sor.u32 s3, s0;
	s1 =	sshll.u32 s1, $0x11  }
0xbe: {  	s0 =	sor.u32 s1, s0  }
0xbf: {  	s0 =	sadd.s32 $0x8F2B, s0  }
0xc0: {  	[sflag:s0] =	ssyncadd.remote.s32 $0x1  }
0xc1: {  	_ =	sfence.sel $0xFFFF  }
0xc2: {  	[dreg:$0x0] =	wrdreg $0xFFFFFFFF;
	(pc) =	sbr.abs _section_cstart, $3  }
0xc3: {  	[dreg:$0x1] =	wrdreg $0xFFFFFFFF  }
0xc4: {  	_ =	task.clear_ibuf [dreg:s9], $0x2FFFF;
	_ =	strace $0x9FFFFFFF  }
0xc5: {  	(tm) =	ssettm $0x7FFFFFFF  }
tec
execute0_lowered:
.L_overlay_start_1:
0x0: {  	(tag) =	ssettag $0x1  }
0x1: {  	vm0 =	vmmov $0x1;
	vm2 =	vcmask $0x70C;
	vm3 =	vcmask $0xB10  }
0x2: {  	vm4 =	vcmask $0xF14;
	vm5 =	vcmask $0x1318;
	v0 =	vlaneseq.u32  }
0x3: {  	vm6 =	vcmask $0x171C;
	vm7 =	vcmask $0x1B20;
	vm8 =	vcmask $0x1F24  }
0x4: {  	vm9 =	vcmask $0x2328;
	vm10 =	vcmask $0x272C;
	vm11 =	vcmask $0x2B30  }
0x5: {  	vm12 =	vcmask $0x2F34;
	v1 =	vmul.u32 $0x80, v0;
	v2 =	vmul.u32 $0x200, v0  }
0x6: {  	s1 =	rddreg [dreg:$0x0];
	vm13 =	vcmask $0x3338;
	vm14 =	vcmask $0x373C;
	vm15 =	vmmov $0x7fff  }
0x7: {  	s16 =	rddreg [dreg:$0x1];
	v3 =	vor.u32 $0x800, v1;
	v4 =	vor.u32 $0x2000, v2;
	v5 =	vor.u32 $0x1000, v1  }
0x8: {  	s2 =	rddreg [dreg:$0x2];
	v6 =	vor.u32 $0x4000, v2;
	v7 =	vor.u32 $0x1800, v1;
	v8 =	vor.u32 $0x6000, v2  }
0x9: {  	s3 =	srdreg.scid;
	s0 =	stileid.u32;
	s6 =	simm.s32 $0x0;
	v9 =	vor.u32 $0x1EF, v2;
	v10 =	vor.u32 $0x21EF, v2;
	v11 =	vor.u32 $0x41EF, v2  }
0xa: {  	s8 =	simm.s32 $0x400;
	s10 =	simm.s32 $0x1;
	s21 =	simm.s32 $0x7A1400;
	v12 =	vor.u32 $0x61EF, v2;
	v13 =	vor.u32 $0x1F0, v2;
	v14 =	vor.u32 $0x21F0, v2  }
0xb: {  	s9 =	simm.s32 $0x8200;
	s11 =	simm.s32 $0xA200;
	s13 =	simm.s32 $0xC200;
	v15 =	vor.u32 $0x41F0, v2;
	v16 =	vor.u32 $0x61F0, v2;
	v17 =	vor.u32 $0x1F1, v2  }
0xc: {  	s15 =	simm.s32 $0xE200;
	s18 =	simm.s32 $0x10200;
	s23 =	simm.s32 $0x12200;
	v18 =	vor.u32 $0x21F1, v2;
	v19 =	vor.u32 $0x41F1, v2;
	v20 =	vor.u32 $0x61F1, v2  }
0xd: {  	s28 =	simm.s32 $0x14200;
	s30 =	simm.s32 $0x16200;
	s3 =	sand.u32 $0x1, s3;
	v21 =	vor.u32 $0x1F2, v2;
	v22 =	vor.u32 $0x21F2, v2;
	v23 =	vor.u32 $0x41F2, v2  }
0xe: {  	s22 =	simm.s32 $0x200;
	s4 =	sshll.u32 s0, $0xA;
	s5 =	sshll.u32 s3, $0x9;
	v24 =	vor.u32 $0x61F2, v2;
	v25 =	vor.u32 $0x1F3, v2;
	v26 =	vor.u32 $0x21F3, v2  }
0xf: {  	[smem:$0x7FF] =	sst s6;
	s3 =	ssub.s32 $0x2, s3;
	s4 =	sor.u32 s5, s4;
	v27 =	vor.u32 $0x41F3, v2;
	v28 =	vor.u32 $0x61F3, v2;
	v29 =	vor.u32 $0x1F4, v2  }
0x10: {  	_ =	strace $0x80000047;
	s25 =	sshrl.u32 s3, $0x1;
	v30 =	vor.u32 $0x21F4, v2;
	v31 =	vor.u32 $0x41F4, v2;
	v32 =	vor.u32 $0x61F4, v2;
	s26 =	sshrl.u32 s4, $0x3  }
0x11: {  	v33 =	vor.u32 $0x1F5, v2;
	v34 =	vor.u32 $0x21F5, v2;
	v35 =	vor.u32 $0x41F5, v2;
	s3 =	ssub.s32 s3, s25;
	s5 =	sadd.s32 s2, s4;
	s29 =	sadd.s32 s1, s26  }
0x12: {  	v36 =	vor.u32 $0x61F5, v2;
	v37 =	vor.u32 $0x1F6, v2;
	v38 =	vor.u32 $0x21F6, v2;
	s25 =	simm.s32 $0x80;
	s31 =	smax.u32 s3, $0x1;
	[dreg:$0x4] =	wrdreg s29  }
0x13: {  	v39 =	vor.u32 $0x41F6, v2;
	v40 =	vor.u32 $0x61F6, v2;
	v41 =	vor.u32 $0x1F7, v2;
	s4 =	simm.s32 $0xC;
	s1 =	simm.s32 $0x0;
	[dreg:$0x5] =	wrdreg s31  }
.LBB2_1:
0x14: {  	[dreg:$0x6] =	wrdreg s1  }
0x15: {  	s0 =	simm.s32 $0x0;
	s24 =	rddreg [dreg:$0x4];
	s26 =	simm.s32 $0xD  }
0x16: {  	[tilespmem:s0], [sflag:$0xD] =	stream.linear.gather [hbm4b:s24+s0], $0x200, $0x38;
	[tilespmem:$0x1E200] =	vst v63  }
0x17: {  	_ =	swait.ge [sflag:s26], $0x200  }
0x18: {  	[sflag:s26] =	ssyncset.done $0x0  }
0x19: {  	[sflag:s26] =	ssyncadd.s32 $0xFFFFFE00  }
0x1a: {  	v42 =	vld [tilespmem:$0x0];
	_ =	sdelay $0x4  }
0x1b: {  	v42 =	vnsel vm0, $0x0, v42  }
0x1c: {  	(xrf0) =	vadd.scan.msk.s32 $0xffff, v42;
	_ =	sdelay $0x5  }
0x1d: {  	v42, _, _ =	vpop (xrf0)  }
0x1e: {  	(v2sf) =	vpush v42, $0xF;
	_ =	sdelay $0xe  }
0x1f: {  	s1 =	spop (v2sf)  }
0x20: {  	s2 =	sand.u32 $0x7F, s1  }
0x21: {  	s6 =	sshra.s32 s1, $0x1F;
	p0 =	slt.s32 s1, $0x1;
	p1 =	sne.s32 s2, $0x0  }
0x22: {  	s0 =	sshrl.u32 s6, $0x19;
	p0 =	por !p0, !p1  }
0x23: {  	s6 =	simm.s32 $0x1;
	s2 =	sadd.s32 s0, s1;
	p0 =	por !p0, !p0  }
0x24: {  	s2 =	sshrl.u32 s2, $0x7;
	s6 =	simm.s32 @!p0 $0x0  }
0x25: {  	s2 =	ssub.s32 s2, s6  }
0x26: {  	s20 =	sshll.u32 s2, $0x7  }
0x27: {  	s3 =	sand.u32 $0x1FFFFF80, s20  }
0x28: {  	s6 =	sadd.s32 s16, s3  }
0x29: {  	[tilespmem:s9], [sflag:$0x1] =	stream.strided.gather [hbm4b:s6+s8], $0x2000, s21, s8, $0x38;
	[tilespmem:$0x1E200] =	vst v63  }
0x2a: {  	v54 =	vld [tilespmem:$0x0];
	_ =	sdelay $0x3  }
0x2b: {  	vm1 =	vcmask $0x308  }
0x2c: {  	v42 =	vsel vm1, $0x0, v54  }
0x2d: {  	(xrf0) =	vadd.scan.msk.s32 $0xffff, v42;
	_ =	sdelay $0x5  }
0x2e: {  	v42, _, _ =	vpop (xrf0)  }
0x2f: {  	(v2sf) =	vpush v42, $0xF;
	_ =	sdelay $0xe  }
0x30: {  	s26 =	spop (v2sf)  }
0x31: {  	s7 =	sand.u32 $0x7F, s26  }
0x32: {  	s6 =	sshra.s32 s26, $0x1F;
	p5 =	slt.s32 s26, $0x1;
	p6 =	sne.s32 s7, $0x0  }
0x33: {  	s12 =	sshrl.u32 s6, $0x19;
	p0 =	por !p5, !p6  }
0x34: {  	s9 =	simm.s32 $0x1;
	s7 =	sadd.s32 s12, s26;
	p0 =	por !p0, !p0  }
0x35: {  	s7 =	sshrl.u32 s7, $0x7;
	s9 =	simm.s32 @!p0 $0x0  }
0x36: {  	s7 =	ssub.s32 s7, s9  }
0x37: {  	s7 =	sshll.u32 s7, $0x7  }
0x38: {  	s14 =	sand.u32 $0x1FFFFF80, s7  }
0x39: {  	s9 =	sadd.s32 s16, s14  }
0x3a: {  	[tilespmem:s11], [sflag:$0x2] =	stream.strided.gather [hbm4b:s9+s8], $0x2000, s21, s8, $0x38;
	[tilespmem:$0x1E200] =	vst v63  }
0x3b: {  	v55 =	vld [tilespmem:$0x0];
	_ =	sdelay $0x4  }
0x3c: {  	v42 =	vsel vm2, $0x0, v55  }
0x3d: {  	(xrf0) =	vadd.scan.msk.s32 $0xffff, v42;
	_ =	sdelay $0x5  }
0x3e: {  	v42, _, _ =	vpop (xrf0)  }
0x3f: {  	(v2sf) =	vpush v42, $0xF;
	_ =	sdelay $0xe  }
0x40: {  	s9 =	spop (v2sf)  }
0x41: {  	s17 =	sand.u32 $0x7F, s9  }
0x42: {  	s12 =	sshra.s32 s9, $0x1F;
	p1 =	slt.s32 s9, $0x1;
	p2 =	sne.s32 s17, $0x0  }
0x43: {  	s19 =	sshrl.u32 s12, $0x19;
	p0 =	por !p1, !p2  }
0x44: {  	s12 =	simm.s32 $0x1;
	s11 =	sadd.s32 s19, s9;
	p0 =	por !p0, !p0  }
0x45: {  	s11 =	sshrl.u32 s11, $0x7;
	s12 =	simm.s32 @!p0 $0x0  }
0x46: {  	s11 =	ssub.s32 s11, s12  }
0x47: {  	s31 =	sshll.u32 s11, $0x7  }
0x48: {  	s24 =	sand.u32 $0x1FFFFF80, s31  }
0x49: {  	s12 =	sadd.s32 s16, s24  }
0x4a: {  	[tilespmem:s13], [sflag:$0x3] =	stream.strided.gather [hbm4b:s12+s8], $0x2000, s21, s8, $0x38;
	[tilespmem:$0x1E200] =	vst v63  }
0x4b: {  	v56 =	vld [tilespmem:$0x0];
	_ =	sdelay $0x4  }
0x4c: {  	v42 =	vsel vm3, $0x0, v56  }
0x4d: {  	(xrf0) =	vadd.scan.msk.s32 $0xffff, v42;
	_ =	sdelay $0x5  }
0x4e: {  	v42, _, _ =	vpop (xrf0)  }
0x4f: {  	(v2sf) =	vpush v42, $0xF;
	_ =	sdelay $0xe  }
0x50: {  	s12 =	spop (v2sf)  }
0x51: {  	s0 =	sand.u32 $0x7F, s12  }
0x52: {  	s14 =	sshra.s32 s12, $0x1F;
	p3 =	slt.s32 s12, $0x1;
	p4 =	sne.s32 s0, $0x0  }
0x53: {  	s2 =	sshrl.u32 s14, $0x19;
	p0 =	por !p3, !p4  }
0x54: {  	s14 =	simm.s32 $0x1;
	s13 =	sadd.s32 s2, s12;
	p0 =	por !p0, !p0  }
0x55: {  	s13 =	sshrl.u32 s13, $0x7;
	s14 =	simm.s32 @!p0 $0x0  }
0x56: {  	s13 =	ssub.s32 s13, s14  }
0x57: {  	s13 =	sshll.u32 s13, $0x7  }
0x58: {  	s3 =	sand.u32 $0x1FFFFF80, s13  }
0x59: {  	s14 =	sadd.s32 s16, s3  }
0x5a: {  	[tilespmem:s15], [sflag:$0x4] =	stream.strided.gather [hbm4b:s14+s8], $0x2000, s21, s8, $0x38;
	[tilespmem:$0x1E200] =	vst v63  }
0x5b: {  	v57 =	vld [tilespmem:$0x0];
	_ =	sdelay $0x4  }
0x5c: {  	v42 =	vsel vm4, $0x0, v57  }
0x5d: {  	(xrf0) =	vadd.scan.msk.s32 $0xffff, v42;
	_ =	sdelay $0x5  }
0x5e: {  	v42, _, _ =	vpop (xrf0)  }
0x5f: {  	(v2sf) =	vpush v42, $0xF;
	_ =	sdelay $0xe  }
0x60: {  	s17 =	spop (v2sf)  }
0x61: {  	s6 =	sand.u32 $0x7F, s17  }
0x62: {  	s11 =	sshra.s32 s17, $0x1F;
	p5 =	slt.s32 s17, $0x1;
	p6 =	sne.s32 s6, $0x0  }
0x63: {  	s19 =	sshrl.u32 s11, $0x19;
	p0 =	por !p5, !p6  }
0x64: {  	s15 =	simm.s32 $0x1;
	s14 =	sadd.s32 s19, s17;
	p0 =	por !p0, !p0  }
0x65: {  	s14 =	sshrl.u32 s14, $0x7;
	s15 =	simm.s32 @!p0 $0x0  }
0x66: {  	s14 =	ssub.s32 s14, s15  }
0x67: {  	s19 =	sshll.u32 s14, $0x7  }
0x68: {  	s14 =	sand.u32 $0x1FFFFF80, s19  }
0x69: {  	s14 =	sadd.s32 s16, s14  }
0x6a: {  	[tilespmem:s18], [sflag:$0x5] =	stream.strided.gather [hbm4b:s14+s8], $0x2000, s21, s8, $0x38;
	[tilespmem:$0x1E200] =	vst v63  }
0x6b: {  	v58 =	vld [tilespmem:$0x0];
	_ =	sdelay $0x4  }
0x6c: {  	v42 =	vsel vm5, $0x0, v58  }
0x6d: {  	(xrf0) =	vadd.scan.msk.s32 $0xffff, v42;
	_ =	sdelay $0x5  }
0x6e: {  	v42, _, _ =	vpop (xrf0)  }
0x6f: {  	(v2sf) =	vpush v42, $0xF;
	_ =	sdelay $0xe  }
0x70: {  	s21 =	spop (v2sf)  }
0x71: {  	s24 =	sand.u32 $0x7F, s21  }
0x72: {  	s2 =	sshra.s32 s21, $0x1F;
	p1 =	slt.s32 s21, $0x1;
	p2 =	sne.s32 s24, $0x0  }
0x73: {  	s3 =	sshrl.u32 s2, $0x19;
	p0 =	por !p1, !p2  }
0x74: {  	s15 =	simm.s32 $0x1;
	s14 =	sadd.s32 s3, s21;
	p0 =	por !p0, !p0  }
0x75: {  	s14 =	sshrl.u32 s14, $0x7;
	s15 =	simm.s32 @!p0 $0x0  }
0x76: {  	s14 =	ssub.s32 s14, s15  }
0x77: {  	s24 =	sshll.u32 s14, $0x7  }
0x78: {  	s14 =	sand.u32 $0x1FFFFF80, s24  }
0x79: {  	s0 =	simm.s32 $0x7A1400;
	s14 =	sadd.s32 s16, s14  }
0x7a: {  	[tilespmem:s23], [sflag:$0x6] =	stream.strided.gather [hbm4b:s14+s8], $0x2000, s0, s8, $0x38;
	[tilespmem:$0x1E200] =	vst v63  }
0x7b: {  	v59 =	vld [tilespmem:$0x0];
	_ =	sdelay $0x4  }
0x7c: {  	v42 =	vsel vm6, $0x0, v59  }
0x7d: {  	(xrf0) =	vadd.scan.msk.s32 $0xffff, v42;
	_ =	sdelay $0x5  }
0x7e: {  	v42, _, _ =	vpop (xrf0)  }
0x7f: {  	(v2sf) =	vpush v42, $0xF;
	_ =	sdelay $0xe  }
0x80: {  	s14 =	spop (v2sf)  }
0x81: {  	s6 =	sand.u32 $0x7F, s14  }
0x82: {  	s11 =	sshra.s32 s14, $0x1F;
	p3 =	slt.s32 s14, $0x1;
	p4 =	sne.s32 s6, $0x0  }
0x83: {  	s23 =	sshrl.u32 s11, $0x19;
	p0 =	por !p3, !p4  }
0x84: {  	s18 =	simm.s32 $0x1;
	s15 =	sadd.s32 s23, s14;
	p0 =	por !p0, !p0  }
0x85: {  	s15 =	sshrl.u32 s15, $0x7;
	s18 =	simm.s32 @!p0 $0x0  }
0x86: {  	s15 =	ssub.s32 s15, s18  }
0x87: {  	s3 =	sshll.u32 s15, $0x7  }
0x88: {  	s15 =	sand.u32 $0x1FFFFF80, s3  }
0x89: {  	s15 =	sadd.s32 s16, s15  }
0x8a: {  	[tilespmem:s28], [sflag:$0x7] =	stream.strided.gather [hbm4b:s15+s8], $0x2000, s0, s8, $0x38;
	[tilespmem:$0x1E200] =	vst v63  }
0x8b: {  	v60 =	vld [tilespmem:$0x0];
	_ =	sdelay $0x4  }
0x8c: {  	v42 =	vsel vm7, $0x0, v60  }
0x8d: {  	(xrf0) =	vadd.scan.msk.s32 $0xffff, v42;
	_ =	sdelay $0x5  }
0x8e: {  	v42, _, _ =	vpop (xrf0)  }
0x8f: {  	(v2sf) =	vpush v42, $0xF;
	_ =	sdelay $0xe  }
0x90: {  	s28 =	spop (v2sf)  }
0x91: {  	s2 =	sand.u32 $0x7F, s28  }
0x92: {  	s6 =	sshra.s32 s28, $0x1F;
	p5 =	slt.s32 s28, $0x1;
	p6 =	sne.s32 s2, $0x0  }
0x93: {  	s11 =	sshrl.u32 s6, $0x19;
	p0 =	por !p5, !p6  }
0x94: {  	s18 =	simm.s32 $0x1;
	s15 =	sadd.s32 s11, s28;
	p0 =	por !p0, !p0  }
0x95: {  	s15 =	sshrl.u32 s15, $0x7;
	s18 =	simm.s32 @!p0 $0x0  }
0x96: {  	s15 =	ssub.s32 s15, s18  }
0x97: {  	s29 =	sshll.u32 s15, $0x7  }
0x98: {  	s15 =	sand.u32 $0x1FFFFF80, s29  }
0x99: {  	s15 =	sadd.s32 s16, s15  }
0x9a: {  	[tilespmem:s30], [sflag:$0x8] =	stream.strided.gather [hbm4b:s15+s8], $0x2000, s0, s8, $0x38;
	[tilespmem:$0x1E200] =	vst v63  }
0x9b: {  	v61 =	vld [tilespmem:$0x0];
	_ =	sdelay $0x4  }
0x9c: {  	v42 =	vsel vm8, $0x0, v61  }
0x9d: {  	(xrf0) =	vadd.scan.msk.s32 $0xffff, v42;
	_ =	sdelay $0x5  }
0x9e: {  	v42, _, _ =	vpop (xrf0)  }
0x9f: {  	(v2sf) =	vpush v42, $0xF;
	_ =	sdelay $0xe  }
0xa0: {  	s30 =	spop (v2sf)  }
0xa1: {  	s18 =	sand.u32 $0x7F, s30  }
0xa2: {  	s23 =	sshra.s32 s30, $0x1F;
	p1 =	slt.s32 s30, $0x1;
	p2 =	sne.s32 s18, $0x0  }
0xa3: {  	s2 =	sshrl.u32 s23, $0x19;
	p0 =	por !p1, !p2  }
0xa4: {  	s18 =	simm.s32 $0x1;
	s15 =	sadd.s32 s2, s30;
	p0 =	por !p0, !p0  }
0xa5: {  	s15 =	sshrl.u32 s15, $0x7;
	s18 =	simm.s32 @!p0 $0x0  }
0xa6: {  	s15 =	ssub.s32 s15, s18  }
0xa7: {  	s15 =	sshll.u32 s15, $0x7  }
0xa8: {  	s6 =	sand.u32 $0x1FFFFF80, s15  }
0xa9: {  	s11 =	simm.s32 $0x18200;
	s18 =	sadd.s32 s16, s6  }
0xaa: {  	[tilespmem:s11], [sflag:$0x9] =	stream.strided.gather [hbm4b:s18+s8], $0x2000, s0, s8, $0x38;
	[tilespmem:$0x1E200] =	vst v63  }
0xab: {  	v62 =	vld [tilespmem:$0x0];
	_ =	sdelay $0x4  }
0xac: {  	v42 =	vsel vm9, $0x0, v62  }
0xad: {  	(xrf0) =	vadd.scan.msk.s32 $0xffff, v42;
	_ =	sdelay $0x5  }
0xae: {  	v42, _, _ =	vpop (xrf0)  }
0xaf: {  	(v2sf) =	vpush v42, $0xF;
	_ =	sdelay $0xe  }
0xb0: {  	s2 =	spop (v2sf)  }
0xb1: {  	s23 =	sand.u32 $0x7F, s2  }
0xb2: {  	s6 =	sshra.s32 s2, $0x1F;
	p3 =	slt.s32 s2, $0x1;
	p4 =	sne.s32 s23, $0x0  }
0xb3: {  	s11 =	sshrl.u32 s6, $0x19;
	p0 =	por !p3, !p4  }
0xb4: {  	s23 =	simm.s32 $0x1;
	s18 =	sadd.s32 s11, s2;
	p0 =	por !p0, !p0  }
0xb5: {  	s18 =	sshrl.u32 s18, $0x7;
	s23 =	simm.s32 @!p0 $0x0  }
0xb6: {  	s18 =	ssub.s32 s18, s23  }
0xb7: {  	s6 =	sshll.u32 s18, $0x7  }
0xb8: {  	s18 =	sand.u32 $0x1FFFFF80, s6  }
0xb9: {  	s23 =	simm.s32 $0x1A200;
	s18 =	sadd.s32 s16, s18  }
0xba: {  	[tilespmem:s23], [sflag:$0xA] =	stream.strided.gather [hbm4b:s18+s8], $0x2000, s0, s8, $0x38;
	[tilespmem:$0x1E200] =	vst v63  }
0xbb: {  	v63 =	vld [tilespmem:$0x0];
	_ =	sdelay $0x4  }
0xbc: {  	v42 =	vsel vm10, $0x0, v63  }
0xbd: {  	(xrf0) =	vadd.scan.msk.s32 $0xffff, v42;
	_ =	sdelay $0x5  }
0xbe: {  	v42, _, _ =	vpop (xrf0)  }
0xbf: {  	(v2sf) =	vpush v42, $0xF;
	_ =	sdelay $0xe  }
0xc0: {  	s11 =	spop (v2sf)  }
0xc1: {  	s1 =	ssub.s32 s1, s20;
	s23 =	sand.u32 $0x7F, s11  }
0xc2: {  	s0 =	sshra.s32 s11, $0x1F;
	p5 =	slt.s32 s11, $0x1;
	p6 =	sne.s32 s23, $0x0  }
0xc3: {  	s20 =	ssub.s32 s17, s19;
	s0 =	sshrl.u32 s0, $0x19;
	p0 =	por !p5, !p6  }
0xc4: {  	s23 =	simm.s32 $0x1;
	s18 =	sadd.s32 s0, s11;
	p0 =	por !p0, !p0  }
0xc5: {  	s17 =	ssub.s32 s21, s24;
	s18 =	sshrl.u32 s18, $0x7;
	s23 =	simm.s32 @!p0 $0x0  }
0xc6: {  	s21 =	simm.s32 $0x7A1400;
	s24 =	simm.s32 $0x1C200;
	s18 =	ssub.s32 s18, s23  }
0xc7: {  	s6 =	ssub.s32 s2, s6;
	s23 =	ssub.s32 s26, s7;
	s7 =	sshll.u32 s18, $0x7  }
0xc8: {  	s26 =	ssub.s32 s9, s31;
	s18 =	ssub.s32 s12, s13;
	s13 =	sand.u32 $0x1FFFFF80, s7  }
0xc9: {  	s31 =	ssub.s32 s28, s29;
	s29 =	ssub.s32 s30, s15;
	s9 =	sadd.s32 s16, s13  }
0xca: {  	[tilespmem:s24], [sflag:$0xB] =	stream.strided.gather [hbm4b:s9+s8], $0x2000, s21, s8, $0x38;
	[tilespmem:$0x1E200] =	vst v63  }
0xcb: {  	s30 =	simm.s32 $0x0;
	s7 =	ssub.s32 s11, s7;
	s24 =	ssub.s32 s14, s3  }
.LBB2_2:
0xcc: {  	v42 =	vadd.s32 s1, v1;
	_ =	sdelay $0x1  }
0xcd: {  	_ =	swait.ge [sflag:s10], $0x2000  }
0xce: {  	[sflag:s10] =	ssyncset.done $0x0  }
0xcf: {  	s0 =	simm.s32 $0x8200;
	[sflag:s10] =	ssyncadd.s32 $0xFFFFE000  }
0xd0: {  	v42 =	vld.idx.msk [tilespmem:v42+s0+$0x0], $0xffff;
	_ =	sdelay $0x1  }
0xd1: {  	v43 =	vadd.s32 s30, v2  }
0xd2: {  	v44 =	vadd.s32 s1, v3;
	_ =	sdelay $0x1  }
0xd3: {  	v42 =	vmul.f32 $8.000000000e+00, v42;
	_ =	sdelay $0x1  }
0xd4: {  	[tilespmem:v43+s22+$0x0] =	vst.idx.msk $0xffff, v42  }
0xd5: {  	v42 =	vld.idx.msk [tilespmem:v44+s0+$0x0], $0xffff;
	_ =	sdelay $0x1  }
0xd6: {  	v51 =	vadd.s32 s30, v4  }
0xd7: {  	v52 =	vadd.s32 s1, v5;
	_ =	sdelay $0x1  }
0xd8: {  	v42 =	vmul.f32 $8.000000000e+00, v42;
	_ =	sdelay $0x1  }
0xd9: {  	[tilespmem:v51+s22+$0x0] =	vst.idx.msk $0xffff, v42  }
0xda: {  	v42 =	vld.idx.msk [tilespmem:v52+s0+$0x0], $0xffff;
	_ =	sdelay $0x1  }
0xdb: {  	v53 =	vadd.s32 s30, v6  }
0xdc: {  	v54 =	vadd.s32 s1, v7;
	_ =	sdelay $0x1  }
0xdd: {  	v42 =	vmul.f32 $8.000000000e+00, v42;
	_ =	sdelay $0x1  }
0xde: {  	[tilespmem:v53+s22+$0x0] =	vst.idx.msk $0xffff, v42  }
0xdf: {  	v42 =	vld.idx.msk [tilespmem:v54+s0+$0x0], $0xffff;
	_ =	sdelay $0x1  }
0xe0: {  	v55 =	vadd.s32 s30, v8;
	_ =	sdelay $0x2  }
0xe1: {  	v42 =	vmul.f32 $8.000000000e+00, v42  }
0xe2: {  	s9 =	sadd.s32 $0xB, s30  }
0xe3: {  	s11 =	sand.u32 $0x7F0, s9;
	[tilespmem:v55+s22+$0x0] =	vst.idx.msk $0xffff, v42  }
0xe4: {  	v42 =	vld [tilespmem:s11+$0x0];
	_ =	sdelay $0x1  }
0xe5: {  	s12 =	sand.u32 $0xF, s9  }
0xe6: {  	v56 =	vmov s12  }
0xe7: {  	vm1 =	veq.s32 v56, v0  }
0xe8: {  	v42 =	vnsel vm1, $0x0, v42  }
0xe9: {  	(xrf0) =	vadd.scan.msk.s32 $0xffff, v42;
	_ =	sdelay $0x5  }
0xea: {  	v42, _, _ =	vpop (xrf0)  }
0xeb: {  	(v2sf) =	vpush v42, $0xF;
	_ =	sdelay $0xe  }
0xec: {  	s1 =	spop (v2sf)  }
0xed: {  	s2 =	sand.u32 $0x7F, s1  }
0xee: {  	s11 =	sshra.s32 s1, $0x1F;
	p0 =	slt.s32 s1, $0x1;
	p1 =	sne.s32 s2, $0x0  }
0xef: {  	s13 =	sshrl.u32 s11, $0x19;
	p0 =	por !p0, !p1  }
0xf0: {  	s11 =	simm.s32 $0x1;
	s2 =	sadd.s32 s13, s1;
	p0 =	por !p0, !p0  }
0xf1: {  	s2 =	sshrl.u32 s2, $0x7;
	s11 =	simm.s32 @!p0 $0x0  }
0xf2: {  	s2 =	ssub.s32 s2, s11  }
0xf3: {  	s2 =	sshll.u32 s2, $0x7  }
0xf4: {  	s14 =	sand.u32 $0x1FFFFF80, s2  }
0xf5: {  	v57 =	vadd.s32 s23, v1;
	s15 =	simm.s32 $0x2;
	[dreg:$0x7] =	wrdreg s2;
	s11 =	sadd.s32 s16, s14  }
0xf6: {  	[tilespmem:s0], [sflag:$0x1] =	stream.strided.gather [hbm4b:s11+s8], $0x2000, s21, s8, $0x38;
	[tilespmem:$0x1E200] =	vst v63  }
0xf7: {  	_ =	swait.ge [sflag:s15], $0x2000  }
0xf8: {  	[sflag:s15] =	ssyncset.done $0x0  }
0xf9: {  	s19 =	simm.s32 $0xA200;
	[sflag:s15] =	ssyncadd.s32 $0xFFFFE000  }
0xfa: {  	v42 =	vld.idx.msk [tilespmem:v57+s19+$0x0], $0xffff  }
0xfb: {  	s28 =	sadd.s32 $0x1, s30  }
0xfc: {  	v58 =	vadd.s32 s28, v2  }
0xfd: {  	v59 =	vadd.s32 s23, v3;
	_ =	sdelay $0x1  }
0xfe: {  	v42 =	vmul.f32 $8.000000000e+00, v42;
	_ =	sdelay $0x1  }
0xff: {  	[tilespmem:v58+s22+$0x0] =	vst.idx.msk $0xffff, v42  }
0x100: {  	v42 =	vld.idx.msk [tilespmem:v59+s19+$0x0], $0xffff;
	_ =	sdelay $0x1  }
0x101: {  	v60 =	vadd.s32 s28, v4  }
0x102: {  	v61 =	vadd.s32 s23, v5;
	_ =	sdelay $0x1  }
0x103: {  	v42 =	vmul.f32 $8.000000000e+00, v42;
	_ =	sdelay $0x1  }
0x104: {  	[tilespmem:v60+s22+$0x0] =	vst.idx.msk $0xffff, v42  }
0x105: {  	v42 =	vld.idx.msk [tilespmem:v61+s19+$0x0], $0xffff;
	_ =	sdelay $0x1  }
0x106: {  	v62 =	vadd.s32 s28, v6  }
0x107: {  	v63 =	vadd.s32 s23, v7;
	_ =	sdelay $0x1  }
0x108: {  	v42 =	vmul.f32 $8.000000000e+00, v42;
	_ =	sdelay $0x1  }
0x109: {  	[tilespmem:v62+s22+$0x0] =	vst.idx.msk $0xffff, v42  }
0x10a: {  	v42 =	vld.idx.msk [tilespmem:v63+s19+$0x0], $0xffff;
	_ =	sdelay $0x1  }
0x10b: {  	v46 =	vadd.s32 s28, v8;
	_ =	sdelay $0x2  }
0x10c: {  	v42 =	vmul.f32 $8.000000000e+00, v42  }
0x10d: {  	s2 =	sadd.s32 $0xC, s30  }
0x10e: {  	s12 =	sand.u32 $0x7F0, s2;
	[tilespmem:v46+s22+$0x0] =	vst.idx.msk $0xffff, v42  }
0x10f: {  	v42 =	vld [tilespmem:s12+$0x0];
	_ =	sdelay $0x1  }
0x110: {  	s11 =	sand.u32 $0xF, s2  }
0x111: {  	v47 =	vmov s11  }
0x112: {  	vm1 =	veq.s32 v47, v0  }
0x113: {  	v42 =	vnsel vm1, $0x0, v42  }
0x114: {  	(xrf0) =	vadd.scan.msk.s32 $0xffff, v42;
	_ =	sdelay $0x5  }
0x115: {  	v42, _, _ =	vpop (xrf0)  }
0x116: {  	(v2sf) =	vpush v42, $0xF;
	_ =	sdelay $0xe  }
0x117: {  	s23 =	spop (v2sf)  }
0x118: {  	s3 =	sand.u32 $0x7F, s23  }
0x119: {  	s10 =	sshra.s32 s23, $0x1F;
	p5 =	slt.s32 s23, $0x1;
	p6 =	sne.s32 s3, $0x0  }
0x11a: {  	s12 =	sshrl.u32 s10, $0x19;
	p0 =	por !p5, !p6  }
0x11b: {  	s11 =	sadd.s32 s12, s23;
	s12 =	simm.s32 $0x1;
	p0 =	por !p0, !p0  }
0x11c: {  	s11 =	sshrl.u32 s11, $0x7;
	s12 =	simm.s32 @!p0 $0x0  }
0x11d: {  	s11 =	ssub.s32 s11, s12  }
0x11e: {  	s13 =	sshll.u32 s11, $0x7  }
0x11f: {  	s11 =	sand.u32 $0x1FFFFF80, s13  }
0x120: {  	v48 =	vadd.s32 s26, v1;
	s14 =	simm.s32 $0x3;
	[dreg:$0x8] =	wrdreg s13;
	s11 =	sadd.s32 s16, s11  }
0x121: {  	[tilespmem:s19], [sflag:$0x2] =	stream.strided.gather [hbm4b:s11+s8], $0x2000, s21, s8, $0x38;
	[tilespmem:$0x1E200] =	vst v63  }
0x122: {  	_ =	swait.ge [sflag:s14], $0x2000  }
0x123: {  	[sflag:s14] =	ssyncset.done $0x0  }
0x124: {  	s15 =	simm.s32 $0xC200;
	[sflag:s14] =	ssyncadd.s32 $0xFFFFE000  }
0x125: {  	v42 =	vld.idx.msk [tilespmem:v48+s15+$0x0], $0xffff  }
0x126: {  	s19 =	sadd.s32 $0x2, s30  }
0x127: {  	v49 =	vadd.s32 s19, v2  }
0x128: {  	v50 =	vadd.s32 s26, v3;
	_ =	sdelay $0x1  }
0x129: {  	v42 =	vmul.f32 $8.000000000e+00, v42;
	_ =	sdelay $0x1  }
0x12a: {  	[tilespmem:v49+s22+$0x0] =	vst.idx.msk $0xffff, v42  }
0x12b: {  	v42 =	vld.idx.msk [tilespmem:v50+s15+$0x0], $0xffff;
	_ =	sdelay $0x1  }
0x12c: {  	v51 =	vadd.s32 s19, v4  }
0x12d: {  	v52 =	vadd.s32 s26, v5;
	_ =	sdelay $0x1  }
0x12e: {  	v42 =	vmul.f32 $8.000000000e+00, v42;
	_ =	sdelay $0x1  }
0x12f: {  	[tilespmem:v51+s22+$0x0] =	vst.idx.msk $0xffff, v42  }
0x130: {  	v42 =	vld.idx.msk [tilespmem:v52+s15+$0x0], $0xffff;
	_ =	sdelay $0x1  }
0x131: {  	v53 =	vadd.s32 s19, v6  }
0x132: {  	v54 =	vadd.s32 s26, v7;
	_ =	sdelay $0x1  }
0x133: {  	v42 =	vmul.f32 $8.000000000e+00, v42;
	_ =	sdelay $0x1  }
0x134: {  	[tilespmem:v53+s22+$0x0] =	vst.idx.msk $0xffff, v42  }
0x135: {  	v42 =	vld.idx.msk [tilespmem:v54+s15+$0x0], $0xffff;
	_ =	sdelay $0x1  }
0x136: {  	v55 =	vadd.s32 s19, v8;
	_ =	sdelay $0x2  }
0x137: {  	v42 =	vmul.f32 $8.000000000e+00, v42  }
0x138: {  	s28 =	sadd.s32 $0xD, s30  }
0x139: {  	s2 =	sand.u32 $0x7F0, s28;
	[tilespmem:v55+s22+$0x0] =	vst.idx.msk $0xffff, v42  }
0x13a: {  	v42 =	vld [tilespmem:s2+$0x0];
	_ =	sdelay $0x1  }
0x13b: {  	s11 =	sand.u32 $0xF, s28  }
0x13c: {  	v56 =	vmov s11  }
0x13d: {  	vm1 =	veq.s32 v56, v0  }
0x13e: {  	v42 =	vnsel vm1, $0x0, v42  }
0x13f: {  	(xrf0) =	vadd.scan.msk.s32 $0xffff, v42;
	_ =	sdelay $0x5  }
0x140: {  	v42, _, _ =	vpop (xrf0)  }
0x141: {  	(v2sf) =	vpush v42, $0xF;
	_ =	sdelay $0xe  }
0x142: {  	s26 =	spop (v2sf)  }
0x143: {  	s3 =	sand.u32 $0x7F, s26  }
0x144: {  	s10 =	sshra.s32 s26, $0x1F;
	p1 =	slt.s32 s26, $0x1;
	p2 =	sne.s32 s3, $0x0  }
0x145: {  	s12 =	sshrl.u32 s10, $0x19;
	p0 =	por !p1, !p2  }
0x146: {  	s11 =	sadd.s32 s12, s26;
	s12 =	simm.s32 $0x1;
	p0 =	por !p0, !p0  }
0x147: {  	s11 =	sshrl.u32 s11, $0x7;
	s12 =	simm.s32 @!p0 $0x0  }
0x148: {  	s11 =	ssub.s32 s11, s12  }
0x149: {  	s28 =	sshll.u32 s11, $0x7  }
0x14a: {  	s11 =	sand.u32 $0x1FFFFF80, s28  }
0x14b: {  	v57 =	vadd.s32 s18, v1;
	s13 =	simm.s32 $0x4;
	s11 =	sadd.s32 s16, s11  }
0x14c: {  	[tilespmem:s15], [sflag:$0x3] =	stream.strided.gather [hbm4b:s11+s8], $0x2000, s21, s8, $0x38;
	[tilespmem:$0x1E200] =	vst v63  }
0x14d: {  	_ =	swait.ge [sflag:s13], $0x2000  }
0x14e: {  	[sflag:s13] =	ssyncset.done $0x0  }
0x14f: {  	s14 =	simm.s32 $0xE200;
	[sflag:s13] =	ssyncadd.s32 $0xFFFFE000  }
0x150: {  	v42 =	vld.idx.msk [tilespmem:v57+s14+$0x0], $0xffff  }
0x151: {  	s15 =	sadd.s32 $0x3, s30  }
0x152: {  	v58 =	vadd.s32 s15, v2  }
0x153: {  	v59 =	vadd.s32 s18, v3;
	_ =	sdelay $0x1  }
0x154: {  	v42 =	vmul.f32 $8.000000000e+00, v42;
	_ =	sdelay $0x1  }
0x155: {  	[tilespmem:v58+s22+$0x0] =	vst.idx.msk $0xffff, v42  }
0x156: {  	v42 =	vld.idx.msk [tilespmem:v59+s14+$0x0], $0xffff;
	_ =	sdelay $0x1  }
0x157: {  	v60 =	vadd.s32 s15, v4  }
0x158: {  	v61 =	vadd.s32 s18, v5;
	_ =	sdelay $0x1  }
0x159: {  	v42 =	vmul.f32 $8.000000000e+00, v42;
	_ =	sdelay $0x1  }
0x15a: {  	[tilespmem:v60+s22+$0x0] =	vst.idx.msk $0xffff, v42  }
0x15b: {  	v42 =	vld.idx.msk [tilespmem:v61+s14+$0x0], $0xffff;
	_ =	sdelay $0x1  }
0x15c: {  	v62 =	vadd.s32 s15, v6  }
0x15d: {  	v63 =	vadd.s32 s18, v7;
	_ =	sdelay $0x1  }
0x15e: {  	v42 =	vmul.f32 $8.000000000e+00, v42;
	_ =	sdelay $0x1  }
0x15f: {  	[tilespmem:v62+s22+$0x0] =	vst.idx.msk $0xffff, v42  }
0x160: {  	v42 =	vld.idx.msk [tilespmem:v63+s14+$0x0], $0xffff;
	_ =	sdelay $0x1  }
0x161: {  	v47 =	vadd.s32 s15, v8;
	_ =	sdelay $0x2  }
0x162: {  	v42 =	vmul.f32 $8.000000000e+00, v42  }
0x163: {  	s19 =	sadd.s32 $0xE, s30  }
0x164: {  	s2 =	sand.u32 $0x7F0, s19;
	[tilespmem:v47+s22+$0x0] =	vst.idx.msk $0xffff, v42  }
0x165: {  	v42 =	vld [tilespmem:s2+$0x0];
	_ =	sdelay $0x1  }
0x166: {  	s11 =	sand.u32 $0xF, s19  }
0x167: {  	v48 =	vmov s11  }
0x168: {  	vm1 =	veq.s32 v48, v0  }
0x169: {  	v42 =	vnsel vm1, $0x0, v42  }
0x16a: {  	(xrf0) =	vadd.scan.msk.s32 $0xffff, v42;
	_ =	sdelay $0x5  }
0x16b: {  	v42, _, _ =	vpop (xrf0)  }
0x16c: {  	(v2sf) =	vpush v42, $0xF;
	_ =	sdelay $0xe  }
0x16d: {  	s18 =	spop (v2sf)  }
0x16e: {  	s3 =	sand.u32 $0x7F, s18  }
0x16f: {  	s10 =	sshra.s32 s18, $0x1F;
	p3 =	slt.s32 s18, $0x1;
	p4 =	sne.s32 s3, $0x0  }
0x170: {  	s12 =	sshrl.u32 s10, $0x19;
	p0 =	por !p3, !p4  }
0x171: {  	s11 =	sadd.s32 s12, s18;
	s12 =	simm.s32 $0x1;
	p0 =	por !p0, !p0  }
0x172: {  	s11 =	sshrl.u32 s11, $0x7;
	s12 =	simm.s32 @!p0 $0x0  }
0x173: {  	s11 =	ssub.s32 s11, s12  }
0x174: {  	s19 =	sshll.u32 s11, $0x7  }
0x175: {  	s11 =	sand.u32 $0x1FFFFF80, s19  }
0x176: {  	v49 =	vadd.s32 s20, v1;
	s13 =	simm.s32 $0x5;
	s11 =	sadd.s32 s16, s11  }
0x177: {  	[tilespmem:s14], [sflag:$0x4] =	stream.strided.gather [hbm4b:s11+s8], $0x2000, s21, s8, $0x38;
	[tilespmem:$0x1E200] =	vst v63  }
0x178: {  	_ =	swait.ge [sflag:s13], $0x2000  }
0x179: {  	[sflag:s13] =	ssyncset.done $0x0  }
0x17a: {  	s14 =	simm.s32 $0x10200;
	[sflag:s13] =	ssyncadd.s32 $0xFFFFE000  }
0x17b: {  	v42 =	vld.idx.msk [tilespmem:v49+s14+$0x0], $0xffff  }
0x17c: {  	s15 =	sadd.s32 $0x4, s30  }
0x17d: {  	v50 =	vadd.s32 s15, v2  }
0x17e: {  	v51 =	vadd.s32 s20, v3;
	_ =	sdelay $0x1  }
0x17f: {  	v42 =	vmul.f32 $8.000000000e+00, v42;
	_ =	sdelay $0x1  }
0x180: {  	[tilespmem:v50+s22+$0x0] =	vst.idx.msk $0xffff, v42  }
0x181: {  	v42 =	vld.idx.msk [tilespmem:v51+s14+$0x0], $0xffff;
	_ =	sdelay $0x1  }
0x182: {  	v52 =	vadd.s32 s15, v4  }
0x183: {  	v53 =	vadd.s32 s20, v5;
	_ =	sdelay $0x1  }
0x184: {  	v42 =	vmul.f32 $8.000000000e+00, v42;
	_ =	sdelay $0x1  }
0x185: {  	[tilespmem:v52+s22+$0x0] =	vst.idx.msk $0xffff, v42  }
0x186: {  	v42 =	vld.idx.msk [tilespmem:v53+s14+$0x0], $0xffff;
	_ =	sdelay $0x1  }
0x187: {  	v54 =	vadd.s32 s15, v6  }
0x188: {  	v55 =	vadd.s32 s20, v7;
	_ =	sdelay $0x1  }
0x189: {  	v42 =	vmul.f32 $8.000000000e+00, v42;
	_ =	sdelay $0x1  }
0x18a: {  	[tilespmem:v54+s22+$0x0] =	vst.idx.msk $0xffff, v42  }
0x18b: {  	v42 =	vld.idx.msk [tilespmem:v55+s14+$0x0], $0xffff;
	_ =	sdelay $0x1  }
0x18c: {  	v56 =	vadd.s32 s15, v8;
	_ =	sdelay $0x2  }
0x18d: {  	v42 =	vmul.f32 $8.000000000e+00, v42  }
0x18e: {  	s21 =	sadd.s32 $0xF, s30  }
0x18f: {  	s0 =	sand.u32 $0x7F0, s21;
	[tilespmem:v56+s22+$0x0] =	vst.idx.msk $0xffff, v42  }
0x190: {  	v42 =	vld [tilespmem:s0+$0x0];
	_ =	sdelay $0x1  }
0x191: {  	s11 =	sand.u32 $0xF, s21  }
0x192: {  	v57 =	vmov s11  }
0x193: {  	vm1 =	veq.s32 v57, v0  }
0x194: {  	v42 =	vnsel vm1, $0x0, v42  }
0x195: {  	(xrf0) =	vadd.scan.msk.s32 $0xffff, v42;
	_ =	sdelay $0x5  }
0x196: {  	v42, _, _ =	vpop (xrf0)  }
0x197: {  	(v2sf) =	vpush v42, $0xF;
	_ =	sdelay $0xe  }
0x198: {  	s20 =	spop (v2sf)  }
0x199: {  	s2 =	sand.u32 $0x7F, s20  }
0x19a: {  	s3 =	sshra.s32 s20, $0x1F;
	p5 =	slt.s32 s20, $0x1;
	p6 =	sne.s32 s2, $0x0  }
0x19b: {  	s12 =	sshrl.u32 s3, $0x19;
	p0 =	por !p5, !p6  }
0x19c: {  	s11 =	sadd.s32 s12, s20;
	s12 =	simm.s32 $0x1;
	p0 =	por !p0, !p0  }
0x19d: {  	s11 =	sshrl.u32 s11, $0x7;
	s12 =	simm.s32 @!p0 $0x0  }
0x19e: {  	s11 =	ssub.s32 s11, s12  }
0x19f: {  	s21 =	sshll.u32 s11, $0x7  }
0x1a0: {  	s11 =	sand.u32 $0x1FFFFF80, s21  }
0x1a1: {  	v58 =	vadd.s32 s17, v1;
	s13 =	simm.s32 $0x6;
	s0 =	simm.s32 $0x7A1400;
	s11 =	sadd.s32 s16, s11  }
0x1a2: {  	[tilespmem:s14], [sflag:$0x5] =	stream.strided.gather [hbm4b:s11+s8], $0x2000, s0, s8, $0x38;
	[tilespmem:$0x1E200] =	vst v63  }
0x1a3: {  	_ =	swait.ge [sflag:s13], $0x2000  }
0x1a4: {  	[sflag:s13] =	ssyncset.done $0x0  }
0x1a5: {  	s10 =	simm.s32 $0x12200;
	[sflag:s13] =	ssyncadd.s32 $0xFFFFE000  }
0x1a6: {  	v42 =	vld.idx.msk [tilespmem:v58+s10+$0x0], $0xffff  }
0x1a7: {  	s14 =	sadd.s32 $0x5, s30  }
0x1a8: {  	v59 =	vadd.s32 s14, v2  }
0x1a9: {  	v60 =	vadd.s32 s17, v3;
	_ =	sdelay $0x1  }
0x1aa: {  	v42 =	vmul.f32 $8.000000000e+00, v42;
	_ =	sdelay $0x1  }
0x1ab: {  	[tilespmem:v59+s22+$0x0] =	vst.idx.msk $0xffff, v42  }
0x1ac: {  	v42 =	vld.idx.msk [tilespmem:v60+s10+$0x0], $0xffff;
	_ =	sdelay $0x1  }
0x1ad: {  	v61 =	vadd.s32 s14, v4  }
0x1ae: {  	v62 =	vadd.s32 s17, v5;
	_ =	sdelay $0x1  }
0x1af: {  	v42 =	vmul.f32 $8.000000000e+00, v42;
	_ =	sdelay $0x1  }
0x1b0: {  	[tilespmem:v61+s22+$0x0] =	vst.idx.msk $0xffff, v42  }
0x1b1: {  	v42 =	vld.idx.msk [tilespmem:v62+s10+$0x0], $0xffff;
	_ =	sdelay $0x1  }
0x1b2: {  	v63 =	vadd.s32 s14, v6  }
0x1b3: {  	v48 =	vadd.s32 s17, v7;
	_ =	sdelay $0x1  }
0x1b4: {  	v42 =	vmul.f32 $8.000000000e+00, v42;
	_ =	sdelay $0x1  }
0x1b5: {  	[tilespmem:v63+s22+$0x0] =	vst.idx.msk $0xffff, v42  }
0x1b6: {  	v42 =	vld.idx.msk [tilespmem:v48+s10+$0x0], $0xffff;
	_ =	sdelay $0x1  }
0x1b7: {  	v49 =	vadd.s32 s14, v8;
	_ =	sdelay $0x2  }
0x1b8: {  	v42 =	vmul.f32 $8.000000000e+00, v42  }
0x1b9: {  	s15 =	sadd.s32 $0x10, s30  }
0x1ba: {  	s11 =	sand.u32 $0x7F0, s15;
	[tilespmem:v49+s22+$0x0] =	vst.idx.msk $0xffff, v42  }
0x1bb: {  	v42 =	vld [tilespmem:s11+$0x0];
	_ =	sdelay $0x1  }
0x1bc: {  	s17 =	sand.u32 $0xF, s30  }
0x1bd: {  	v50 =	vmov s17  }
0x1be: {  	vm1 =	veq.s32 v50, v0  }
0x1bf: {  	v42 =	vnsel vm1, $0x0, v42  }
0x1c0: {  	(xrf0) =	vadd.scan.msk.s32 $0xffff, v42;
	_ =	sdelay $0x5  }
0x1c1: {  	v42, _, _ =	vpop (xrf0)  }
0x1c2: {  	(v2sf) =	vpush v42, $0xF;
	_ =	sdelay $0xe  }
0x1c3: {  	s17 =	spop (v2sf)  }
0x1c4: {  	s2 =	sand.u32 $0x7F, s17  }
0x1c5: {  	s3 =	sshra.s32 s17, $0x1F;
	p1 =	slt.s32 s17, $0x1;
	p2 =	sne.s32 s2, $0x0  }
0x1c6: {  	s13 =	sshrl.u32 s3, $0x19;
	p0 =	por !p1, !p2  }
0x1c7: {  	s12 =	simm.s32 $0x1;
	s11 =	sadd.s32 s13, s17;
	p0 =	por !p0, !p0  }
0x1c8: {  	s11 =	sshrl.u32 s11, $0x7;
	s12 =	simm.s32 @!p0 $0x0  }
0x1c9: {  	s11 =	ssub.s32 s11, s12  }
0x1ca: {  	s11 =	sshll.u32 s11, $0x7  }
0x1cb: {  	s14 =	sand.u32 $0x1FFFFF80, s11  }
0x1cc: {  	v51 =	vadd.s32 s24, v1;
	s3 =	simm.s32 $0x7;
	s12 =	sadd.s32 s16, s14  }
0x1cd: {  	[tilespmem:s10], [sflag:$0x6] =	stream.strided.gather [hbm4b:s12+s8], $0x2000, s0, s8, $0x38;
	[tilespmem:$0x1E200] =	vst v63  }
0x1ce: {  	_ =	swait.ge [sflag:s3], $0x2000  }
0x1cf: {  	[sflag:s3] =	ssyncset.done $0x0  }
0x1d0: {  	[sflag:s3] =	ssyncadd.s32 $0xFFFFE000;
	s3 =	simm.s32 $0x14200  }
0x1d1: {  	v42 =	vld.idx.msk [tilespmem:v51+s3+$0x0], $0xffff  }
0x1d2: {  	s15 =	sadd.s32 $0x6, s30  }
0x1d3: {  	v52 =	vadd.s32 s15, v2  }
0x1d4: {  	v53 =	vadd.s32 s24, v3;
	_ =	sdelay $0x1  }
0x1d5: {  	v42 =	vmul.f32 $8.000000000e+00, v42;
	_ =	sdelay $0x1  }
0x1d6: {  	[tilespmem:v52+s22+$0x0] =	vst.idx.msk $0xffff, v42  }
0x1d7: {  	v42 =	vld.idx.msk [tilespmem:v53+s3+$0x0], $0xffff;
	_ =	sdelay $0x1  }
0x1d8: {  	v54 =	vadd.s32 s15, v4  }
0x1d9: {  	v55 =	vadd.s32 s24, v5;
	_ =	sdelay $0x1  }
0x1da: {  	v42 =	vmul.f32 $8.000000000e+00, v42;
	_ =	sdelay $0x1  }
0x1db: {  	[tilespmem:v54+s22+$0x0] =	vst.idx.msk $0xffff, v42  }
0x1dc: {  	v42 =	vld.idx.msk [tilespmem:v55+s3+$0x0], $0xffff;
	_ =	sdelay $0x1  }
0x1dd: {  	v56 =	vadd.s32 s15, v6  }
0x1de: {  	v57 =	vadd.s32 s24, v7;
	_ =	sdelay $0x1  }
0x1df: {  	v42 =	vmul.f32 $8.000000000e+00, v42;
	_ =	sdelay $0x1  }
0x1e0: {  	[tilespmem:v56+s22+$0x0] =	vst.idx.msk $0xffff, v42  }
0x1e1: {  	v42 =	vld.idx.msk [tilespmem:v57+s3+$0x0], $0xffff;
	_ =	sdelay $0x1  }
0x1e2: {  	v58 =	vadd.s32 s15, v8;
	_ =	sdelay $0x2  }
0x1e3: {  	v42 =	vmul.f32 $8.000000000e+00, v42  }
0x1e4: {  	s24 =	sadd.s32 $0x11, s30  }
0x1e5: {  	s13 =	sand.u32 $0x7F0, s24;
	[tilespmem:v58+s22+$0x0] =	vst.idx.msk $0xffff, v42  }
0x1e6: {  	v42 =	vld [tilespmem:s13+$0x0];
	_ =	sdelay $0x1  }
0x1e7: {  	s12 =	sand.u32 $0xF, s24  }
0x1e8: {  	v59 =	vmov s12  }
0x1e9: {  	vm1 =	veq.s32 v59, v0  }
0x1ea: {  	v42 =	vnsel vm1, $0x0, v42  }
0x1eb: {  	(xrf0) =	vadd.scan.msk.s32 $0xffff, v42;
	_ =	sdelay $0x5  }
0x1ec: {  	v42, _, _ =	vpop (xrf0)  }
0x1ed: {  	(v2sf) =	vpush v42, $0xF;
	_ =	sdelay $0xe  }
0x1ee: {  	s24 =	spop (v2sf)  }
0x1ef: {  	s2 =	sand.u32 $0x7F, s24  }
0x1f0: {  	s10 =	sshra.s32 s24, $0x1F;
	p3 =	slt.s32 s24, $0x1;
	p4 =	sne.s32 s2, $0x0  }
0x1f1: {  	s13 =	sshrl.u32 s10, $0x19;
	p0 =	por !p3, !p4  }
0x1f2: {  	s12 =	sadd.s32 s13, s24;
	s13 =	simm.s32 $0x1;
	p0 =	por !p0, !p0  }
0x1f3: {  	s12 =	sshrl.u32 s12, $0x7;
	s13 =	simm.s32 @!p0 $0x0  }
0x1f4: {  	s12 =	ssub.s32 s12, s13  }
0x1f5: {  	s12 =	sshll.u32 s12, $0x7  }
0x1f6: {  	s14 =	sand.u32 $0x1FFFFF80, s12  }
0x1f7: {  	s15 =	simm.s32 $0x8;
	v60 =	vadd.s32 s31, v1;
	s13 =	sadd.s32 s16, s14  }
0x1f8: {  	[tilespmem:s3], [sflag:$0x7] =	stream.strided.gather [hbm4b:s13+s8], $0x2000, s0, s8, $0x38;
	[tilespmem:$0x1E200] =	vst v63  }
0x1f9: {  	_ =	swait.ge [sflag:s15], $0x2000  }
0x1fa: {  	[sflag:s15] =	ssyncset.done $0x0  }
0x1fb: {  	s3 =	simm.s32 $0x16200;
	[sflag:s15] =	ssyncadd.s32 $0xFFFFE000  }
0x1fc: {  	v42 =	vld.idx.msk [tilespmem:v60+s3+$0x0], $0xffff  }
0x1fd: {  	s2 =	sadd.s32 $0x7, s30  }
0x1fe: {  	v61 =	vadd.s32 s2, v2  }
0x1ff: {  	v62 =	vadd.s32 s31, v3;
	_ =	sdelay $0x1  }
0x200: {  	v42 =	vmul.f32 $8.000000000e+00, v42;
	_ =	sdelay $0x1  }
0x201: {  	[tilespmem:v61+s22+$0x0] =	vst.idx.msk $0xffff, v42  }
0x202: {  	v42 =	vld.idx.msk [tilespmem:v62+s3+$0x0], $0xffff;
	_ =	sdelay $0x1  }
0x203: {  	v63 =	vadd.s32 s2, v4  }
0x204: {  	v48 =	vadd.s32 s31, v5;
	_ =	sdelay $0x1  }
0x205: {  	v42 =	vmul.f32 $8.000000000e+00, v42;
	_ =	sdelay $0x1  }
0x206: {  	[tilespmem:v63+s22+$0x0] =	vst.idx.msk $0xffff, v42  }
0x207: {  	v42 =	vld.idx.msk [tilespmem:v48+s3+$0x0], $0xffff;
	_ =	sdelay $0x1  }
0x208: {  	v49 =	vadd.s32 s2, v6  }
0x209: {  	v50 =	vadd.s32 s31, v7;
	_ =	sdelay $0x1  }
0x20a: {  	v42 =	vmul.f32 $8.000000000e+00, v42;
	_ =	sdelay $0x1  }
0x20b: {  	[tilespmem:v49+s22+$0x0] =	vst.idx.msk $0xffff, v42  }
0x20c: {  	v42 =	vld.idx.msk [tilespmem:v50+s3+$0x0], $0xffff;
	_ =	sdelay $0x1  }
0x20d: {  	v51 =	vadd.s32 s2, v8;
	_ =	sdelay $0x2  }
0x20e: {  	v42 =	vmul.f32 $8.000000000e+00, v42  }
0x20f: {  	s10 =	sadd.s32 $0x12, s30  }
0x210: {  	s14 =	sand.u32 $0x7F0, s10;
	[tilespmem:v51+s22+$0x0] =	vst.idx.msk $0xffff, v42  }
0x211: {  	v42 =	vld [tilespmem:s14+$0x0];
	_ =	sdelay $0x1  }
0x212: {  	s13 =	sand.u32 $0xF, s10  }
0x213: {  	v52 =	vmov s13  }
0x214: {  	vm1 =	veq.s32 v52, v0  }
0x215: {  	v42 =	vnsel vm1, $0x0, v42  }
0x216: {  	(xrf0) =	vadd.scan.msk.s32 $0xffff, v42;
	_ =	sdelay $0x5  }
0x217: {  	v42, _, _ =	vpop (xrf0)  }
0x218: {  	(v2sf) =	vpush v42, $0xF;
	_ =	sdelay $0xe  }
0x219: {  	s31 =	spop (v2sf)  }
0x21a: {  	s14 =	sand.u32 $0x7F, s31  }
0x21b: {  	s15 =	sshra.s32 s31, $0x1F;
	p5 =	slt.s32 s31, $0x1;
	p6 =	sne.s32 s14, $0x0  }
0x21c: {  	s2 =	sshrl.u32 s15, $0x19;
	p0 =	por !p5, !p6  }
0x21d: {  	s14 =	simm.s32 $0x1;
	s13 =	sadd.s32 s2, s31;
	p0 =	por !p0, !p0  }
0x21e: {  	s13 =	sshrl.u32 s13, $0x7;
	s14 =	simm.s32 @!p0 $0x0  }
0x21f: {  	s13 =	ssub.s32 s13, s14  }
0x220: {  	s13 =	sshll.u32 s13, $0x7  }
0x221: {  	s10 =	sand.u32 $0x1FFFFF80, s13  }
0x222: {  	v53 =	vadd.s32 s29, v1;
	s15 =	simm.s32 $0x9;
	s14 =	sadd.s32 s16, s10  }
0x223: {  	[tilespmem:s3], [sflag:$0x8] =	stream.strided.gather [hbm4b:s14+s8], $0x2000, s0, s8, $0x38;
	[tilespmem:$0x1E200] =	vst v63  }
0x224: {  	_ =	swait.ge [sflag:s15], $0x2000  }
0x225: {  	[sflag:s15] =	ssyncset.done $0x0  }
0x226: {  	s3 =	simm.s32 $0x18200;
	[sflag:s15] =	ssyncadd.s32 $0xFFFFE000  }
0x227: {  	v42 =	vld.idx.msk [tilespmem:v53+s3+$0x0], $0xffff  }
0x228: {  	s2 =	sadd.s32 $0x8, s30  }
0x229: {  	v54 =	vadd.s32 s2, v2  }
0x22a: {  	v55 =	vadd.s32 s29, v3;
	_ =	sdelay $0x1  }
0x22b: {  	v42 =	vmul.f32 $8.000000000e+00, v42;
	_ =	sdelay $0x1  }
0x22c: {  	[tilespmem:v54+s22+$0x0] =	vst.idx.msk $0xffff, v42  }
0x22d: {  	v42 =	vld.idx.msk [tilespmem:v55+s3+$0x0], $0xffff;
	_ =	sdelay $0x1  }
0x22e: {  	v56 =	vadd.s32 s2, v4  }
0x22f: {  	v57 =	vadd.s32 s29, v5;
	_ =	sdelay $0x1  }
0x230: {  	v42 =	vmul.f32 $8.000000000e+00, v42;
	_ =	sdelay $0x1  }
0x231: {  	[tilespmem:v56+s22+$0x0] =	vst.idx.msk $0xffff, v42  }
0x232: {  	v42 =	vld.idx.msk [tilespmem:v57+s3+$0x0], $0xffff;
	_ =	sdelay $0x1  }
0x233: {  	v58 =	vadd.s32 s2, v6  }
0x234: {  	v59 =	vadd.s32 s29, v7;
	_ =	sdelay $0x1  }
0x235: {  	v42 =	vmul.f32 $8.000000000e+00, v42;
	_ =	sdelay $0x1  }
0x236: {  	[tilespmem:v58+s22+$0x0] =	vst.idx.msk $0xffff, v42  }
0x237: {  	v42 =	vld.idx.msk [tilespmem:v59+s3+$0x0], $0xffff;
	_ =	sdelay $0x1  }
0x238: {  	v60 =	vadd.s32 s2, v8;
	_ =	sdelay $0x2  }
0x239: {  	v42 =	vmul.f32 $8.000000000e+00, v42  }
0x23a: {  	s10 =	sadd.s32 $0x13, s30  }
0x23b: {  	s15 =	sand.u32 $0x7F0, s10;
	[tilespmem:v60+s22+$0x0] =	vst.idx.msk $0xffff, v42  }
0x23c: {  	v42 =	vld [tilespmem:s15+$0x0];
	_ =	sdelay $0x1  }
0x23d: {  	s14 =	sand.u32 $0xF, s10  }
0x23e: {  	v61 =	vmov s14  }
0x23f: {  	vm1 =	veq.s32 v61, v0  }
0x240: {  	v42 =	vnsel vm1, $0x0, v42  }
0x241: {  	(xrf0) =	vadd.scan.msk.s32 $0xffff, v42;
	_ =	sdelay $0x5  }
0x242: {  	v42, _, _ =	vpop (xrf0)  }
0x243: {  	(v2sf) =	vpush v42, $0xF;
	_ =	sdelay $0xe  }
0x244: {  	s29 =	spop (v2sf)  }
0x245: {  	s2 =	sand.u32 $0x7F, s29  }
0x246: {  	s10 =	sshra.s32 s29, $0x1F;
	p1 =	slt.s32 s29, $0x1;
	p2 =	sne.s32 s2, $0x0  }
0x247: {  	s2 =	sshrl.u32 s10, $0x19;
	p0 =	por !p1, !p2  }
0x248: {  	s15 =	simm.s32 $0x1;
	s14 =	sadd.s32 s2, s29;
	p0 =	por !p0, !p0  }
0x249: {  	s14 =	sshrl.u32 s14, $0x7;
	s15 =	simm.s32 @!p0 $0x0  }
0x24a: {  	s14 =	ssub.s32 s14, s15  }
0x24b: {  	s14 =	sshll.u32 s14, $0x7  }
0x24c: {  	s10 =	sand.u32 $0x1FFFFF80, s14  }
0x24d: {  	v62 =	vadd.s32 s6, v1;
	s2 =	simm.s32 $0xA;
	s15 =	sadd.s32 s16, s10  }
0x24e: {  	[tilespmem:s3], [sflag:$0x9] =	stream.strided.gather [hbm4b:s15+s8], $0x2000, s0, s8, $0x38;
	[tilespmem:$0x1E200] =	vst v63  }
0x24f: {  	_ =	swait.ge [sflag:s2], $0x2000  }
0x250: {  	[sflag:s2] =	ssyncset.done $0x0  }
0x251: {  	s3 =	simm.s32 $0x1A200;
	[sflag:s2] =	ssyncadd.s32 $0xFFFFE000  }
0x252: {  	v42 =	vld.idx.msk [tilespmem:v62+s3+$0x0], $0xffff  }
0x253: {  	s10 =	sadd.s32 $0x9, s30  }
0x254: {  	v63 =	vadd.s32 s10, v2  }
0x255: {  	v48 =	vadd.s32 s6, v3;
	_ =	sdelay $0x1  }
0x256: {  	v42 =	vmul.f32 $8.000000000e+00, v42;
	_ =	sdelay $0x1  }
0x257: {  	[tilespmem:v63+s22+$0x0] =	vst.idx.msk $0xffff, v42  }
0x258: {  	v42 =	vld.idx.msk [tilespmem:v48+s3+$0x0], $0xffff;
	_ =	sdelay $0x1  }
0x259: {  	v49 =	vadd.s32 s10, v4  }
0x25a: {  	v50 =	vadd.s32 s6, v5;
	_ =	sdelay $0x1  }
0x25b: {  	v42 =	vmul.f32 $8.000000000e+00, v42;
	_ =	sdelay $0x1  }
0x25c: {  	[tilespmem:v49+s22+$0x0] =	vst.idx.msk $0xffff, v42  }
0x25d: {  	v42 =	vld.idx.msk [tilespmem:v50+s3+$0x0], $0xffff;
	_ =	sdelay $0x1  }
0x25e: {  	v51 =	vadd.s32 s10, v6  }
0x25f: {  	v52 =	vadd.s32 s6, v7;
	_ =	sdelay $0x1  }
0x260: {  	v42 =	vmul.f32 $8.000000000e+00, v42;
	_ =	sdelay $0x1  }
0x261: {  	[tilespmem:v51+s22+$0x0] =	vst.idx.msk $0xffff, v42  }
0x262: {  	v42 =	vld.idx.msk [tilespmem:v52+s3+$0x0], $0xffff;
	_ =	sdelay $0x1  }
0x263: {  	v53 =	vadd.s32 s10, v8;
	_ =	sdelay $0x2  }
0x264: {  	v42 =	vmul.f32 $8.000000000e+00, v42  }
0x265: {  	s2 =	sadd.s32 $0x14, s30  }
0x266: {  	s10 =	sand.u32 $0x7F0, s2;
	[tilespmem:v53+s22+$0x0] =	vst.idx.msk $0xffff, v42  }
0x267: {  	v42 =	vld [tilespmem:s10+$0x0];
	_ =	sdelay $0x1  }
0x268: {  	s6 =	sand.u32 $0xF, s2  }
0x269: {  	v54 =	vmov s6  }
0x26a: {  	vm1 =	veq.s32 v54, v0  }
0x26b: {  	v42 =	vnsel vm1, $0x0, v42  }
0x26c: {  	(xrf0) =	vadd.scan.msk.s32 $0xffff, v42;
	_ =	sdelay $0x5  }
0x26d: {  	v42, _, _ =	vpop (xrf0)  }
0x26e: {  	(v2sf) =	vpush v42, $0xF;
	_ =	sdelay $0xe  }
0x26f: {  	s6 =	spop (v2sf)  }
0x270: {  	s15 =	sand.u32 $0x7F, s6  }
0x271: {  	s2 =	sshra.s32 s6, $0x1F;
	p3 =	slt.s32 s6, $0x1;
	p4 =	sne.s32 s15, $0x0  }
0x272: {  	s10 =	smov.u32 s16;
	s16 =	sshrl.u32 s2, $0x19;
	p0 =	por !p3, !p4  }
0x273: {  	s15 =	sadd.s32 s16, s6;
	s16 =	simm.s32 $0x1;
	p0 =	por !p0, !p0  }
0x274: {  	s15 =	sshrl.u32 s15, $0x7;
	s16 =	simm.s32 @!p0 $0x0  }
0x275: {  	s15 =	ssub.s32 s15, s16  }
0x276: {  	s15 =	sshll.u32 s15, $0x7  }
0x277: {  	s2 =	sand.u32 $0x1FFFFF80, s15  }
0x278: {  	s16 =	sadd.s32 s10, s2  }
0x279: {  	v55 =	vadd.s32 s7, v1;
	[tilespmem:s3], [sflag:$0xA] =	stream.strided.gather [hbm4b:s16+s8], $0x2000, s0, s8, $0x38;
	[tilespmem:$0x1E200] =	vst v63  }
0x27a: {  	s16 =	simm.s32 $0xB  }
0x27b: {  	_ =	swait.ge [sflag:s16], $0x2000  }
0x27c: {  	[sflag:s16] =	ssyncset.done $0x0  }
0x27d: {  	s3 =	simm.s32 $0x1C200;
	[sflag:s16] =	ssyncadd.s32 $0xFFFFE000  }
0x27e: {  	v42 =	vld.idx.msk [tilespmem:v55+s3+$0x0], $0xffff  }
0x27f: {  	s2 =	sadd.s32 $0xA, s30  }
0x280: {  	v56 =	vadd.s32 s2, v2  }
0x281: {  	v57 =	vadd.s32 s7, v3;
	_ =	sdelay $0x1  }
0x282: {  	v42 =	vmul.f32 $8.000000000e+00, v42;
	_ =	sdelay $0x1  }
0x283: {  	[tilespmem:v56+s22+$0x0] =	vst.idx.msk $0xffff, v42  }
0x284: {  	v42 =	vld.idx.msk [tilespmem:v57+s3+$0x0], $0xffff;
	_ =	sdelay $0x1  }
0x285: {  	v58 =	vadd.s32 s2, v4  }
0x286: {  	v59 =	vadd.s32 s7, v5;
	_ =	sdelay $0x1  }
0x287: {  	v42 =	vmul.f32 $8.000000000e+00, v42;
	_ =	sdelay $0x1  }
0x288: {  	[tilespmem:v58+s22+$0x0] =	vst.idx.msk $0xffff, v42  }
0x289: {  	v42 =	vld.idx.msk [tilespmem:v59+s3+$0x0], $0xffff;
	_ =	sdelay $0x1  }
0x28a: {  	v60 =	vadd.s32 s2, v6  }
0x28b: {  	v61 =	vadd.s32 s7, v7;
	_ =	sdelay $0x1  }
0x28c: {  	v42 =	vmul.f32 $8.000000000e+00, v42;
	_ =	sdelay $0x1  }
0x28d: {  	[tilespmem:v60+s22+$0x0] =	vst.idx.msk $0xffff, v42  }
0x28e: {  	v42 =	vld.idx.msk [tilespmem:v61+s3+$0x0], $0xffff;
	_ =	sdelay $0x1  }
0x28f: {  	v62 =	vadd.s32 s2, v8;
	_ =	sdelay $0x2  }
0x290: {  	v42 =	vmul.f32 $8.000000000e+00, v42  }
0x291: {  	s0 =	sadd.s32 $0x15, s30  }
0x292: {  	s2 =	sand.u32 $0x7F0, s0;
	[tilespmem:v62+s22+$0x0] =	vst.idx.msk $0xffff, v42  }
0x293: {  	v42 =	vld [tilespmem:s2+$0x0];
	_ =	sdelay $0x1  }
0x294: {  	s7 =	sand.u32 $0xF, s0  }
0x295: {  	v63 =	vmov s7  }
0x296: {  	vm1 =	veq.s32 v63, v0  }
0x297: {  	v42 =	vnsel vm1, $0x0, v42  }
0x298: {  	(xrf0) =	vadd.scan.msk.s32 $0xffff, v42;
	_ =	sdelay $0x5  }
0x299: {  	v42, _, _ =	vpop (xrf0)  }
0x29a: {  	(v2sf) =	vpush v42, $0xF;
	_ =	sdelay $0xc  }
0x29b: {  	s26 =	ssub.s32 s26, s28;
	s18 =	ssub.s32 s18, s19  }
0x29c: {  	s20 =	ssub.s32 s20, s21;
	s21 =	simm.s32 $0x7A1400;
	s17 =	ssub.s32 s17, s11  }
0x29d: {  	s24 =	ssub.s32 s24, s12;
	s31 =	ssub.s32 s31, s13;
	s7 =	spop (v2sf)  }
0x29e: {  	s29 =	ssub.s32 s29, s14;
	s16 =	simm.s32 $0x1;
	s0 =	sand.u32 $0x7F, s7  }
0x29f: {  	s2 =	sshra.s32 s7, $0x1F;
	p5 =	slt.s32 s7, $0x1;
	p6 =	sne.s32 s0, $0x0  }
0x2a0: {  	s0 =	sshrl.u32 s2, $0x19;
	s2 =	rddreg [dreg:$0x7];
	p0 =	por !p5, !p6  }
0x2a1: {  	s0 =	sadd.s32 s0, s7;
	s1 =	ssub.s32 s1, s2;
	p0 =	por !p0, !p0  }
0x2a2: {  	s0 =	sshrl.u32 s0, $0x7;
	s16 =	simm.s32 @!p0 $0x0;
	p0 =	sne.s32 s30, $0x1E4  }
.Ltmp0:
0x2a3: {  	s2 =	rddreg [dreg:$0x8];
	s0 =	ssub.s32 s0, s16;
	(pc) =	sbr.rel @p0 .LBB2_2-.Ltmp0, $4  }
0x2a4: {  	s6 =	ssub.s32 s6, s15;
	s23 =	ssub.s32 s23, s2;
	s0 =	sshll.u32 s0, $0x7  }
0x2a5: {  	s30 =	smov.u32 s9;
	s16 =	smov.u32 s10;
	s28 =	sand.u32 $0x1FFFFF80, s0  }
0x2a6: {  	s10 =	simm.s32 $0x1;
	s7 =	ssub.s32 s7, s0;
	s2 =	sadd.s32 s16, s28  }
0x2a7: {  	[tilespmem:s3], [sflag:$0xB] =	stream.strided.gather [hbm4b:s2+s8], $0x2000, s21, s8, $0x38;
	[tilespmem:$0x1E200] =	vst v63  }
0x2a8: {  	v42 =	vadd.s32 s1, v1;
	_ =	sdelay $0x1  }
0x2a9: {  	_ =	swait.ge [sflag:s10], $0x2000  }
0x2aa: {  	[sflag:s10] =	ssyncset.done $0x0  }
0x2ab: {  	s15 =	simm.s32 $0x8200;
	[sflag:s10] =	ssyncadd.s32 $0xFFFFE000  }
0x2ac: {  	v42 =	vld.idx.msk [tilespmem:v42+s15+$0x0], $0xffff;
	_ =	sdelay $0x2  }
0x2ad: {  	v43 =	vadd.s32 s1, v3;
	_ =	sdelay $0x1  }
0x2ae: {  	v42 =	vmul.f32 $8.000000000e+00, v42;
	_ =	sdelay $0x1  }
0x2af: {  	[tilespmem:v9+s22+$0x0] =	vst.idx.msk $0xffff, v42  }
0x2b0: {  	v42 =	vld.idx.msk [tilespmem:v43+s15+$0x0], $0xffff;
	_ =	sdelay $0x2  }
0x2b1: {  	v46 =	vadd.s32 s1, v5;
	_ =	sdelay $0x1  }
0x2b2: {  	v42 =	vmul.f32 $8.000000000e+00, v42;
	_ =	sdelay $0x1  }
0x2b3: {  	[tilespmem:v10+s22+$0x0] =	vst.idx.msk $0xffff, v42  }
0x2b4: {  	v42 =	vld.idx.msk [tilespmem:v46+s15+$0x0], $0xffff;
	_ =	sdelay $0x2  }
0x2b5: {  	v47 =	vadd.s32 s1, v7;
	_ =	sdelay $0x1  }
0x2b6: {  	v42 =	vmul.f32 $8.000000000e+00, v42;
	_ =	sdelay $0x1  }
0x2b7: {  	[tilespmem:v11+s22+$0x0] =	vst.idx.msk $0xffff, v42  }
0x2b8: {  	v42 =	vld.idx.msk [tilespmem:v47+s15+$0x0], $0xffff;
	_ =	sdelay $0x4  }
0x2b9: {  	v42 =	vmul.f32 $8.000000000e+00, v42  }
0x2ba: {  	v48 =	vadd.s32 s23, v1  }
0x2bb: {  	s30 =	simm.s32 $0x2;
	[tilespmem:v12+s22+$0x0] =	vst.idx.msk $0xffff, v42  }
0x2bc: {  	_ =	swait.ge [sflag:s30], $0x2000  }
0x2bd: {  	[sflag:s30] =	ssyncset.done $0x0  }
0x2be: {  	s28 =	simm.s32 $0xA200;
	[sflag:s30] =	ssyncadd.s32 $0xFFFFE000  }
0x2bf: {  	v49 =	vld.idx.msk [tilespmem:v48+s28+$0x0], $0xffff;
	_ =	sdelay $0x2  }
0x2c0: {  	v50 =	vadd.s32 s23, v3;
	_ =	sdelay $0x1  }
0x2c1: {  	v42 =	vmul.f32 $8.000000000e+00, v49;
	_ =	sdelay $0x1  }
0x2c2: {  	[tilespmem:v13+s22+$0x0] =	vst.idx.msk $0xffff, v42  }
0x2c3: {  	v42 =	vld.idx.msk [tilespmem:v50+s28+$0x0], $0xffff;
	_ =	sdelay $0x2  }
0x2c4: {  	v51 =	vadd.s32 s23, v5;
	_ =	sdelay $0x1  }
0x2c5: {  	v42 =	vmul.f32 $8.000000000e+00, v42;
	_ =	sdelay $0x1  }
0x2c6: {  	[tilespmem:v14+s22+$0x0] =	vst.idx.msk $0xffff, v42  }
0x2c7: {  	v42 =	vld.idx.msk [tilespmem:v51+s28+$0x0], $0xffff;
	_ =	sdelay $0x2  }
0x2c8: {  	v52 =	vadd.s32 s23, v7;
	_ =	sdelay $0x1  }
0x2c9: {  	v42 =	vmul.f32 $8.000000000e+00, v42;
	_ =	sdelay $0x1  }
0x2ca: {  	[tilespmem:v15+s22+$0x0] =	vst.idx.msk $0xffff, v42  }
0x2cb: {  	v42 =	vld.idx.msk [tilespmem:v52+s28+$0x0], $0xffff;
	_ =	sdelay $0x4  }
0x2cc: {  	v42 =	vmul.f32 $8.000000000e+00, v42  }
0x2cd: {  	v53 =	vadd.s32 s26, v1  }
0x2ce: {  	s0 =	simm.s32 $0x3;
	[tilespmem:v16+s22+$0x0] =	vst.idx.msk $0xffff, v42  }
0x2cf: {  	_ =	swait.ge [sflag:s0], $0x2000  }
0x2d0: {  	[sflag:s0] =	ssyncset.done $0x0  }
0x2d1: {  	s3 =	simm.s32 $0xC200;
	[sflag:s0] =	ssyncadd.s32 $0xFFFFE000  }
0x2d2: {  	v54 =	vld.idx.msk [tilespmem:v53+s3+$0x0], $0xffff;
	_ =	sdelay $0x2  }
0x2d3: {  	v55 =	vadd.s32 s26, v3;
	_ =	sdelay $0x1  }
0x2d4: {  	v42 =	vmul.f32 $8.000000000e+00, v54;
	_ =	sdelay $0x1  }
0x2d5: {  	[tilespmem:v17+s22+$0x0] =	vst.idx.msk $0xffff, v42  }
0x2d6: {  	v42 =	vld.idx.msk [tilespmem:v55+s3+$0x0], $0xffff;
	_ =	sdelay $0x2  }
0x2d7: {  	v56 =	vadd.s32 s26, v5;
	_ =	sdelay $0x1  }
0x2d8: {  	v42 =	vmul.f32 $8.000000000e+00, v42;
	_ =	sdelay $0x1  }
0x2d9: {  	[tilespmem:v18+s22+$0x0] =	vst.idx.msk $0xffff, v42  }
0x2da: {  	v42 =	vld.idx.msk [tilespmem:v56+s3+$0x0], $0xffff;
	_ =	sdelay $0x2  }
0x2db: {  	v57 =	vadd.s32 s26, v7;
	_ =	sdelay $0x1  }
0x2dc: {  	v42 =	vmul.f32 $8.000000000e+00, v42;
	_ =	sdelay $0x1  }
0x2dd: {  	[tilespmem:v19+s22+$0x0] =	vst.idx.msk $0xffff, v42  }
0x2de: {  	v42 =	vld.idx.msk [tilespmem:v57+s3+$0x0], $0xffff;
	_ =	sdelay $0x4  }
0x2df: {  	v42 =	vmul.f32 $8.000000000e+00, v42  }
0x2e0: {  	v58 =	vadd.s32 s18, v1  }
0x2e1: {  	s9 =	simm.s32 $0x4;
	[tilespmem:v20+s22+$0x0] =	vst.idx.msk $0xffff, v42  }
0x2e2: {  	_ =	swait.ge [sflag:s9], $0x2000  }
0x2e3: {  	[sflag:s9] =	ssyncset.done $0x0  }
0x2e4: {  	s23 =	simm.s32 $0xE200;
	[sflag:s9] =	ssyncadd.s32 $0xFFFFE000  }
0x2e5: {  	v59 =	vld.idx.msk [tilespmem:v58+s23+$0x0], $0xffff;
	_ =	sdelay $0x2  }
0x2e6: {  	v60 =	vadd.s32 s18, v3;
	_ =	sdelay $0x1  }
0x2e7: {  	v42 =	vmul.f32 $8.000000000e+00, v59;
	_ =	sdelay $0x1  }
0x2e8: {  	[tilespmem:v21+s22+$0x0] =	vst.idx.msk $0xffff, v42  }
0x2e9: {  	v42 =	vld.idx.msk [tilespmem:v60+s23+$0x0], $0xffff;
	_ =	sdelay $0x2  }
0x2ea: {  	v61 =	vadd.s32 s18, v5;
	_ =	sdelay $0x1  }
0x2eb: {  	v42 =	vmul.f32 $8.000000000e+00, v42;
	_ =	sdelay $0x1  }
0x2ec: {  	[tilespmem:v22+s22+$0x0] =	vst.idx.msk $0xffff, v42  }
0x2ed: {  	v42 =	vld.idx.msk [tilespmem:v61+s23+$0x0], $0xffff;
	_ =	sdelay $0x2  }
0x2ee: {  	v62 =	vadd.s32 s18, v7;
	_ =	sdelay $0x1  }
0x2ef: {  	v42 =	vmul.f32 $8.000000000e+00, v42;
	_ =	sdelay $0x1  }
0x2f0: {  	[tilespmem:v23+s22+$0x0] =	vst.idx.msk $0xffff, v42  }
0x2f1: {  	v42 =	vld.idx.msk [tilespmem:v62+s23+$0x0], $0xffff;
	_ =	sdelay $0x4  }
0x2f2: {  	v42 =	vmul.f32 $8.000000000e+00, v42  }
0x2f3: {  	v63 =	vadd.s32 s20, v1  }
0x2f4: {  	s11 =	simm.s32 $0x5;
	[tilespmem:v24+s22+$0x0] =	vst.idx.msk $0xffff, v42  }
0x2f5: {  	_ =	swait.ge [sflag:s11], $0x2000  }
0x2f6: {  	[sflag:s11] =	ssyncset.done $0x0  }
0x2f7: {  	s26 =	simm.s32 $0x10200;
	[sflag:s11] =	ssyncadd.s32 $0xFFFFE000  }
0x2f8: {  	v45 =	vld.idx.msk [tilespmem:v63+s26+$0x0], $0xffff;
	_ =	sdelay $0x2  }
0x2f9: {  	v46 =	vadd.s32 s20, v3;
	_ =	sdelay $0x1  }
0x2fa: {  	v42 =	vmul.f32 $8.000000000e+00, v45;
	_ =	sdelay $0x1  }
0x2fb: {  	[tilespmem:v25+s22+$0x0] =	vst.idx.msk $0xffff, v42  }
0x2fc: {  	v42 =	vld.idx.msk [tilespmem:v46+s26+$0x0], $0xffff;
	_ =	sdelay $0x2  }
0x2fd: {  	v47 =	vadd.s32 s20, v5;
	_ =	sdelay $0x1  }
0x2fe: {  	v42 =	vmul.f32 $8.000000000e+00, v42;
	_ =	sdelay $0x1  }
0x2ff: {  	[tilespmem:v26+s22+$0x0] =	vst.idx.msk $0xffff, v42  }
0x300: {  	v42 =	vld.idx.msk [tilespmem:v47+s26+$0x0], $0xffff;
	_ =	sdelay $0x2  }
0x301: {  	v48 =	vadd.s32 s20, v7;
	_ =	sdelay $0x1  }
0x302: {  	v42 =	vmul.f32 $8.000000000e+00, v42;
	_ =	sdelay $0x1  }
0x303: {  	[tilespmem:v27+s22+$0x0] =	vst.idx.msk $0xffff, v42  }
0x304: {  	v42 =	vld.idx.msk [tilespmem:v48+s26+$0x0], $0xffff;
	_ =	sdelay $0x4  }
0x305: {  	v42 =	vmul.f32 $8.000000000e+00, v42  }
0x306: {  	v49 =	vadd.s32 s17, v1  }
0x307: {  	s12 =	simm.s32 $0x6;
	[tilespmem:v28+s22+$0x0] =	vst.idx.msk $0xffff, v42  }
0x308: {  	_ =	swait.ge [sflag:s12], $0x2000  }
0x309: {  	[sflag:s12] =	ssyncset.done $0x0  }
0x30a: {  	s20 =	simm.s32 $0x12200;
	[sflag:s12] =	ssyncadd.s32 $0xFFFFE000  }
0x30b: {  	v50 =	vld.idx.msk [tilespmem:v49+s20+$0x0], $0xffff;
	_ =	sdelay $0x2  }
0x30c: {  	v51 =	vadd.s32 s17, v3;
	_ =	sdelay $0x1  }
0x30d: {  	v42 =	vmul.f32 $8.000000000e+00, v50;
	_ =	sdelay $0x1  }
0x30e: {  	[tilespmem:v29+s22+$0x0] =	vst.idx.msk $0xffff, v42  }
0x30f: {  	v42 =	vld.idx.msk [tilespmem:v51+s20+$0x0], $0xffff;
	_ =	sdelay $0x2  }
0x310: {  	v52 =	vadd.s32 s17, v5;
	_ =	sdelay $0x1  }
0x311: {  	v42 =	vmul.f32 $8.000000000e+00, v42;
	_ =	sdelay $0x1  }
0x312: {  	[tilespmem:v30+s22+$0x0] =	vst.idx.msk $0xffff, v42  }
0x313: {  	v42 =	vld.idx.msk [tilespmem:v52+s20+$0x0], $0xffff;
	_ =	sdelay $0x2  }
0x314: {  	v53 =	vadd.s32 s17, v7;
	_ =	sdelay $0x1  }
0x315: {  	v42 =	vmul.f32 $8.000000000e+00, v42;
	_ =	sdelay $0x1  }
0x316: {  	[tilespmem:v31+s22+$0x0] =	vst.idx.msk $0xffff, v42  }
0x317: {  	v42 =	vld.idx.msk [tilespmem:v53+s20+$0x0], $0xffff;
	_ =	sdelay $0x4  }
0x318: {  	v42 =	vmul.f32 $8.000000000e+00, v42  }
0x319: {  	v54 =	vadd.s32 s24, v1  }
0x31a: {  	s13 =	simm.s32 $0x7;
	[tilespmem:v32+s22+$0x0] =	vst.idx.msk $0xffff, v42  }
0x31b: {  	_ =	swait.ge [sflag:s13], $0x2000  }
0x31c: {  	[sflag:s13] =	ssyncset.done $0x0  }
0x31d: {  	s14 =	simm.s32 $0x14200;
	[sflag:s13] =	ssyncadd.s32 $0xFFFFE000  }
0x31e: {  	v55 =	vld.idx.msk [tilespmem:v54+s14+$0x0], $0xffff;
	_ =	sdelay $0x2  }
0x31f: {  	v56 =	vadd.s32 s24, v3;
	_ =	sdelay $0x1  }
0x320: {  	v42 =	vmul.f32 $8.000000000e+00, v55;
	_ =	sdelay $0x1  }
0x321: {  	[tilespmem:v33+s22+$0x0] =	vst.idx.msk $0xffff, v42  }
0x322: {  	v42 =	vld.idx.msk [tilespmem:v56+s14+$0x0], $0xffff;
	_ =	sdelay $0x2  }
0x323: {  	v57 =	vadd.s32 s24, v5;
	_ =	sdelay $0x1  }
0x324: {  	v42 =	vmul.f32 $8.000000000e+00, v42;
	_ =	sdelay $0x1  }
0x325: {  	[tilespmem:v34+s22+$0x0] =	vst.idx.msk $0xffff, v42  }
0x326: {  	v42 =	vld.idx.msk [tilespmem:v57+s14+$0x0], $0xffff;
	_ =	sdelay $0x2  }
0x327: {  	v58 =	vadd.s32 s24, v7;
	_ =	sdelay $0x1  }
0x328: {  	v42 =	vmul.f32 $8.000000000e+00, v42;
	_ =	sdelay $0x1  }
0x329: {  	[tilespmem:v35+s22+$0x0] =	vst.idx.msk $0xffff, v42  }
0x32a: {  	v42 =	vld.idx.msk [tilespmem:v58+s14+$0x0], $0xffff;
	_ =	sdelay $0x4  }
0x32b: {  	v42 =	vmul.f32 $8.000000000e+00, v42  }
0x32c: {  	v59 =	vadd.s32 s31, v1  }
0x32d: {  	s17 =	simm.s32 $0x8;
	[tilespmem:v36+s22+$0x0] =	vst.idx.msk $0xffff, v42  }
0x32e: {  	_ =	swait.ge [sflag:s17], $0x2000  }
0x32f: {  	[sflag:s17] =	ssyncset.done $0x0  }
0x330: {  	s18 =	simm.s32 $0x16200;
	[sflag:s17] =	ssyncadd.s32 $0xFFFFE000  }
0x331: {  	v60 =	vld.idx.msk [tilespmem:v59+s18+$0x0], $0xffff;
	_ =	sdelay $0x2  }
0x332: {  	v61 =	vadd.s32 s31, v3;
	_ =	sdelay $0x1  }
0x333: {  	v42 =	vmul.f32 $8.000000000e+00, v60;
	_ =	sdelay $0x1  }
0x334: {  	[tilespmem:v37+s22+$0x0] =	vst.idx.msk $0xffff, v42  }
0x335: {  	v42 =	vld.idx.msk [tilespmem:v61+s18+$0x0], $0xffff;
	_ =	sdelay $0x2  }
0x336: {  	v62 =	vadd.s32 s31, v5;
	_ =	sdelay $0x1  }
0x337: {  	v42 =	vmul.f32 $8.000000000e+00, v42;
	_ =	sdelay $0x1  }
0x338: {  	[tilespmem:v38+s22+$0x0] =	vst.idx.msk $0xffff, v42  }
0x339: {  	v42 =	vld.idx.msk [tilespmem:v62+s18+$0x0], $0xffff;
	_ =	sdelay $0x2  }
0x33a: {  	v63 =	vadd.s32 s31, v7;
	_ =	sdelay $0x1  }
0x33b: {  	v42 =	vmul.f32 $8.000000000e+00, v42;
	_ =	sdelay $0x1  }
0x33c: {  	[tilespmem:v39+s22+$0x0] =	vst.idx.msk $0xffff, v42  }
0x33d: {  	v42 =	vld.idx.msk [tilespmem:v63+s18+$0x0], $0xffff;
	_ =	sdelay $0x4  }
0x33e: {  	v42 =	vmul.f32 $8.000000000e+00, v42  }
0x33f: {  	v45 =	vadd.s32 s29, v1  }
0x340: {  	s19 =	simm.s32 $0x9;
	[tilespmem:v40+s22+$0x0] =	vst.idx.msk $0xffff, v42  }
0x341: {  	_ =	swait.ge [sflag:s19], $0x2000  }
0x342: {  	[sflag:s19] =	ssyncset.done $0x0  }
0x343: {  	s24 =	simm.s32 $0x18200;
	[sflag:s19] =	ssyncadd.s32 $0xFFFFE000  }
0x344: {  	v46 =	vld.idx.msk [tilespmem:v45+s24+$0x0], $0xffff;
	_ =	sdelay $0x2  }
0x345: {  	v47 =	vadd.s32 s29, v3;
	_ =	sdelay $0x1  }
0x346: {  	v42 =	vmul.f32 $8.000000000e+00, v46;
	_ =	sdelay $0x1  }
0x347: {  	[tilespmem:v41+s22+$0x0] =	vst.idx.msk $0xffff, v42  }
0x348: {  	v42 =	vld.idx.msk [tilespmem:v47+s24+$0x0], $0xffff;
	_ =	sdelay $0x1  }
0x349: {  	v48 =	vor.u32 $0x21F7, v2  }
0x34a: {  	v44 =	vadd.s32 s29, v5;
	_ =	sdelay $0x1  }
0x34b: {  	v42 =	vmul.f32 $8.000000000e+00, v42;
	_ =	sdelay $0x1  }
0x34c: {  	[tilespmem:v48+s22+$0x0] =	vst.idx.msk $0xffff, v42  }
0x34d: {  	v42 =	vld.idx.msk [tilespmem:v44+s24+$0x0], $0xffff;
	_ =	sdelay $0x1  }
0x34e: {  	v49 =	vor.u32 $0x41F7, v2  }
0x34f: {  	v50 =	vadd.s32 s29, v7;
	_ =	sdelay $0x1  }
0x350: {  	v42 =	vmul.f32 $8.000000000e+00, v42;
	_ =	sdelay $0x1  }
0x351: {  	[tilespmem:v49+s22+$0x0] =	vst.idx.msk $0xffff, v42  }
0x352: {  	v42 =	vld.idx.msk [tilespmem:v50+s24+$0x0], $0xffff;
	_ =	sdelay $0x1  }
0x353: {  	v51 =	vor.u32 $0x61F7, v2;
	_ =	sdelay $0x2  }
0x354: {  	v42 =	vmul.f32 $8.000000000e+00, v42  }
0x355: {  	v52 =	vadd.s32 s6, v1  }
0x356: {  	s31 =	simm.s32 $0xA;
	[tilespmem:v51+s22+$0x0] =	vst.idx.msk $0xffff, v42  }
0x357: {  	_ =	swait.ge [sflag:s31], $0x2000  }
0x358: {  	[sflag:s31] =	ssyncset.done $0x0  }
0x359: {  	s1 =	simm.s32 $0x1A200;
	[sflag:s31] =	ssyncadd.s32 $0xFFFFE000  }
0x35a: {  	v53 =	vld.idx.msk [tilespmem:v52+s1+$0x0], $0xffff;
	_ =	sdelay $0x1  }
0x35b: {  	v54 =	vor.u32 $0x1F8, v2  }
0x35c: {  	v55 =	vadd.s32 s6, v3;
	_ =	sdelay $0x1  }
0x35d: {  	v42 =	vmul.f32 $8.000000000e+00, v53;
	_ =	sdelay $0x1  }
0x35e: {  	[tilespmem:v54+s22+$0x0] =	vst.idx.msk $0xffff, v42  }
0x35f: {  	v42 =	vld.idx.msk [tilespmem:v55+s1+$0x0], $0xffff;
	_ =	sdelay $0x1  }
0x360: {  	v56 =	vor.u32 $0x21F8, v2  }
0x361: {  	v57 =	vadd.s32 s6, v5;
	_ =	sdelay $0x1  }
0x362: {  	v42 =	vmul.f32 $8.000000000e+00, v42;
	_ =	sdelay $0x1  }
0x363: {  	[tilespmem:v56+s22+$0x0] =	vst.idx.msk $0xffff, v42  }
0x364: {  	v42 =	vld.idx.msk [tilespmem:v57+s1+$0x0], $0xffff;
	_ =	sdelay $0x1  }
0x365: {  	v58 =	vor.u32 $0x41F8, v2  }
0x366: {  	v59 =	vadd.s32 s6, v7;
	_ =	sdelay $0x1  }
0x367: {  	v42 =	vmul.f32 $8.000000000e+00, v42;
	_ =	sdelay $0x1  }
0x368: {  	[tilespmem:v58+s22+$0x0] =	vst.idx.msk $0xffff, v42  }
0x369: {  	v42 =	vld.idx.msk [tilespmem:v59+s1+$0x0], $0xffff;
	_ =	sdelay $0x1  }
0x36a: {  	v60 =	vor.u32 $0x61F8, v2;
	_ =	sdelay $0x2  }
0x36b: {  	v42 =	vmul.f32 $8.000000000e+00, v42  }
0x36c: {  	v61 =	vadd.s32 s7, v1  }
0x36d: {  	s2 =	simm.s32 $0xB;
	[tilespmem:v60+s22+$0x0] =	vst.idx.msk $0xffff, v42  }
0x36e: {  	_ =	swait.ge [sflag:s2], $0x2000  }
0x36f: {  	[sflag:s2] =	ssyncset.done $0x0  }
0x370: {  	s6 =	simm.s32 $0x1C200;
	[sflag:s2] =	ssyncadd.s32 $0xFFFFE000  }
0x371: {  	v62 =	vld.idx.msk [tilespmem:v61+s6+$0x0], $0xffff;
	_ =	sdelay $0x1  }
0x372: {  	v63 =	vor.u32 $0x1F9, v2  }
0x373: {  	v48 =	vadd.s32 s7, v3;
	_ =	sdelay $0x1  }
0x374: {  	v42 =	vmul.f32 $8.000000000e+00, v62;
	_ =	sdelay $0x1  }
0x375: {  	[tilespmem:v63+s22+$0x0] =	vst.idx.msk $0xffff, v42  }
0x376: {  	v42 =	vld.idx.msk [tilespmem:v48+s6+$0x0], $0xffff;
	_ =	sdelay $0x1  }
0x377: {  	v49 =	vor.u32 $0x21F9, v2  }
0x378: {  	v50 =	vadd.s32 s7, v5;
	_ =	sdelay $0x1  }
0x379: {  	v42 =	vmul.f32 $8.000000000e+00, v42;
	_ =	sdelay $0x1  }
0x37a: {  	[tilespmem:v49+s22+$0x0] =	vst.idx.msk $0xffff, v42  }
0x37b: {  	v42 =	vld.idx.msk [tilespmem:v50+s6+$0x0], $0xffff;
	_ =	sdelay $0x1  }
0x37c: {  	v51 =	vor.u32 $0x41F9, v2  }
0x37d: {  	v52 =	vadd.s32 s7, v7;
	_ =	sdelay $0x1  }
0x37e: {  	v42 =	vmul.f32 $8.000000000e+00, v42;
	_ =	sdelay $0x1  }
0x37f: {  	[tilespmem:v51+s22+$0x0] =	vst.idx.msk $0xffff, v42  }
0x380: {  	v42 =	vld.idx.msk [tilespmem:v52+s6+$0x0], $0xffff;
	_ =	sdelay $0x1  }
0x381: {  	v53 =	vor.u32 $0x61F9, v2;
	_ =	sdelay $0x2  }
0x382: {  	v42 =	vmul.f32 $8.000000000e+00, v42;
	_ =	sdelay $0x1  }
0x383: {  	[tilespmem:v53+s22+$0x0] =	vst.idx.msk $0xffff, v42  }
0x384: {  	v42 =	vld [tilespmem:$0x1F0];
	_ =	sdelay $0x4  }
0x385: {  	v42 =	vsel vm10, $0x0, v42  }
0x386: {  	(xrf0) =	vadd.scan.msk.s32 $0xffff, v42;
	_ =	sdelay $0x5  }
0x387: {  	v42, _, _ =	vpop (xrf0)  }
0x388: {  	(v2sf) =	vpush v42, $0xF;
	_ =	sdelay $0xe  }
0x389: {  	s11 =	spop (v2sf)  }
0x38a: {  	s9 =	sand.u32 $0x7F, s11  }
0x38b: {  	s12 =	sshra.s32 s11, $0x1F;
	p0 =	slt.s32 s11, $0x1;
	p1 =	sne.s32 s9, $0x0  }
0x38c: {  	s13 =	sshrl.u32 s12, $0x19;
	p0 =	por !p0, !p1  }
0x38d: {  	s1 =	simm.s32 $0x1;
	s0 =	sadd.s32 s13, s11;
	p0 =	por !p0, !p0  }
0x38e: {  	s0 =	sshrl.u32 s0, $0x7;
	s1 =	simm.s32 @!p0 $0x0  }
0x38f: {  	s0 =	ssub.s32 s0, s1  }
0x390: {  	s19 =	sshll.u32 s0, $0x7  }
0x391: {  	s0 =	sand.u32 $0x1FFFFF80, s19  }
0x392: {  	s0 =	sadd.s32 s16, s0  }
0x393: {  	[tilespmem:s15], [sflag:$0x1] =	stream.strided.gather [hbm4b:s0+s8], $0x2000, s21, s8, $0x38;
	[tilespmem:$0x1E200] =	vst v63  }
0x394: {  	v54 =	vld [tilespmem:$0x1F0];
	_ =	sdelay $0x4  }
0x395: {  	v42 =	vsel vm11, $0x0, v54  }
0x396: {  	(xrf0) =	vadd.scan.msk.s32 $0xffff, v42;
	_ =	sdelay $0x5  }
0x397: {  	v42, _, _ =	vpop (xrf0)  }
0x398: {  	(v2sf) =	vpush v42, $0xF;
	_ =	sdelay $0xe  }
0x399: {  	s9 =	spop (v2sf)  }
0x39a: {  	s14 =	sand.u32 $0x7F, s9  }
0x39b: {  	s17 =	sshra.s32 s9, $0x1F;
	p3 =	slt.s32 s9, $0x1;
	p4 =	sne.s32 s14, $0x0  }
0x39c: {  	s18 =	sshrl.u32 s17, $0x19;
	p0 =	por !p3, !p4  }
0x39d: {  	s1 =	simm.s32 $0x1;
	s0 =	sadd.s32 s18, s9;
	p0 =	por !p0, !p0  }
0x39e: {  	s0 =	sshrl.u32 s0, $0x7;
	s1 =	simm.s32 @!p0 $0x0  }
0x39f: {  	s0 =	ssub.s32 s0, s1  }
0x3a0: {  	s14 =	sshll.u32 s0, $0x7  }
0x3a1: {  	s0 =	sand.u32 $0x1FFFFF80, s14  }
0x3a2: {  	s0 =	sadd.s32 s16, s0  }
0x3a3: {  	[tilespmem:s28], [sflag:$0x2] =	stream.strided.gather [hbm4b:s0+s8], $0x2000, s21, s8, $0x38;
	[tilespmem:$0x1E200] =	vst v63  }
0x3a4: {  	v55 =	vld [tilespmem:$0x1F0];
	_ =	sdelay $0x4  }
0x3a5: {  	v42 =	vsel vm12, $0x0, v55  }
0x3a6: {  	(xrf0) =	vadd.scan.msk.s32 $0xffff, v42;
	_ =	sdelay $0x5  }
0x3a7: {  	v42, _, _ =	vpop (xrf0)  }
0x3a8: {  	(v2sf) =	vpush v42, $0xF;
	_ =	sdelay $0xe  }
0x3a9: {  	s7 =	spop (v2sf)  }
0x3aa: {  	s24 =	sand.u32 $0x7F, s7  }
0x3ab: {  	s29 =	sshra.s32 s7, $0x1F;
	p5 =	slt.s32 s7, $0x1;
	p6 =	sne.s32 s24, $0x0  }
0x3ac: {  	s31 =	sshrl.u32 s29, $0x19;
	p0 =	por !p5, !p6  }
0x3ad: {  	s1 =	simm.s32 $0x1;
	s0 =	sadd.s32 s31, s7;
	p0 =	por !p0, !p0  }
0x3ae: {  	s0 =	sshrl.u32 s0, $0x7;
	s1 =	simm.s32 @!p0 $0x0  }
0x3af: {  	s0 =	ssub.s32 s0, s1  }
0x3b0: {  	s18 =	sshll.u32 s0, $0x7  }
0x3b1: {  	s0 =	sand.u32 $0x1FFFFF80, s18  }
0x3b2: {  	s0 =	sadd.s32 s16, s0  }
0x3b3: {  	[tilespmem:s3], [sflag:$0x3] =	stream.strided.gather [hbm4b:s0+s8], $0x2000, s21, s8, $0x38;
	[tilespmem:$0x1E200] =	vst v63  }
0x3b4: {  	v56 =	vld [tilespmem:$0x1F0];
	_ =	sdelay $0x4  }
0x3b5: {  	v42 =	vsel vm13, $0x0, v56  }
0x3b6: {  	(xrf0) =	vadd.scan.msk.s32 $0xffff, v42;
	_ =	sdelay $0x5  }
0x3b7: {  	v42, _, _ =	vpop (xrf0)  }
0x3b8: {  	(v2sf) =	vpush v42, $0xF;
	_ =	sdelay $0xe  }
0x3b9: {  	s6 =	spop (v2sf)  }
0x3ba: {  	s1 =	sand.u32 $0x7F, s6  }
0x3bb: {  	s2 =	sshra.s32 s6, $0x1F;
	p1 =	slt.s32 s6, $0x1;
	p2 =	sne.s32 s1, $0x0  }
0x3bc: {  	s12 =	sshrl.u32 s2, $0x19;
	p0 =	por !p1, !p2  }
0x3bd: {  	s1 =	simm.s32 $0x1;
	s0 =	sadd.s32 s12, s6;
	p0 =	por !p0, !p0  }
0x3be: {  	s0 =	sshrl.u32 s0, $0x7;
	s1 =	simm.s32 @!p0 $0x0  }
0x3bf: {  	s0 =	ssub.s32 s0, s1  }
0x3c0: {  	s17 =	sshll.u32 s0, $0x7  }
0x3c1: {  	s0 =	sand.u32 $0x1FFFFF80, s17  }
0x3c2: {  	s0 =	sadd.s32 s16, s0  }
0x3c3: {  	[tilespmem:s23], [sflag:$0x4] =	stream.strided.gather [hbm4b:s0+s8], $0x2000, s21, s8, $0x38;
	[tilespmem:$0x1E200] =	vst v63  }
0x3c4: {  	v57 =	vld [tilespmem:$0x1F0];
	_ =	sdelay $0x4  }
0x3c5: {  	v42 =	vsel vm14, $0x0, v57  }
0x3c6: {  	(xrf0) =	vadd.scan.msk.s32 $0xffff, v42;
	_ =	sdelay $0x5  }
0x3c7: {  	v42, _, _ =	vpop (xrf0)  }
0x3c8: {  	(v2sf) =	vpush v42, $0xF;
	_ =	sdelay $0xe  }
0x3c9: {  	s2 =	spop (v2sf)  }
0x3ca: {  	s13 =	sand.u32 $0x7F, s2  }
0x3cb: {  	s24 =	sshra.s32 s2, $0x1F;
	p3 =	slt.s32 s2, $0x1;
	p4 =	sne.s32 s13, $0x0  }
0x3cc: {  	s29 =	sshrl.u32 s24, $0x19;
	p0 =	por !p3, !p4  }
0x3cd: {  	s1 =	simm.s32 $0x1;
	s0 =	sadd.s32 s29, s2;
	p0 =	por !p0, !p0  }
0x3ce: {  	s0 =	sshrl.u32 s0, $0x7;
	s1 =	simm.s32 @!p0 $0x0  }
0x3cf: {  	s0 =	ssub.s32 s0, s1  }
0x3d0: {  	s13 =	sshll.u32 s0, $0x7  }
0x3d1: {  	s0 =	sand.u32 $0x1FFFFF80, s13  }
0x3d2: {  	s0 =	sadd.s32 s16, s0  }
0x3d3: {  	[tilespmem:s26], [sflag:$0x5] =	stream.strided.gather [hbm4b:s0+s8], $0x2000, s21, s8, $0x38;
	[tilespmem:$0x1E200] =	vst v63  }
0x3d4: {  	v58 =	vld [tilespmem:$0x1F0];
	_ =	sdelay $0x4  }
0x3d5: {  	v42 =	vsel vm15, $0x0, v58  }
0x3d6: {  	(xrf0) =	vadd.scan.msk.s32 $0xffff, v42;
	_ =	sdelay $0x5  }
0x3d7: {  	v42, _, _ =	vpop (xrf0)  }
0x3d8: {  	(v2sf) =	vpush v42, $0xF;
	_ =	sdelay $0xe  }
0x3d9: {  	s1 =	spop (v2sf)  }
0x3da: {  	s31 =	sand.u32 $0x7F, s1  }
0x3db: {  	s12 =	sshra.s32 s1, $0x1F;
	p5 =	slt.s32 s1, $0x1;
	p6 =	sne.s32 s31, $0x0  }
0x3dc: {  	s24 =	sshrl.u32 s12, $0x19;
	p0 =	por !p5, !p6  }
0x3dd: {  	s12 =	simm.s32 $0x1;
	s0 =	sadd.s32 s24, s1;
	p0 =	por !p0, !p0  }
0x3de: {  	s0 =	sshrl.u32 s0, $0x7;
	s12 =	simm.s32 @!p0 $0x0  }
0x3df: {  	s0 =	ssub.s32 s0, s12  }
0x3e0: {  	s12 =	sshll.u32 s0, $0x7  }
0x3e1: {  	s29 =	ssub.s32 s11, s19;
	s31 =	sand.u32 $0x1FFFFF80, s12  }
0x3e2: {  	v59 =	vadd.s32 s29, v1;
	s11 =	sadd.s32 s16, s31  }
0x3e3: {  	[tilespmem:s20], [sflag:$0x6] =	stream.strided.gather [hbm4b:s11+s8], $0x2000, s21, s8, $0x38;
	[tilespmem:$0x1E200] =	vst v63  }
0x3e4: {  	_ =	swait.ge [sflag:s10], $0x2000  }
0x3e5: {  	[sflag:s10] =	ssyncset.done $0x0  }
0x3e6: {  	[sflag:s10] =	ssyncadd.s32 $0xFFFFE000  }
0x3e7: {  	v42 =	vld.idx.msk [tilespmem:v59+s15+$0x0], $0xffff;
	_ =	sdelay $0x1  }
0x3e8: {  	v60 =	vor.u32 $0x1FA, v2  }
0x3e9: {  	v61 =	vadd.s32 s29, v3;
	_ =	sdelay $0x1  }
0x3ea: {  	v42 =	vmul.f32 $8.000000000e+00, v42;
	_ =	sdelay $0x1  }
0x3eb: {  	[tilespmem:v60+s22+$0x0] =	vst.idx.msk $0xffff, v42  }
0x3ec: {  	v42 =	vld.idx.msk [tilespmem:v61+s15+$0x0], $0xffff;
	_ =	sdelay $0x1  }
0x3ed: {  	v62 =	vor.u32 $0x21FA, v2  }
0x3ee: {  	v63 =	vadd.s32 s29, v5;
	_ =	sdelay $0x1  }
0x3ef: {  	v42 =	vmul.f32 $8.000000000e+00, v42;
	_ =	sdelay $0x1  }
0x3f0: {  	[tilespmem:v62+s22+$0x0] =	vst.idx.msk $0xffff, v42  }
0x3f1: {  	v42 =	vld.idx.msk [tilespmem:v63+s15+$0x0], $0xffff;
	_ =	sdelay $0x1  }
0x3f2: {  	v48 =	vor.u32 $0x41FA, v2  }
0x3f3: {  	v49 =	vadd.s32 s29, v7;
	_ =	sdelay $0x1  }
0x3f4: {  	v42 =	vmul.f32 $8.000000000e+00, v42;
	_ =	sdelay $0x1  }
0x3f5: {  	[tilespmem:v48+s22+$0x0] =	vst.idx.msk $0xffff, v42  }
0x3f6: {  	v42 =	vld.idx.msk [tilespmem:v49+s15+$0x0], $0xffff;
	_ =	sdelay $0x1  }
0x3f7: {  	v50 =	vor.u32 $0x61FA, v2;
	_ =	sdelay $0x2  }
0x3f8: {  	s9 =	ssub.s32 s9, s14;
	v42 =	vmul.f32 $8.000000000e+00, v42  }
0x3f9: {  	v51 =	vadd.s32 s9, v1  }
0x3fa: {  	[tilespmem:v50+s22+$0x0] =	vst.idx.msk $0xffff, v42  }
0x3fb: {  	_ =	swait.ge [sflag:s30], $0x2000  }
0x3fc: {  	[sflag:s30] =	ssyncset.done $0x0  }
0x3fd: {  	[sflag:s30] =	ssyncadd.s32 $0xFFFFE000  }
0x3fe: {  	v52 =	vld.idx.msk [tilespmem:v51+s28+$0x0], $0xffff;
	_ =	sdelay $0x1  }
0x3ff: {  	v53 =	vor.u32 $0x1FB, v2  }
0x400: {  	v54 =	vadd.s32 s9, v3;
	_ =	sdelay $0x1  }
0x401: {  	v42 =	vmul.f32 $8.000000000e+00, v52;
	_ =	sdelay $0x1  }
0x402: {  	[tilespmem:v53+s22+$0x0] =	vst.idx.msk $0xffff, v42  }
0x403: {  	v42 =	vld.idx.msk [tilespmem:v54+s28+$0x0], $0xffff;
	_ =	sdelay $0x1  }
0x404: {  	v55 =	vor.u32 $0x21FB, v2  }
0x405: {  	v56 =	vadd.s32 s9, v5;
	_ =	sdelay $0x1  }
0x406: {  	v42 =	vmul.f32 $8.000000000e+00, v42;
	_ =	sdelay $0x1  }
0x407: {  	[tilespmem:v55+s22+$0x0] =	vst.idx.msk $0xffff, v42  }
0x408: {  	v42 =	vld.idx.msk [tilespmem:v56+s28+$0x0], $0xffff;
	_ =	sdelay $0x1  }
0x409: {  	v57 =	vor.u32 $0x41FB, v2  }
0x40a: {  	v58 =	vadd.s32 s9, v7;
	_ =	sdelay $0x1  }
0x40b: {  	v42 =	vmul.f32 $8.000000000e+00, v42;
	_ =	sdelay $0x1  }
0x40c: {  	[tilespmem:v57+s22+$0x0] =	vst.idx.msk $0xffff, v42  }
0x40d: {  	v42 =	vld.idx.msk [tilespmem:v58+s28+$0x0], $0xffff;
	_ =	sdelay $0x1  }
0x40e: {  	v59 =	vor.u32 $0x61FB, v2;
	_ =	sdelay $0x2  }
0x40f: {  	s11 =	ssub.s32 s7, s18;
	v42 =	vmul.f32 $8.000000000e+00, v42  }
0x410: {  	v60 =	vadd.s32 s11, v1  }
0x411: {  	s14 =	simm.s32 $0x3;
	[tilespmem:v59+s22+$0x0] =	vst.idx.msk $0xffff, v42  }
0x412: {  	_ =	swait.ge [sflag:s14], $0x2000  }
0x413: {  	[sflag:s14] =	ssyncset.done $0x0  }
0x414: {  	[sflag:s14] =	ssyncadd.s32 $0xFFFFE000  }
0x415: {  	v61 =	vld.idx.msk [tilespmem:v60+s3+$0x0], $0xffff;
	_ =	sdelay $0x1  }
0x416: {  	v62 =	vor.u32 $0x1FC, v2  }
0x417: {  	v63 =	vadd.s32 s11, v3;
	_ =	sdelay $0x1  }
0x418: {  	v42 =	vmul.f32 $8.000000000e+00, v61;
	_ =	sdelay $0x1  }
0x419: {  	[tilespmem:v62+s22+$0x0] =	vst.idx.msk $0xffff, v42  }
0x41a: {  	v42 =	vld.idx.msk [tilespmem:v63+s3+$0x0], $0xffff;
	_ =	sdelay $0x1  }
0x41b: {  	v48 =	vor.u32 $0x21FC, v2  }
0x41c: {  	v49 =	vadd.s32 s11, v5;
	_ =	sdelay $0x1  }
0x41d: {  	v42 =	vmul.f32 $8.000000000e+00, v42;
	_ =	sdelay $0x1  }
0x41e: {  	[tilespmem:v48+s22+$0x0] =	vst.idx.msk $0xffff, v42  }
0x41f: {  	v42 =	vld.idx.msk [tilespmem:v49+s3+$0x0], $0xffff;
	_ =	sdelay $0x1  }
0x420: {  	v50 =	vor.u32 $0x41FC, v2  }
0x421: {  	v51 =	vadd.s32 s11, v7;
	_ =	sdelay $0x1  }
0x422: {  	v42 =	vmul.f32 $8.000000000e+00, v42;
	_ =	sdelay $0x1  }
0x423: {  	[tilespmem:v50+s22+$0x0] =	vst.idx.msk $0xffff, v42  }
0x424: {  	v42 =	vld.idx.msk [tilespmem:v51+s3+$0x0], $0xffff;
	_ =	sdelay $0x1  }
0x425: {  	v52 =	vor.u32 $0x61FC, v2;
	_ =	sdelay $0x2  }
0x426: {  	s15 =	ssub.s32 s6, s17;
	v42 =	vmul.f32 $8.000000000e+00, v42  }
0x427: {  	v53 =	vadd.s32 s15, v1  }
0x428: {  	s17 =	simm.s32 $0x4;
	[tilespmem:v52+s22+$0x0] =	vst.idx.msk $0xffff, v42  }
0x429: {  	_ =	swait.ge [sflag:s17], $0x2000  }
0x42a: {  	[sflag:s17] =	ssyncset.done $0x0  }
0x42b: {  	[sflag:s17] =	ssyncadd.s32 $0xFFFFE000  }
0x42c: {  	v54 =	vld.idx.msk [tilespmem:v53+s23+$0x0], $0xffff;
	_ =	sdelay $0x1  }
0x42d: {  	v55 =	vor.u32 $0x1FD, v2  }
0x42e: {  	v56 =	vadd.s32 s15, v3;
	_ =	sdelay $0x1  }
0x42f: {  	v42 =	vmul.f32 $8.000000000e+00, v54;
	_ =	sdelay $0x1  }
0x430: {  	[tilespmem:v55+s22+$0x0] =	vst.idx.msk $0xffff, v42  }
0x431: {  	v42 =	vld.idx.msk [tilespmem:v56+s23+$0x0], $0xffff;
	_ =	sdelay $0x1  }
0x432: {  	v57 =	vor.u32 $0x21FD, v2  }
0x433: {  	v58 =	vadd.s32 s15, v5;
	_ =	sdelay $0x1  }
0x434: {  	v42 =	vmul.f32 $8.000000000e+00, v42;
	_ =	sdelay $0x1  }
0x435: {  	[tilespmem:v57+s22+$0x0] =	vst.idx.msk $0xffff, v42  }
0x436: {  	v42 =	vld.idx.msk [tilespmem:v58+s23+$0x0], $0xffff;
	_ =	sdelay $0x1  }
0x437: {  	v59 =	vor.u32 $0x41FD, v2  }
0x438: {  	v60 =	vadd.s32 s15, v7;
	_ =	sdelay $0x1  }
0x439: {  	v42 =	vmul.f32 $8.000000000e+00, v42;
	_ =	sdelay $0x1  }
0x43a: {  	[tilespmem:v59+s22+$0x0] =	vst.idx.msk $0xffff, v42  }
0x43b: {  	v42 =	vld.idx.msk [tilespmem:v60+s23+$0x0], $0xffff;
	_ =	sdelay $0x1  }
0x43c: {  	v61 =	vor.u32 $0x61FD, v2;
	_ =	sdelay $0x2  }
0x43d: {  	s18 =	ssub.s32 s2, s13;
	v42 =	vmul.f32 $8.000000000e+00, v42  }
0x43e: {  	v62 =	vadd.s32 s18, v1  }
0x43f: {  	s19 =	simm.s32 $0x5;
	[tilespmem:v61+s22+$0x0] =	vst.idx.msk $0xffff, v42  }
0x440: {  	_ =	swait.ge [sflag:s19], $0x2000  }
0x441: {  	[sflag:s19] =	ssyncset.done $0x0  }
0x442: {  	[sflag:s19] =	ssyncadd.s32 $0xFFFFE000  }
0x443: {  	v63 =	vld.idx.msk [tilespmem:v62+s26+$0x0], $0xffff;
	_ =	sdelay $0x1  }
0x444: {  	v48 =	vor.u32 $0x1FE, v2  }
0x445: {  	v49 =	vadd.s32 s18, v3;
	_ =	sdelay $0x1  }
0x446: {  	v42 =	vmul.f32 $8.000000000e+00, v63;
	_ =	sdelay $0x1  }
0x447: {  	[tilespmem:v48+s22+$0x0] =	vst.idx.msk $0xffff, v42  }
0x448: {  	v42 =	vld.idx.msk [tilespmem:v49+s26+$0x0], $0xffff;
	_ =	sdelay $0x1  }
0x449: {  	v50 =	vor.u32 $0x21FE, v2  }
0x44a: {  	v51 =	vadd.s32 s18, v5;
	_ =	sdelay $0x1  }
0x44b: {  	v42 =	vmul.f32 $8.000000000e+00, v42;
	_ =	sdelay $0x1  }
0x44c: {  	[tilespmem:v50+s22+$0x0] =	vst.idx.msk $0xffff, v42  }
0x44d: {  	v42 =	vld.idx.msk [tilespmem:v51+s26+$0x0], $0xffff;
	_ =	sdelay $0x1  }
0x44e: {  	v52 =	vor.u32 $0x41FE, v2  }
0x44f: {  	v53 =	vadd.s32 s18, v7;
	_ =	sdelay $0x1  }
0x450: {  	v42 =	vmul.f32 $8.000000000e+00, v42;
	_ =	sdelay $0x1  }
0x451: {  	[tilespmem:v52+s22+$0x0] =	vst.idx.msk $0xffff, v42  }
0x452: {  	v42 =	vld.idx.msk [tilespmem:v53+s26+$0x0], $0xffff;
	_ =	sdelay $0x1  }
0x453: {  	v54 =	vor.u32 $0x61FE, v2;
	_ =	sdelay $0x2  }
0x454: {  	s23 =	ssub.s32 s1, s12;
	v42 =	vmul.f32 $8.000000000e+00, v42  }
0x455: {  	v55 =	vadd.s32 s23, v1  }
0x456: {  	s24 =	simm.s32 $0x6;
	[tilespmem:v54+s22+$0x0] =	vst.idx.msk $0xffff, v42  }
0x457: {  	_ =	swait.ge [sflag:s24], $0x2000  }
0x458: {  	[sflag:s24] =	ssyncset.done $0x0  }
0x459: {  	[sflag:s24] =	ssyncadd.s32 $0xFFFFE000  }
0x45a: {  	v56 =	vld.idx.msk [tilespmem:v55+s20+$0x0], $0xffff;
	_ =	sdelay $0x1  }
0x45b: {  	v57 =	vor.u32 $0x1FF, v2  }
0x45c: {  	v58 =	vadd.s32 s23, v3;
	_ =	sdelay $0x1  }
0x45d: {  	v42 =	vmul.f32 $8.000000000e+00, v56;
	_ =	sdelay $0x1  }
0x45e: {  	[tilespmem:v57+s22+$0x0] =	vst.idx.msk $0xffff, v42  }
0x45f: {  	v42 =	vld.idx.msk [tilespmem:v58+s20+$0x0], $0xffff;
	_ =	sdelay $0x1  }
0x460: {  	v59 =	vor.u32 $0x21FF, v2  }
0x461: {  	v60 =	vadd.s32 s23, v5;
	_ =	sdelay $0x1  }
0x462: {  	v42 =	vmul.f32 $8.000000000e+00, v42;
	_ =	sdelay $0x1  }
0x463: {  	[tilespmem:v59+s22+$0x0] =	vst.idx.msk $0xffff, v42  }
0x464: {  	v42 =	vld.idx.msk [tilespmem:v60+s20+$0x0], $0xffff;
	_ =	sdelay $0x1  }
0x465: {  	v61 =	vor.u32 $0x41FF, v2  }
0x466: {  	v62 =	vadd.s32 s23, v7;
	_ =	sdelay $0x1  }
0x467: {  	v42 =	vmul.f32 $8.000000000e+00, v42;
	_ =	sdelay $0x1  }
0x468: {  	[tilespmem:v61+s22+$0x0] =	vst.idx.msk $0xffff, v42  }
0x469: {  	v42 =	vld.idx.msk [tilespmem:v62+s20+$0x0], $0xffff;
	_ =	sdelay $0x1  }
0x46a: {  	v63 =	vor.u32 $0x61FF, v2  }
0x46b: {  	s9 =	simm.s32 $0x8200;
	s31 =	simm.s32 $0x200;
	s2 =	simm.s32 $0x800  }
0x46c: {  	s13 =	simm.s32 $0xC200;
	s30 =	simm.s32 $0x16200;
	s1 =	simm.s32 $0x0  }
0x46d: {  	s11 =	simm.s32 $0xA200;
	s29 =	sand.u32 $0x70, s1;
	s26 =	sand.u32 $0x1C000, s1;
	v42 =	vmul.f32 $8.000000000e+00, v42  }
0x46e: {  	s28 =	simm.s32 $0x14200;
	s15 =	simm.s32 $0xE200;
	s0 =	sor.u32 s29, s26  }
0x46f: {  	s18 =	simm.s32 $0x10200;
	s23 =	simm.s32 $0x12200;
	s0 =	sadd.s32 s0, s5;
	[tilespmem:v63+s22+$0x0] =	vst.idx.msk $0xffff, v42  }
0x470: {  	[hbm4b:s0+s25] =	stream.strided.scatter [tilespmem:s31], [sflag:$0xC], $0x200, s8, s25, $0x38;
	[tilespmem:$0x1E200] =	vst v63  }
.LBB2_4:
0x471: {  	s0 =	sand.u32 $0x1C000, s2;
	p0 =	sne.s32 s2, $0x1F800  }
.Ltmp1:
0x472: {  	s1 =	sadd.s32 $0x10, s1;
	s6 =	smov.u32 s2;
	(pc) =	sbr.rel @p0 .LBB2_4-.Ltmp1, $4  }
0x473: {  	s2 =	sadd.s32 $0x800, s2;
	s7 =	sand.u32 $0x70, s1  }
0x474: {  	s6 =	sshra.s32 s6, $0x2;
	s0 =	sor.u32 s7, s0  }
0x475: {  	s6 =	sadd.s32 $0x200, s6;
	s0 =	sadd.s32 s0, s5  }
0x476: {  	[hbm4b:s0+s25] =	stream.strided.scatter [tilespmem:s6], [sflag:$0xC], $0x200, s8, s25, $0x38;
	[tilespmem:$0x1E200] =	vst v63  }
0x477: {  	_ =	swait.ge [sflag:s4], $0x200  }
0x478: {  	[sflag:s4] =	ssyncset.done $0x0  }
0x479: {  	[sflag:s4] =	ssyncadd.s32 $0xFFFFFE00  }
0x47a: {  	_ =	swait.ge [sflag:s4], $0x200  }
0x47b: {  	[sflag:s4] =	ssyncset.done $0x0  }
0x47c: {  	[sflag:s4] =	ssyncadd.s32 $0xFFFFFE00  }
0x47d: {  	_ =	swait.ge [sflag:s4], $0x200  }
0x47e: {  	[sflag:s4] =	ssyncset.done $0x0  }
0x47f: {  	[sflag:s4] =	ssyncadd.s32 $0xFFFFFE00  }
0x480: {  	_ =	swait.ge [sflag:s4], $0x200  }
0x481: {  	[sflag:s4] =	ssyncset.done $0x0  }
0x482: {  	[sflag:s4] =	ssyncadd.s32 $0xFFFFFE00  }
0x483: {  	_ =	swait.ge [sflag:s4], $0x200  }
0x484: {  	[sflag:s4] =	ssyncset.done $0x0  }
0x485: {  	[sflag:s4] =	ssyncadd.s32 $0xFFFFFE00  }
0x486: {  	_ =	swait.ge [sflag:s4], $0x200  }
0x487: {  	[sflag:s4] =	ssyncset.done $0x0  }
0x488: {  	[sflag:s4] =	ssyncadd.s32 $0xFFFFFE00  }
0x489: {  	_ =	swait.ge [sflag:s4], $0x200  }
0x48a: {  	[sflag:s4] =	ssyncset.done $0x0  }
0x48b: {  	[sflag:s4] =	ssyncadd.s32 $0xFFFFFE00  }
0x48c: {  	_ =	swait.ge [sflag:s4], $0x200  }
0x48d: {  	s1 =	simm.s32 $0x0;
	[sflag:s4] =	ssyncset.done $0x0  }
.LBB2_6:
0x48e: {  	s1 =	sadd.s32 $0x8, s1;
	[sflag:s4] =	ssyncadd.s32 $0xFFFFFE00  }
0x48f: {  	_ =	swait.ge [sflag:s4], $0x200;
	p0 =	slt.u32 s1, $0x38  }
0x490: {  	[sflag:s4] =	ssyncset.done $0x0  }
0x491: {  	[sflag:s4] =	ssyncadd.s32 $0xFFFFFE00  }
0x492: {  	_ =	swait.ge [sflag:s4], $0x200  }
0x493: {  	[sflag:s4] =	ssyncset.done $0x0  }
0x494: {  	[sflag:s4] =	ssyncadd.s32 $0xFFFFFE00  }
0x495: {  	_ =	swait.ge [sflag:s4], $0x200  }
0x496: {  	[sflag:s4] =	ssyncset.done $0x0  }
0x497: {  	[sflag:s4] =	ssyncadd.s32 $0xFFFFFE00  }
0x498: {  	_ =	swait.ge [sflag:s4], $0x200  }
0x499: {  	[sflag:s4] =	ssyncset.done $0x0  }
0x49a: {  	[sflag:s4] =	ssyncadd.s32 $0xFFFFFE00  }
0x49b: {  	_ =	swait.ge [sflag:s4], $0x200  }
0x49c: {  	[sflag:s4] =	ssyncset.done $0x0  }
0x49d: {  	[sflag:s4] =	ssyncadd.s32 $0xFFFFFE00  }
0x49e: {  	_ =	swait.ge [sflag:s4], $0x200  }
0x49f: {  	[sflag:s4] =	ssyncset.done $0x0  }
0x4a0: {  	[sflag:s4] =	ssyncadd.s32 $0xFFFFFE00  }
.Ltmp2:
0x4a1: {  	_ =	swait.ge [sflag:s4], $0x200;
	(pc) =	sbr.rel @p0 .LBB2_6-.Ltmp2, $4  }
0x4a2: {  	[sflag:s4] =	ssyncset.done $0x0  }
0x4a3: {  	[sflag:s4] =	ssyncadd.s32 $0xFFFFFE00  }
0x4a4: {  	_ =	swait.ge [sflag:s4], $0x200  }
0x4a5: {  	[sflag:s4] =	ssyncset.done $0x0  }
0x4a6: {  	s1 =	rddreg [dreg:$0x6]  }
0x4a7: {  	s0 =	rddreg [dreg:$0x5];
	s1 =	sadd.s32 $0x1, s1  }
0x4a8: {  	p0 =	sne.s32 s1, s0  }
.Ltmp3:
0x4a9: {  	_ = 	snop;
	(pc) =	sbr.rel @p0 .LBB2_1-.Ltmp3, $2  }
0x4aa: {  	_ =	sdelay $0x2  }
0x4ab: {  	[sflag:s4] =	ssyncadd.s32 $0xFFFFFE00  }
0x4ac: {  	_ =	sfence.sel $0x180000  }
0x4ad: {  	[bflag:$0x0] =	sbarrier.arrive $0xFFFF  }
0x4ae: {  	_ =	strace $0x90000047  }
0x4af: {  	s0 =	stileid.u32;
	[bflag:$0x2] =	sbarrier.arrive $0xFFFF  }
0x4b0: {  	p0 =	sne.s32 s0, $0x0;
	s0 =	rddreg [dreg:$0x3]  }
0x4b1: {  	s0 =	sadd.s32 @!p0 $0x100000, s0  }
0x4b2: {  	[sflag:s0] =	ssyncadd.tile.s32 @!p0 $0x1;
	_ =	shalt  }
.Lfunc_end2:
_tile_overlayer_lowered:
.L_overlay_start_2:
0x4b3: {  	(tag) =	ssettag $0x2  }
0x4b4: {  	s0 =	rddreg [dreg:$0x0];
	s2 =	stileid.u32  }
0x4b5: {  	s1 =	rddreg [dreg:$0x1];
	p0 =	sne.s32 s2, $0x0  }
0x4b6: {  	s3 =	rddreg [dreg:$0x2];
	[bflag:$0x3] =	sbarrier.arrive $0xFFFF;
	s2 =	simm.s32 @!p0 $0x1C0D  }
0x4b7: {  	[timem:s3], [sflag:s2] =	dma.local @!p0 [hbm:s0], s1  }
0x4b8: {  	s0 =	simm.s32 @!p0 $0xD  }
0x4b9: {  	_ =	swait.ge @!p0 [sflag:s0], s1  }
0x4ba: {  	s1 =	ssub.s32 @!p0 $0x0, s1;
	[sflag:s0] =	ssyncset.done @!p0 $0x0  }
0x4bb: {  	[sflag:s0] =	ssyncadd.s32 @!p0 s1  }
0x4bc: {  	[bflag:$0x3] =	sbarrier.arrive $0xFFFF  }
0x4bd: {  	_ =	shalt  }

</sc_bundles>
